<compile_context>
chip_gen: v7x
topology: tpu7x:2x2x1
jax: 0.10.2.dev20260603
libtpu: 0.0.44.dev20260713+nightly
codegen_flags: <defaults>
</compile_context>

<pallas_src>
import functools

import jax
import jax.numpy as jnp
from jax import lax
from jax.experimental import pallas as pl
from jax.experimental.pallas import tpu as pltpu
from jax.experimental.pallas import tpu_sc as plsc

N = 10000
D = 128
DH = D // 2
E = 320000

NC = 2
NS = 16
EPW = E // NS
K = 125
NCHUNK = EPW // K
NP = 10240
RPT = NP // NS
ZR = 128
TR = N - (NS - 1) * RPT - 3 * ZR
CW = 16

_mesh = plsc.VectorSubcoreMesh(core_axis_name="c", subcore_axis_name="s")


@functools.partial(
    pl.kernel,
    out_type=jax.ShapeDtypeStruct((N, D), jnp.float32),
    mesh=_mesh,
    compiler_params=pltpu.CompilerParams(use_tc_tiling_on_sc=False),
    scratch_types=[
        pltpu.VMEM((NCHUNK, K), jnp.int32),
        pltpu.VMEM((NCHUNK, K), jnp.int32),
        pltpu.VMEM((K, DH), jnp.float32),
        pltpu.VMEM((K, DH), jnp.float32),
        pltpu.VMEM((ZR, DH), jnp.float32),
        pltpu.VMEM((ZR, CW), jnp.float32),
        pltpu.VMEM((K, CW), jnp.float32),
        pltpu.VMEM_SHARED((NP, DH), jnp.float32),
        pltpu.VMEM_SHARED((NP, CW), jnp.float32),
        pltpu.SemaphoreType.DMA,
        pltpu.SemaphoreType.DMA,
        pltpu.SemaphoreType.DMA,
        pltpu.SemaphoreType.DMA,
        pltpu.SemaphoreType.DMA,
    ],
)
def _sc_pool(edges_hbm, xs_lo_hbm, xs_hi_hbm, out_hbm,
             src_v, dst_v, buf_a, buf_b, work_v, cwork_v, ones_v,
             sums_sh, cnts_sh, sem_a, sem_b, sem_sa, sem_sb, sem_c):
    cid = lax.axis_index("c")
    sid = lax.axis_index("s")

    pltpu.sync_copy(edges_hbm.at[0, sid], src_v)
    pltpu.sync_copy(edges_hbm.at[1, sid], dst_v)

    def _zero_row(i, _):
        for j in range(DH // 16):
            work_v[i, pl.ds(j * 16, 16)] = jnp.zeros((16,), jnp.float32)
        cwork_v[i] = jnp.zeros((16,), jnp.float32)
        return 0

    lax.fori_loop(0, ZR, _zero_row, 0)

    def _one_row(i, _):
        ones_v[i] = jnp.full((16,), 1.0, jnp.float32)
        return 0

    lax.fori_loop(0, K, _one_row, 0)

    for t in range(RPT // ZR):
        row = sid * RPT + t * ZR
        pltpu.sync_copy(work_v, sums_sh.at[pl.ds(row, ZR)])
        pltpu.sync_copy(cwork_v, cnts_sh.at[pl.ds(row, ZR)])
    plsc.subcore_barrier()

    def _main_loop(xs_ref):
        def _gather(j, buf, sem):
            return pltpu.async_copy(xs_ref.at[src_v.at[j]], buf, sem)

        def _step(j, buf, gsem, ssem, nxt):
            pltpu.make_async_copy(xs_ref.at[src_v.at[j]], buf, gsem).wait()
            d1 = pltpu.async_copy(buf, sums_sh.at[dst_v.at[j]], ssem,
                                  add=True)
            d2 = pltpu.async_copy(ones_v, cnts_sh.at[dst_v.at[j]], sem_c,
                                  add=True)
            d1.wait()
            d2.wait()

            @pl.when(nxt < NCHUNK)
            def _():
                _gather(nxt, buf, gsem)

        _gather(0, buf_a, sem_a)
        _gather(1, buf_b, sem_b)

        def _body(p, _):
            j = 2 * p
            _step(j, buf_a, sem_a, sem_sa, j + 2)
            _step(j + 1, buf_b, sem_b, sem_sb, j + 3)
            return 0

        lax.fori_loop(0, NCHUNK // 2, _body, 0)

    @pl.when(cid == 0)
    def _():
        _main_loop(xs_lo_hbm)

    @pl.when(cid == 1)
    def _():
        _main_loop(xs_hi_hbm)

    plsc.subcore_barrier()

    def _divide_and_store(row, nrows, col, t):
        pltpu.sync_copy(sums_sh.at[pl.ds(row, nrows)],
                        work_v.at[pl.ds(0, nrows)])
        pltpu.sync_copy(cnts_sh.at[pl.ds(row, nrows)],
                        cwork_v.at[pl.ds(0, nrows)])

        def _div_row(i, _):
            rec = 1.0 / jnp.maximum(cwork_v[i], 1.0)
            for j in range(DH // 16):
                work_v[i, pl.ds(j * 16, 16)] = (
                    work_v[i, pl.ds(j * 16, 16)] * rec)
            return 0

        lax.fori_loop(0, nrows, _div_row, 0)
        pltpu.sync_copy(work_v.at[pl.ds(0, nrows)],
                        out_hbm.at[pl.ds(row, nrows), pl.ds(col * DH, DH)])

    for col in range(NC):

        @pl.when(cid == col)
        def _():
            for t in range(RPT // ZR):
                row = sid * RPT + t * ZR

                @pl.when(row + ZR <= N)
                def _():
                    _divide_and_store(row, ZR, col, t)

                @pl.when(jnp.logical_and(row < N, row + ZR > N))
                def _():
                    _divide_and_store(row, TR, col, t)


@jax.jit
def kernel(xs, edge_index):
    edges = edge_index.astype(jnp.int32).reshape(2, NS, NCHUNK, K)
    xs2 = xs.reshape(N, 2, DH)
    return _sc_pool(edges, xs2[:, 0, :], xs2[:, 1, :])

# --- scband reference (transcript-rebuilt; emitter-appended) ---
"""Pipeline reference for scband-pooling-layer-24240795419245 (READ-ONLY COPY).

The authoritative reference and input builder live on the scoring server;
editing this copy changes nothing except your own understanding.
"""

import jax, jax.numpy as jnp
import numpy as np

N_NODES = 10000
D_FEAT = 128
N_EDGES = 320000

def setup_inputs(seed: int = 0) -> dict:
    key = jax.random.key(seed)
    k1, k2 = jax.random.split(key)
    xs = jax.random.normal(k1, (N_NODES, D_FEAT), dtype=jnp.float32)
    edge_index = jax.random.randint(k2, (2, N_EDGES), 0, N_NODES, dtype=jnp.int64) if jax.config.jax_enable_x64 else jax.random.randint(k2, (2, N_EDGES), 0, N_NODES, dtype=jnp.int32).astype(jnp.int32)
    return {"xs": xs, "edge_index": edge_index}

def reference(xs, edge_index):
    # Original module: neighbor dict maps source entity ee -> list of target nodes i.
    # For each (ee -> i) pair, xs[ee] is accumulated into bucket i, then averaged.
    # This is exactly gather(xs, src) followed by segment-mean over dst.
    src = edge_index[0]
    dst = edge_index[1]
    gathered = jnp.take(xs, src, axis=0)                                   # [E, d]
    sums = jax.ops.segment_sum(gathered, dst, num_segments=N_NODES)        # [N, d]
    counts = jax.ops.segment_sum(jnp.ones((src.shape[0],), dtype=xs.dtype), dst, num_segments=N_NODES)
    mean = sums / jnp.maximum(counts, 1.0)[:, None]
    return mean

if __name__ == "__main__":
    import jax
    _d = setup_inputs()
    print(jax.jit(kernel)(*tuple(_d.values())))

</pallas_src>

<mosaic_0001>
#map = affine_map<(d0, d1) -> (0, 0, 0, 0)>
#map1 = affine_map<(d0, d1) -> (0, 0)>
module attributes {stable_mosaic.version = 14 : i64} {
  func.func @_sc_pool(%arg0: i32, %arg1: i32, %arg2: memref<2x16x160x125xi32, #tpu.memory_space<hbm>>, %arg3: memref<10000x64xf32, #tpu.memory_space<hbm>>, %arg4: memref<10000x64xf32, #tpu.memory_space<hbm>>, %arg5: memref<10000x128xf32, #tpu.memory_space<hbm>>, %arg6: memref<160x125xi32, #tpu.memory_space<vmem>>, %arg7: memref<160x125xi32, #tpu.memory_space<vmem>>, %arg8: memref<125x64xf32, #tpu.memory_space<vmem>>, %arg9: memref<125x64xf32, #tpu.memory_space<vmem>>, %arg10: memref<128x64xf32, #tpu.memory_space<vmem>>, %arg11: memref<128x16xf32, #tpu.memory_space<vmem>>, %arg12: memref<125x16xf32, #tpu.memory_space<vmem>>, %arg13: memref<10240x64xf32, #tpu.memory_space<vmem_shared>>, %arg14: memref<10240x16xf32, #tpu.memory_space<vmem_shared>>, %arg15: memref<!tpu.dma_semaphore, #tpu.memory_space<semaphore_mem>>, %arg16: memref<!tpu.dma_semaphore, #tpu.memory_space<semaphore_mem>>, %arg17: memref<!tpu.dma_semaphore, #tpu.memory_space<semaphore_mem>>, %arg18: memref<!tpu.dma_semaphore, #tpu.memory_space<semaphore_mem>>, %arg19: memref<!tpu.dma_semaphore, #tpu.memory_space<semaphore_mem>>) attributes {dimension_semantics = [#tpu.dimension_semantics<core_parallel>, #tpu.dimension_semantics<subcore_parallel>], iteration_bounds = array<i64: 2, 16>, scalar_prefetch = 0 : i64, scratch_operands = 14 : i64, tpu.core_type = #tpu.core_type<sc_vector_subcore>, window_params = [{transform_indices = #map}, {transform_indices = #map1}, {transform_indices = #map1}, {transform_indices = #map1}]} {
    %run_scoped3A = arith.constant 0 : i32
    "tpu.region"() ({
      %run_scoped3A_50 = tpu.sem_alloc : memref<!tpu.dma_semaphore, #tpu.memory_space<semaphore_mem>>
      %dma_start3A = arith.constant 0 : i32
      %dma_start3A_51 = arith.constant 0 : i32
      %dma_start3A_52 = tpu.memref_slice %arg2[%run_scoped3A, %arg1, %dma_start3A, %dma_start3A_51] : memref<2x16x160x125xi32, #tpu.memory_space<hbm>> -> memref<1x1x160x125xi32, #tpu.memory_space<hbm>>
      %dma_start3A_53 = tpu.memref_squeeze %dma_start3A_52 : memref<1x1x160x125xi32, #tpu.memory_space<hbm>> -> memref<160x125xi32, #tpu.memory_space<hbm>>
      %dma_start3A_54 = arith.constant 0 : i32
      %dma_start3A_55 = arith.constant 0 : i32
      %dma_start3A_56 = tpu.memref_slice %arg2[%run_scoped3A, %arg1, %dma_start3A_54, %dma_start3A_55] : memref<2x16x160x125xi32, #tpu.memory_space<hbm>> -> memref<1x1x160x125xi32, #tpu.memory_space<hbm>>
      %dma_start3A_57 = tpu.memref_squeeze %dma_start3A_56 : memref<1x1x160x125xi32, #tpu.memory_space<hbm>> -> memref<160x125xi32, #tpu.memory_space<hbm>>
      tpu.enqueue_dma source(%dma_start3A_57 : memref<160x125xi32, #tpu.memory_space<hbm>>) target(%arg6 : memref<160x125xi32, #tpu.memory_space<vmem>>) target_semaphore(%run_scoped3A_50 : memref<!tpu.dma_semaphore, #tpu.memory_space<semaphore_mem>>)
      %dma_wait3A = arith.constant 0 : i32
      %dma_wait3A_58 = arith.constant 0 : i32
      %dma_wait3A_59 = tpu.memref_slice %arg2[%run_scoped3A, %arg1, %dma_wait3A, %dma_wait3A_58] : memref<2x16x160x125xi32, #tpu.memory_space<hbm>> -> memref<1x1x160x125xi32, #tpu.memory_space<hbm>>
      %dma_wait3A_60 = tpu.memref_squeeze %dma_wait3A_59 : memref<1x1x160x125xi32, #tpu.memory_space<hbm>> -> memref<160x125xi32, #tpu.memory_space<hbm>>
      %dma_wait3A_61 = arith.constant 0 : i32
      %dma_wait3A_62 = arith.constant 0 : i32
      %dma_wait3A_63 = tpu.memref_slice %arg2[%run_scoped3A, %arg1, %dma_wait3A_61, %dma_wait3A_62] : memref<2x16x160x125xi32, #tpu.memory_space<hbm>> -> memref<1x1x160x125xi32, #tpu.memory_space<hbm>>
      %dma_wait3A_64 = tpu.memref_squeeze %dma_wait3A_63 : memref<1x1x160x125xi32, #tpu.memory_space<hbm>> -> memref<160x125xi32, #tpu.memory_space<hbm>>
      tpu.wait_dma2 semaphore(%run_scoped3A_50 : memref<!tpu.dma_semaphore, #tpu.memory_space<semaphore_mem>>) src(%dma_wait3A_64 : memref<160x125xi32, #tpu.memory_space<hbm>>) dst(%arg6 : memref<160x125xi32, #tpu.memory_space<vmem>>)
      tpu.yield
    }) : () -> ()
    %run_scoped3A_0 = arith.constant 1 : i32
    "tpu.region"() ({
      %run_scoped3A_50 = tpu.sem_alloc : memref<!tpu.dma_semaphore, #tpu.memory_space<semaphore_mem>>
      %dma_start3A = arith.constant 0 : i32
      %dma_start3A_51 = arith.constant 0 : i32
      %dma_start3A_52 = tpu.memref_slice %arg2[%run_scoped3A_0, %arg1, %dma_start3A, %dma_start3A_51] : memref<2x16x160x125xi32, #tpu.memory_space<hbm>> -> memref<1x1x160x125xi32, #tpu.memory_space<hbm>>
      %dma_start3A_53 = tpu.memref_squeeze %dma_start3A_52 : memref<1x1x160x125xi32, #tpu.memory_space<hbm>> -> memref<160x125xi32, #tpu.memory_space<hbm>>
      %dma_start3A_54 = arith.constant 0 : i32
      %dma_start3A_55 = arith.constant 0 : i32
      %dma_start3A_56 = tpu.memref_slice %arg2[%run_scoped3A_0, %arg1, %dma_start3A_54, %dma_start3A_55] : memref<2x16x160x125xi32, #tpu.memory_space<hbm>> -> memref<1x1x160x125xi32, #tpu.memory_space<hbm>>
      %dma_start3A_57 = tpu.memref_squeeze %dma_start3A_56 : memref<1x1x160x125xi32, #tpu.memory_space<hbm>> -> memref<160x125xi32, #tpu.memory_space<hbm>>
      tpu.enqueue_dma source(%dma_start3A_57 : memref<160x125xi32, #tpu.memory_space<hbm>>) target(%arg7 : memref<160x125xi32, #tpu.memory_space<vmem>>) target_semaphore(%run_scoped3A_50 : memref<!tpu.dma_semaphore, #tpu.memory_space<semaphore_mem>>)
      %dma_wait3A = arith.constant 0 : i32
      %dma_wait3A_58 = arith.constant 0 : i32
      %dma_wait3A_59 = tpu.memref_slice %arg2[%run_scoped3A_0, %arg1, %dma_wait3A, %dma_wait3A_58] : memref<2x16x160x125xi32, #tpu.memory_space<hbm>> -> memref<1x1x160x125xi32, #tpu.memory_space<hbm>>
      %dma_wait3A_60 = tpu.memref_squeeze %dma_wait3A_59 : memref<1x1x160x125xi32, #tpu.memory_space<hbm>> -> memref<160x125xi32, #tpu.memory_space<hbm>>
      %dma_wait3A_61 = arith.constant 0 : i32
      %dma_wait3A_62 = arith.constant 0 : i32
      %dma_wait3A_63 = tpu.memref_slice %arg2[%run_scoped3A_0, %arg1, %dma_wait3A_61, %dma_wait3A_62] : memref<2x16x160x125xi32, #tpu.memory_space<hbm>> -> memref<1x1x160x125xi32, #tpu.memory_space<hbm>>
      %dma_wait3A_64 = tpu.memref_squeeze %dma_wait3A_63 : memref<1x1x160x125xi32, #tpu.memory_space<hbm>> -> memref<160x125xi32, #tpu.memory_space<hbm>>
      tpu.wait_dma2 semaphore(%run_scoped3A_50 : memref<!tpu.dma_semaphore, #tpu.memory_space<semaphore_mem>>) src(%dma_wait3A_64 : memref<160x125xi32, #tpu.memory_space<hbm>>) dst(%arg7 : memref<160x125xi32, #tpu.memory_space<vmem>>)
      tpu.yield
    }) : () -> ()
    %scan3A = arith.constant 0 : i32
    %scan3A_1 = arith.constant 0 : i32
    %scan3A_2 = arith.constant 128 : i32
    %scan3A_3 = arith.addi %scan3A_1, %scan3A_2 : i32
    %scan3A_4 = arith.constant 1 : i32
    %scan3A_5 = scf.for %scan3A_50 = %scan3A_1 to %scan3A_3 step %scan3A_4 iter_args(%scan3A_51 = %scan3A) -> (i32)  : i32 {
      %broadcast_in_dim3A = arith.constant 0.000000e+00 : f32
      %broadcast_in_dim3A_52 = vector.broadcast %broadcast_in_dim3A : f32 to vector<16xf32>
      %swap3A = arith.index_cast %scan3A_50 : i32 to index
      %swap3A_53 = arith.constant 0 : index
      %swap3A_54 = tpu.vector_load %arg10[%swap3A, %swap3A_53] {strides = array<i32>} : memref<128x64xf32, #tpu.memory_space<vmem>>, vector<1x16xf32>,
      %swap3A_55 = vector.shape_cast %swap3A_54 : vector<1x16xf32> to vector<16xf32>
      %swap3A_56 = vector.shape_cast %broadcast_in_dim3A_52 : vector<16xf32> to vector<1x16xf32>
      tpu.vector_store %arg10[%swap3A, %swap3A_53], %swap3A_56 {strides = array<i32>} : memref<128x64xf32, #tpu.memory_space<vmem>>, vector<1x16xf32>,
      %broadcast_in_dim3A_57 = arith.constant 0.000000e+00 : f32
      %broadcast_in_dim3A_58 = vector.broadcast %broadcast_in_dim3A_57 : f32 to vector<16xf32>
      %swap3A_59 = arith.index_cast %scan3A_50 : i32 to index
      %swap3A_60 = arith.constant 16 : index
      %swap3A_61 = tpu.vector_load %arg10[%swap3A_59, %swap3A_60] {strides = array<i32>} : memref<128x64xf32, #tpu.memory_space<vmem>>, vector<1x16xf32>,
      %swap3A_62 = vector.shape_cast %swap3A_61 : vector<1x16xf32> to vector<16xf32>
      %swap3A_63 = vector.shape_cast %broadcast_in_dim3A_58 : vector<16xf32> to vector<1x16xf32>
      tpu.vector_store %arg10[%swap3A_59, %swap3A_60], %swap3A_63 {strides = array<i32>} : memref<128x64xf32, #tpu.memory_space<vmem>>, vector<1x16xf32>,
      %broadcast_in_dim3A_64 = arith.constant 0.000000e+00 : f32
      %broadcast_in_dim3A_65 = vector.broadcast %broadcast_in_dim3A_64 : f32 to vector<16xf32>
      %swap3A_66 = arith.index_cast %scan3A_50 : i32 to index
      %swap3A_67 = arith.constant 32 : index
      %swap3A_68 = tpu.vector_load %arg10[%swap3A_66, %swap3A_67] {strides = array<i32>} : memref<128x64xf32, #tpu.memory_space<vmem>>, vector<1x16xf32>,
      %swap3A_69 = vector.shape_cast %swap3A_68 : vector<1x16xf32> to vector<16xf32>
      %swap3A_70 = vector.shape_cast %broadcast_in_dim3A_65 : vector<16xf32> to vector<1x16xf32>
      tpu.vector_store %arg10[%swap3A_66, %swap3A_67], %swap3A_70 {strides = array<i32>} : memref<128x64xf32, #tpu.memory_space<vmem>>, vector<1x16xf32>,
      %broadcast_in_dim3A_71 = arith.constant 0.000000e+00 : f32
      %broadcast_in_dim3A_72 = vector.broadcast %broadcast_in_dim3A_71 : f32 to vector<16xf32>
      %swap3A_73 = arith.index_cast %scan3A_50 : i32 to index
      %swap3A_74 = arith.constant 48 : index
      %swap3A_75 = tpu.vector_load %arg10[%swap3A_73, %swap3A_74] {strides = array<i32>} : memref<128x64xf32, #tpu.memory_space<vmem>>, vector<1x16xf32>,
      %swap3A_76 = vector.shape_cast %swap3A_75 : vector<1x16xf32> to vector<16xf32>
      %swap3A_77 = vector.shape_cast %broadcast_in_dim3A_72 : vector<16xf32> to vector<1x16xf32>
      tpu.vector_store %arg10[%swap3A_73, %swap3A_74], %swap3A_77 {strides = array<i32>} : memref<128x64xf32, #tpu.memory_space<vmem>>, vector<1x16xf32>,
      %broadcast_in_dim3A_78 = arith.constant 0.000000e+00 : f32
      %broadcast_in_dim3A_79 = vector.broadcast %broadcast_in_dim3A_78 : f32 to vector<16xf32>
      %swap3A_80 = arith.index_cast %scan3A_50 : i32 to index
      %swap3A_81 = arith.constant 0 : index
      %swap3A_82 = tpu.vector_load %arg11[%swap3A_80, %swap3A_81] {strides = array<i32>} : memref<128x16xf32, #tpu.memory_space<vmem>>, vector<1x16xf32>,
      %swap3A_83 = vector.shape_cast %swap3A_82 : vector<1x16xf32> to vector<16xf32>
      %swap3A_84 = vector.shape_cast %broadcast_in_dim3A_79 : vector<16xf32> to vector<1x16xf32>
      tpu.vector_store %arg11[%swap3A_80, %swap3A_81], %swap3A_84 {strides = array<i32>} : memref<128x16xf32, #tpu.memory_space<vmem>>, vector<1x16xf32>,
      %scan3A_85 = arith.constant 0 : i32
      scf.yield %scan3A_85 : i32
    }
    %scan3A_6 = arith.constant 128 : i32
    %scan3A_7 = arith.constant 0 : i32
    %scan3A_8 = arith.constant 0 : i32
    %scan3A_9 = arith.constant 125 : i32
    %scan3A_10 = arith.addi %scan3A_8, %scan3A_9 : i32
    %scan3A_11 = arith.constant 1 : i32
    %scan3A_12 = scf.for %scan3A_50 = %scan3A_8 to %scan3A_10 step %scan3A_11 iter_args(%scan3A_51 = %scan3A_7) -> (i32)  : i32 {
      %broadcast_in_dim3A = arith.constant 1.000000e+00 : f32
      %broadcast_in_dim3A_52 = vector.broadcast %broadcast_in_dim3A : f32 to vector<16xf32>
      %swap3A = arith.index_cast %scan3A_50 : i32 to index
      %swap3A_53 = arith.constant 0 : index
      %swap3A_54 = tpu.vector_load %arg12[%swap3A, %swap3A_53] {strides = array<i32>} : memref<125x16xf32, #tpu.memory_space<vmem>>, vector<1x16xf32>,
      %swap3A_55 = vector.shape_cast %swap3A_54 : vector<1x16xf32> to vector<16xf32>
      %swap3A_56 = vector.shape_cast %broadcast_in_dim3A_52 : vector<16xf32> to vector<1x16xf32>
      tpu.vector_store %arg12[%swap3A, %swap3A_53], %swap3A_56 {strides = array<i32>} : memref<125x16xf32, #tpu.memory_space<vmem>>, vector<1x16xf32>,
      %scan3A_57 = arith.constant 0 : i32
      scf.yield %scan3A_57 : i32
    }
    %scan3A_13 = arith.constant 125 : i32
    %mul3A = arith.constant 640 : i32
    %mul3A_14 = arith.muli %arg1, %mul3A : i32
    %add3A = arith.constant 0 : i32
    %add3A_15 = arith.addi %mul3A_14, %add3A : i32
    "tpu.region"() ({
      %run_scoped3A_50 = tpu.sem_alloc : memref<!tpu.dma_semaphore, #tpu.memory_space<semaphore_mem>>
      %dma_start3A = arith.constant 0 : i32
      %dma_start3A_51 = tpu.memref_slice %arg13[%add3A_15, %dma_start3A] : memref<10240x64xf32, #tpu.memory_space<vmem_shared>> -> memref<128x64xf32, #tpu.memory_space<vmem_shared>>
      %dma_start3A_52 = arith.constant 0 : i32
      %dma_start3A_53 = tpu.memref_slice %arg13[%add3A_15, %dma_start3A_52] : memref<10240x64xf32, #tpu.memory_space<vmem_shared>> -> memref<128x64xf32, #tpu.memory_space<vmem_shared>>
      tpu.enqueue_dma source(%arg10 : memref<128x64xf32, #tpu.memory_space<vmem>>) target(%dma_start3A_53 : memref<128x64xf32, #tpu.memory_space<vmem_shared>>) target_semaphore(%run_scoped3A_50 : memref<!tpu.dma_semaphore, #tpu.memory_space<semaphore_mem>>)
      %dma_wait3A = arith.constant 0 : i32
      %dma_wait3A_54 = tpu.memref_slice %arg13[%add3A_15, %dma_wait3A] : memref<10240x64xf32, #tpu.memory_space<vmem_shared>> -> memref<128x64xf32, #tpu.memory_space<vmem_shared>>
      %dma_wait3A_55 = arith.constant 0 : i32
      %dma_wait3A_56 = tpu.memref_slice %arg13[%add3A_15, %dma_wait3A_55] : memref<10240x64xf32, #tpu.memory_space<vmem_shared>> -> memref<128x64xf32, #tpu.memory_space<vmem_shared>>
      tpu.wait_dma2 semaphore(%run_scoped3A_50 : memref<!tpu.dma_semaphore, #tpu.memory_space<semaphore_mem>>) src(%arg10 : memref<128x64xf32, #tpu.memory_space<vmem>>) dst(%dma_wait3A_56 : memref<128x64xf32, #tpu.memory_space<vmem_shared>>)
      tpu.yield
    }) : () -> ()
    "tpu.region"() ({
      %run_scoped3A_50 = tpu.sem_alloc : memref<!tpu.dma_semaphore, #tpu.memory_space<semaphore_mem>>
      %dma_start3A = arith.constant 0 : i32
      %dma_start3A_51 = tpu.memref_slice %arg14[%add3A_15, %dma_start3A] : memref<10240x16xf32, #tpu.memory_space<vmem_shared>> -> memref<128x16xf32, #tpu.memory_space<vmem_shared>>
      %dma_start3A_52 = arith.constant 0 : i32
      %dma_start3A_53 = tpu.memref_slice %arg14[%add3A_15, %dma_start3A_52] : memref<10240x16xf32, #tpu.memory_space<vmem_shared>> -> memref<128x16xf32, #tpu.memory_space<vmem_shared>>
      tpu.enqueue_dma source(%arg11 : memref<128x16xf32, #tpu.memory_space<vmem>>) target(%dma_start3A_53 : memref<128x16xf32, #tpu.memory_space<vmem_shared>>) target_semaphore(%run_scoped3A_50 : memref<!tpu.dma_semaphore, #tpu.memory_space<semaphore_mem>>)
      %dma_wait3A = arith.constant 0 : i32
      %dma_wait3A_54 = tpu.memref_slice %arg14[%add3A_15, %dma_wait3A] : memref<10240x16xf32, #tpu.memory_space<vmem_shared>> -> memref<128x16xf32, #tpu.memory_space<vmem_shared>>
      %dma_wait3A_55 = arith.constant 0 : i32
      %dma_wait3A_56 = tpu.memref_slice %arg14[%add3A_15, %dma_wait3A_55] : memref<10240x16xf32, #tpu.memory_space<vmem_shared>> -> memref<128x16xf32, #tpu.memory_space<vmem_shared>>
      tpu.wait_dma2 semaphore(%run_scoped3A_50 : memref<!tpu.dma_semaphore, #tpu.memory_space<semaphore_mem>>) src(%arg11 : memref<128x16xf32, #tpu.memory_space<vmem>>) dst(%dma_wait3A_56 : memref<128x16xf32, #tpu.memory_space<vmem_shared>>)
      tpu.yield
    }) : () -> ()
    %mul3A_16 = arith.constant 640 : i32
    %mul3A_17 = arith.muli %arg1, %mul3A_16 : i32
    %add3A_18 = arith.constant 128 : i32
    %add3A_19 = arith.addi %mul3A_17, %add3A_18 : i32
    "tpu.region"() ({
      %run_scoped3A_50 = tpu.sem_alloc : memref<!tpu.dma_semaphore, #tpu.memory_space<semaphore_mem>>
      %dma_start3A = arith.constant 0 : i32
      %dma_start3A_51 = tpu.memref_slice %arg13[%add3A_19, %dma_start3A] : memref<10240x64xf32, #tpu.memory_space<vmem_shared>> -> memref<128x64xf32, #tpu.memory_space<vmem_shared>>
      %dma_start3A_52 = arith.constant 0 : i32
      %dma_start3A_53 = tpu.memref_slice %arg13[%add3A_19, %dma_start3A_52] : memref<10240x64xf32, #tpu.memory_space<vmem_shared>> -> memref<128x64xf32, #tpu.memory_space<vmem_shared>>
      tpu.enqueue_dma source(%arg10 : memref<128x64xf32, #tpu.memory_space<vmem>>) target(%dma_start3A_53 : memref<128x64xf32, #tpu.memory_space<vmem_shared>>) target_semaphore(%run_scoped3A_50 : memref<!tpu.dma_semaphore, #tpu.memory_space<semaphore_mem>>)
      %dma_wait3A = arith.constant 0 : i32
      %dma_wait3A_54 = tpu.memref_slice %arg13[%add3A_19, %dma_wait3A] : memref<10240x64xf32, #tpu.memory_space<vmem_shared>> -> memref<128x64xf32, #tpu.memory_space<vmem_shared>>
      %dma_wait3A_55 = arith.constant 0 : i32
      %dma_wait3A_56 = tpu.memref_slice %arg13[%add3A_19, %dma_wait3A_55] : memref<10240x64xf32, #tpu.memory_space<vmem_shared>> -> memref<128x64xf32, #tpu.memory_space<vmem_shared>>
      tpu.wait_dma2 semaphore(%run_scoped3A_50 : memref<!tpu.dma_semaphore, #tpu.memory_space<semaphore_mem>>) src(%arg10 : memref<128x64xf32, #tpu.memory_space<vmem>>) dst(%dma_wait3A_56 : memref<128x64xf32, #tpu.memory_space<vmem_shared>>)
      tpu.yield
    }) : () -> ()
    "tpu.region"() ({
      %run_scoped3A_50 = tpu.sem_alloc : memref<!tpu.dma_semaphore, #tpu.memory_space<semaphore_mem>>
      %dma_start3A = arith.constant 0 : i32
      %dma_start3A_51 = tpu.memref_slice %arg14[%add3A_19, %dma_start3A] : memref<10240x16xf32, #tpu.memory_space<vmem_shared>> -> memref<128x16xf32, #tpu.memory_space<vmem_shared>>
      %dma_start3A_52 = arith.constant 0 : i32
      %dma_start3A_53 = tpu.memref_slice %arg14[%add3A_19, %dma_start3A_52] : memref<10240x16xf32, #tpu.memory_space<vmem_shared>> -> memref<128x16xf32, #tpu.memory_space<vmem_shared>>
      tpu.enqueue_dma source(%arg11 : memref<128x16xf32, #tpu.memory_space<vmem>>) target(%dma_start3A_53 : memref<128x16xf32, #tpu.memory_space<vmem_shared>>) target_semaphore(%run_scoped3A_50 : memref<!tpu.dma_semaphore, #tpu.memory_space<semaphore_mem>>)
      %dma_wait3A = arith.constant 0 : i32
      %dma_wait3A_54 = tpu.memref_slice %arg14[%add3A_19, %dma_wait3A] : memref<10240x16xf32, #tpu.memory_space<vmem_shared>> -> memref<128x16xf32, #tpu.memory_space<vmem_shared>>
      %dma_wait3A_55 = arith.constant 0 : i32
      %dma_wait3A_56 = tpu.memref_slice %arg14[%add3A_19, %dma_wait3A_55] : memref<10240x16xf32, #tpu.memory_space<vmem_shared>> -> memref<128x16xf32, #tpu.memory_space<vmem_shared>>
      tpu.wait_dma2 semaphore(%run_scoped3A_50 : memref<!tpu.dma_semaphore, #tpu.memory_space<semaphore_mem>>) src(%arg11 : memref<128x16xf32, #tpu.memory_space<vmem>>) dst(%dma_wait3A_56 : memref<128x16xf32, #tpu.memory_space<vmem_shared>>)
      tpu.yield
    }) : () -> ()
    %mul3A_20 = arith.constant 640 : i32
    %mul3A_21 = arith.muli %arg1, %mul3A_20 : i32
    %add3A_22 = arith.constant 256 : i32
    %add3A_23 = arith.addi %mul3A_21, %add3A_22 : i32
    "tpu.region"() ({
      %run_scoped3A_50 = tpu.sem_alloc : memref<!tpu.dma_semaphore, #tpu.memory_space<semaphore_mem>>
      %dma_start3A = arith.constant 0 : i32
      %dma_start3A_51 = tpu.memref_slice %arg13[%add3A_23, %dma_start3A] : memref<10240x64xf32, #tpu.memory_space<vmem_shared>> -> memref<128x64xf32, #tpu.memory_space<vmem_shared>>
      %dma_start3A_52 = arith.constant 0 : i32
      %dma_start3A_53 = tpu.memref_slice %arg13[%add3A_23, %dma_start3A_52] : memref<10240x64xf32, #tpu.memory_space<vmem_shared>> -> memref<128x64xf32, #tpu.memory_space<vmem_shared>>
      tpu.enqueue_dma source(%arg10 : memref<128x64xf32, #tpu.memory_space<vmem>>) target(%dma_start3A_53 : memref<128x64xf32, #tpu.memory_space<vmem_shared>>) target_semaphore(%run_scoped3A_50 : memref<!tpu.dma_semaphore, #tpu.memory_space<semaphore_mem>>)
      %dma_wait3A = arith.constant 0 : i32
      %dma_wait3A_54 = tpu.memref_slice %arg13[%add3A_23, %dma_wait3A] : memref<10240x64xf32, #tpu.memory_space<vmem_shared>> -> memref<128x64xf32, #tpu.memory_space<vmem_shared>>
      %dma_wait3A_55 = arith.constant 0 : i32
      %dma_wait3A_56 = tpu.memref_slice %arg13[%add3A_23, %dma_wait3A_55] : memref<10240x64xf32, #tpu.memory_space<vmem_shared>> -> memref<128x64xf32, #tpu.memory_space<vmem_shared>>
      tpu.wait_dma2 semaphore(%run_scoped3A_50 : memref<!tpu.dma_semaphore, #tpu.memory_space<semaphore_mem>>) src(%arg10 : memref<128x64xf32, #tpu.memory_space<vmem>>) dst(%dma_wait3A_56 : memref<128x64xf32, #tpu.memory_space<vmem_shared>>)
      tpu.yield
    }) : () -> ()
    "tpu.region"() ({
      %run_scoped3A_50 = tpu.sem_alloc : memref<!tpu.dma_semaphore, #tpu.memory_space<semaphore_mem>>
      %dma_start3A = arith.constant 0 : i32
      %dma_start3A_51 = tpu.memref_slice %arg14[%add3A_23, %dma_start3A] : memref<10240x16xf32, #tpu.memory_space<vmem_shared>> -> memref<128x16xf32, #tpu.memory_space<vmem_shared>>
      %dma_start3A_52 = arith.constant 0 : i32
      %dma_start3A_53 = tpu.memref_slice %arg14[%add3A_23, %dma_start3A_52] : memref<10240x16xf32, #tpu.memory_space<vmem_shared>> -> memref<128x16xf32, #tpu.memory_space<vmem_shared>>
      tpu.enqueue_dma source(%arg11 : memref<128x16xf32, #tpu.memory_space<vmem>>) target(%dma_start3A_53 : memref<128x16xf32, #tpu.memory_space<vmem_shared>>) target_semaphore(%run_scoped3A_50 : memref<!tpu.dma_semaphore, #tpu.memory_space<semaphore_mem>>)
      %dma_wait3A = arith.constant 0 : i32
      %dma_wait3A_54 = tpu.memref_slice %arg14[%add3A_23, %dma_wait3A] : memref<10240x16xf32, #tpu.memory_space<vmem_shared>> -> memref<128x16xf32, #tpu.memory_space<vmem_shared>>
      %dma_wait3A_55 = arith.constant 0 : i32
      %dma_wait3A_56 = tpu.memref_slice %arg14[%add3A_23, %dma_wait3A_55] : memref<10240x16xf32, #tpu.memory_space<vmem_shared>> -> memref<128x16xf32, #tpu.memory_space<vmem_shared>>
      tpu.wait_dma2 semaphore(%run_scoped3A_50 : memref<!tpu.dma_semaphore, #tpu.memory_space<semaphore_mem>>) src(%arg11 : memref<128x16xf32, #tpu.memory_space<vmem>>) dst(%dma_wait3A_56 : memref<128x16xf32, #tpu.memory_space<vmem_shared>>)
      tpu.yield
    }) : () -> ()
    %mul3A_24 = arith.constant 640 : i32
    %mul3A_25 = arith.muli %arg1, %mul3A_24 : i32
    %add3A_26 = arith.constant 384 : i32
    %add3A_27 = arith.addi %mul3A_25, %add3A_26 : i32
    "tpu.region"() ({
      %run_scoped3A_50 = tpu.sem_alloc : memref<!tpu.dma_semaphore, #tpu.memory_space<semaphore_mem>>
      %dma_start3A = arith.constant 0 : i32
      %dma_start3A_51 = tpu.memref_slice %arg13[%add3A_27, %dma_start3A] : memref<10240x64xf32, #tpu.memory_space<vmem_shared>> -> memref<128x64xf32, #tpu.memory_space<vmem_shared>>
      %dma_start3A_52 = arith.constant 0 : i32
      %dma_start3A_53 = tpu.memref_slice %arg13[%add3A_27, %dma_start3A_52] : memref<10240x64xf32, #tpu.memory_space<vmem_shared>> -> memref<128x64xf32, #tpu.memory_space<vmem_shared>>
      tpu.enqueue_dma source(%arg10 : memref<128x64xf32, #tpu.memory_space<vmem>>) target(%dma_start3A_53 : memref<128x64xf32, #tpu.memory_space<vmem_shared>>) target_semaphore(%run_scoped3A_50 : memref<!tpu.dma_semaphore, #tpu.memory_space<semaphore_mem>>)
      %dma_wait3A = arith.constant 0 : i32
      %dma_wait3A_54 = tpu.memref_slice %arg13[%add3A_27, %dma_wait3A] : memref<10240x64xf32, #tpu.memory_space<vmem_shared>> -> memref<128x64xf32, #tpu.memory_space<vmem_shared>>
      %dma_wait3A_55 = arith.constant 0 : i32
      %dma_wait3A_56 = tpu.memref_slice %arg13[%add3A_27, %dma_wait3A_55] : memref<10240x64xf32, #tpu.memory_space<vmem_shared>> -> memref<128x64xf32, #tpu.memory_space<vmem_shared>>
      tpu.wait_dma2 semaphore(%run_scoped3A_50 : memref<!tpu.dma_semaphore, #tpu.memory_space<semaphore_mem>>) src(%arg10 : memref<128x64xf32, #tpu.memory_space<vmem>>) dst(%dma_wait3A_56 : memref<128x64xf32, #tpu.memory_space<vmem_shared>>)
      tpu.yield
    }) : () -> ()
    "tpu.region"() ({
      %run_scoped3A_50 = tpu.sem_alloc : memref<!tpu.dma_semaphore, #tpu.memory_space<semaphore_mem>>
      %dma_start3A = arith.constant 0 : i32
      %dma_start3A_51 = tpu.memref_slice %arg14[%add3A_27, %dma_start3A] : memref<10240x16xf32, #tpu.memory_space<vmem_shared>> -> memref<128x16xf32, #tpu.memory_space<vmem_shared>>
      %dma_start3A_52 = arith.constant 0 : i32
      %dma_start3A_53 = tpu.memref_slice %arg14[%add3A_27, %dma_start3A_52] : memref<10240x16xf32, #tpu.memory_space<vmem_shared>> -> memref<128x16xf32, #tpu.memory_space<vmem_shared>>
      tpu.enqueue_dma source(%arg11 : memref<128x16xf32, #tpu.memory_space<vmem>>) target(%dma_start3A_53 : memref<128x16xf32, #tpu.memory_space<vmem_shared>>) target_semaphore(%run_scoped3A_50 : memref<!tpu.dma_semaphore, #tpu.memory_space<semaphore_mem>>)
      %dma_wait3A = arith.constant 0 : i32
      %dma_wait3A_54 = tpu.memref_slice %arg14[%add3A_27, %dma_wait3A] : memref<10240x16xf32, #tpu.memory_space<vmem_shared>> -> memref<128x16xf32, #tpu.memory_space<vmem_shared>>
      %dma_wait3A_55 = arith.constant 0 : i32
      %dma_wait3A_56 = tpu.memref_slice %arg14[%add3A_27, %dma_wait3A_55] : memref<10240x16xf32, #tpu.memory_space<vmem_shared>> -> memref<128x16xf32, #tpu.memory_space<vmem_shared>>
      tpu.wait_dma2 semaphore(%run_scoped3A_50 : memref<!tpu.dma_semaphore, #tpu.memory_space<semaphore_mem>>) src(%arg11 : memref<128x16xf32, #tpu.memory_space<vmem>>) dst(%dma_wait3A_56 : memref<128x16xf32, #tpu.memory_space<vmem_shared>>)
      tpu.yield
    }) : () -> ()
    %mul3A_28 = arith.constant 640 : i32
    %mul3A_29 = arith.muli %arg1, %mul3A_28 : i32
    %add3A_30 = arith.constant 512 : i32
    %add3A_31 = arith.addi %mul3A_29, %add3A_30 : i32
    "tpu.region"() ({
      %run_scoped3A_50 = tpu.sem_alloc : memref<!tpu.dma_semaphore, #tpu.memory_space<semaphore_mem>>
      %dma_start3A = arith.constant 0 : i32
      %dma_start3A_51 = tpu.memref_slice %arg13[%add3A_31, %dma_start3A] : memref<10240x64xf32, #tpu.memory_space<vmem_shared>> -> memref<128x64xf32, #tpu.memory_space<vmem_shared>>
      %dma_start3A_52 = arith.constant 0 : i32
      %dma_start3A_53 = tpu.memref_slice %arg13[%add3A_31, %dma_start3A_52] : memref<10240x64xf32, #tpu.memory_space<vmem_shared>> -> memref<128x64xf32, #tpu.memory_space<vmem_shared>>
      tpu.enqueue_dma source(%arg10 : memref<128x64xf32, #tpu.memory_space<vmem>>) target(%dma_start3A_53 : memref<128x64xf32, #tpu.memory_space<vmem_shared>>) target_semaphore(%run_scoped3A_50 : memref<!tpu.dma_semaphore, #tpu.memory_space<semaphore_mem>>)
      %dma_wait3A = arith.constant 0 : i32
      %dma_wait3A_54 = tpu.memref_slice %arg13[%add3A_31, %dma_wait3A] : memref<10240x64xf32, #tpu.memory_space<vmem_shared>> -> memref<128x64xf32, #tpu.memory_space<vmem_shared>>
      %dma_wait3A_55 = arith.constant 0 : i32
      %dma_wait3A_56 = tpu.memref_slice %arg13[%add3A_31, %dma_wait3A_55] : memref<10240x64xf32, #tpu.memory_space<vmem_shared>> -> memref<128x64xf32, #tpu.memory_space<vmem_shared>>
      tpu.wait_dma2 semaphore(%run_scoped3A_50 : memref<!tpu.dma_semaphore, #tpu.memory_space<semaphore_mem>>) src(%arg10 : memref<128x64xf32, #tpu.memory_space<vmem>>) dst(%dma_wait3A_56 : memref<128x64xf32, #tpu.memory_space<vmem_shared>>)
      tpu.yield
    }) : () -> ()
    "tpu.region"() ({
      %run_scoped3A_50 = tpu.sem_alloc : memref<!tpu.dma_semaphore, #tpu.memory_space<semaphore_mem>>
      %dma_start3A = arith.constant 0 : i32
      %dma_start3A_51 = tpu.memref_slice %arg14[%add3A_31, %dma_start3A] : memref<10240x16xf32, #tpu.memory_space<vmem_shared>> -> memref<128x16xf32, #tpu.memory_space<vmem_shared>>
      %dma_start3A_52 = arith.constant 0 : i32
      %dma_start3A_53 = tpu.memref_slice %arg14[%add3A_31, %dma_start3A_52] : memref<10240x16xf32, #tpu.memory_space<vmem_shared>> -> memref<128x16xf32, #tpu.memory_space<vmem_shared>>
      tpu.enqueue_dma source(%arg11 : memref<128x16xf32, #tpu.memory_space<vmem>>) target(%dma_start3A_53 : memref<128x16xf32, #tpu.memory_space<vmem_shared>>) target_semaphore(%run_scoped3A_50 : memref<!tpu.dma_semaphore, #tpu.memory_space<semaphore_mem>>)
      %dma_wait3A = arith.constant 0 : i32
      %dma_wait3A_54 = tpu.memref_slice %arg14[%add3A_31, %dma_wait3A] : memref<10240x16xf32, #tpu.memory_space<vmem_shared>> -> memref<128x16xf32, #tpu.memory_space<vmem_shared>>
      %dma_wait3A_55 = arith.constant 0 : i32
      %dma_wait3A_56 = tpu.memref_slice %arg14[%add3A_31, %dma_wait3A_55] : memref<10240x16xf32, #tpu.memory_space<vmem_shared>> -> memref<128x16xf32, #tpu.memory_space<vmem_shared>>
      tpu.wait_dma2 semaphore(%run_scoped3A_50 : memref<!tpu.dma_semaphore, #tpu.memory_space<semaphore_mem>>) src(%arg11 : memref<128x16xf32, #tpu.memory_space<vmem>>) dst(%dma_wait3A_56 : memref<128x16xf32, #tpu.memory_space<vmem_shared>>)
      tpu.yield
    }) : () -> ()
    %barrier3A = arith.constant 0 : index
    tpu.barrier barrier_id(%barrier3A)
    %eq3A = arith.constant 0 : i32
    %eq3A_32 = arith.cmpi eq, %arg0, %eq3A : i32
    %convert_element_type3A = arith.extui %eq3A_32 : i1 to i32
    %cond3A = arith.constant 0 : i32
    %cond3A_33 = arith.cmpi ne, %convert_element_type3A, %cond3A : i32
    scf.if %cond3A_33 {
      %dma_start3A = arith.constant 0 : i32
      %dma_start3A_50 = arith.constant 0 : i32
      %dma_start3A_51 = tpu.memref_slice %arg6[%dma_start3A, %dma_start3A_50] : memref<160x125xi32, #tpu.memory_space<vmem>> -> memref<1x125xi32, #tpu.memory_space<vmem>>
      %dma_start3A_52 = tpu.memref_squeeze %dma_start3A_51 : memref<1x125xi32, #tpu.memory_space<vmem>> -> memref<125xi32, #tpu.memory_space<vmem>>
      %dma_start3A_53 = arith.constant 0 : i32
      %dma_start3A_54 = arith.constant 0 : i32
      %dma_start3A_55 = tpu.memref_slice %arg3[%dma_start3A_53, %dma_start3A_54] : memref<10000x64xf32, #tpu.memory_space<hbm>> -> memref<10000x64xf32, #tpu.memory_space<hbm>>
      tpu.enqueue_indirect_dma source(%dma_start3A_55 : memref<10000x64xf32, #tpu.memory_space<hbm>>) target(%arg8 : memref<125x64xf32, #tpu.memory_space<vmem>>) offsets(%dma_start3A_52 : memref<125xi32, #tpu.memory_space<vmem>>) semaphore(%arg15 : memref<!tpu.dma_semaphore, #tpu.memory_space<semaphore_mem>>)
      %dma_start3A_56 = arith.constant 1 : i32
      %dma_start3A_57 = arith.constant 0 : i32
      %dma_start3A_58 = tpu.memref_slice %arg6[%dma_start3A_56, %dma_start3A_57] : memref<160x125xi32, #tpu.memory_space<vmem>> -> memref<1x125xi32, #tpu.memory_space<vmem>>
      %dma_start3A_59 = tpu.memref_squeeze %dma_start3A_58 : memref<1x125xi32, #tpu.memory_space<vmem>> -> memref<125xi32, #tpu.memory_space<vmem>>
      %dma_start3A_60 = arith.constant 0 : i32
      %dma_start3A_61 = arith.constant 0 : i32
      %dma_start3A_62 = tpu.memref_slice %arg3[%dma_start3A_60, %dma_start3A_61] : memref<10000x64xf32, #tpu.memory_space<hbm>> -> memref<10000x64xf32, #tpu.memory_space<hbm>>
      tpu.enqueue_indirect_dma source(%dma_start3A_62 : memref<10000x64xf32, #tpu.memory_space<hbm>>) target(%arg9 : memref<125x64xf32, #tpu.memory_space<vmem>>) offsets(%dma_start3A_59 : memref<125xi32, #tpu.memory_space<vmem>>) semaphore(%arg16 : memref<!tpu.dma_semaphore, #tpu.memory_space<semaphore_mem>>)
      %scan3A_63 = arith.constant 0 : i32
      %scan3A_64 = arith.constant 0 : i32
      %scan3A_65 = arith.constant 80 : i32
      %scan3A_66 = arith.addi %scan3A_64, %scan3A_65 : i32
      %scan3A_67 = arith.constant 1 : i32
      %scan3A_68 = scf.for %scan3A_70 = %scan3A_64 to %scan3A_66 step %scan3A_67 iter_args(%scan3A_71 = %scan3A_63) -> (i32)  : i32 {
        %mul3A_72 = arith.constant 2 : i32
        %mul3A_73 = arith.muli %mul3A_72, %scan3A_70 : i32
        %add3A_74 = arith.constant 2 : i32
        %add3A_75 = arith.addi %mul3A_73, %add3A_74 : i32
        %dma_wait3A = arith.constant 0 : i32
        %dma_wait3A_76 = tpu.memref_slice %arg6[%mul3A_73, %dma_wait3A] : memref<160x125xi32, #tpu.memory_space<vmem>> -> memref<1x125xi32, #tpu.memory_space<vmem>>
        %dma_wait3A_77 = tpu.memref_squeeze %dma_wait3A_76 : memref<1x125xi32, #tpu.memory_space<vmem>> -> memref<125xi32, #tpu.memory_space<vmem>>
        %dma_wait3A_78 = arith.constant 0 : i32
        %dma_wait3A_79 = arith.constant 0 : i32
        %dma_wait3A_80 = tpu.memref_slice %arg3[%dma_wait3A_78, %dma_wait3A_79] : memref<10000x64xf32, #tpu.memory_space<hbm>> -> memref<10000x64xf32, #tpu.memory_space<hbm>>
        tpu.wait_indirect_dma semaphore(%arg15 : memref<!tpu.dma_semaphore, #tpu.memory_space<semaphore_mem>>) src(%dma_wait3A_80 : memref<10000x64xf32, #tpu.memory_space<hbm>>) dst(%arg8 : memref<125x64xf32, #tpu.memory_space<vmem>>)
        %dma_start3A_81 = arith.constant 0 : i32
        %dma_start3A_82 = tpu.memref_slice %arg7[%mul3A_73, %dma_start3A_81] : memref<160x125xi32, #tpu.memory_space<vmem>> -> memref<1x125xi32, #tpu.memory_space<vmem>>
        %dma_start3A_83 = tpu.memref_squeeze %dma_start3A_82 : memref<1x125xi32, #tpu.memory_space<vmem>> -> memref<125xi32, #tpu.memory_space<vmem>>
        %dma_start3A_84 = arith.constant 0 : i32
        %dma_start3A_85 = arith.constant 0 : i32
        %dma_start3A_86 = tpu.memref_slice %arg13[%dma_start3A_84, %dma_start3A_85] : memref<10240x64xf32, #tpu.memory_space<vmem_shared>> -> memref<10240x64xf32, #tpu.memory_space<vmem_shared>>
        tpu.enqueue_indirect_dma source(%arg8 : memref<125x64xf32, #tpu.memory_space<vmem>>) target(%dma_start3A_86 : memref<10240x64xf32, #tpu.memory_space<vmem_shared>>) offsets(%dma_start3A_83 : memref<125xi32, #tpu.memory_space<vmem>>) semaphore(%arg17 : memref<!tpu.dma_semaphore, #tpu.memory_space<semaphore_mem>>) {add = true}
        %dma_start3A_87 = arith.constant 0 : i32
        %dma_start3A_88 = tpu.memref_slice %arg7[%mul3A_73, %dma_start3A_87] : memref<160x125xi32, #tpu.memory_space<vmem>> -> memref<1x125xi32, #tpu.memory_space<vmem>>
        %dma_start3A_89 = tpu.memref_squeeze %dma_start3A_88 : memref<1x125xi32, #tpu.memory_space<vmem>> -> memref<125xi32, #tpu.memory_space<vmem>>
        %dma_start3A_90 = arith.constant 0 : i32
        %dma_start3A_91 = arith.constant 0 : i32
        %dma_start3A_92 = tpu.memref_slice %arg14[%dma_start3A_90, %dma_start3A_91] : memref<10240x16xf32, #tpu.memory_space<vmem_shared>> -> memref<10240x16xf32, #tpu.memory_space<vmem_shared>>
        tpu.enqueue_indirect_dma source(%arg12 : memref<125x16xf32, #tpu.memory_space<vmem>>) target(%dma_start3A_92 : memref<10240x16xf32, #tpu.memory_space<vmem_shared>>) offsets(%dma_start3A_89 : memref<125xi32, #tpu.memory_space<vmem>>) semaphore(%arg19 : memref<!tpu.dma_semaphore, #tpu.memory_space<semaphore_mem>>) {add = true}
        %dma_wait3A_93 = arith.constant 0 : i32
        %dma_wait3A_94 = tpu.memref_slice %arg7[%mul3A_73, %dma_wait3A_93] : memref<160x125xi32, #tpu.memory_space<vmem>> -> memref<1x125xi32, #tpu.memory_space<vmem>>
        %dma_wait3A_95 = tpu.memref_squeeze %dma_wait3A_94 : memref<1x125xi32, #tpu.memory_space<vmem>> -> memref<125xi32, #tpu.memory_space<vmem>>
        %dma_wait3A_96 = arith.constant 0 : i32
        %dma_wait3A_97 = arith.constant 0 : i32
        %dma_wait3A_98 = tpu.memref_slice %arg13[%dma_wait3A_96, %dma_wait3A_97] : memref<10240x64xf32, #tpu.memory_space<vmem_shared>> -> memref<10240x64xf32, #tpu.memory_space<vmem_shared>>
        tpu.wait_indirect_dma semaphore(%arg17 : memref<!tpu.dma_semaphore, #tpu.memory_space<semaphore_mem>>) src(%arg8 : memref<125x64xf32, #tpu.memory_space<vmem>>) dst(%dma_wait3A_98 : memref<10240x64xf32, #tpu.memory_space<vmem_shared>>)
        %dma_wait3A_99 = arith.constant 0 : i32
        %dma_wait3A_100 = tpu.memref_slice %arg7[%mul3A_73, %dma_wait3A_99] : memref<160x125xi32, #tpu.memory_space<vmem>> -> memref<1x125xi32, #tpu.memory_space<vmem>>
        %dma_wait3A_101 = tpu.memref_squeeze %dma_wait3A_100 : memref<1x125xi32, #tpu.memory_space<vmem>> -> memref<125xi32, #tpu.memory_space<vmem>>
        %dma_wait3A_102 = arith.constant 0 : i32
        %dma_wait3A_103 = arith.constant 0 : i32
        %dma_wait3A_104 = tpu.memref_slice %arg14[%dma_wait3A_102, %dma_wait3A_103] : memref<10240x16xf32, #tpu.memory_space<vmem_shared>> -> memref<10240x16xf32, #tpu.memory_space<vmem_shared>>
        tpu.wait_indirect_dma semaphore(%arg19 : memref<!tpu.dma_semaphore, #tpu.memory_space<semaphore_mem>>) src(%arg12 : memref<125x16xf32, #tpu.memory_space<vmem>>) dst(%dma_wait3A_104 : memref<10240x16xf32, #tpu.memory_space<vmem_shared>>)
        %lt3A = arith.constant 160 : i32
        %lt3A_105 = arith.cmpi slt, %add3A_75, %lt3A : i32
        %convert_element_type3A_106 = arith.extui %lt3A_105 : i1 to i32
        %cond3A_107 = arith.constant 0 : i32
        %cond3A_108 = arith.cmpi ne, %convert_element_type3A_106, %cond3A_107 : i32
        scf.if %cond3A_108 {
          %dma_start3A_149 = arith.constant 0 : i32
          %dma_start3A_150 = tpu.memref_slice %arg6[%add3A_75, %dma_start3A_149] : memref<160x125xi32, #tpu.memory_space<vmem>> -> memref<1x125xi32, #tpu.memory_space<vmem>>
          %dma_start3A_151 = tpu.memref_squeeze %dma_start3A_150 : memref<1x125xi32, #tpu.memory_space<vmem>> -> memref<125xi32, #tpu.memory_space<vmem>>
          %dma_start3A_152 = arith.constant 0 : i32
          %dma_start3A_153 = arith.constant 0 : i32
          %dma_start3A_154 = tpu.memref_slice %arg3[%dma_start3A_152, %dma_start3A_153] : memref<10000x64xf32, #tpu.memory_space<hbm>> -> memref<10000x64xf32, #tpu.memory_space<hbm>>
          tpu.enqueue_indirect_dma source(%dma_start3A_154 : memref<10000x64xf32, #tpu.memory_space<hbm>>) target(%arg8 : memref<125x64xf32, #tpu.memory_space<vmem>>) offsets(%dma_start3A_151 : memref<125xi32, #tpu.memory_space<vmem>>) semaphore(%arg15 : memref<!tpu.dma_semaphore, #tpu.memory_space<semaphore_mem>>)
        } else {
        }
        %add3A_109 = arith.constant 1 : i32
        %add3A_110 = arith.addi %mul3A_73, %add3A_109 : i32
        %add3A_111 = arith.constant 3 : i32
        %add3A_112 = arith.addi %mul3A_73, %add3A_111 : i32
        %dma_wait3A_113 = arith.constant 0 : i32
        %dma_wait3A_114 = tpu.memref_slice %arg6[%add3A_110, %dma_wait3A_113] : memref<160x125xi32, #tpu.memory_space<vmem>> -> memref<1x125xi32, #tpu.memory_space<vmem>>
        %dma_wait3A_115 = tpu.memref_squeeze %dma_wait3A_114 : memref<1x125xi32, #tpu.memory_space<vmem>> -> memref<125xi32, #tpu.memory_space<vmem>>
        %dma_wait3A_116 = arith.constant 0 : i32
        %dma_wait3A_117 = arith.constant 0 : i32
        %dma_wait3A_118 = tpu.memref_slice %arg3[%dma_wait3A_116, %dma_wait3A_117] : memref<10000x64xf32, #tpu.memory_space<hbm>> -> memref<10000x64xf32, #tpu.memory_space<hbm>>
        tpu.wait_indirect_dma semaphore(%arg16 : memref<!tpu.dma_semaphore, #tpu.memory_space<semaphore_mem>>) src(%dma_wait3A_118 : memref<10000x64xf32, #tpu.memory_space<hbm>>) dst(%arg9 : memref<125x64xf32, #tpu.memory_space<vmem>>)
        %dma_start3A_119 = arith.constant 0 : i32
        %dma_start3A_120 = tpu.memref_slice %arg7[%add3A_110, %dma_start3A_119] : memref<160x125xi32, #tpu.memory_space<vmem>> -> memref<1x125xi32, #tpu.memory_space<vmem>>
        %dma_start3A_121 = tpu.memref_squeeze %dma_start3A_120 : memref<1x125xi32, #tpu.memory_space<vmem>> -> memref<125xi32, #tpu.memory_space<vmem>>
        %dma_start3A_122 = arith.constant 0 : i32
        %dma_start3A_123 = arith.constant 0 : i32
        %dma_start3A_124 = tpu.memref_slice %arg13[%dma_start3A_122, %dma_start3A_123] : memref<10240x64xf32, #tpu.memory_space<vmem_shared>> -> memref<10240x64xf32, #tpu.memory_space<vmem_shared>>
        tpu.enqueue_indirect_dma source(%arg9 : memref<125x64xf32, #tpu.memory_space<vmem>>) target(%dma_start3A_124 : memref<10240x64xf32, #tpu.memory_space<vmem_shared>>) offsets(%dma_start3A_121 : memref<125xi32, #tpu.memory_space<vmem>>) semaphore(%arg18 : memref<!tpu.dma_semaphore, #tpu.memory_space<semaphore_mem>>) {add = true}
        %dma_start3A_125 = arith.constant 0 : i32
        %dma_start3A_126 = tpu.memref_slice %arg7[%add3A_110, %dma_start3A_125] : memref<160x125xi32, #tpu.memory_space<vmem>> -> memref<1x125xi32, #tpu.memory_space<vmem>>
        %dma_start3A_127 = tpu.memref_squeeze %dma_start3A_126 : memref<1x125xi32, #tpu.memory_space<vmem>> -> memref<125xi32, #tpu.memory_space<vmem>>
        %dma_start3A_128 = arith.constant 0 : i32
        %dma_start3A_129 = arith.constant 0 : i32
        %dma_start3A_130 = tpu.memref_slice %arg14[%dma_start3A_128, %dma_start3A_129] : memref<10240x16xf32, #tpu.memory_space<vmem_shared>> -> memref<10240x16xf32, #tpu.memory_space<vmem_shared>>
        tpu.enqueue_indirect_dma source(%arg12 : memref<125x16xf32, #tpu.memory_space<vmem>>) target(%dma_start3A_130 : memref<10240x16xf32, #tpu.memory_space<vmem_shared>>) offsets(%dma_start3A_127 : memref<125xi32, #tpu.memory_space<vmem>>) semaphore(%arg19 : memref<!tpu.dma_semaphore, #tpu.memory_space<semaphore_mem>>) {add = true}
        %dma_wait3A_131 = arith.constant 0 : i32
        %dma_wait3A_132 = tpu.memref_slice %arg7[%add3A_110, %dma_wait3A_131] : memref<160x125xi32, #tpu.memory_space<vmem>> -> memref<1x125xi32, #tpu.memory_space<vmem>>
        %dma_wait3A_133 = tpu.memref_squeeze %dma_wait3A_132 : memref<1x125xi32, #tpu.memory_space<vmem>> -> memref<125xi32, #tpu.memory_space<vmem>>
        %dma_wait3A_134 = arith.constant 0 : i32
        %dma_wait3A_135 = arith.constant 0 : i32
        %dma_wait3A_136 = tpu.memref_slice %arg13[%dma_wait3A_134, %dma_wait3A_135] : memref<10240x64xf32, #tpu.memory_space<vmem_shared>> -> memref<10240x64xf32, #tpu.memory_space<vmem_shared>>
        tpu.wait_indirect_dma semaphore(%arg18 : memref<!tpu.dma_semaphore, #tpu.memory_space<semaphore_mem>>) src(%arg9 : memref<125x64xf32, #tpu.memory_space<vmem>>) dst(%dma_wait3A_136 : memref<10240x64xf32, #tpu.memory_space<vmem_shared>>)
        %dma_wait3A_137 = arith.constant 0 : i32
        %dma_wait3A_138 = tpu.memref_slice %arg7[%add3A_110, %dma_wait3A_137] : memref<160x125xi32, #tpu.memory_space<vmem>> -> memref<1x125xi32, #tpu.memory_space<vmem>>
        %dma_wait3A_139 = tpu.memref_squeeze %dma_wait3A_138 : memref<1x125xi32, #tpu.memory_space<vmem>> -> memref<125xi32, #tpu.memory_space<vmem>>
        %dma_wait3A_140 = arith.constant 0 : i32
        %dma_wait3A_141 = arith.constant 0 : i32
        %dma_wait3A_142 = tpu.memref_slice %arg14[%dma_wait3A_140, %dma_wait3A_141] : memref<10240x16xf32, #tpu.memory_space<vmem_shared>> -> memref<10240x16xf32, #tpu.memory_space<vmem_shared>>
        tpu.wait_indirect_dma semaphore(%arg19 : memref<!tpu.dma_semaphore, #tpu.memory_space<semaphore_mem>>) src(%arg12 : memref<125x16xf32, #tpu.memory_space<vmem>>) dst(%dma_wait3A_142 : memref<10240x16xf32, #tpu.memory_space<vmem_shared>>)
        %lt3A_143 = arith.constant 160 : i32
        %lt3A_144 = arith.cmpi slt, %add3A_112, %lt3A_143 : i32
        %convert_element_type3A_145 = arith.extui %lt3A_144 : i1 to i32
        %cond3A_146 = arith.constant 0 : i32
        %cond3A_147 = arith.cmpi ne, %convert_element_type3A_145, %cond3A_146 : i32
        scf.if %cond3A_147 {
          %dma_start3A_149 = arith.constant 0 : i32
          %dma_start3A_150 = tpu.memref_slice %arg6[%add3A_112, %dma_start3A_149] : memref<160x125xi32, #tpu.memory_space<vmem>> -> memref<1x125xi32, #tpu.memory_space<vmem>>
          %dma_start3A_151 = tpu.memref_squeeze %dma_start3A_150 : memref<1x125xi32, #tpu.memory_space<vmem>> -> memref<125xi32, #tpu.memory_space<vmem>>
          %dma_start3A_152 = arith.constant 0 : i32
          %dma_start3A_153 = arith.constant 0 : i32
          %dma_start3A_154 = tpu.memref_slice %arg3[%dma_start3A_152, %dma_start3A_153] : memref<10000x64xf32, #tpu.memory_space<hbm>> -> memref<10000x64xf32, #tpu.memory_space<hbm>>
          tpu.enqueue_indirect_dma source(%dma_start3A_154 : memref<10000x64xf32, #tpu.memory_space<hbm>>) target(%arg9 : memref<125x64xf32, #tpu.memory_space<vmem>>) offsets(%dma_start3A_151 : memref<125xi32, #tpu.memory_space<vmem>>) semaphore(%arg16 : memref<!tpu.dma_semaphore, #tpu.memory_space<semaphore_mem>>)
        } else {
        }
        %scan3A_148 = arith.constant 0 : i32
        scf.yield %scan3A_148 : i32
      }
      %scan3A_69 = arith.constant 80 : i32
    } else {
    }
    %eq3A_34 = arith.constant 1 : i32
    %eq3A_35 = arith.cmpi eq, %arg0, %eq3A_34 : i32
    %convert_element_type3A_36 = arith.extui %eq3A_35 : i1 to i32
    %cond3A_37 = arith.constant 0 : i32
    %cond3A_38 = arith.cmpi ne, %convert_element_type3A_36, %cond3A_37 : i32
    scf.if %cond3A_38 {
      %dma_start3A = arith.constant 0 : i32
      %dma_start3A_50 = arith.constant 0 : i32
      %dma_start3A_51 = tpu.memref_slice %arg6[%dma_start3A, %dma_start3A_50] : memref<160x125xi32, #tpu.memory_space<vmem>> -> memref<1x125xi32, #tpu.memory_space<vmem>>
      %dma_start3A_52 = tpu.memref_squeeze %dma_start3A_51 : memref<1x125xi32, #tpu.memory_space<vmem>> -> memref<125xi32, #tpu.memory_space<vmem>>
      %dma_start3A_53 = arith.constant 0 : i32
      %dma_start3A_54 = arith.constant 0 : i32
      %dma_start3A_55 = tpu.memref_slice %arg4[%dma_start3A_53, %dma_start3A_54] : memref<10000x64xf32, #tpu.memory_space<hbm>> -> memref<10000x64xf32, #tpu.memory_space<hbm>>
      tpu.enqueue_indirect_dma source(%dma_start3A_55 : memref<10000x64xf32, #tpu.memory_space<hbm>>) target(%arg8 : memref<125x64xf32, #tpu.memory_space<vmem>>) offsets(%dma_start3A_52 : memref<125xi32, #tpu.memory_space<vmem>>) semaphore(%arg15 : memref<!tpu.dma_semaphore, #tpu.memory_space<semaphore_mem>>)
      %dma_start3A_56 = arith.constant 1 : i32
      %dma_start3A_57 = arith.constant 0 : i32
      %dma_start3A_58 = tpu.memref_slice %arg6[%dma_start3A_56, %dma_start3A_57] : memref<160x125xi32, #tpu.memory_space<vmem>> -> memref<1x125xi32, #tpu.memory_space<vmem>>
      %dma_start3A_59 = tpu.memref_squeeze %dma_start3A_58 : memref<1x125xi32, #tpu.memory_space<vmem>> -> memref<125xi32, #tpu.memory_space<vmem>>
      %dma_start3A_60 = arith.constant 0 : i32
      %dma_start3A_61 = arith.constant 0 : i32
      %dma_start3A_62 = tpu.memref_slice %arg4[%dma_start3A_60, %dma_start3A_61] : memref<10000x64xf32, #tpu.memory_space<hbm>> -> memref<10000x64xf32, #tpu.memory_space<hbm>>
      tpu.enqueue_indirect_dma source(%dma_start3A_62 : memref<10000x64xf32, #tpu.memory_space<hbm>>) target(%arg9 : memref<125x64xf32, #tpu.memory_space<vmem>>) offsets(%dma_start3A_59 : memref<125xi32, #tpu.memory_space<vmem>>) semaphore(%arg16 : memref<!tpu.dma_semaphore, #tpu.memory_space<semaphore_mem>>)
      %scan3A_63 = arith.constant 0 : i32
      %scan3A_64 = arith.constant 0 : i32
      %scan3A_65 = arith.constant 80 : i32
      %scan3A_66 = arith.addi %scan3A_64, %scan3A_65 : i32
      %scan3A_67 = arith.constant 1 : i32
      %scan3A_68 = scf.for %scan3A_70 = %scan3A_64 to %scan3A_66 step %scan3A_67 iter_args(%scan3A_71 = %scan3A_63) -> (i32)  : i32 {
        %mul3A_72 = arith.constant 2 : i32
        %mul3A_73 = arith.muli %mul3A_72, %scan3A_70 : i32
        %add3A_74 = arith.constant 2 : i32
        %add3A_75 = arith.addi %mul3A_73, %add3A_74 : i32
        %dma_wait3A = arith.constant 0 : i32
        %dma_wait3A_76 = tpu.memref_slice %arg6[%mul3A_73, %dma_wait3A] : memref<160x125xi32, #tpu.memory_space<vmem>> -> memref<1x125xi32, #tpu.memory_space<vmem>>
        %dma_wait3A_77 = tpu.memref_squeeze %dma_wait3A_76 : memref<1x125xi32, #tpu.memory_space<vmem>> -> memref<125xi32, #tpu.memory_space<vmem>>
        %dma_wait3A_78 = arith.constant 0 : i32
        %dma_wait3A_79 = arith.constant 0 : i32
        %dma_wait3A_80 = tpu.memref_slice %arg4[%dma_wait3A_78, %dma_wait3A_79] : memref<10000x64xf32, #tpu.memory_space<hbm>> -> memref<10000x64xf32, #tpu.memory_space<hbm>>
        tpu.wait_indirect_dma semaphore(%arg15 : memref<!tpu.dma_semaphore, #tpu.memory_space<semaphore_mem>>) src(%dma_wait3A_80 : memref<10000x64xf32, #tpu.memory_space<hbm>>) dst(%arg8 : memref<125x64xf32, #tpu.memory_space<vmem>>)
        %dma_start3A_81 = arith.constant 0 : i32
        %dma_start3A_82 = tpu.memref_slice %arg7[%mul3A_73, %dma_start3A_81] : memref<160x125xi32, #tpu.memory_space<vmem>> -> memref<1x125xi32, #tpu.memory_space<vmem>>
        %dma_start3A_83 = tpu.memref_squeeze %dma_start3A_82 : memref<1x125xi32, #tpu.memory_space<vmem>> -> memref<125xi32, #tpu.memory_space<vmem>>
        %dma_start3A_84 = arith.constant 0 : i32
        %dma_start3A_85 = arith.constant 0 : i32
        %dma_start3A_86 = tpu.memref_slice %arg13[%dma_start3A_84, %dma_start3A_85] : memref<10240x64xf32, #tpu.memory_space<vmem_shared>> -> memref<10240x64xf32, #tpu.memory_space<vmem_shared>>
        tpu.enqueue_indirect_dma source(%arg8 : memref<125x64xf32, #tpu.memory_space<vmem>>) target(%dma_start3A_86 : memref<10240x64xf32, #tpu.memory_space<vmem_shared>>) offsets(%dma_start3A_83 : memref<125xi32, #tpu.memory_space<vmem>>) semaphore(%arg17 : memref<!tpu.dma_semaphore, #tpu.memory_space<semaphore_mem>>) {add = true}
        %dma_start3A_87 = arith.constant 0 : i32
        %dma_start3A_88 = tpu.memref_slice %arg7[%mul3A_73, %dma_start3A_87] : memref<160x125xi32, #tpu.memory_space<vmem>> -> memref<1x125xi32, #tpu.memory_space<vmem>>
        %dma_start3A_89 = tpu.memref_squeeze %dma_start3A_88 : memref<1x125xi32, #tpu.memory_space<vmem>> -> memref<125xi32, #tpu.memory_space<vmem>>
        %dma_start3A_90 = arith.constant 0 : i32
        %dma_start3A_91 = arith.constant 0 : i32
        %dma_start3A_92 = tpu.memref_slice %arg14[%dma_start3A_90, %dma_start3A_91] : memref<10240x16xf32, #tpu.memory_space<vmem_shared>> -> memref<10240x16xf32, #tpu.memory_space<vmem_shared>>
        tpu.enqueue_indirect_dma source(%arg12 : memref<125x16xf32, #tpu.memory_space<vmem>>) target(%dma_start3A_92 : memref<10240x16xf32, #tpu.memory_space<vmem_shared>>) offsets(%dma_start3A_89 : memref<125xi32, #tpu.memory_space<vmem>>) semaphore(%arg19 : memref<!tpu.dma_semaphore, #tpu.memory_space<semaphore_mem>>) {add = true}
        %dma_wait3A_93 = arith.constant 0 : i32
        %dma_wait3A_94 = tpu.memref_slice %arg7[%mul3A_73, %dma_wait3A_93] : memref<160x125xi32, #tpu.memory_space<vmem>> -> memref<1x125xi32, #tpu.memory_space<vmem>>
        %dma_wait3A_95 = tpu.memref_squeeze %dma_wait3A_94 : memref<1x125xi32, #tpu.memory_space<vmem>> -> memref<125xi32, #tpu.memory_space<vmem>>
        %dma_wait3A_96 = arith.constant 0 : i32
        %dma_wait3A_97 = arith.constant 0 : i32
        %dma_wait3A_98 = tpu.memref_slice %arg13[%dma_wait3A_96, %dma_wait3A_97] : memref<10240x64xf32, #tpu.memory_space<vmem_shared>> -> memref<10240x64xf32, #tpu.memory_space<vmem_shared>>
        tpu.wait_indirect_dma semaphore(%arg17 : memref<!tpu.dma_semaphore, #tpu.memory_space<semaphore_mem>>) src(%arg8 : memref<125x64xf32, #tpu.memory_space<vmem>>) dst(%dma_wait3A_98 : memref<10240x64xf32, #tpu.memory_space<vmem_shared>>)
        %dma_wait3A_99 = arith.constant 0 : i32
        %dma_wait3A_100 = tpu.memref_slice %arg7[%mul3A_73, %dma_wait3A_99] : memref<160x125xi32, #tpu.memory_space<vmem>> -> memref<1x125xi32, #tpu.memory_space<vmem>>
        %dma_wait3A_101 = tpu.memref_squeeze %dma_wait3A_100 : memref<1x125xi32, #tpu.memory_space<vmem>> -> memref<125xi32, #tpu.memory_space<vmem>>
        %dma_wait3A_102 = arith.constant 0 : i32
        %dma_wait3A_103 = arith.constant 0 : i32
        %dma_wait3A_104 = tpu.memref_slice %arg14[%dma_wait3A_102, %dma_wait3A_103] : memref<10240x16xf32, #tpu.memory_space<vmem_shared>> -> memref<10240x16xf32, #tpu.memory_space<vmem_shared>>
        tpu.wait_indirect_dma semaphore(%arg19 : memref<!tpu.dma_semaphore, #tpu.memory_space<semaphore_mem>>) src(%arg12 : memref<125x16xf32, #tpu.memory_space<vmem>>) dst(%dma_wait3A_104 : memref<10240x16xf32, #tpu.memory_space<vmem_shared>>)
        %lt3A = arith.constant 160 : i32
        %lt3A_105 = arith.cmpi slt, %add3A_75, %lt3A : i32
        %convert_element_type3A_106 = arith.extui %lt3A_105 : i1 to i32
        %cond3A_107 = arith.constant 0 : i32
        %cond3A_108 = arith.cmpi ne, %convert_element_type3A_106, %cond3A_107 : i32
        scf.if %cond3A_108 {
          %dma_start3A_149 = arith.constant 0 : i32
          %dma_start3A_150 = tpu.memref_slice %arg6[%add3A_75, %dma_start3A_149] : memref<160x125xi32, #tpu.memory_space<vmem>> -> memref<1x125xi32, #tpu.memory_space<vmem>>
          %dma_start3A_151 = tpu.memref_squeeze %dma_start3A_150 : memref<1x125xi32, #tpu.memory_space<vmem>> -> memref<125xi32, #tpu.memory_space<vmem>>
          %dma_start3A_152 = arith.constant 0 : i32
          %dma_start3A_153 = arith.constant 0 : i32
          %dma_start3A_154 = tpu.memref_slice %arg4[%dma_start3A_152, %dma_start3A_153] : memref<10000x64xf32, #tpu.memory_space<hbm>> -> memref<10000x64xf32, #tpu.memory_space<hbm>>
          tpu.enqueue_indirect_dma source(%dma_start3A_154 : memref<10000x64xf32, #tpu.memory_space<hbm>>) target(%arg8 : memref<125x64xf32, #tpu.memory_space<vmem>>) offsets(%dma_start3A_151 : memref<125xi32, #tpu.memory_space<vmem>>) semaphore(%arg15 : memref<!tpu.dma_semaphore, #tpu.memory_space<semaphore_mem>>)
        } else {
        }
        %add3A_109 = arith.constant 1 : i32
        %add3A_110 = arith.addi %mul3A_73, %add3A_109 : i32
        %add3A_111 = arith.constant 3 : i32
        %add3A_112 = arith.addi %mul3A_73, %add3A_111 : i32
        %dma_wait3A_113 = arith.constant 0 : i32
        %dma_wait3A_114 = tpu.memref_slice %arg6[%add3A_110, %dma_wait3A_113] : memref<160x125xi32, #tpu.memory_space<vmem>> -> memref<1x125xi32, #tpu.memory_space<vmem>>
        %dma_wait3A_115 = tpu.memref_squeeze %dma_wait3A_114 : memref<1x125xi32, #tpu.memory_space<vmem>> -> memref<125xi32, #tpu.memory_space<vmem>>
        %dma_wait3A_116 = arith.constant 0 : i32
        %dma_wait3A_117 = arith.constant 0 : i32
        %dma_wait3A_118 = tpu.memref_slice %arg4[%dma_wait3A_116, %dma_wait3A_117] : memref<10000x64xf32, #tpu.memory_space<hbm>> -> memref<10000x64xf32, #tpu.memory_space<hbm>>
        tpu.wait_indirect_dma semaphore(%arg16 : memref<!tpu.dma_semaphore, #tpu.memory_space<semaphore_mem>>) src(%dma_wait3A_118 : memref<10000x64xf32, #tpu.memory_space<hbm>>) dst(%arg9 : memref<125x64xf32, #tpu.memory_space<vmem>>)
        %dma_start3A_119 = arith.constant 0 : i32
        %dma_start3A_120 = tpu.memref_slice %arg7[%add3A_110, %dma_start3A_119] : memref<160x125xi32, #tpu.memory_space<vmem>> -> memref<1x125xi32, #tpu.memory_space<vmem>>
        %dma_start3A_121 = tpu.memref_squeeze %dma_start3A_120 : memref<1x125xi32, #tpu.memory_space<vmem>> -> memref<125xi32, #tpu.memory_space<vmem>>
        %dma_start3A_122 = arith.constant 0 : i32
        %dma_start3A_123 = arith.constant 0 : i32
        %dma_start3A_124 = tpu.memref_slice %arg13[%dma_start3A_122, %dma_start3A_123] : memref<10240x64xf32, #tpu.memory_space<vmem_shared>> -> memref<10240x64xf32, #tpu.memory_space<vmem_shared>>
        tpu.enqueue_indirect_dma source(%arg9 : memref<125x64xf32, #tpu.memory_space<vmem>>) target(%dma_start3A_124 : memref<10240x64xf32, #tpu.memory_space<vmem_shared>>) offsets(%dma_start3A_121 : memref<125xi32, #tpu.memory_space<vmem>>) semaphore(%arg18 : memref<!tpu.dma_semaphore, #tpu.memory_space<semaphore_mem>>) {add = true}
        %dma_start3A_125 = arith.constant 0 : i32
        %dma_start3A_126 = tpu.memref_slice %arg7[%add3A_110, %dma_start3A_125] : memref<160x125xi32, #tpu.memory_space<vmem>> -> memref<1x125xi32, #tpu.memory_space<vmem>>
        %dma_start3A_127 = tpu.memref_squeeze %dma_start3A_126 : memref<1x125xi32, #tpu.memory_space<vmem>> -> memref<125xi32, #tpu.memory_space<vmem>>
        %dma_start3A_128 = arith.constant 0 : i32
        %dma_start3A_129 = arith.constant 0 : i32
        %dma_start3A_130 = tpu.memref_slice %arg14[%dma_start3A_128, %dma_start3A_129] : memref<10240x16xf32, #tpu.memory_space<vmem_shared>> -> memref<10240x16xf32, #tpu.memory_space<vmem_shared>>
        tpu.enqueue_indirect_dma source(%arg12 : memref<125x16xf32, #tpu.memory_space<vmem>>) target(%dma_start3A_130 : memref<10240x16xf32, #tpu.memory_space<vmem_shared>>) offsets(%dma_start3A_127 : memref<125xi32, #tpu.memory_space<vmem>>) semaphore(%arg19 : memref<!tpu.dma_semaphore, #tpu.memory_space<semaphore_mem>>) {add = true}
        %dma_wait3A_131 = arith.constant 0 : i32
        %dma_wait3A_132 = tpu.memref_slice %arg7[%add3A_110, %dma_wait3A_131] : memref<160x125xi32, #tpu.memory_space<vmem>> -> memref<1x125xi32, #tpu.memory_space<vmem>>
        %dma_wait3A_133 = tpu.memref_squeeze %dma_wait3A_132 : memref<1x125xi32, #tpu.memory_space<vmem>> -> memref<125xi32, #tpu.memory_space<vmem>>
        %dma_wait3A_134 = arith.constant 0 : i32
        %dma_wait3A_135 = arith.constant 0 : i32
        %dma_wait3A_136 = tpu.memref_slice %arg13[%dma_wait3A_134, %dma_wait3A_135] : memref<10240x64xf32, #tpu.memory_space<vmem_shared>> -> memref<10240x64xf32, #tpu.memory_space<vmem_shared>>
        tpu.wait_indirect_dma semaphore(%arg18 : memref<!tpu.dma_semaphore, #tpu.memory_space<semaphore_mem>>) src(%arg9 : memref<125x64xf32, #tpu.memory_space<vmem>>) dst(%dma_wait3A_136 : memref<10240x64xf32, #tpu.memory_space<vmem_shared>>)
        %dma_wait3A_137 = arith.constant 0 : i32
        %dma_wait3A_138 = tpu.memref_slice %arg7[%add3A_110, %dma_wait3A_137] : memref<160x125xi32, #tpu.memory_space<vmem>> -> memref<1x125xi32, #tpu.memory_space<vmem>>
        %dma_wait3A_139 = tpu.memref_squeeze %dma_wait3A_138 : memref<1x125xi32, #tpu.memory_space<vmem>> -> memref<125xi32, #tpu.memory_space<vmem>>
        %dma_wait3A_140 = arith.constant 0 : i32
        %dma_wait3A_141 = arith.constant 0 : i32
        %dma_wait3A_142 = tpu.memref_slice %arg14[%dma_wait3A_140, %dma_wait3A_141] : memref<10240x16xf32, #tpu.memory_space<vmem_shared>> -> memref<10240x16xf32, #tpu.memory_space<vmem_shared>>
        tpu.wait_indirect_dma semaphore(%arg19 : memref<!tpu.dma_semaphore, #tpu.memory_space<semaphore_mem>>) src(%arg12 : memref<125x16xf32, #tpu.memory_space<vmem>>) dst(%dma_wait3A_142 : memref<10240x16xf32, #tpu.memory_space<vmem_shared>>)
        %lt3A_143 = arith.constant 160 : i32
        %lt3A_144 = arith.cmpi slt, %add3A_112, %lt3A_143 : i32
        %convert_element_type3A_145 = arith.extui %lt3A_144 : i1 to i32
        %cond3A_146 = arith.constant 0 : i32
        %cond3A_147 = arith.cmpi ne, %convert_element_type3A_145, %cond3A_146 : i32
        scf.if %cond3A_147 {
          %dma_start3A_149 = arith.constant 0 : i32
          %dma_start3A_150 = tpu.memref_slice %arg6[%add3A_112, %dma_start3A_149] : memref<160x125xi32, #tpu.memory_space<vmem>> -> memref<1x125xi32, #tpu.memory_space<vmem>>
          %dma_start3A_151 = tpu.memref_squeeze %dma_start3A_150 : memref<1x125xi32, #tpu.memory_space<vmem>> -> memref<125xi32, #tpu.memory_space<vmem>>
          %dma_start3A_152 = arith.constant 0 : i32
          %dma_start3A_153 = arith.constant 0 : i32
          %dma_start3A_154 = tpu.memref_slice %arg4[%dma_start3A_152, %dma_start3A_153] : memref<10000x64xf32, #tpu.memory_space<hbm>> -> memref<10000x64xf32, #tpu.memory_space<hbm>>
          tpu.enqueue_indirect_dma source(%dma_start3A_154 : memref<10000x64xf32, #tpu.memory_space<hbm>>) target(%arg9 : memref<125x64xf32, #tpu.memory_space<vmem>>) offsets(%dma_start3A_151 : memref<125xi32, #tpu.memory_space<vmem>>) semaphore(%arg16 : memref<!tpu.dma_semaphore, #tpu.memory_space<semaphore_mem>>)
        } else {
        }
        %scan3A_148 = arith.constant 0 : i32
        scf.yield %scan3A_148 : i32
      }
      %scan3A_69 = arith.constant 80 : i32
    } else {
    }
    %barrier3A_39 = arith.constant 0 : index
    tpu.barrier barrier_id(%barrier3A_39)
    %eq3A_40 = arith.constant 0 : i32
    %eq3A_41 = arith.cmpi eq, %arg0, %eq3A_40 : i32
    %convert_element_type3A_42 = arith.extui %eq3A_41 : i1 to i32
    %cond3A_43 = arith.constant 0 : i32
    %cond3A_44 = arith.cmpi ne, %convert_element_type3A_42, %cond3A_43 : i32
    scf.if %cond3A_44 {
      %mul3A_50 = arith.constant 640 : i32
      %mul3A_51 = arith.muli %arg1, %mul3A_50 : i32
      %add3A_52 = arith.constant 0 : i32
      %add3A_53 = arith.addi %mul3A_51, %add3A_52 : i32
      %add3A_54 = arith.constant 128 : i32
      %add3A_55 = arith.addi %add3A_53, %add3A_54 : i32
      %le3A = arith.constant 10000 : i32
      %le3A_56 = arith.cmpi sle, %add3A_55, %le3A : i32
      %convert_element_type3A_57 = arith.extui %le3A_56 : i1 to i32
      %cond3A_58 = arith.constant 0 : i32
      %cond3A_59 = arith.cmpi ne, %convert_element_type3A_57, %cond3A_58 : i32
      scf.if %cond3A_59 {
        "tpu.region"() ({
          %run_scoped3A_158 = tpu.sem_alloc : memref<!tpu.dma_semaphore, #tpu.memory_space<semaphore_mem>>
          %dma_start3A = arith.constant 0 : i32
          %dma_start3A_159 = arith.constant 0 : i32
          %dma_start3A_160 = tpu.memref_slice %arg10[%dma_start3A, %dma_start3A_159] : memref<128x64xf32, #tpu.memory_space<vmem>> -> memref<128x64xf32, #tpu.memory_space<vmem>>
          %dma_start3A_161 = arith.constant 0 : i32
          %dma_start3A_162 = tpu.memref_slice %arg13[%add3A_53, %dma_start3A_161] : memref<10240x64xf32, #tpu.memory_space<vmem_shared>> -> memref<128x64xf32, #tpu.memory_space<vmem_shared>>
          %dma_start3A_163 = arith.constant 0 : i32
          %dma_start3A_164 = arith.constant 0 : i32
          %dma_start3A_165 = tpu.memref_slice %arg10[%dma_start3A_163, %dma_start3A_164] : memref<128x64xf32, #tpu.memory_space<vmem>> -> memref<128x64xf32, #tpu.memory_space<vmem>>
          %dma_start3A_166 = arith.constant 0 : i32
          %dma_start3A_167 = tpu.memref_slice %arg13[%add3A_53, %dma_start3A_166] : memref<10240x64xf32, #tpu.memory_space<vmem_shared>> -> memref<128x64xf32, #tpu.memory_space<vmem_shared>>
          tpu.enqueue_dma source(%dma_start3A_167 : memref<128x64xf32, #tpu.memory_space<vmem_shared>>) target(%dma_start3A_165 : memref<128x64xf32, #tpu.memory_space<vmem>>) target_semaphore(%run_scoped3A_158 : memref<!tpu.dma_semaphore, #tpu.memory_space<semaphore_mem>>)
          %dma_wait3A = arith.constant 0 : i32
          %dma_wait3A_168 = arith.constant 0 : i32
          %dma_wait3A_169 = tpu.memref_slice %arg10[%dma_wait3A, %dma_wait3A_168] : memref<128x64xf32, #tpu.memory_space<vmem>> -> memref<128x64xf32, #tpu.memory_space<vmem>>
          %dma_wait3A_170 = arith.constant 0 : i32
          %dma_wait3A_171 = tpu.memref_slice %arg13[%add3A_53, %dma_wait3A_170] : memref<10240x64xf32, #tpu.memory_space<vmem_shared>> -> memref<128x64xf32, #tpu.memory_space<vmem_shared>>
          %dma_wait3A_172 = arith.constant 0 : i32
          %dma_wait3A_173 = arith.constant 0 : i32
          %dma_wait3A_174 = tpu.memref_slice %arg10[%dma_wait3A_172, %dma_wait3A_173] : memref<128x64xf32, #tpu.memory_space<vmem>> -> memref<128x64xf32, #tpu.memory_space<vmem>>
          %dma_wait3A_175 = arith.constant 0 : i32
          %dma_wait3A_176 = tpu.memref_slice %arg13[%add3A_53, %dma_wait3A_175] : memref<10240x64xf32, #tpu.memory_space<vmem_shared>> -> memref<128x64xf32, #tpu.memory_space<vmem_shared>>
          tpu.wait_dma2 semaphore(%run_scoped3A_158 : memref<!tpu.dma_semaphore, #tpu.memory_space<semaphore_mem>>) src(%dma_wait3A_176 : memref<128x64xf32, #tpu.memory_space<vmem_shared>>) dst(%dma_wait3A_174 : memref<128x64xf32, #tpu.memory_space<vmem>>)
          tpu.yield
        }) : () -> ()
        "tpu.region"() ({
          %run_scoped3A_158 = tpu.sem_alloc : memref<!tpu.dma_semaphore, #tpu.memory_space<semaphore_mem>>
          %dma_start3A = arith.constant 0 : i32
          %dma_start3A_159 = arith.constant 0 : i32
          %dma_start3A_160 = tpu.memref_slice %arg11[%dma_start3A, %dma_start3A_159] : memref<128x16xf32, #tpu.memory_space<vmem>> -> memref<128x16xf32, #tpu.memory_space<vmem>>
          %dma_start3A_161 = arith.constant 0 : i32
          %dma_start3A_162 = tpu.memref_slice %arg14[%add3A_53, %dma_start3A_161] : memref<10240x16xf32, #tpu.memory_space<vmem_shared>> -> memref<128x16xf32, #tpu.memory_space<vmem_shared>>
          %dma_start3A_163 = arith.constant 0 : i32
          %dma_start3A_164 = arith.constant 0 : i32
          %dma_start3A_165 = tpu.memref_slice %arg11[%dma_start3A_163, %dma_start3A_164] : memref<128x16xf32, #tpu.memory_space<vmem>> -> memref<128x16xf32, #tpu.memory_space<vmem>>
          %dma_start3A_166 = arith.constant 0 : i32
          %dma_start3A_167 = tpu.memref_slice %arg14[%add3A_53, %dma_start3A_166] : memref<10240x16xf32, #tpu.memory_space<vmem_shared>> -> memref<128x16xf32, #tpu.memory_space<vmem_shared>>
          tpu.enqueue_dma source(%dma_start3A_167 : memref<128x16xf32, #tpu.memory_space<vmem_shared>>) target(%dma_start3A_165 : memref<128x16xf32, #tpu.memory_space<vmem>>) target_semaphore(%run_scoped3A_158 : memref<!tpu.dma_semaphore, #tpu.memory_space<semaphore_mem>>)
          %dma_wait3A = arith.constant 0 : i32
          %dma_wait3A_168 = arith.constant 0 : i32
          %dma_wait3A_169 = tpu.memref_slice %arg11[%dma_wait3A, %dma_wait3A_168] : memref<128x16xf32, #tpu.memory_space<vmem>> -> memref<128x16xf32, #tpu.memory_space<vmem>>
          %dma_wait3A_170 = arith.constant 0 : i32
          %dma_wait3A_171 = tpu.memref_slice %arg14[%add3A_53, %dma_wait3A_170] : memref<10240x16xf32, #tpu.memory_space<vmem_shared>> -> memref<128x16xf32, #tpu.memory_space<vmem_shared>>
          %dma_wait3A_172 = arith.constant 0 : i32
          %dma_wait3A_173 = arith.constant 0 : i32
          %dma_wait3A_174 = tpu.memref_slice %arg11[%dma_wait3A_172, %dma_wait3A_173] : memref<128x16xf32, #tpu.memory_space<vmem>> -> memref<128x16xf32, #tpu.memory_space<vmem>>
          %dma_wait3A_175 = arith.constant 0 : i32
          %dma_wait3A_176 = tpu.memref_slice %arg14[%add3A_53, %dma_wait3A_175] : memref<10240x16xf32, #tpu.memory_space<vmem_shared>> -> memref<128x16xf32, #tpu.memory_space<vmem_shared>>
          tpu.wait_dma2 semaphore(%run_scoped3A_158 : memref<!tpu.dma_semaphore, #tpu.memory_space<semaphore_mem>>) src(%dma_wait3A_176 : memref<128x16xf32, #tpu.memory_space<vmem_shared>>) dst(%dma_wait3A_174 : memref<128x16xf32, #tpu.memory_space<vmem>>)
          tpu.yield
        }) : () -> ()
        %scan3A_151 = arith.constant 0 : i32
        %scan3A_152 = arith.constant 0 : i32
        %scan3A_153 = arith.constant 128 : i32
        %scan3A_154 = arith.addi %scan3A_152, %scan3A_153 : i32
        %scan3A_155 = arith.constant 1 : i32
        %scan3A_156 = scf.for %scan3A_158 = %scan3A_152 to %scan3A_154 step %scan3A_155 iter_args(%scan3A_159 = %scan3A_151) -> (i32)  : i32 {
          %get3A = arith.index_cast %scan3A_158 : i32 to index
          %get3A_160 = arith.constant 0 : index
          %get3A_161 = tpu.vector_load %arg11[%get3A, %get3A_160] {strides = array<i32>} : memref<128x16xf32, #tpu.memory_space<vmem>>, vector<1x16xf32>,
          %get3A_162 = vector.shape_cast %get3A_161 : vector<1x16xf32> to vector<16xf32>
          %max3A = arith.constant 1.000000e+00 : f32
          %max3A_163 = vector.broadcast %max3A : f32 to vector<16xf32>
          %max3A_164 = arith.maximumf %get3A_162, %max3A_163 : vector<16xf32>
          %div3A = arith.constant 1.000000e+00 : f32
          %div3A_165 = vector.broadcast %div3A : f32 to vector<16xf32>
          %div3A_166 = arith.divf %div3A_165, %max3A_164 : vector<16xf32>
          %get3A_167 = arith.index_cast %scan3A_158 : i32 to index
          %get3A_168 = arith.constant 0 : index
          %get3A_169 = tpu.vector_load %arg10[%get3A_167, %get3A_168] {strides = array<i32>} : memref<128x64xf32, #tpu.memory_space<vmem>>, vector<1x16xf32>,
          %get3A_170 = vector.shape_cast %get3A_169 : vector<1x16xf32> to vector<16xf32>
          %mul3A_171 = arith.mulf %get3A_170, %div3A_166 : vector<16xf32>
          %swap3A = arith.index_cast %scan3A_158 : i32 to index
          %swap3A_172 = arith.constant 0 : index
          %swap3A_173 = tpu.vector_load %arg10[%swap3A, %swap3A_172] {strides = array<i32>} : memref<128x64xf32, #tpu.memory_space<vmem>>, vector<1x16xf32>,
          %swap3A_174 = vector.shape_cast %swap3A_173 : vector<1x16xf32> to vector<16xf32>
          %swap3A_175 = vector.shape_cast %mul3A_171 : vector<16xf32> to vector<1x16xf32>
          tpu.vector_store %arg10[%swap3A, %swap3A_172], %swap3A_175 {strides = array<i32>} : memref<128x64xf32, #tpu.memory_space<vmem>>, vector<1x16xf32>,
          %get3A_176 = arith.index_cast %scan3A_158 : i32 to index
          %get3A_177 = arith.constant 16 : index
          %get3A_178 = tpu.vector_load %arg10[%get3A_176, %get3A_177] {strides = array<i32>} : memref<128x64xf32, #tpu.memory_space<vmem>>, vector<1x16xf32>,
          %get3A_179 = vector.shape_cast %get3A_178 : vector<1x16xf32> to vector<16xf32>
          %mul3A_180 = arith.mulf %get3A_179, %div3A_166 : vector<16xf32>
          %swap3A_181 = arith.index_cast %scan3A_158 : i32 to index
          %swap3A_182 = arith.constant 16 : index
          %swap3A_183 = tpu.vector_load %arg10[%swap3A_181, %swap3A_182] {strides = array<i32>} : memref<128x64xf32, #tpu.memory_space<vmem>>, vector<1x16xf32>,
          %swap3A_184 = vector.shape_cast %swap3A_183 : vector<1x16xf32> to vector<16xf32>
          %swap3A_185 = vector.shape_cast %mul3A_180 : vector<16xf32> to vector<1x16xf32>
          tpu.vector_store %arg10[%swap3A_181, %swap3A_182], %swap3A_185 {strides = array<i32>} : memref<128x64xf32, #tpu.memory_space<vmem>>, vector<1x16xf32>,
          %get3A_186 = arith.index_cast %scan3A_158 : i32 to index
          %get3A_187 = arith.constant 32 : index
          %get3A_188 = tpu.vector_load %arg10[%get3A_186, %get3A_187] {strides = array<i32>} : memref<128x64xf32, #tpu.memory_space<vmem>>, vector<1x16xf32>,
          %get3A_189 = vector.shape_cast %get3A_188 : vector<1x16xf32> to vector<16xf32>
          %mul3A_190 = arith.mulf %get3A_189, %div3A_166 : vector<16xf32>
          %swap3A_191 = arith.index_cast %scan3A_158 : i32 to index
          %swap3A_192 = arith.constant 32 : index
          %swap3A_193 = tpu.vector_load %arg10[%swap3A_191, %swap3A_192] {strides = array<i32>} : memref<128x64xf32, #tpu.memory_space<vmem>>, vector<1x16xf32>,
          %swap3A_194 = vector.shape_cast %swap3A_193 : vector<1x16xf32> to vector<16xf32>
          %swap3A_195 = vector.shape_cast %mul3A_190 : vector<16xf32> to vector<1x16xf32>
          tpu.vector_store %arg10[%swap3A_191, %swap3A_192], %swap3A_195 {strides = array<i32>} : memref<128x64xf32, #tpu.memory_space<vmem>>, vector<1x16xf32>,
          %get3A_196 = arith.index_cast %scan3A_158 : i32 to index
          %get3A_197 = arith.constant 48 : index
          %get3A_198 = tpu.vector_load %arg10[%get3A_196, %get3A_197] {strides = array<i32>} : memref<128x64xf32, #tpu.memory_space<vmem>>, vector<1x16xf32>,
          %get3A_199 = vector.shape_cast %get3A_198 : vector<1x16xf32> to vector<16xf32>
          %mul3A_200 = arith.mulf %get3A_199, %div3A_166 : vector<16xf32>
          %swap3A_201 = arith.index_cast %scan3A_158 : i32 to index
          %swap3A_202 = arith.constant 48 : index
          %swap3A_203 = tpu.vector_load %arg10[%swap3A_201, %swap3A_202] {strides = array<i32>} : memref<128x64xf32, #tpu.memory_space<vmem>>, vector<1x16xf32>,
          %swap3A_204 = vector.shape_cast %swap3A_203 : vector<1x16xf32> to vector<16xf32>
          %swap3A_205 = vector.shape_cast %mul3A_200 : vector<16xf32> to vector<1x16xf32>
          tpu.vector_store %arg10[%swap3A_201, %swap3A_202], %swap3A_205 {strides = array<i32>} : memref<128x64xf32, #tpu.memory_space<vmem>>, vector<1x16xf32>,
          %scan3A_206 = arith.constant 0 : i32
          scf.yield %scan3A_206 : i32
        }
        %scan3A_157 = arith.constant 128 : i32
        "tpu.region"() ({
          %run_scoped3A_158 = tpu.sem_alloc : memref<!tpu.dma_semaphore, #tpu.memory_space<semaphore_mem>>
          %dma_start3A = arith.constant 0 : i32
          %dma_start3A_159 = arith.constant 0 : i32
          %dma_start3A_160 = tpu.memref_slice %arg10[%dma_start3A, %dma_start3A_159] : memref<128x64xf32, #tpu.memory_space<vmem>> -> memref<128x64xf32, #tpu.memory_space<vmem>>
          %dma_start3A_161 = arith.constant 0 : i32
          %dma_start3A_162 = tpu.memref_slice %arg5[%add3A_53, %dma_start3A_161] : memref<10000x128xf32, #tpu.memory_space<hbm>> -> memref<128x64xf32, #tpu.memory_space<hbm>>
          %dma_start3A_163 = arith.constant 0 : i32
          %dma_start3A_164 = tpu.memref_slice %arg5[%add3A_53, %dma_start3A_163] : memref<10000x128xf32, #tpu.memory_space<hbm>> -> memref<128x64xf32, #tpu.memory_space<hbm>>
          %dma_start3A_165 = arith.constant 0 : i32
          %dma_start3A_166 = arith.constant 0 : i32
          %dma_start3A_167 = tpu.memref_slice %arg10[%dma_start3A_165, %dma_start3A_166] : memref<128x64xf32, #tpu.memory_space<vmem>> -> memref<128x64xf32, #tpu.memory_space<vmem>>
          tpu.enqueue_dma source(%dma_start3A_167 : memref<128x64xf32, #tpu.memory_space<vmem>>) target(%dma_start3A_164 : memref<128x64xf32, #tpu.memory_space<hbm>>) target_semaphore(%run_scoped3A_158 : memref<!tpu.dma_semaphore, #tpu.memory_space<semaphore_mem>>)
          %dma_wait3A = arith.constant 0 : i32
          %dma_wait3A_168 = arith.constant 0 : i32
          %dma_wait3A_169 = tpu.memref_slice %arg10[%dma_wait3A, %dma_wait3A_168] : memref<128x64xf32, #tpu.memory_space<vmem>> -> memref<128x64xf32, #tpu.memory_space<vmem>>
          %dma_wait3A_170 = arith.constant 0 : i32
          %dma_wait3A_171 = tpu.memref_slice %arg5[%add3A_53, %dma_wait3A_170] : memref<10000x128xf32, #tpu.memory_space<hbm>> -> memref<128x64xf32, #tpu.memory_space<hbm>>
          %dma_wait3A_172 = arith.constant 0 : i32
          %dma_wait3A_173 = tpu.memref_slice %arg5[%add3A_53, %dma_wait3A_172] : memref<10000x128xf32, #tpu.memory_space<hbm>> -> memref<128x64xf32, #tpu.memory_space<hbm>>
          %dma_wait3A_174 = arith.constant 0 : i32
          %dma_wait3A_175 = arith.constant 0 : i32
          %dma_wait3A_176 = tpu.memref_slice %arg10[%dma_wait3A_174, %dma_wait3A_175] : memref<128x64xf32, #tpu.memory_space<vmem>> -> memref<128x64xf32, #tpu.memory_space<vmem>>
          tpu.wait_dma2 semaphore(%run_scoped3A_158 : memref<!tpu.dma_semaphore, #tpu.memory_space<semaphore_mem>>) src(%dma_wait3A_176 : memref<128x64xf32, #tpu.memory_space<vmem>>) dst(%dma_wait3A_173 : memref<128x64xf32, #tpu.memory_space<hbm>>)
          tpu.yield
        }) : () -> ()
      } else {
      }
      %lt3A = arith.constant 10000 : i32
      %lt3A_60 = arith.cmpi slt, %add3A_53, %lt3A : i32
      %add3A_61 = arith.constant 128 : i32
      %add3A_62 = arith.addi %add3A_53, %add3A_61 : i32
      %gt3A = arith.constant 10000 : i32
      %gt3A_63 = arith.cmpi sgt, %add3A_62, %gt3A : i32
      %and3A = arith.andi %lt3A_60, %gt3A_63 : i1
      %convert_element_type3A_64 = arith.extui %and3A : i1 to i32
      %cond3A_65 = arith.constant 0 : i32
      %cond3A_66 = arith.cmpi ne, %convert_element_type3A_64, %cond3A_65 : i32
      scf.if %cond3A_66 {
        "tpu.region"() ({
          %run_scoped3A_158 = tpu.sem_alloc : memref<!tpu.dma_semaphore, #tpu.memory_space<semaphore_mem>>
          %dma_start3A = arith.constant 0 : i32
          %dma_start3A_159 = arith.constant 0 : i32
          %dma_start3A_160 = tpu.memref_slice %arg10[%dma_start3A, %dma_start3A_159] : memref<128x64xf32, #tpu.memory_space<vmem>> -> memref<16x64xf32, #tpu.memory_space<vmem>>
          %dma_start3A_161 = arith.constant 0 : i32
          %dma_start3A_162 = tpu.memref_slice %arg13[%add3A_53, %dma_start3A_161] : memref<10240x64xf32, #tpu.memory_space<vmem_shared>> -> memref<16x64xf32, #tpu.memory_space<vmem_shared>>
          %dma_start3A_163 = arith.constant 0 : i32
          %dma_start3A_164 = arith.constant 0 : i32
          %dma_start3A_165 = tpu.memref_slice %arg10[%dma_start3A_163, %dma_start3A_164] : memref<128x64xf32, #tpu.memory_space<vmem>> -> memref<16x64xf32, #tpu.memory_space<vmem>>
          %dma_start3A_166 = arith.constant 0 : i32
          %dma_start3A_167 = tpu.memref_slice %arg13[%add3A_53, %dma_start3A_166] : memref<10240x64xf32, #tpu.memory_space<vmem_shared>> -> memref<16x64xf32, #tpu.memory_space<vmem_shared>>
          tpu.enqueue_dma source(%dma_start3A_167 : memref<16x64xf32, #tpu.memory_space<vmem_shared>>) target(%dma_start3A_165 : memref<16x64xf32, #tpu.memory_space<vmem>>) target_semaphore(%run_scoped3A_158 : memref<!tpu.dma_semaphore, #tpu.memory_space<semaphore_mem>>)
          %dma_wait3A = arith.constant 0 : i32
          %dma_wait3A_168 = arith.constant 0 : i32
          %dma_wait3A_169 = tpu.memref_slice %arg10[%dma_wait3A, %dma_wait3A_168] : memref<128x64xf32, #tpu.memory_space<vmem>> -> memref<16x64xf32, #tpu.memory_space<vmem>>
          %dma_wait3A_170 = arith.constant 0 : i32
          %dma_wait3A_171 = tpu.memref_slice %arg13[%add3A_53, %dma_wait3A_170] : memref<10240x64xf32, #tpu.memory_space<vmem_shared>> -> memref<16x64xf32, #tpu.memory_space<vmem_shared>>
          %dma_wait3A_172 = arith.constant 0 : i32
          %dma_wait3A_173 = arith.constant 0 : i32
          %dma_wait3A_174 = tpu.memref_slice %arg10[%dma_wait3A_172, %dma_wait3A_173] : memref<128x64xf32, #tpu.memory_space<vmem>> -> memref<16x64xf32, #tpu.memory_space<vmem>>
          %dma_wait3A_175 = arith.constant 0 : i32
          %dma_wait3A_176 = tpu.memref_slice %arg13[%add3A_53, %dma_wait3A_175] : memref<10240x64xf32, #tpu.memory_space<vmem_shared>> -> memref<16x64xf32, #tpu.memory_space<vmem_shared>>
          tpu.wait_dma2 semaphore(%run_scoped3A_158 : memref<!tpu.dma_semaphore, #tpu.memory_space<semaphore_mem>>) src(%dma_wait3A_176 : memref<16x64xf32, #tpu.memory_space<vmem_shared>>) dst(%dma_wait3A_174 : memref<16x64xf32, #tpu.memory_space<vmem>>)
          tpu.yield
        }) : () -> ()
        "tpu.region"() ({
          %run_scoped3A_158 = tpu.sem_alloc : memref<!tpu.dma_semaphore, #tpu.memory_space<semaphore_mem>>
          %dma_start3A = arith.constant 0 : i32
          %dma_start3A_159 = arith.constant 0 : i32
          %dma_start3A_160 = tpu.memref_slice %arg11[%dma_start3A, %dma_start3A_159] : memref<128x16xf32, #tpu.memory_space<vmem>> -> memref<16x16xf32, #tpu.memory_space<vmem>>
          %dma_start3A_161 = arith.constant 0 : i32
          %dma_start3A_162 = tpu.memref_slice %arg14[%add3A_53, %dma_start3A_161] : memref<10240x16xf32, #tpu.memory_space<vmem_shared>> -> memref<16x16xf32, #tpu.memory_space<vmem_shared>>
          %dma_start3A_163 = arith.constant 0 : i32
          %dma_start3A_164 = arith.constant 0 : i32
          %dma_start3A_165 = tpu.memref_slice %arg11[%dma_start3A_163, %dma_start3A_164] : memref<128x16xf32, #tpu.memory_space<vmem>> -> memref<16x16xf32, #tpu.memory_space<vmem>>
          %dma_start3A_166 = arith.constant 0 : i32
          %dma_start3A_167 = tpu.memref_slice %arg14[%add3A_53, %dma_start3A_166] : memref<10240x16xf32, #tpu.memory_space<vmem_shared>> -> memref<16x16xf32, #tpu.memory_space<vmem_shared>>
          tpu.enqueue_dma source(%dma_start3A_167 : memref<16x16xf32, #tpu.memory_space<vmem_shared>>) target(%dma_start3A_165 : memref<16x16xf32, #tpu.memory_space<vmem>>) target_semaphore(%run_scoped3A_158 : memref<!tpu.dma_semaphore, #tpu.memory_space<semaphore_mem>>)
          %dma_wait3A = arith.constant 0 : i32
          %dma_wait3A_168 = arith.constant 0 : i32
          %dma_wait3A_169 = tpu.memref_slice %arg11[%dma_wait3A, %dma_wait3A_168] : memref<128x16xf32, #tpu.memory_space<vmem>> -> memref<16x16xf32, #tpu.memory_space<vmem>>
          %dma_wait3A_170 = arith.constant 0 : i32
          %dma_wait3A_171 = tpu.memref_slice %arg14[%add3A_53, %dma_wait3A_170] : memref<10240x16xf32, #tpu.memory_space<vmem_shared>> -> memref<16x16xf32, #tpu.memory_space<vmem_shared>>
          %dma_wait3A_172 = arith.constant 0 : i32
          %dma_wait3A_173 = arith.constant 0 : i32
          %dma_wait3A_174 = tpu.memref_slice %arg11[%dma_wait3A_172, %dma_wait3A_173] : memref<128x16xf32, #tpu.memory_space<vmem>> -> memref<16x16xf32, #tpu.memory_space<vmem>>
          %dma_wait3A_175 = arith.constant 0 : i32
          %dma_wait3A_176 = tpu.memref_slice %arg14[%add3A_53, %dma_wait3A_175] : memref<10240x16xf32, #tpu.memory_space<vmem_shared>> -> memref<16x16xf32, #tpu.memory_space<vmem_shared>>
          tpu.wait_dma2 semaphore(%run_scoped3A_158 : memref<!tpu.dma_semaphore, #tpu.memory_space<semaphore_mem>>) src(%dma_wait3A_176 : memref<16x16xf32, #tpu.memory_space<vmem_shared>>) dst(%dma_wait3A_174 : memref<16x16xf32, #tpu.memory_space<vmem>>)
          tpu.yield
        }) : () -> ()
        %scan3A_151 = arith.constant 0 : i32
        %scan3A_152 = arith.constant 0 : i32
        %scan3A_153 = arith.constant 16 : i32
        %scan3A_154 = arith.addi %scan3A_152, %scan3A_153 : i32
        %scan3A_155 = arith.constant 1 : i32
        %scan3A_156 = scf.for %scan3A_158 = %scan3A_152 to %scan3A_154 step %scan3A_155 iter_args(%scan3A_159 = %scan3A_151) -> (i32)  : i32 {
          %get3A = arith.index_cast %scan3A_158 : i32 to index
          %get3A_160 = arith.constant 0 : index
          %get3A_161 = tpu.vector_load %arg11[%get3A, %get3A_160] {strides = array<i32>} : memref<128x16xf32, #tpu.memory_space<vmem>>, vector<1x16xf32>,
          %get3A_162 = vector.shape_cast %get3A_161 : vector<1x16xf32> to vector<16xf32>
          %max3A = arith.constant 1.000000e+00 : f32
          %max3A_163 = vector.broadcast %max3A : f32 to vector<16xf32>
          %max3A_164 = arith.maximumf %get3A_162, %max3A_163 : vector<16xf32>
          %div3A = arith.constant 1.000000e+00 : f32
          %div3A_165 = vector.broadcast %div3A : f32 to vector<16xf32>
          %div3A_166 = arith.divf %div3A_165, %max3A_164 : vector<16xf32>
          %get3A_167 = arith.index_cast %scan3A_158 : i32 to index
          %get3A_168 = arith.constant 0 : index
          %get3A_169 = tpu.vector_load %arg10[%get3A_167, %get3A_168] {strides = array<i32>} : memref<128x64xf32, #tpu.memory_space<vmem>>, vector<1x16xf32>,
          %get3A_170 = vector.shape_cast %get3A_169 : vector<1x16xf32> to vector<16xf32>
          %mul3A_171 = arith.mulf %get3A_170, %div3A_166 : vector<16xf32>
          %swap3A = arith.index_cast %scan3A_158 : i32 to index
          %swap3A_172 = arith.constant 0 : index
          %swap3A_173 = tpu.vector_load %arg10[%swap3A, %swap3A_172] {strides = array<i32>} : memref<128x64xf32, #tpu.memory_space<vmem>>, vector<1x16xf32>,
          %swap3A_174 = vector.shape_cast %swap3A_173 : vector<1x16xf32> to vector<16xf32>
          %swap3A_175 = vector.shape_cast %mul3A_171 : vector<16xf32> to vector<1x16xf32>
          tpu.vector_store %arg10[%swap3A, %swap3A_172], %swap3A_175 {strides = array<i32>} : memref<128x64xf32, #tpu.memory_space<vmem>>, vector<1x16xf32>,
          %get3A_176 = arith.index_cast %scan3A_158 : i32 to index
          %get3A_177 = arith.constant 16 : index
          %get3A_178 = tpu.vector_load %arg10[%get3A_176, %get3A_177] {strides = array<i32>} : memref<128x64xf32, #tpu.memory_space<vmem>>, vector<1x16xf32>,
          %get3A_179 = vector.shape_cast %get3A_178 : vector<1x16xf32> to vector<16xf32>
          %mul3A_180 = arith.mulf %get3A_179, %div3A_166 : vector<16xf32>
          %swap3A_181 = arith.index_cast %scan3A_158 : i32 to index
          %swap3A_182 = arith.constant 16 : index
          %swap3A_183 = tpu.vector_load %arg10[%swap3A_181, %swap3A_182] {strides = array<i32>} : memref<128x64xf32, #tpu.memory_space<vmem>>, vector<1x16xf32>,
          %swap3A_184 = vector.shape_cast %swap3A_183 : vector<1x16xf32> to vector<16xf32>
          %swap3A_185 = vector.shape_cast %mul3A_180 : vector<16xf32> to vector<1x16xf32>
          tpu.vector_store %arg10[%swap3A_181, %swap3A_182], %swap3A_185 {strides = array<i32>} : memref<128x64xf32, #tpu.memory_space<vmem>>, vector<1x16xf32>,
          %get3A_186 = arith.index_cast %scan3A_158 : i32 to index
          %get3A_187 = arith.constant 32 : index
          %get3A_188 = tpu.vector_load %arg10[%get3A_186, %get3A_187] {strides = array<i32>} : memref<128x64xf32, #tpu.memory_space<vmem>>, vector<1x16xf32>,
          %get3A_189 = vector.shape_cast %get3A_188 : vector<1x16xf32> to vector<16xf32>
          %mul3A_190 = arith.mulf %get3A_189, %div3A_166 : vector<16xf32>
          %swap3A_191 = arith.index_cast %scan3A_158 : i32 to index
          %swap3A_192 = arith.constant 32 : index
          %swap3A_193 = tpu.vector_load %arg10[%swap3A_191, %swap3A_192] {strides = array<i32>} : memref<128x64xf32, #tpu.memory_space<vmem>>, vector<1x16xf32>,
          %swap3A_194 = vector.shape_cast %swap3A_193 : vector<1x16xf32> to vector<16xf32>
          %swap3A_195 = vector.shape_cast %mul3A_190 : vector<16xf32> to vector<1x16xf32>
          tpu.vector_store %arg10[%swap3A_191, %swap3A_192], %swap3A_195 {strides = array<i32>} : memref<128x64xf32, #tpu.memory_space<vmem>>, vector<1x16xf32>,
          %get3A_196 = arith.index_cast %scan3A_158 : i32 to index
          %get3A_197 = arith.constant 48 : index
          %get3A_198 = tpu.vector_load %arg10[%get3A_196, %get3A_197] {strides = array<i32>} : memref<128x64xf32, #tpu.memory_space<vmem>>, vector<1x16xf32>,
          %get3A_199 = vector.shape_cast %get3A_198 : vector<1x16xf32> to vector<16xf32>
          %mul3A_200 = arith.mulf %get3A_199, %div3A_166 : vector<16xf32>
          %swap3A_201 = arith.index_cast %scan3A_158 : i32 to index
          %swap3A_202 = arith.constant 48 : index
          %swap3A_203 = tpu.vector_load %arg10[%swap3A_201, %swap3A_202] {strides = array<i32>} : memref<128x64xf32, #tpu.memory_space<vmem>>, vector<1x16xf32>,
          %swap3A_204 = vector.shape_cast %swap3A_203 : vector<1x16xf32> to vector<16xf32>
          %swap3A_205 = vector.shape_cast %mul3A_200 : vector<16xf32> to vector<1x16xf32>
          tpu.vector_store %arg10[%swap3A_201, %swap3A_202], %swap3A_205 {strides = array<i32>} : memref<128x64xf32, #tpu.memory_space<vmem>>, vector<1x16xf32>,
          %scan3A_206 = arith.constant 0 : i32
          scf.yield %scan3A_206 : i32
        }
        %scan3A_157 = arith.constant 16 : i32
        "tpu.region"() ({
          %run_scoped3A_158 = tpu.sem_alloc : memref<!tpu.dma_semaphore, #tpu.memory_space<semaphore_mem>>
          %dma_start3A = arith.constant 0 : i32
          %dma_start3A_159 = arith.constant 0 : i32
          %dma_start3A_160 = tpu.memref_slice %arg10[%dma_start3A, %dma_start3A_159] : memref<128x64xf32, #tpu.memory_space<vmem>> -> memref<16x64xf32, #tpu.memory_space<vmem>>
          %dma_start3A_161 = arith.constant 0 : i32
          %dma_start3A_162 = tpu.memref_slice %arg5[%add3A_53, %dma_start3A_161] : memref<10000x128xf32, #tpu.memory_space<hbm>> -> memref<16x64xf32, #tpu.memory_space<hbm>>
          %dma_start3A_163 = arith.constant 0 : i32
          %dma_start3A_164 = tpu.memref_slice %arg5[%add3A_53, %dma_start3A_163] : memref<10000x128xf32, #tpu.memory_space<hbm>> -> memref<16x64xf32, #tpu.memory_space<hbm>>
          %dma_start3A_165 = arith.constant 0 : i32
          %dma_start3A_166 = arith.constant 0 : i32
          %dma_start3A_167 = tpu.memref_slice %arg10[%dma_start3A_165, %dma_start3A_166] : memref<128x64xf32, #tpu.memory_space<vmem>> -> memref<16x64xf32, #tpu.memory_space<vmem>>
          tpu.enqueue_dma source(%dma_start3A_167 : memref<16x64xf32, #tpu.memory_space<vmem>>) target(%dma_start3A_164 : memref<16x64xf32, #tpu.memory_space<hbm>>) target_semaphore(%run_scoped3A_158 : memref<!tpu.dma_semaphore, #tpu.memory_space<semaphore_mem>>)
          %dma_wait3A = arith.constant 0 : i32
          %dma_wait3A_168 = arith.constant 0 : i32
          %dma_wait3A_169 = tpu.memref_slice %arg10[%dma_wait3A, %dma_wait3A_168] : memref<128x64xf32, #tpu.memory_space<vmem>> -> memref<16x64xf32, #tpu.memory_space<vmem>>
          %dma_wait3A_170 = arith.constant 0 : i32
          %dma_wait3A_171 = tpu.memref_slice %arg5[%add3A_53, %dma_wait3A_170] : memref<10000x128xf32, #tpu.memory_space<hbm>> -> memref<16x64xf32, #tpu.memory_space<hbm>>
          %dma_wait3A_172 = arith.constant 0 : i32
          %dma_wait3A_173 = tpu.memref_slice %arg5[%add3A_53, %dma_wait3A_172] : memref<10000x128xf32, #tpu.memory_space<hbm>> -> memref<16x64xf32, #tpu.memory_space<hbm>>
          %dma_wait3A_174 = arith.constant 0 : i32
          %dma_wait3A_175 = arith.constant 0 : i32
          %dma_wait3A_176 = tpu.memref_slice %arg10[%dma_wait3A_174, %dma_wait3A_175] : memref<128x64xf32, #tpu.memory_space<vmem>> -> memref<16x64xf32, #tpu.memory_space<vmem>>
          tpu.wait_dma2 semaphore(%run_scoped3A_158 : memref<!tpu.dma_semaphore, #tpu.memory_space<semaphore_mem>>) src(%dma_wait3A_176 : memref<16x64xf32, #tpu.memory_space<vmem>>) dst(%dma_wait3A_173 : memref<16x64xf32, #tpu.memory_space<hbm>>)
          tpu.yield
        }) : () -> ()
      } else {
      }
      %mul3A_67 = arith.constant 640 : i32
      %mul3A_68 = arith.muli %arg1, %mul3A_67 : i32
      %add3A_69 = arith.constant 128 : i32
      %add3A_70 = arith.addi %mul3A_68, %add3A_69 : i32
      %add3A_71 = arith.constant 128 : i32
      %add3A_72 = arith.addi %add3A_70, %add3A_71 : i32
      %le3A_73 = arith.constant 10000 : i32
      %le3A_74 = arith.cmpi sle, %add3A_72, %le3A_73 : i32
      %convert_element_type3A_75 = arith.extui %le3A_74 : i1 to i32
      %cond3A_76 = arith.constant 0 : i32
      %cond3A_77 = arith.cmpi ne, %convert_element_type3A_75, %cond3A_76 : i32
      scf.if %cond3A_77 {
        "tpu.region"() ({
          %run_scoped3A_158 = tpu.sem_alloc : memref<!tpu.dma_semaphore, #tpu.memory_space<semaphore_mem>>
          %dma_start3A = arith.constant 0 : i32
          %dma_start3A_159 = arith.constant 0 : i32
          %dma_start3A_160 = tpu.memref_slice %arg10[%dma_start3A, %dma_start3A_159] : memref<128x64xf32, #tpu.memory_space<vmem>> -> memref<128x64xf32, #tpu.memory_space<vmem>>
          %dma_start3A_161 = arith.constant 0 : i32
          %dma_start3A_162 = tpu.memref_slice %arg13[%add3A_70, %dma_start3A_161] : memref<10240x64xf32, #tpu.memory_space<vmem_shared>> -> memref<128x64xf32, #tpu.memory_space<vmem_shared>>
          %dma_start3A_163 = arith.constant 0 : i32
          %dma_start3A_164 = arith.constant 0 : i32
          %dma_start3A_165 = tpu.memref_slice %arg10[%dma_start3A_163, %dma_start3A_164] : memref<128x64xf32, #tpu.memory_space<vmem>> -> memref<128x64xf32, #tpu.memory_space<vmem>>
          %dma_start3A_166 = arith.constant 0 : i32
          %dma_start3A_167 = tpu.memref_slice %arg13[%add3A_70, %dma_start3A_166] : memref<10240x64xf32, #tpu.memory_space<vmem_shared>> -> memref<128x64xf32, #tpu.memory_space<vmem_shared>>
          tpu.enqueue_dma source(%dma_start3A_167 : memref<128x64xf32, #tpu.memory_space<vmem_shared>>) target(%dma_start3A_165 : memref<128x64xf32, #tpu.memory_space<vmem>>) target_semaphore(%run_scoped3A_158 : memref<!tpu.dma_semaphore, #tpu.memory_space<semaphore_mem>>)
          %dma_wait3A = arith.constant 0 : i32
          %dma_wait3A_168 = arith.constant 0 : i32
          %dma_wait3A_169 = tpu.memref_slice %arg10[%dma_wait3A, %dma_wait3A_168] : memref<128x64xf32, #tpu.memory_space<vmem>> -> memref<128x64xf32, #tpu.memory_space<vmem>>
          %dma_wait3A_170 = arith.constant 0 : i32
          %dma_wait3A_171 = tpu.memref_slice %arg13[%add3A_70, %dma_wait3A_170] : memref<10240x64xf32, #tpu.memory_space<vmem_shared>> -> memref<128x64xf32, #tpu.memory_space<vmem_shared>>
          %dma_wait3A_172 = arith.constant 0 : i32
          %dma_wait3A_173 = arith.constant 0 : i32
          %dma_wait3A_174 = tpu.memref_slice %arg10[%dma_wait3A_172, %dma_wait3A_173] : memref<128x64xf32, #tpu.memory_space<vmem>> -> memref<128x64xf32, #tpu.memory_space<vmem>>
          %dma_wait3A_175 = arith.constant 0 : i32
          %dma_wait3A_176 = tpu.memref_slice %arg13[%add3A_70, %dma_wait3A_175] : memref<10240x64xf32, #tpu.memory_space<vmem_shared>> -> memref<128x64xf32, #tpu.memory_space<vmem_shared>>
          tpu.wait_dma2 semaphore(%run_scoped3A_158 : memref<!tpu.dma_semaphore, #tpu.memory_space<semaphore_mem>>) src(%dma_wait3A_176 : memref<128x64xf32, #tpu.memory_space<vmem_shared>>) dst(%dma_wait3A_174 : memref<128x64xf32, #tpu.memory_space<vmem>>)
          tpu.yield
        }) : () -> ()
        "tpu.region"() ({
          %run_scoped3A_158 = tpu.sem_alloc : memref<!tpu.dma_semaphore, #tpu.memory_space<semaphore_mem>>
          %dma_start3A = arith.constant 0 : i32
          %dma_start3A_159 = arith.constant 0 : i32
          %dma_start3A_160 = tpu.memref_slice %arg11[%dma_start3A, %dma_start3A_159] : memref<128x16xf32, #tpu.memory_space<vmem>> -> memref<128x16xf32, #tpu.memory_space<vmem>>
          %dma_start3A_161 = arith.constant 0 : i32
          %dma_start3A_162 = tpu.memref_slice %arg14[%add3A_70, %dma_start3A_161] : memref<10240x16xf32, #tpu.memory_space<vmem_shared>> -> memref<128x16xf32, #tpu.memory_space<vmem_shared>>
          %dma_start3A_163 = arith.constant 0 : i32
          %dma_start3A_164 = arith.constant 0 : i32
          %dma_start3A_165 = tpu.memref_slice %arg11[%dma_start3A_163, %dma_start3A_164] : memref<128x16xf32, #tpu.memory_space<vmem>> -> memref<128x16xf32, #tpu.memory_space<vmem>>
          %dma_start3A_166 = arith.constant 0 : i32
          %dma_start3A_167 = tpu.memref_slice %arg14[%add3A_70, %dma_start3A_166] : memref<10240x16xf32, #tpu.memory_space<vmem_shared>> -> memref<128x16xf32, #tpu.memory_space<vmem_shared>>
          tpu.enqueue_dma source(%dma_start3A_167 : memref<128x16xf32, #tpu.memory_space<vmem_shared>>) target(%dma_start3A_165 : memref<128x16xf32, #tpu.memory_space<vmem>>) target_semaphore(%run_scoped3A_158 : memref<!tpu.dma_semaphore, #tpu.memory_space<semaphore_mem>>)
          %dma_wait3A = arith.constant 0 : i32
          %dma_wait3A_168 = arith.constant 0 : i32
          %dma_wait3A_169 = tpu.memref_slice %arg11[%dma_wait3A, %dma_wait3A_168] : memref<128x16xf32, #tpu.memory_space<vmem>> -> memref<128x16xf32, #tpu.memory_space<vmem>>
          %dma_wait3A_170 = arith.constant 0 : i32
          %dma_wait3A_171 = tpu.memref_slice %arg14[%add3A_70, %dma_wait3A_170] : memref<10240x16xf32, #tpu.memory_space<vmem_shared>> -> memref<128x16xf32, #tpu.memory_space<vmem_shared>>
          %dma_wait3A_172 = arith.constant 0 : i32
          %dma_wait3A_173 = arith.constant 0 : i32
          %dma_wait3A_174 = tpu.memref_slice %arg11[%dma_wait3A_172, %dma_wait3A_173] : memref<128x16xf32, #tpu.memory_space<vmem>> -> memref<128x16xf32, #tpu.memory_space<vmem>>
          %dma_wait3A_175 = arith.constant 0 : i32
          %dma_wait3A_176 = tpu.memref_slice %arg14[%add3A_70, %dma_wait3A_175] : memref<10240x16xf32, #tpu.memory_space<vmem_shared>> -> memref<128x16xf32, #tpu.memory_space<vmem_shared>>
          tpu.wait_dma2 semaphore(%run_scoped3A_158 : memref<!tpu.dma_semaphore, #tpu.memory_space<semaphore_mem>>) src(%dma_wait3A_176 : memref<128x16xf32, #tpu.memory_space<vmem_shared>>) dst(%dma_wait3A_174 : memref<128x16xf32, #tpu.memory_space<vmem>>)
          tpu.yield
        }) : () -> ()
        %scan3A_151 = arith.constant 0 : i32
        %scan3A_152 = arith.constant 0 : i32
        %scan3A_153 = arith.constant 128 : i32
        %scan3A_154 = arith.addi %scan3A_152, %scan3A_153 : i32
        %scan3A_155 = arith.constant 1 : i32
        %scan3A_156 = scf.for %scan3A_158 = %scan3A_152 to %scan3A_154 step %scan3A_155 iter_args(%scan3A_159 = %scan3A_151) -> (i32)  : i32 {
          %get3A = arith.index_cast %scan3A_158 : i32 to index
          %get3A_160 = arith.constant 0 : index
          %get3A_161 = tpu.vector_load %arg11[%get3A, %get3A_160] {strides = array<i32>} : memref<128x16xf32, #tpu.memory_space<vmem>>, vector<1x16xf32>,
          %get3A_162 = vector.shape_cast %get3A_161 : vector<1x16xf32> to vector<16xf32>
          %max3A = arith.constant 1.000000e+00 : f32
          %max3A_163 = vector.broadcast %max3A : f32 to vector<16xf32>
          %max3A_164 = arith.maximumf %get3A_162, %max3A_163 : vector<16xf32>
          %div3A = arith.constant 1.000000e+00 : f32
          %div3A_165 = vector.broadcast %div3A : f32 to vector<16xf32>
          %div3A_166 = arith.divf %div3A_165, %max3A_164 : vector<16xf32>
          %get3A_167 = arith.index_cast %scan3A_158 : i32 to index
          %get3A_168 = arith.constant 0 : index
          %get3A_169 = tpu.vector_load %arg10[%get3A_167, %get3A_168] {strides = array<i32>} : memref<128x64xf32, #tpu.memory_space<vmem>>, vector<1x16xf32>,
          %get3A_170 = vector.shape_cast %get3A_169 : vector<1x16xf32> to vector<16xf32>
          %mul3A_171 = arith.mulf %get3A_170, %div3A_166 : vector<16xf32>
          %swap3A = arith.index_cast %scan3A_158 : i32 to index
          %swap3A_172 = arith.constant 0 : index
          %swap3A_173 = tpu.vector_load %arg10[%swap3A, %swap3A_172] {strides = array<i32>} : memref<128x64xf32, #tpu.memory_space<vmem>>, vector<1x16xf32>,
          %swap3A_174 = vector.shape_cast %swap3A_173 : vector<1x16xf32> to vector<16xf32>
          %swap3A_175 = vector.shape_cast %mul3A_171 : vector<16xf32> to vector<1x16xf32>
          tpu.vector_store %arg10[%swap3A, %swap3A_172], %swap3A_175 {strides = array<i32>} : memref<128x64xf32, #tpu.memory_space<vmem>>, vector<1x16xf32>,
          %get3A_176 = arith.index_cast %scan3A_158 : i32 to index
          %get3A_177 = arith.constant 16 : index
          %get3A_178 = tpu.vector_load %arg10[%get3A_176, %get3A_177] {strides = array<i32>} : memref<128x64xf32, #tpu.memory_space<vmem>>, vector<1x16xf32>,
          %get3A_179 = vector.shape_cast %get3A_178 : vector<1x16xf32> to vector<16xf32>
          %mul3A_180 = arith.mulf %get3A_179, %div3A_166 : vector<16xf32>
          %swap3A_181 = arith.index_cast %scan3A_158 : i32 to index
          %swap3A_182 = arith.constant 16 : index
          %swap3A_183 = tpu.vector_load %arg10[%swap3A_181, %swap3A_182] {strides = array<i32>} : memref<128x64xf32, #tpu.memory_space<vmem>>, vector<1x16xf32>,
          %swap3A_184 = vector.shape_cast %swap3A_183 : vector<1x16xf32> to vector<16xf32>
          %swap3A_185 = vector.shape_cast %mul3A_180 : vector<16xf32> to vector<1x16xf32>
          tpu.vector_store %arg10[%swap3A_181, %swap3A_182], %swap3A_185 {strides = array<i32>} : memref<128x64xf32, #tpu.memory_space<vmem>>, vector<1x16xf32>,
          %get3A_186 = arith.index_cast %scan3A_158 : i32 to index
          %get3A_187 = arith.constant 32 : index
          %get3A_188 = tpu.vector_load %arg10[%get3A_186, %get3A_187] {strides = array<i32>} : memref<128x64xf32, #tpu.memory_space<vmem>>, vector<1x16xf32>,
          %get3A_189 = vector.shape_cast %get3A_188 : vector<1x16xf32> to vector<16xf32>
          %mul3A_190 = arith.mulf %get3A_189, %div3A_166 : vector<16xf32>
          %swap3A_191 = arith.index_cast %scan3A_158 : i32 to index
          %swap3A_192 = arith.constant 32 : index
          %swap3A_193 = tpu.vector_load %arg10[%swap3A_191, %swap3A_192] {strides = array<i32>} : memref<128x64xf32, #tpu.memory_space<vmem>>, vector<1x16xf32>,
          %swap3A_194 = vector.shape_cast %swap3A_193 : vector<1x16xf32> to vector<16xf32>
          %swap3A_195 = vector.shape_cast %mul3A_190 : vector<16xf32> to vector<1x16xf32>
          tpu.vector_store %arg10[%swap3A_191, %swap3A_192], %swap3A_195 {strides = array<i32>} : memref<128x64xf32, #tpu.memory_space<vmem>>, vector<1x16xf32>,
          %get3A_196 = arith.index_cast %scan3A_158 : i32 to index
          %get3A_197 = arith.constant 48 : index
          %get3A_198 = tpu.vector_load %arg10[%get3A_196, %get3A_197] {strides = array<i32>} : memref<128x64xf32, #tpu.memory_space<vmem>>, vector<1x16xf32>,
          %get3A_199 = vector.shape_cast %get3A_198 : vector<1x16xf32> to vector<16xf32>
          %mul3A_200 = arith.mulf %get3A_199, %div3A_166 : vector<16xf32>
          %swap3A_201 = arith.index_cast %scan3A_158 : i32 to index
          %swap3A_202 = arith.constant 48 : index
          %swap3A_203 = tpu.vector_load %arg10[%swap3A_201, %swap3A_202] {strides = array<i32>} : memref<128x64xf32, #tpu.memory_space<vmem>>, vector<1x16xf32>,
          %swap3A_204 = vector.shape_cast %swap3A_203 : vector<1x16xf32> to vector<16xf32>
          %swap3A_205 = vector.shape_cast %mul3A_200 : vector<16xf32> to vector<1x16xf32>
          tpu.vector_store %arg10[%swap3A_201, %swap3A_202], %swap3A_205 {strides = array<i32>} : memref<128x64xf32, #tpu.memory_space<vmem>>, vector<1x16xf32>,
          %scan3A_206 = arith.constant 0 : i32
          scf.yield %scan3A_206 : i32
        }
        %scan3A_157 = arith.constant 128 : i32
        "tpu.region"() ({
          %run_scoped3A_158 = tpu.sem_alloc : memref<!tpu.dma_semaphore, #tpu.memory_space<semaphore_mem>>
          %dma_start3A = arith.constant 0 : i32
          %dma_start3A_159 = arith.constant 0 : i32
          %dma_start3A_160 = tpu.memref_slice %arg10[%dma_start3A, %dma_start3A_159] : memref<128x64xf32, #tpu.memory_space<vmem>> -> memref<128x64xf32, #tpu.memory_space<vmem>>
          %dma_start3A_161 = arith.constant 0 : i32
          %dma_start3A_162 = tpu.memref_slice %arg5[%add3A_70, %dma_start3A_161] : memref<10000x128xf32, #tpu.memory_space<hbm>> -> memref<128x64xf32, #tpu.memory_space<hbm>>
          %dma_start3A_163 = arith.constant 0 : i32
          %dma_start3A_164 = tpu.memref_slice %arg5[%add3A_70, %dma_start3A_163] : memref<10000x128xf32, #tpu.memory_space<hbm>> -> memref<128x64xf32, #tpu.memory_space<hbm>>
          %dma_start3A_165 = arith.constant 0 : i32
          %dma_start3A_166 = arith.constant 0 : i32
          %dma_start3A_167 = tpu.memref_slice %arg10[%dma_start3A_165, %dma_start3A_166] : memref<128x64xf32, #tpu.memory_space<vmem>> -> memref<128x64xf32, #tpu.memory_space<vmem>>
          tpu.enqueue_dma source(%dma_start3A_167 : memref<128x64xf32, #tpu.memory_space<vmem>>) target(%dma_start3A_164 : memref<128x64xf32, #tpu.memory_space<hbm>>) target_semaphore(%run_scoped3A_158 : memref<!tpu.dma_semaphore, #tpu.memory_space<semaphore_mem>>)
          %dma_wait3A = arith.constant 0 : i32
          %dma_wait3A_168 = arith.constant 0 : i32
          %dma_wait3A_169 = tpu.memref_slice %arg10[%dma_wait3A, %dma_wait3A_168] : memref<128x64xf32, #tpu.memory_space<vmem>> -> memref<128x64xf32, #tpu.memory_space<vmem>>
          %dma_wait3A_170 = arith.constant 0 : i32
          %dma_wait3A_171 = tpu.memref_slice %arg5[%add3A_70, %dma_wait3A_170] : memref<10000x128xf32, #tpu.memory_space<hbm>> -> memref<128x64xf32, #tpu.memory_space<hbm>>
          %dma_wait3A_172 = arith.constant 0 : i32
          %dma_wait3A_173 = tpu.memref_slice %arg5[%add3A_70, %dma_wait3A_172] : memref<10000x128xf32, #tpu.memory_space<hbm>> -> memref<128x64xf32, #tpu.memory_space<hbm>>
          %dma_wait3A_174 = arith.constant 0 : i32
          %dma_wait3A_175 = arith.constant 0 : i32
          %dma_wait3A_176 = tpu.memref_slice %arg10[%dma_wait3A_174, %dma_wait3A_175] : memref<128x64xf32, #tpu.memory_space<vmem>> -> memref<128x64xf32, #tpu.memory_space<vmem>>
          tpu.wait_dma2 semaphore(%run_scoped3A_158 : memref<!tpu.dma_semaphore, #tpu.memory_space<semaphore_mem>>) src(%dma_wait3A_176 : memref<128x64xf32, #tpu.memory_space<vmem>>) dst(%dma_wait3A_173 : memref<128x64xf32, #tpu.memory_space<hbm>>)
          tpu.yield
        }) : () -> ()
      } else {
      }
      %lt3A_78 = arith.constant 10000 : i32
      %lt3A_79 = arith.cmpi slt, %add3A_70, %lt3A_78 : i32
      %add3A_80 = arith.constant 128 : i32
      %add3A_81 = arith.addi %add3A_70, %add3A_80 : i32
      %gt3A_82 = arith.constant 10000 : i32
      %gt3A_83 = arith.cmpi sgt, %add3A_81, %gt3A_82 : i32
      %and3A_84 = arith.andi %lt3A_79, %gt3A_83 : i1
      %convert_element_type3A_85 = arith.extui %and3A_84 : i1 to i32
      %cond3A_86 = arith.constant 0 : i32
      %cond3A_87 = arith.cmpi ne, %convert_element_type3A_85, %cond3A_86 : i32
      scf.if %cond3A_87 {
        "tpu.region"() ({
          %run_scoped3A_158 = tpu.sem_alloc : memref<!tpu.dma_semaphore, #tpu.memory_space<semaphore_mem>>
          %dma_start3A = arith.constant 0 : i32
          %dma_start3A_159 = arith.constant 0 : i32
          %dma_start3A_160 = tpu.memref_slice %arg10[%dma_start3A, %dma_start3A_159] : memref<128x64xf32, #tpu.memory_space<vmem>> -> memref<16x64xf32, #tpu.memory_space<vmem>>
          %dma_start3A_161 = arith.constant 0 : i32
          %dma_start3A_162 = tpu.memref_slice %arg13[%add3A_70, %dma_start3A_161] : memref<10240x64xf32, #tpu.memory_space<vmem_shared>> -> memref<16x64xf32, #tpu.memory_space<vmem_shared>>
          %dma_start3A_163 = arith.constant 0 : i32
          %dma_start3A_164 = arith.constant 0 : i32
          %dma_start3A_165 = tpu.memref_slice %arg10[%dma_start3A_163, %dma_start3A_164] : memref<128x64xf32, #tpu.memory_space<vmem>> -> memref<16x64xf32, #tpu.memory_space<vmem>>
          %dma_start3A_166 = arith.constant 0 : i32
          %dma_start3A_167 = tpu.memref_slice %arg13[%add3A_70, %dma_start3A_166] : memref<10240x64xf32, #tpu.memory_space<vmem_shared>> -> memref<16x64xf32, #tpu.memory_space<vmem_shared>>
          tpu.enqueue_dma source(%dma_start3A_167 : memref<16x64xf32, #tpu.memory_space<vmem_shared>>) target(%dma_start3A_165 : memref<16x64xf32, #tpu.memory_space<vmem>>) target_semaphore(%run_scoped3A_158 : memref<!tpu.dma_semaphore, #tpu.memory_space<semaphore_mem>>)
          %dma_wait3A = arith.constant 0 : i32
          %dma_wait3A_168 = arith.constant 0 : i32
          %dma_wait3A_169 = tpu.memref_slice %arg10[%dma_wait3A, %dma_wait3A_168] : memref<128x64xf32, #tpu.memory_space<vmem>> -> memref<16x64xf32, #tpu.memory_space<vmem>>
          %dma_wait3A_170 = arith.constant 0 : i32
          %dma_wait3A_171 = tpu.memref_slice %arg13[%add3A_70, %dma_wait3A_170] : memref<10240x64xf32, #tpu.memory_space<vmem_shared>> -> memref<16x64xf32, #tpu.memory_space<vmem_shared>>
          %dma_wait3A_172 = arith.constant 0 : i32
          %dma_wait3A_173 = arith.constant 0 : i32
          %dma_wait3A_174 = tpu.memref_slice %arg10[%dma_wait3A_172, %dma_wait3A_173] : memref<128x64xf32, #tpu.memory_space<vmem>> -> memref<16x64xf32, #tpu.memory_space<vmem>>
          %dma_wait3A_175 = arith.constant 0 : i32
          %dma_wait3A_176 = tpu.memref_slice %arg13[%add3A_70, %dma_wait3A_175] : memref<10240x64xf32, #tpu.memory_space<vmem_shared>> -> memref<16x64xf32, #tpu.memory_space<vmem_shared>>
          tpu.wait_dma2 semaphore(%run_scoped3A_158 : memref<!tpu.dma_semaphore, #tpu.memory_space<semaphore_mem>>) src(%dma_wait3A_176 : memref<16x64xf32, #tpu.memory_space<vmem_shared>>) dst(%dma_wait3A_174 : memref<16x64xf32, #tpu.memory_space<vmem>>)
          tpu.yield
        }) : () -> ()
        "tpu.region"() ({
          %run_scoped3A_158 = tpu.sem_alloc : memref<!tpu.dma_semaphore, #tpu.memory_space<semaphore_mem>>
          %dma_start3A = arith.constant 0 : i32
          %dma_start3A_159 = arith.constant 0 : i32
          %dma_start3A_160 = tpu.memref_slice %arg11[%dma_start3A, %dma_start3A_159] : memref<128x16xf32, #tpu.memory_space<vmem>> -> memref<16x16xf32, #tpu.memory_space<vmem>>
          %dma_start3A_161 = arith.constant 0 : i32
          %dma_start3A_162 = tpu.memref_slice %arg14[%add3A_70, %dma_start3A_161] : memref<10240x16xf32, #tpu.memory_space<vmem_shared>> -> memref<16x16xf32, #tpu.memory_space<vmem_shared>>
          %dma_start3A_163 = arith.constant 0 : i32
          %dma_start3A_164 = arith.constant 0 : i32
          %dma_start3A_165 = tpu.memref_slice %arg11[%dma_start3A_163, %dma_start3A_164] : memref<128x16xf32, #tpu.memory_space<vmem>> -> memref<16x16xf32, #tpu.memory_space<vmem>>
          %dma_start3A_166 = arith.constant 0 : i32
          %dma_start3A_167 = tpu.memref_slice %arg14[%add3A_70, %dma_start3A_166] : memref<10240x16xf32, #tpu.memory_space<vmem_shared>> -> memref<16x16xf32, #tpu.memory_space<vmem_shared>>
          tpu.enqueue_dma source(%dma_start3A_167 : memref<16x16xf32, #tpu.memory_space<vmem_shared>>) target(%dma_start3A_165 : memref<16x16xf32, #tpu.memory_space<vmem>>) target_semaphore(%run_scoped3A_158 : memref<!tpu.dma_semaphore, #tpu.memory_space<semaphore_mem>>)
          %dma_wait3A = arith.constant 0 : i32
          %dma_wait3A_168 = arith.constant 0 : i32
          %dma_wait3A_169 = tpu.memref_slice %arg11[%dma_wait3A, %dma_wait3A_168] : memref<128x16xf32, #tpu.memory_space<vmem>> -> memref<16x16xf32, #tpu.memory_space<vmem>>
          %dma_wait3A_170 = arith.constant 0 : i32
          %dma_wait3A_171 = tpu.memref_slice %arg14[%add3A_70, %dma_wait3A_170] : memref<10240x16xf32, #tpu.memory_space<vmem_shared>> -> memref<16x16xf32, #tpu.memory_space<vmem_shared>>
          %dma_wait3A_172 = arith.constant 0 : i32
          %dma_wait3A_173 = arith.constant 0 : i32
          %dma_wait3A_174 = tpu.memref_slice %arg11[%dma_wait3A_172, %dma_wait3A_173] : memref<128x16xf32, #tpu.memory_space<vmem>> -> memref<16x16xf32, #tpu.memory_space<vmem>>
          %dma_wait3A_175 = arith.constant 0 : i32
          %dma_wait3A_176 = tpu.memref_slice %arg14[%add3A_70, %dma_wait3A_175] : memref<10240x16xf32, #tpu.memory_space<vmem_shared>> -> memref<16x16xf32, #tpu.memory_space<vmem_shared>>
          tpu.wait_dma2 semaphore(%run_scoped3A_158 : memref<!tpu.dma_semaphore, #tpu.memory_space<semaphore_mem>>) src(%dma_wait3A_176 : memref<16x16xf32, #tpu.memory_space<vmem_shared>>) dst(%dma_wait3A_174 : memref<16x16xf32, #tpu.memory_space<vmem>>)
          tpu.yield
        }) : () -> ()
        %scan3A_151 = arith.constant 0 : i32
        %scan3A_152 = arith.constant 0 : i32
        %scan3A_153 = arith.constant 16 : i32
        %scan3A_154 = arith.addi %scan3A_152, %scan3A_153 : i32
        %scan3A_155 = arith.constant 1 : i32
        %scan3A_156 = scf.for %scan3A_158 = %scan3A_152 to %scan3A_154 step %scan3A_155 iter_args(%scan3A_159 = %scan3A_151) -> (i32)  : i32 {
          %get3A = arith.index_cast %scan3A_158 : i32 to index
          %get3A_160 = arith.constant 0 : index
          %get3A_161 = tpu.vector_load %arg11[%get3A, %get3A_160] {strides = array<i32>} : memref<128x16xf32, #tpu.memory_space<vmem>>, vector<1x16xf32>,
          %get3A_162 = vector.shape_cast %get3A_161 : vector<1x16xf32> to vector<16xf32>
          %max3A = arith.constant 1.000000e+00 : f32
          %max3A_163 = vector.broadcast %max3A : f32 to vector<16xf32>
          %max3A_164 = arith.maximumf %get3A_162, %max3A_163 : vector<16xf32>
          %div3A = arith.constant 1.000000e+00 : f32
          %div3A_165 = vector.broadcast %div3A : f32 to vector<16xf32>
          %div3A_166 = arith.divf %div3A_165, %max3A_164 : vector<16xf32>
          %get3A_167 = arith.index_cast %scan3A_158 : i32 to index
          %get3A_168 = arith.constant 0 : index
          %get3A_169 = tpu.vector_load %arg10[%get3A_167, %get3A_168] {strides = array<i32>} : memref<128x64xf32, #tpu.memory_space<vmem>>, vector<1x16xf32>,
          %get3A_170 = vector.shape_cast %get3A_169 : vector<1x16xf32> to vector<16xf32>
          %mul3A_171 = arith.mulf %get3A_170, %div3A_166 : vector<16xf32>
          %swap3A = arith.index_cast %scan3A_158 : i32 to index
          %swap3A_172 = arith.constant 0 : index
          %swap3A_173 = tpu.vector_load %arg10[%swap3A, %swap3A_172] {strides = array<i32>} : memref<128x64xf32, #tpu.memory_space<vmem>>, vector<1x16xf32>,
          %swap3A_174 = vector.shape_cast %swap3A_173 : vector<1x16xf32> to vector<16xf32>
          %swap3A_175 = vector.shape_cast %mul3A_171 : vector<16xf32> to vector<1x16xf32>
          tpu.vector_store %arg10[%swap3A, %swap3A_172], %swap3A_175 {strides = array<i32>} : memref<128x64xf32, #tpu.memory_space<vmem>>, vector<1x16xf32>,
          %get3A_176 = arith.index_cast %scan3A_158 : i32 to index
          %get3A_177 = arith.constant 16 : index
          %get3A_178 = tpu.vector_load %arg10[%get3A_176, %get3A_177] {strides = array<i32>} : memref<128x64xf32, #tpu.memory_space<vmem>>, vector<1x16xf32>,
          %get3A_179 = vector.shape_cast %get3A_178 : vector<1x16xf32> to vector<16xf32>
          %mul3A_180 = arith.mulf %get3A_179, %div3A_166 : vector<16xf32>
          %swap3A_181 = arith.index_cast %scan3A_158 : i32 to index
          %swap3A_182 = arith.constant 16 : index
          %swap3A_183 = tpu.vector_load %arg10[%swap3A_181, %swap3A_182] {strides = array<i32>} : memref<128x64xf32, #tpu.memory_space<vmem>>, vector<1x16xf32>,
          %swap3A_184 = vector.shape_cast %swap3A_183 : vector<1x16xf32> to vector<16xf32>
          %swap3A_185 = vector.shape_cast %mul3A_180 : vector<16xf32> to vector<1x16xf32>
          tpu.vector_store %arg10[%swap3A_181, %swap3A_182], %swap3A_185 {strides = array<i32>} : memref<128x64xf32, #tpu.memory_space<vmem>>, vector<1x16xf32>,
          %get3A_186 = arith.index_cast %scan3A_158 : i32 to index
          %get3A_187 = arith.constant 32 : index
          %get3A_188 = tpu.vector_load %arg10[%get3A_186, %get3A_187] {strides = array<i32>} : memref<128x64xf32, #tpu.memory_space<vmem>>, vector<1x16xf32>,
          %get3A_189 = vector.shape_cast %get3A_188 : vector<1x16xf32> to vector<16xf32>
          %mul3A_190 = arith.mulf %get3A_189, %div3A_166 : vector<16xf32>
          %swap3A_191 = arith.index_cast %scan3A_158 : i32 to index
          %swap3A_192 = arith.constant 32 : index
          %swap3A_193 = tpu.vector_load %arg10[%swap3A_191, %swap3A_192] {strides = array<i32>} : memref<128x64xf32, #tpu.memory_space<vmem>>, vector<1x16xf32>,
          %swap3A_194 = vector.shape_cast %swap3A_193 : vector<1x16xf32> to vector<16xf32>
          %swap3A_195 = vector.shape_cast %mul3A_190 : vector<16xf32> to vector<1x16xf32>
          tpu.vector_store %arg10[%swap3A_191, %swap3A_192], %swap3A_195 {strides = array<i32>} : memref<128x64xf32, #tpu.memory_space<vmem>>, vector<1x16xf32>,
          %get3A_196 = arith.index_cast %scan3A_158 : i32 to index
          %get3A_197 = arith.constant 48 : index
          %get3A_198 = tpu.vector_load %arg10[%get3A_196, %get3A_197] {strides = array<i32>} : memref<128x64xf32, #tpu.memory_space<vmem>>, vector<1x16xf32>,
          %get3A_199 = vector.shape_cast %get3A_198 : vector<1x16xf32> to vector<16xf32>
          %mul3A_200 = arith.mulf %get3A_199, %div3A_166 : vector<16xf32>
          %swap3A_201 = arith.index_cast %scan3A_158 : i32 to index
          %swap3A_202 = arith.constant 48 : index
          %swap3A_203 = tpu.vector_load %arg10[%swap3A_201, %swap3A_202] {strides = array<i32>} : memref<128x64xf32, #tpu.memory_space<vmem>>, vector<1x16xf32>,
          %swap3A_204 = vector.shape_cast %swap3A_203 : vector<1x16xf32> to vector<16xf32>
          %swap3A_205 = vector.shape_cast %mul3A_200 : vector<16xf32> to vector<1x16xf32>
          tpu.vector_store %arg10[%swap3A_201, %swap3A_202], %swap3A_205 {strides = array<i32>} : memref<128x64xf32, #tpu.memory_space<vmem>>, vector<1x16xf32>,
          %scan3A_206 = arith.constant 0 : i32
          scf.yield %scan3A_206 : i32
        }
        %scan3A_157 = arith.constant 16 : i32
        "tpu.region"() ({
          %run_scoped3A_158 = tpu.sem_alloc : memref<!tpu.dma_semaphore, #tpu.memory_space<semaphore_mem>>
          %dma_start3A = arith.constant 0 : i32
          %dma_start3A_159 = arith.constant 0 : i32
          %dma_start3A_160 = tpu.memref_slice %arg10[%dma_start3A, %dma_start3A_159] : memref<128x64xf32, #tpu.memory_space<vmem>> -> memref<16x64xf32, #tpu.memory_space<vmem>>
          %dma_start3A_161 = arith.constant 0 : i32
          %dma_start3A_162 = tpu.memref_slice %arg5[%add3A_70, %dma_start3A_161] : memref<10000x128xf32, #tpu.memory_space<hbm>> -> memref<16x64xf32, #tpu.memory_space<hbm>>
          %dma_start3A_163 = arith.constant 0 : i32
          %dma_start3A_164 = tpu.memref_slice %arg5[%add3A_70, %dma_start3A_163] : memref<10000x128xf32, #tpu.memory_space<hbm>> -> memref<16x64xf32, #tpu.memory_space<hbm>>
          %dma_start3A_165 = arith.constant 0 : i32
          %dma_start3A_166 = arith.constant 0 : i32
          %dma_start3A_167 = tpu.memref_slice %arg10[%dma_start3A_165, %dma_start3A_166] : memref<128x64xf32, #tpu.memory_space<vmem>> -> memref<16x64xf32, #tpu.memory_space<vmem>>
          tpu.enqueue_dma source(%dma_start3A_167 : memref<16x64xf32, #tpu.memory_space<vmem>>) target(%dma_start3A_164 : memref<16x64xf32, #tpu.memory_space<hbm>>) target_semaphore(%run_scoped3A_158 : memref<!tpu.dma_semaphore, #tpu.memory_space<semaphore_mem>>)
          %dma_wait3A = arith.constant 0 : i32
          %dma_wait3A_168 = arith.constant 0 : i32
          %dma_wait3A_169 = tpu.memref_slice %arg10[%dma_wait3A, %dma_wait3A_168] : memref<128x64xf32, #tpu.memory_space<vmem>> -> memref<16x64xf32, #tpu.memory_space<vmem>>
          %dma_wait3A_170 = arith.constant 0 : i32
          %dma_wait3A_171 = tpu.memref_slice %arg5[%add3A_70, %dma_wait3A_170] : memref<10000x128xf32, #tpu.memory_space<hbm>> -> memref<16x64xf32, #tpu.memory_space<hbm>>
          %dma_wait3A_172 = arith.constant 0 : i32
          %dma_wait3A_173 = tpu.memref_slice %arg5[%add3A_70, %dma_wait3A_172] : memref<10000x128xf32, #tpu.memory_space<hbm>> -> memref<16x64xf32, #tpu.memory_space<hbm>>
          %dma_wait3A_174 = arith.constant 0 : i32
          %dma_wait3A_175 = arith.constant 0 : i32
          %dma_wait3A_176 = tpu.memref_slice %arg10[%dma_wait3A_174, %dma_wait3A_175] : memref<128x64xf32, #tpu.memory_space<vmem>> -> memref<16x64xf32, #tpu.memory_space<vmem>>
          tpu.wait_dma2 semaphore(%run_scoped3A_158 : memref<!tpu.dma_semaphore, #tpu.memory_space<semaphore_mem>>) src(%dma_wait3A_176 : memref<16x64xf32, #tpu.memory_space<vmem>>) dst(%dma_wait3A_173 : memref<16x64xf32, #tpu.memory_space<hbm>>)
          tpu.yield
        }) : () -> ()
      } else {
      }
      %mul3A_88 = arith.constant 640 : i32
      %mul3A_89 = arith.muli %arg1, %mul3A_88 : i32
      %add3A_90 = arith.constant 256 : i32
      %add3A_91 = arith.addi %mul3A_89, %add3A_90 : i32
      %add3A_92 = arith.constant 128 : i32
      %add3A_93 = arith.addi %add3A_91, %add3A_92 : i32
      %le3A_94 = arith.constant 10000 : i32
      %le3A_95 = arith.cmpi sle, %add3A_93, %le3A_94 : i32
      %convert_element_type3A_96 = arith.extui %le3A_95 : i1 to i32
      %cond3A_97 = arith.constant 0 : i32
      %cond3A_98 = arith.cmpi ne, %convert_element_type3A_96, %cond3A_97 : i32
      scf.if %cond3A_98 {
        "tpu.region"() ({
          %run_scoped3A_158 = tpu.sem_alloc : memref<!tpu.dma_semaphore, #tpu.memory_space<semaphore_mem>>
          %dma_start3A = arith.constant 0 : i32
          %dma_start3A_159 = arith.constant 0 : i32
          %dma_start3A_160 = tpu.memref_slice %arg10[%dma_start3A, %dma_start3A_159] : memref<128x64xf32, #tpu.memory_space<vmem>> -> memref<128x64xf32, #tpu.memory_space<vmem>>
          %dma_start3A_161 = arith.constant 0 : i32
          %dma_start3A_162 = tpu.memref_slice %arg13[%add3A_91, %dma_start3A_161] : memref<10240x64xf32, #tpu.memory_space<vmem_shared>> -> memref<128x64xf32, #tpu.memory_space<vmem_shared>>
          %dma_start3A_163 = arith.constant 0 : i32
          %dma_start3A_164 = arith.constant 0 : i32
          %dma_start3A_165 = tpu.memref_slice %arg10[%dma_start3A_163, %dma_start3A_164] : memref<128x64xf32, #tpu.memory_space<vmem>> -> memref<128x64xf32, #tpu.memory_space<vmem>>
          %dma_start3A_166 = arith.constant 0 : i32
          %dma_start3A_167 = tpu.memref_slice %arg13[%add3A_91, %dma_start3A_166] : memref<10240x64xf32, #tpu.memory_space<vmem_shared>> -> memref<128x64xf32, #tpu.memory_space<vmem_shared>>
          tpu.enqueue_dma source(%dma_start3A_167 : memref<128x64xf32, #tpu.memory_space<vmem_shared>>) target(%dma_start3A_165 : memref<128x64xf32, #tpu.memory_space<vmem>>) target_semaphore(%run_scoped3A_158 : memref<!tpu.dma_semaphore, #tpu.memory_space<semaphore_mem>>)
          %dma_wait3A = arith.constant 0 : i32
          %dma_wait3A_168 = arith.constant 0 : i32
          %dma_wait3A_169 = tpu.memref_slice %arg10[%dma_wait3A, %dma_wait3A_168] : memref<128x64xf32, #tpu.memory_space<vmem>> -> memref<128x64xf32, #tpu.memory_space<vmem>>
          %dma_wait3A_170 = arith.constant 0 : i32
          %dma_wait3A_171 = tpu.memref_slice %arg13[%add3A_91, %dma_wait3A_170] : memref<10240x64xf32, #tpu.memory_space<vmem_shared>> -> memref<128x64xf32, #tpu.memory_space<vmem_shared>>
          %dma_wait3A_172 = arith.constant 0 : i32
          %dma_wait3A_173 = arith.constant 0 : i32
          %dma_wait3A_174 = tpu.memref_slice %arg10[%dma_wait3A_172, %dma_wait3A_173] : memref<128x64xf32, #tpu.memory_space<vmem>> -> memref<128x64xf32, #tpu.memory_space<vmem>>
          %dma_wait3A_175 = arith.constant 0 : i32
          %dma_wait3A_176 = tpu.memref_slice %arg13[%add3A_91, %dma_wait3A_175] : memref<10240x64xf32, #tpu.memory_space<vmem_shared>> -> memref<128x64xf32, #tpu.memory_space<vmem_shared>>
          tpu.wait_dma2 semaphore(%run_scoped3A_158 : memref<!tpu.dma_semaphore, #tpu.memory_space<semaphore_mem>>) src(%dma_wait3A_176 : memref<128x64xf32, #tpu.memory_space<vmem_shared>>) dst(%dma_wait3A_174 : memref<128x64xf32, #tpu.memory_space<vmem>>)
          tpu.yield
        }) : () -> ()
        "tpu.region"() ({
          %run_scoped3A_158 = tpu.sem_alloc : memref<!tpu.dma_semaphore, #tpu.memory_space<semaphore_mem>>
          %dma_start3A = arith.constant 0 : i32
          %dma_start3A_159 = arith.constant 0 : i32
          %dma_start3A_160 = tpu.memref_slice %arg11[%dma_start3A, %dma_start3A_159] : memref<128x16xf32, #tpu.memory_space<vmem>> -> memref<128x16xf32, #tpu.memory_space<vmem>>
          %dma_start3A_161 = arith.constant 0 : i32
          %dma_start3A_162 = tpu.memref_slice %arg14[%add3A_91, %dma_start3A_161] : memref<10240x16xf32, #tpu.memory_space<vmem_shared>> -> memref<128x16xf32, #tpu.memory_space<vmem_shared>>
          %dma_start3A_163 = arith.constant 0 : i32
          %dma_start3A_164 = arith.constant 0 : i32
          %dma_start3A_165 = tpu.memref_slice %arg11[%dma_start3A_163, %dma_start3A_164] : memref<128x16xf32, #tpu.memory_space<vmem>> -> memref<128x16xf32, #tpu.memory_space<vmem>>
          %dma_start3A_166 = arith.constant 0 : i32
          %dma_start3A_167 = tpu.memref_slice %arg14[%add3A_91, %dma_start3A_166] : memref<10240x16xf32, #tpu.memory_space<vmem_shared>> -> memref<128x16xf32, #tpu.memory_space<vmem_shared>>
          tpu.enqueue_dma source(%dma_start3A_167 : memref<128x16xf32, #tpu.memory_space<vmem_shared>>) target(%dma_start3A_165 : memref<128x16xf32, #tpu.memory_space<vmem>>) target_semaphore(%run_scoped3A_158 : memref<!tpu.dma_semaphore, #tpu.memory_space<semaphore_mem>>)
          %dma_wait3A = arith.constant 0 : i32
          %dma_wait3A_168 = arith.constant 0 : i32
          %dma_wait3A_169 = tpu.memref_slice %arg11[%dma_wait3A, %dma_wait3A_168] : memref<128x16xf32, #tpu.memory_space<vmem>> -> memref<128x16xf32, #tpu.memory_space<vmem>>
          %dma_wait3A_170 = arith.constant 0 : i32
          %dma_wait3A_171 = tpu.memref_slice %arg14[%add3A_91, %dma_wait3A_170] : memref<10240x16xf32, #tpu.memory_space<vmem_shared>> -> memref<128x16xf32, #tpu.memory_space<vmem_shared>>
          %dma_wait3A_172 = arith.constant 0 : i32
          %dma_wait3A_173 = arith.constant 0 : i32
          %dma_wait3A_174 = tpu.memref_slice %arg11[%dma_wait3A_172, %dma_wait3A_173] : memref<128x16xf32, #tpu.memory_space<vmem>> -> memref<128x16xf32, #tpu.memory_space<vmem>>
          %dma_wait3A_175 = arith.constant 0 : i32
          %dma_wait3A_176 = tpu.memref_slice %arg14[%add3A_91, %dma_wait3A_175] : memref<10240x16xf32, #tpu.memory_space<vmem_shared>> -> memref<128x16xf32, #tpu.memory_space<vmem_shared>>
          tpu.wait_dma2 semaphore(%run_scoped3A_158 : memref<!tpu.dma_semaphore, #tpu.memory_space<semaphore_mem>>) src(%dma_wait3A_176 : memref<128x16xf32, #tpu.memory_space<vmem_shared>>) dst(%dma_wait3A_174 : memref<128x16xf32, #tpu.memory_space<vmem>>)
          tpu.yield
        }) : () -> ()
        %scan3A_151 = arith.constant 0 : i32
        %scan3A_152 = arith.constant 0 : i32
        %scan3A_153 = arith.constant 128 : i32
        %scan3A_154 = arith.addi %scan3A_152, %scan3A_153 : i32
        %scan3A_155 = arith.constant 1 : i32
        %scan3A_156 = scf.for %scan3A_158 = %scan3A_152 to %scan3A_154 step %scan3A_155 iter_args(%scan3A_159 = %scan3A_151) -> (i32)  : i32 {
          %get3A = arith.index_cast %scan3A_158 : i32 to index
          %get3A_160 = arith.constant 0 : index
          %get3A_161 = tpu.vector_load %arg11[%get3A, %get3A_160] {strides = array<i32>} : memref<128x16xf32, #tpu.memory_space<vmem>>, vector<1x16xf32>,
          %get3A_162 = vector.shape_cast %get3A_161 : vector<1x16xf32> to vector<16xf32>
          %max3A = arith.constant 1.000000e+00 : f32
          %max3A_163 = vector.broadcast %max3A : f32 to vector<16xf32>
          %max3A_164 = arith.maximumf %get3A_162, %max3A_163 : vector<16xf32>
          %div3A = arith.constant 1.000000e+00 : f32
          %div3A_165 = vector.broadcast %div3A : f32 to vector<16xf32>
          %div3A_166 = arith.divf %div3A_165, %max3A_164 : vector<16xf32>
          %get3A_167 = arith.index_cast %scan3A_158 : i32 to index
          %get3A_168 = arith.constant 0 : index
          %get3A_169 = tpu.vector_load %arg10[%get3A_167, %get3A_168] {strides = array<i32>} : memref<128x64xf32, #tpu.memory_space<vmem>>, vector<1x16xf32>,
          %get3A_170 = vector.shape_cast %get3A_169 : vector<1x16xf32> to vector<16xf32>
          %mul3A_171 = arith.mulf %get3A_170, %div3A_166 : vector<16xf32>
          %swap3A = arith.index_cast %scan3A_158 : i32 to index
          %swap3A_172 = arith.constant 0 : index
          %swap3A_173 = tpu.vector_load %arg10[%swap3A, %swap3A_172] {strides = array<i32>} : memref<128x64xf32, #tpu.memory_space<vmem>>, vector<1x16xf32>,
          %swap3A_174 = vector.shape_cast %swap3A_173 : vector<1x16xf32> to vector<16xf32>
          %swap3A_175 = vector.shape_cast %mul3A_171 : vector<16xf32> to vector<1x16xf32>
          tpu.vector_store %arg10[%swap3A, %swap3A_172], %swap3A_175 {strides = array<i32>} : memref<128x64xf32, #tpu.memory_space<vmem>>, vector<1x16xf32>,
          %get3A_176 = arith.index_cast %scan3A_158 : i32 to index
          %get3A_177 = arith.constant 16 : index
          %get3A_178 = tpu.vector_load %arg10[%get3A_176, %get3A_177] {strides = array<i32>} : memref<128x64xf32, #tpu.memory_space<vmem>>, vector<1x16xf32>,
          %get3A_179 = vector.shape_cast %get3A_178 : vector<1x16xf32> to vector<16xf32>
          %mul3A_180 = arith.mulf %get3A_179, %div3A_166 : vector<16xf32>
          %swap3A_181 = arith.index_cast %scan3A_158 : i32 to index
          %swap3A_182 = arith.constant 16 : index
          %swap3A_183 = tpu.vector_load %arg10[%swap3A_181, %swap3A_182] {strides = array<i32>} : memref<128x64xf32, #tpu.memory_space<vmem>>, vector<1x16xf32>,
          %swap3A_184 = vector.shape_cast %swap3A_183 : vector<1x16xf32> to vector<16xf32>
          %swap3A_185 = vector.shape_cast %mul3A_180 : vector<16xf32> to vector<1x16xf32>
          tpu.vector_store %arg10[%swap3A_181, %swap3A_182], %swap3A_185 {strides = array<i32>} : memref<128x64xf32, #tpu.memory_space<vmem>>, vector<1x16xf32>,
          %get3A_186 = arith.index_cast %scan3A_158 : i32 to index
          %get3A_187 = arith.constant 32 : index
          %get3A_188 = tpu.vector_load %arg10[%get3A_186, %get3A_187] {strides = array<i32>} : memref<128x64xf32, #tpu.memory_space<vmem>>, vector<1x16xf32>,
          %get3A_189 = vector.shape_cast %get3A_188 : vector<1x16xf32> to vector<16xf32>
          %mul3A_190 = arith.mulf %get3A_189, %div3A_166 : vector<16xf32>
          %swap3A_191 = arith.index_cast %scan3A_158 : i32 to index
          %swap3A_192 = arith.constant 32 : index
          %swap3A_193 = tpu.vector_load %arg10[%swap3A_191, %swap3A_192] {strides = array<i32>} : memref<128x64xf32, #tpu.memory_space<vmem>>, vector<1x16xf32>,
          %swap3A_194 = vector.shape_cast %swap3A_193 : vector<1x16xf32> to vector<16xf32>
          %swap3A_195 = vector.shape_cast %mul3A_190 : vector<16xf32> to vector<1x16xf32>
          tpu.vector_store %arg10[%swap3A_191, %swap3A_192], %swap3A_195 {strides = array<i32>} : memref<128x64xf32, #tpu.memory_space<vmem>>, vector<1x16xf32>,
          %get3A_196 = arith.index_cast %scan3A_158 : i32 to index
          %get3A_197 = arith.constant 48 : index
          %get3A_198 = tpu.vector_load %arg10[%get3A_196, %get3A_197] {strides = array<i32>} : memref<128x64xf32, #tpu.memory_space<vmem>>, vector<1x16xf32>,
          %get3A_199 = vector.shape_cast %get3A_198 : vector<1x16xf32> to vector<16xf32>
          %mul3A_200 = arith.mulf %get3A_199, %div3A_166 : vector<16xf32>
          %swap3A_201 = arith.index_cast %scan3A_158 : i32 to index
          %swap3A_202 = arith.constant 48 : index
          %swap3A_203 = tpu.vector_load %arg10[%swap3A_201, %swap3A_202] {strides = array<i32>} : memref<128x64xf32, #tpu.memory_space<vmem>>, vector<1x16xf32>,
          %swap3A_204 = vector.shape_cast %swap3A_203 : vector<1x16xf32> to vector<16xf32>
          %swap3A_205 = vector.shape_cast %mul3A_200 : vector<16xf32> to vector<1x16xf32>
          tpu.vector_store %arg10[%swap3A_201, %swap3A_202], %swap3A_205 {strides = array<i32>} : memref<128x64xf32, #tpu.memory_space<vmem>>, vector<1x16xf32>,
          %scan3A_206 = arith.constant 0 : i32
          scf.yield %scan3A_206 : i32
        }
        %scan3A_157 = arith.constant 128 : i32
        "tpu.region"() ({
          %run_scoped3A_158 = tpu.sem_alloc : memref<!tpu.dma_semaphore, #tpu.memory_space<semaphore_mem>>
          %dma_start3A = arith.constant 0 : i32
          %dma_start3A_159 = arith.constant 0 : i32
          %dma_start3A_160 = tpu.memref_slice %arg10[%dma_start3A, %dma_start3A_159] : memref<128x64xf32, #tpu.memory_space<vmem>> -> memref<128x64xf32, #tpu.memory_space<vmem>>
          %dma_start3A_161 = arith.constant 0 : i32
          %dma_start3A_162 = tpu.memref_slice %arg5[%add3A_91, %dma_start3A_161] : memref<10000x128xf32, #tpu.memory_space<hbm>> -> memref<128x64xf32, #tpu.memory_space<hbm>>
          %dma_start3A_163 = arith.constant 0 : i32
          %dma_start3A_164 = tpu.memref_slice %arg5[%add3A_91, %dma_start3A_163] : memref<10000x128xf32, #tpu.memory_space<hbm>> -> memref<128x64xf32, #tpu.memory_space<hbm>>
          %dma_start3A_165 = arith.constant 0 : i32
          %dma_start3A_166 = arith.constant 0 : i32
          %dma_start3A_167 = tpu.memref_slice %arg10[%dma_start3A_165, %dma_start3A_166] : memref<128x64xf32, #tpu.memory_space<vmem>> -> memref<128x64xf32, #tpu.memory_space<vmem>>
          tpu.enqueue_dma source(%dma_start3A_167 : memref<128x64xf32, #tpu.memory_space<vmem>>) target(%dma_start3A_164 : memref<128x64xf32, #tpu.memory_space<hbm>>) target_semaphore(%run_scoped3A_158 : memref<!tpu.dma_semaphore, #tpu.memory_space<semaphore_mem>>)
          %dma_wait3A = arith.constant 0 : i32
          %dma_wait3A_168 = arith.constant 0 : i32
          %dma_wait3A_169 = tpu.memref_slice %arg10[%dma_wait3A, %dma_wait3A_168] : memref<128x64xf32, #tpu.memory_space<vmem>> -> memref<128x64xf32, #tpu.memory_space<vmem>>
          %dma_wait3A_170 = arith.constant 0 : i32
          %dma_wait3A_171 = tpu.memref_slice %arg5[%add3A_91, %dma_wait3A_170] : memref<10000x128xf32, #tpu.memory_space<hbm>> -> memref<128x64xf32, #tpu.memory_space<hbm>>
          %dma_wait3A_172 = arith.constant 0 : i32
          %dma_wait3A_173 = tpu.memref_slice %arg5[%add3A_91, %dma_wait3A_172] : memref<10000x128xf32, #tpu.memory_space<hbm>> -> memref<128x64xf32, #tpu.memory_space<hbm>>
          %dma_wait3A_174 = arith.constant 0 : i32
          %dma_wait3A_175 = arith.constant 0 : i32
          %dma_wait3A_176 = tpu.memref_slice %arg10[%dma_wait3A_174, %dma_wait3A_175] : memref<128x64xf32, #tpu.memory_space<vmem>> -> memref<128x64xf32, #tpu.memory_space<vmem>>
          tpu.wait_dma2 semaphore(%run_scoped3A_158 : memref<!tpu.dma_semaphore, #tpu.memory_space<semaphore_mem>>) src(%dma_wait3A_176 : memref<128x64xf32, #tpu.memory_space<vmem>>) dst(%dma_wait3A_173 : memref<128x64xf32, #tpu.memory_space<hbm>>)
          tpu.yield
        }) : () -> ()
      } else {
      }
      %lt3A_99 = arith.constant 10000 : i32
      %lt3A_100 = arith.cmpi slt, %add3A_91, %lt3A_99 : i32
      %add3A_101 = arith.constant 128 : i32
      %add3A_102 = arith.addi %add3A_91, %add3A_101 : i32
      %gt3A_103 = arith.constant 10000 : i32
      %gt3A_104 = arith.cmpi sgt, %add3A_102, %gt3A_103 : i32
      %and3A_105 = arith.andi %lt3A_100, %gt3A_104 : i1
      %convert_element_type3A_106 = arith.extui %and3A_105 : i1 to i32
      %cond3A_107 = arith.constant 0 : i32
      %cond3A_108 = arith.cmpi ne, %convert_element_type3A_106, %cond3A_107 : i32
      scf.if %cond3A_108 {
        "tpu.region"() ({
          %run_scoped3A_158 = tpu.sem_alloc : memref<!tpu.dma_semaphore, #tpu.memory_space<semaphore_mem>>
          %dma_start3A = arith.constant 0 : i32
          %dma_start3A_159 = arith.constant 0 : i32
          %dma_start3A_160 = tpu.memref_slice %arg10[%dma_start3A, %dma_start3A_159] : memref<128x64xf32, #tpu.memory_space<vmem>> -> memref<16x64xf32, #tpu.memory_space<vmem>>
          %dma_start3A_161 = arith.constant 0 : i32
          %dma_start3A_162 = tpu.memref_slice %arg13[%add3A_91, %dma_start3A_161] : memref<10240x64xf32, #tpu.memory_space<vmem_shared>> -> memref<16x64xf32, #tpu.memory_space<vmem_shared>>
          %dma_start3A_163 = arith.constant 0 : i32
          %dma_start3A_164 = arith.constant 0 : i32
          %dma_start3A_165 = tpu.memref_slice %arg10[%dma_start3A_163, %dma_start3A_164] : memref<128x64xf32, #tpu.memory_space<vmem>> -> memref<16x64xf32, #tpu.memory_space<vmem>>
          %dma_start3A_166 = arith.constant 0 : i32
          %dma_start3A_167 = tpu.memref_slice %arg13[%add3A_91, %dma_start3A_166] : memref<10240x64xf32, #tpu.memory_space<vmem_shared>> -> memref<16x64xf32, #tpu.memory_space<vmem_shared>>
          tpu.enqueue_dma source(%dma_start3A_167 : memref<16x64xf32, #tpu.memory_space<vmem_shared>>) target(%dma_start3A_165 : memref<16x64xf32, #tpu.memory_space<vmem>>) target_semaphore(%run_scoped3A_158 : memref<!tpu.dma_semaphore, #tpu.memory_space<semaphore_mem>>)
          %dma_wait3A = arith.constant 0 : i32
          %dma_wait3A_168 = arith.constant 0 : i32
          %dma_wait3A_169 = tpu.memref_slice %arg10[%dma_wait3A, %dma_wait3A_168] : memref<128x64xf32, #tpu.memory_space<vmem>> -> memref<16x64xf32, #tpu.memory_space<vmem>>
          %dma_wait3A_170 = arith.constant 0 : i32
          %dma_wait3A_171 = tpu.memref_slice %arg13[%add3A_91, %dma_wait3A_170] : memref<10240x64xf32, #tpu.memory_space<vmem_shared>> -> memref<16x64xf32, #tpu.memory_space<vmem_shared>>
          %dma_wait3A_172 = arith.constant 0 : i32
          %dma_wait3A_173 = arith.constant 0 : i32
          %dma_wait3A_174 = tpu.memref_slice %arg10[%dma_wait3A_172, %dma_wait3A_173] : memref<128x64xf32, #tpu.memory_space<vmem>> -> memref<16x64xf32, #tpu.memory_space<vmem>>
          %dma_wait3A_175 = arith.constant 0 : i32
          %dma_wait3A_176 = tpu.memref_slice %arg13[%add3A_91, %dma_wait3A_175] : memref<10240x64xf32, #tpu.memory_space<vmem_shared>> -> memref<16x64xf32, #tpu.memory_space<vmem_shared>>
          tpu.wait_dma2 semaphore(%run_scoped3A_158 : memref<!tpu.dma_semaphore, #tpu.memory_space<semaphore_mem>>) src(%dma_wait3A_176 : memref<16x64xf32, #tpu.memory_space<vmem_shared>>) dst(%dma_wait3A_174 : memref<16x64xf32, #tpu.memory_space<vmem>>)
          tpu.yield
        }) : () -> ()
        "tpu.region"() ({
          %run_scoped3A_158 = tpu.sem_alloc : memref<!tpu.dma_semaphore, #tpu.memory_space<semaphore_mem>>
          %dma_start3A = arith.constant 0 : i32
          %dma_start3A_159 = arith.constant 0 : i32
          %dma_start3A_160 = tpu.memref_slice %arg11[%dma_start3A, %dma_start3A_159] : memref<128x16xf32, #tpu.memory_space<vmem>> -> memref<16x16xf32, #tpu.memory_space<vmem>>
          %dma_start3A_161 = arith.constant 0 : i32
          %dma_start3A_162 = tpu.memref_slice %arg14[%add3A_91, %dma_start3A_161] : memref<10240x16xf32, #tpu.memory_space<vmem_shared>> -> memref<16x16xf32, #tpu.memory_space<vmem_shared>>
          %dma_start3A_163 = arith.constant 0 : i32
          %dma_start3A_164 = arith.constant 0 : i32
          %dma_start3A_165 = tpu.memref_slice %arg11[%dma_start3A_163, %dma_start3A_164] : memref<128x16xf32, #tpu.memory_space<vmem>> -> memref<16x16xf32, #tpu.memory_space<vmem>>
          %dma_start3A_166 = arith.constant 0 : i32
          %dma_start3A_167 = tpu.memref_slice %arg14[%add3A_91, %dma_start3A_166] : memref<10240x16xf32, #tpu.memory_space<vmem_shared>> -> memref<16x16xf32, #tpu.memory_space<vmem_shared>>
          tpu.enqueue_dma source(%dma_start3A_167 : memref<16x16xf32, #tpu.memory_space<vmem_shared>>) target(%dma_start3A_165 : memref<16x16xf32, #tpu.memory_space<vmem>>) target_semaphore(%run_scoped3A_158 : memref<!tpu.dma_semaphore, #tpu.memory_space<semaphore_mem>>)
          %dma_wait3A = arith.constant 0 : i32
          %dma_wait3A_168 = arith.constant 0 : i32
          %dma_wait3A_169 = tpu.memref_slice %arg11[%dma_wait3A, %dma_wait3A_168] : memref<128x16xf32, #tpu.memory_space<vmem>> -> memref<16x16xf32, #tpu.memory_space<vmem>>
          %dma_wait3A_170 = arith.constant 0 : i32
          %dma_wait3A_171 = tpu.memref_slice %arg14[%add3A_91, %dma_wait3A_170] : memref<10240x16xf32, #tpu.memory_space<vmem_shared>> -> memref<16x16xf32, #tpu.memory_space<vmem_shared>>
          %dma_wait3A_172 = arith.constant 0 : i32
          %dma_wait3A_173 = arith.constant 0 : i32
          %dma_wait3A_174 = tpu.memref_slice %arg11[%dma_wait3A_172, %dma_wait3A_173] : memref<128x16xf32, #tpu.memory_space<vmem>> -> memref<16x16xf32, #tpu.memory_space<vmem>>
          %dma_wait3A_175 = arith.constant 0 : i32
          %dma_wait3A_176 = tpu.memref_slice %arg14[%add3A_91, %dma_wait3A_175] : memref<10240x16xf32, #tpu.memory_space<vmem_shared>> -> memref<16x16xf32, #tpu.memory_space<vmem_shared>>
          tpu.wait_dma2 semaphore(%run_scoped3A_158 : memref<!tpu.dma_semaphore, #tpu.memory_space<semaphore_mem>>) src(%dma_wait3A_176 : memref<16x16xf32, #tpu.memory_space<vmem_shared>>) dst(%dma_wait3A_174 : memref<16x16xf32, #tpu.memory_space<vmem>>)
          tpu.yield
        }) : () -> ()
        %scan3A_151 = arith.constant 0 : i32
        %scan3A_152 = arith.constant 0 : i32
        %scan3A_153 = arith.constant 16 : i32
        %scan3A_154 = arith.addi %scan3A_152, %scan3A_153 : i32
        %scan3A_155 = arith.constant 1 : i32
        %scan3A_156 = scf.for %scan3A_158 = %scan3A_152 to %scan3A_154 step %scan3A_155 iter_args(%scan3A_159 = %scan3A_151) -> (i32)  : i32 {
          %get3A = arith.index_cast %scan3A_158 : i32 to index
          %get3A_160 = arith.constant 0 : index
          %get3A_161 = tpu.vector_load %arg11[%get3A, %get3A_160] {strides = array<i32>} : memref<128x16xf32, #tpu.memory_space<vmem>>, vector<1x16xf32>,
          %get3A_162 = vector.shape_cast %get3A_161 : vector<1x16xf32> to vector<16xf32>
          %max3A = arith.constant 1.000000e+00 : f32
          %max3A_163 = vector.broadcast %max3A : f32 to vector<16xf32>
          %max3A_164 = arith.maximumf %get3A_162, %max3A_163 : vector<16xf32>
          %div3A = arith.constant 1.000000e+00 : f32
          %div3A_165 = vector.broadcast %div3A : f32 to vector<16xf32>
          %div3A_166 = arith.divf %div3A_165, %max3A_164 : vector<16xf32>
          %get3A_167 = arith.index_cast %scan3A_158 : i32 to index
          %get3A_168 = arith.constant 0 : index
          %get3A_169 = tpu.vector_load %arg10[%get3A_167, %get3A_168] {strides = array<i32>} : memref<128x64xf32, #tpu.memory_space<vmem>>, vector<1x16xf32>,
          %get3A_170 = vector.shape_cast %get3A_169 : vector<1x16xf32> to vector<16xf32>
          %mul3A_171 = arith.mulf %get3A_170, %div3A_166 : vector<16xf32>
          %swap3A = arith.index_cast %scan3A_158 : i32 to index
          %swap3A_172 = arith.constant 0 : index
          %swap3A_173 = tpu.vector_load %arg10[%swap3A, %swap3A_172] {strides = array<i32>} : memref<128x64xf32, #tpu.memory_space<vmem>>, vector<1x16xf32>,
          %swap3A_174 = vector.shape_cast %swap3A_173 : vector<1x16xf32> to vector<16xf32>
          %swap3A_175 = vector.shape_cast %mul3A_171 : vector<16xf32> to vector<1x16xf32>
          tpu.vector_store %arg10[%swap3A, %swap3A_172], %swap3A_175 {strides = array<i32>} : memref<128x64xf32, #tpu.memory_space<vmem>>, vector<1x16xf32>,
          %get3A_176 = arith.index_cast %scan3A_158 : i32 to index
          %get3A_177 = arith.constant 16 : index
          %get3A_178 = tpu.vector_load %arg10[%get3A_176, %get3A_177] {strides = array<i32>} : memref<128x64xf32, #tpu.memory_space<vmem>>, vector<1x16xf32>,
          %get3A_179 = vector.shape_cast %get3A_178 : vector<1x16xf32> to vector<16xf32>
          %mul3A_180 = arith.mulf %get3A_179, %div3A_166 : vector<16xf32>
          %swap3A_181 = arith.index_cast %scan3A_158 : i32 to index
          %swap3A_182 = arith.constant 16 : index
          %swap3A_183 = tpu.vector_load %arg10[%swap3A_181, %swap3A_182] {strides = array<i32>} : memref<128x64xf32, #tpu.memory_space<vmem>>, vector<1x16xf32>,
          %swap3A_184 = vector.shape_cast %swap3A_183 : vector<1x16xf32> to vector<16xf32>
          %swap3A_185 = vector.shape_cast %mul3A_180 : vector<16xf32> to vector<1x16xf32>
          tpu.vector_store %arg10[%swap3A_181, %swap3A_182], %swap3A_185 {strides = array<i32>} : memref<128x64xf32, #tpu.memory_space<vmem>>, vector<1x16xf32>,
          %get3A_186 = arith.index_cast %scan3A_158 : i32 to index
          %get3A_187 = arith.constant 32 : index
          %get3A_188 = tpu.vector_load %arg10[%get3A_186, %get3A_187] {strides = array<i32>} : memref<128x64xf32, #tpu.memory_space<vmem>>, vector<1x16xf32>,
          %get3A_189 = vector.shape_cast %get3A_188 : vector<1x16xf32> to vector<16xf32>
          %mul3A_190 = arith.mulf %get3A_189, %div3A_166 : vector<16xf32>
          %swap3A_191 = arith.index_cast %scan3A_158 : i32 to index
          %swap3A_192 = arith.constant 32 : index
          %swap3A_193 = tpu.vector_load %arg10[%swap3A_191, %swap3A_192] {strides = array<i32>} : memref<128x64xf32, #tpu.memory_space<vmem>>, vector<1x16xf32>,
          %swap3A_194 = vector.shape_cast %swap3A_193 : vector<1x16xf32> to vector<16xf32>
          %swap3A_195 = vector.shape_cast %mul3A_190 : vector<16xf32> to vector<1x16xf32>
          tpu.vector_store %arg10[%swap3A_191, %swap3A_192], %swap3A_195 {strides = array<i32>} : memref<128x64xf32, #tpu.memory_space<vmem>>, vector<1x16xf32>,
          %get3A_196 = arith.index_cast %scan3A_158 : i32 to index
          %get3A_197 = arith.constant 48 : index
          %get3A_198 = tpu.vector_load %arg10[%get3A_196, %get3A_197] {strides = array<i32>} : memref<128x64xf32, #tpu.memory_space<vmem>>, vector<1x16xf32>,
          %get3A_199 = vector.shape_cast %get3A_198 : vector<1x16xf32> to vector<16xf32>
          %mul3A_200 = arith.mulf %get3A_199, %div3A_166 : vector<16xf32>
          %swap3A_201 = arith.index_cast %scan3A_158 : i32 to index
          %swap3A_202 = arith.constant 48 : index
          %swap3A_203 = tpu.vector_load %arg10[%swap3A_201, %swap3A_202] {strides = array<i32>} : memref<128x64xf32, #tpu.memory_space<vmem>>, vector<1x16xf32>,
          %swap3A_204 = vector.shape_cast %swap3A_203 : vector<1x16xf32> to vector<16xf32>
          %swap3A_205 = vector.shape_cast %mul3A_200 : vector<16xf32> to vector<1x16xf32>
          tpu.vector_store %arg10[%swap3A_201, %swap3A_202], %swap3A_205 {strides = array<i32>} : memref<128x64xf32, #tpu.memory_space<vmem>>, vector<1x16xf32>,
          %scan3A_206 = arith.constant 0 : i32
          scf.yield %scan3A_206 : i32
        }
        %scan3A_157 = arith.constant 16 : i32
        "tpu.region"() ({
          %run_scoped3A_158 = tpu.sem_alloc : memref<!tpu.dma_semaphore, #tpu.memory_space<semaphore_mem>>
          %dma_start3A = arith.constant 0 : i32
          %dma_start3A_159 = arith.constant 0 : i32
          %dma_start3A_160 = tpu.memref_slice %arg10[%dma_start3A, %dma_start3A_159] : memref<128x64xf32, #tpu.memory_space<vmem>> -> memref<16x64xf32, #tpu.memory_space<vmem>>
          %dma_start3A_161 = arith.constant 0 : i32
          %dma_start3A_162 = tpu.memref_slice %arg5[%add3A_91, %dma_start3A_161] : memref<10000x128xf32, #tpu.memory_space<hbm>> -> memref<16x64xf32, #tpu.memory_space<hbm>>
          %dma_start3A_163 = arith.constant 0 : i32
          %dma_start3A_164 = tpu.memref_slice %arg5[%add3A_91, %dma_start3A_163] : memref<10000x128xf32, #tpu.memory_space<hbm>> -> memref<16x64xf32, #tpu.memory_space<hbm>>
          %dma_start3A_165 = arith.constant 0 : i32
          %dma_start3A_166 = arith.constant 0 : i32
          %dma_start3A_167 = tpu.memref_slice %arg10[%dma_start3A_165, %dma_start3A_166] : memref<128x64xf32, #tpu.memory_space<vmem>> -> memref<16x64xf32, #tpu.memory_space<vmem>>
          tpu.enqueue_dma source(%dma_start3A_167 : memref<16x64xf32, #tpu.memory_space<vmem>>) target(%dma_start3A_164 : memref<16x64xf32, #tpu.memory_space<hbm>>) target_semaphore(%run_scoped3A_158 : memref<!tpu.dma_semaphore, #tpu.memory_space<semaphore_mem>>)
          %dma_wait3A = arith.constant 0 : i32
          %dma_wait3A_168 = arith.constant 0 : i32
          %dma_wait3A_169 = tpu.memref_slice %arg10[%dma_wait3A, %dma_wait3A_168] : memref<128x64xf32, #tpu.memory_space<vmem>> -> memref<16x64xf32, #tpu.memory_space<vmem>>
          %dma_wait3A_170 = arith.constant 0 : i32
          %dma_wait3A_171 = tpu.memref_slice %arg5[%add3A_91, %dma_wait3A_170] : memref<10000x128xf32, #tpu.memory_space<hbm>> -> memref<16x64xf32, #tpu.memory_space<hbm>>
          %dma_wait3A_172 = arith.constant 0 : i32
          %dma_wait3A_173 = tpu.memref_slice %arg5[%add3A_91, %dma_wait3A_172] : memref<10000x128xf32, #tpu.memory_space<hbm>> -> memref<16x64xf32, #tpu.memory_space<hbm>>
          %dma_wait3A_174 = arith.constant 0 : i32
          %dma_wait3A_175 = arith.constant 0 : i32
          %dma_wait3A_176 = tpu.memref_slice %arg10[%dma_wait3A_174, %dma_wait3A_175] : memref<128x64xf32, #tpu.memory_space<vmem>> -> memref<16x64xf32, #tpu.memory_space<vmem>>
          tpu.wait_dma2 semaphore(%run_scoped3A_158 : memref<!tpu.dma_semaphore, #tpu.memory_space<semaphore_mem>>) src(%dma_wait3A_176 : memref<16x64xf32, #tpu.memory_space<vmem>>) dst(%dma_wait3A_173 : memref<16x64xf32, #tpu.memory_space<hbm>>)
          tpu.yield
        }) : () -> ()
      } else {
      }
      %mul3A_109 = arith.constant 640 : i32
      %mul3A_110 = arith.muli %arg1, %mul3A_109 : i32
      %add3A_111 = arith.constant 384 : i32
      %add3A_112 = arith.addi %mul3A_110, %add3A_111 : i32
      %add3A_113 = arith.constant 128 : i32
      %add3A_114 = arith.addi %add3A_112, %add3A_113 : i32
      %le3A_115 = arith.constant 10000 : i32
      %le3A_116 = arith.cmpi sle, %add3A_114, %le3A_115 : i32
      %convert_element_type3A_117 = arith.extui %le3A_116 : i1 to i32
      %cond3A_118 = arith.constant 0 : i32
      %cond3A_119 = arith.cmpi ne, %convert_element_type3A_117, %cond3A_118 : i32
      scf.if %cond3A_119 {
        "tpu.region"() ({
          %run_scoped3A_158 = tpu.sem_alloc : memref<!tpu.dma_semaphore, #tpu.memory_space<semaphore_mem>>
          %dma_start3A = arith.constant 0 : i32
          %dma_start3A_159 = arith.constant 0 : i32
          %dma_start3A_160 = tpu.memref_slice %arg10[%dma_start3A, %dma_start3A_159] : memref<128x64xf32, #tpu.memory_space<vmem>> -> memref<128x64xf32, #tpu.memory_space<vmem>>
          %dma_start3A_161 = arith.constant 0 : i32
          %dma_start3A_162 = tpu.memref_slice %arg13[%add3A_112, %dma_start3A_161] : memref<10240x64xf32, #tpu.memory_space<vmem_shared>> -> memref<128x64xf32, #tpu.memory_space<vmem_shared>>
          %dma_start3A_163 = arith.constant 0 : i32
          %dma_start3A_164 = arith.constant 0 : i32
          %dma_start3A_165 = tpu.memref_slice %arg10[%dma_start3A_163, %dma_start3A_164] : memref<128x64xf32, #tpu.memory_space<vmem>> -> memref<128x64xf32, #tpu.memory_space<vmem>>
          %dma_start3A_166 = arith.constant 0 : i32
          %dma_start3A_167 = tpu.memref_slice %arg13[%add3A_112, %dma_start3A_166] : memref<10240x64xf32, #tpu.memory_space<vmem_shared>> -> memref<128x64xf32, #tpu.memory_space<vmem_shared>>
          tpu.enqueue_dma source(%dma_start3A_167 : memref<128x64xf32, #tpu.memory_space<vmem_shared>>) target(%dma_start3A_165 : memref<128x64xf32, #tpu.memory_space<vmem>>) target_semaphore(%run_scoped3A_158 : memref<!tpu.dma_semaphore, #tpu.memory_space<semaphore_mem>>)
          %dma_wait3A = arith.constant 0 : i32
          %dma_wait3A_168 = arith.constant 0 : i32
          %dma_wait3A_169 = tpu.memref_slice %arg10[%dma_wait3A, %dma_wait3A_168] : memref<128x64xf32, #tpu.memory_space<vmem>> -> memref<128x64xf32, #tpu.memory_space<vmem>>
          %dma_wait3A_170 = arith.constant 0 : i32
          %dma_wait3A_171 = tpu.memref_slice %arg13[%add3A_112, %dma_wait3A_170] : memref<10240x64xf32, #tpu.memory_space<vmem_shared>> -> memref<128x64xf32, #tpu.memory_space<vmem_shared>>
          %dma_wait3A_172 = arith.constant 0 : i32
          %dma_wait3A_173 = arith.constant 0 : i32
          %dma_wait3A_174 = tpu.memref_slice %arg10[%dma_wait3A_172, %dma_wait3A_173] : memref<128x64xf32, #tpu.memory_space<vmem>> -> memref<128x64xf32, #tpu.memory_space<vmem>>
          %dma_wait3A_175 = arith.constant 0 : i32
          %dma_wait3A_176 = tpu.memref_slice %arg13[%add3A_112, %dma_wait3A_175] : memref<10240x64xf32, #tpu.memory_space<vmem_shared>> -> memref<128x64xf32, #tpu.memory_space<vmem_shared>>
          tpu.wait_dma2 semaphore(%run_scoped3A_158 : memref<!tpu.dma_semaphore, #tpu.memory_space<semaphore_mem>>) src(%dma_wait3A_176 : memref<128x64xf32, #tpu.memory_space<vmem_shared>>) dst(%dma_wait3A_174 : memref<128x64xf32, #tpu.memory_space<vmem>>)
          tpu.yield
        }) : () -> ()
        "tpu.region"() ({
          %run_scoped3A_158 = tpu.sem_alloc : memref<!tpu.dma_semaphore, #tpu.memory_space<semaphore_mem>>
          %dma_start3A = arith.constant 0 : i32
          %dma_start3A_159 = arith.constant 0 : i32
          %dma_start3A_160 = tpu.memref_slice %arg11[%dma_start3A, %dma_start3A_159] : memref<128x16xf32, #tpu.memory_space<vmem>> -> memref<128x16xf32, #tpu.memory_space<vmem>>
          %dma_start3A_161 = arith.constant 0 : i32
          %dma_start3A_162 = tpu.memref_slice %arg14[%add3A_112, %dma_start3A_161] : memref<10240x16xf32, #tpu.memory_space<vmem_shared>> -> memref<128x16xf32, #tpu.memory_space<vmem_shared>>
          %dma_start3A_163 = arith.constant 0 : i32
          %dma_start3A_164 = arith.constant 0 : i32
          %dma_start3A_165 = tpu.memref_slice %arg11[%dma_start3A_163, %dma_start3A_164] : memref<128x16xf32, #tpu.memory_space<vmem>> -> memref<128x16xf32, #tpu.memory_space<vmem>>
          %dma_start3A_166 = arith.constant 0 : i32
          %dma_start3A_167 = tpu.memref_slice %arg14[%add3A_112, %dma_start3A_166] : memref<10240x16xf32, #tpu.memory_space<vmem_shared>> -> memref<128x16xf32, #tpu.memory_space<vmem_shared>>
          tpu.enqueue_dma source(%dma_start3A_167 : memref<128x16xf32, #tpu.memory_space<vmem_shared>>) target(%dma_start3A_165 : memref<128x16xf32, #tpu.memory_space<vmem>>) target_semaphore(%run_scoped3A_158 : memref<!tpu.dma_semaphore, #tpu.memory_space<semaphore_mem>>)
          %dma_wait3A = arith.constant 0 : i32
          %dma_wait3A_168 = arith.constant 0 : i32
          %dma_wait3A_169 = tpu.memref_slice %arg11[%dma_wait3A, %dma_wait3A_168] : memref<128x16xf32, #tpu.memory_space<vmem>> -> memref<128x16xf32, #tpu.memory_space<vmem>>
          %dma_wait3A_170 = arith.constant 0 : i32
          %dma_wait3A_171 = tpu.memref_slice %arg14[%add3A_112, %dma_wait3A_170] : memref<10240x16xf32, #tpu.memory_space<vmem_shared>> -> memref<128x16xf32, #tpu.memory_space<vmem_shared>>
          %dma_wait3A_172 = arith.constant 0 : i32
          %dma_wait3A_173 = arith.constant 0 : i32
          %dma_wait3A_174 = tpu.memref_slice %arg11[%dma_wait3A_172, %dma_wait3A_173] : memref<128x16xf32, #tpu.memory_space<vmem>> -> memref<128x16xf32, #tpu.memory_space<vmem>>
          %dma_wait3A_175 = arith.constant 0 : i32
          %dma_wait3A_176 = tpu.memref_slice %arg14[%add3A_112, %dma_wait3A_175] : memref<10240x16xf32, #tpu.memory_space<vmem_shared>> -> memref<128x16xf32, #tpu.memory_space<vmem_shared>>
          tpu.wait_dma2 semaphore(%run_scoped3A_158 : memref<!tpu.dma_semaphore, #tpu.memory_space<semaphore_mem>>) src(%dma_wait3A_176 : memref<128x16xf32, #tpu.memory_space<vmem_shared>>) dst(%dma_wait3A_174 : memref<128x16xf32, #tpu.memory_space<vmem>>)
          tpu.yield
        }) : () -> ()
        %scan3A_151 = arith.constant 0 : i32
        %scan3A_152 = arith.constant 0 : i32
        %scan3A_153 = arith.constant 128 : i32
        %scan3A_154 = arith.addi %scan3A_152, %scan3A_153 : i32
        %scan3A_155 = arith.constant 1 : i32
        %scan3A_156 = scf.for %scan3A_158 = %scan3A_152 to %scan3A_154 step %scan3A_155 iter_args(%scan3A_159 = %scan3A_151) -> (i32)  : i32 {
          %get3A = arith.index_cast %scan3A_158 : i32 to index
          %get3A_160 = arith.constant 0 : index
          %get3A_161 = tpu.vector_load %arg11[%get3A, %get3A_160] {strides = array<i32>} : memref<128x16xf32, #tpu.memory_space<vmem>>, vector<1x16xf32>,
          %get3A_162 = vector.shape_cast %get3A_161 : vector<1x16xf32> to vector<16xf32>
          %max3A = arith.constant 1.000000e+00 : f32
          %max3A_163 = vector.broadcast %max3A : f32 to vector<16xf32>
          %max3A_164 = arith.maximumf %get3A_162, %max3A_163 : vector<16xf32>
          %div3A = arith.constant 1.000000e+00 : f32
          %div3A_165 = vector.broadcast %div3A : f32 to vector<16xf32>
          %div3A_166 = arith.divf %div3A_165, %max3A_164 : vector<16xf32>
          %get3A_167 = arith.index_cast %scan3A_158 : i32 to index
          %get3A_168 = arith.constant 0 : index
          %get3A_169 = tpu.vector_load %arg10[%get3A_167, %get3A_168] {strides = array<i32>} : memref<128x64xf32, #tpu.memory_space<vmem>>, vector<1x16xf32>,
          %get3A_170 = vector.shape_cast %get3A_169 : vector<1x16xf32> to vector<16xf32>
          %mul3A_171 = arith.mulf %get3A_170, %div3A_166 : vector<16xf32>
          %swap3A = arith.index_cast %scan3A_158 : i32 to index
          %swap3A_172 = arith.constant 0 : index
          %swap3A_173 = tpu.vector_load %arg10[%swap3A, %swap3A_172] {strides = array<i32>} : memref<128x64xf32, #tpu.memory_space<vmem>>, vector<1x16xf32>,
          %swap3A_174 = vector.shape_cast %swap3A_173 : vector<1x16xf32> to vector<16xf32>
          %swap3A_175 = vector.shape_cast %mul3A_171 : vector<16xf32> to vector<1x16xf32>
          tpu.vector_store %arg10[%swap3A, %swap3A_172], %swap3A_175 {strides = array<i32>} : memref<128x64xf32, #tpu.memory_space<vmem>>, vector<1x16xf32>,
          %get3A_176 = arith.index_cast %scan3A_158 : i32 to index
          %get3A_177 = arith.constant 16 : index
          %get3A_178 = tpu.vector_load %arg10[%get3A_176, %get3A_177] {strides = array<i32>} : memref<128x64xf32, #tpu.memory_space<vmem>>, vector<1x16xf32>,
          %get3A_179 = vector.shape_cast %get3A_178 : vector<1x16xf32> to vector<16xf32>
          %mul3A_180 = arith.mulf %get3A_179, %div3A_166 : vector<16xf32>
          %swap3A_181 = arith.index_cast %scan3A_158 : i32 to index
          %swap3A_182 = arith.constant 16 : index
          %swap3A_183 = tpu.vector_load %arg10[%swap3A_181, %swap3A_182] {strides = array<i32>} : memref<128x64xf32, #tpu.memory_space<vmem>>, vector<1x16xf32>,
          %swap3A_184 = vector.shape_cast %swap3A_183 : vector<1x16xf32> to vector<16xf32>
          %swap3A_185 = vector.shape_cast %mul3A_180 : vector<16xf32> to vector<1x16xf32>
          tpu.vector_store %arg10[%swap3A_181, %swap3A_182], %swap3A_185 {strides = array<i32>} : memref<128x64xf32, #tpu.memory_space<vmem>>, vector<1x16xf32>,
          %get3A_186 = arith.index_cast %scan3A_158 : i32 to index
          %get3A_187 = arith.constant 32 : index
          %get3A_188 = tpu.vector_load %arg10[%get3A_186, %get3A_187] {strides = array<i32>} : memref<128x64xf32, #tpu.memory_space<vmem>>, vector<1x16xf32>,
          %get3A_189 = vector.shape_cast %get3A_188 : vector<1x16xf32> to vector<16xf32>
          %mul3A_190 = arith.mulf %get3A_189, %div3A_166 : vector<16xf32>
          %swap3A_191 = arith.index_cast %scan3A_158 : i32 to index
          %swap3A_192 = arith.constant 32 : index
          %swap3A_193 = tpu.vector_load %arg10[%swap3A_191, %swap3A_192] {strides = array<i32>} : memref<128x64xf32, #tpu.memory_space<vmem>>, vector<1x16xf32>,
          %swap3A_194 = vector.shape_cast %swap3A_193 : vector<1x16xf32> to vector<16xf32>
          %swap3A_195 = vector.shape_cast %mul3A_190 : vector<16xf32> to vector<1x16xf32>
          tpu.vector_store %arg10[%swap3A_191, %swap3A_192], %swap3A_195 {strides = array<i32>} : memref<128x64xf32, #tpu.memory_space<vmem>>, vector<1x16xf32>,
          %get3A_196 = arith.index_cast %scan3A_158 : i32 to index
          %get3A_197 = arith.constant 48 : index
          %get3A_198 = tpu.vector_load %arg10[%get3A_196, %get3A_197] {strides = array<i32>} : memref<128x64xf32, #tpu.memory_space<vmem>>, vector<1x16xf32>,
          %get3A_199 = vector.shape_cast %get3A_198 : vector<1x16xf32> to vector<16xf32>
          %mul3A_200 = arith.mulf %get3A_199, %div3A_166 : vector<16xf32>
          %swap3A_201 = arith.index_cast %scan3A_158 : i32 to index
          %swap3A_202 = arith.constant 48 : index
          %swap3A_203 = tpu.vector_load %arg10[%swap3A_201, %swap3A_202] {strides = array<i32>} : memref<128x64xf32, #tpu.memory_space<vmem>>, vector<1x16xf32>,
          %swap3A_204 = vector.shape_cast %swap3A_203 : vector<1x16xf32> to vector<16xf32>
          %swap3A_205 = vector.shape_cast %mul3A_200 : vector<16xf32> to vector<1x16xf32>
          tpu.vector_store %arg10[%swap3A_201, %swap3A_202], %swap3A_205 {strides = array<i32>} : memref<128x64xf32, #tpu.memory_space<vmem>>, vector<1x16xf32>,
          %scan3A_206 = arith.constant 0 : i32
          scf.yield %scan3A_206 : i32
        }
        %scan3A_157 = arith.constant 128 : i32
        "tpu.region"() ({
          %run_scoped3A_158 = tpu.sem_alloc : memref<!tpu.dma_semaphore, #tpu.memory_space<semaphore_mem>>
          %dma_start3A = arith.constant 0 : i32
          %dma_start3A_159 = arith.constant 0 : i32
          %dma_start3A_160 = tpu.memref_slice %arg10[%dma_start3A, %dma_start3A_159] : memref<128x64xf32, #tpu.memory_space<vmem>> -> memref<128x64xf32, #tpu.memory_space<vmem>>
          %dma_start3A_161 = arith.constant 0 : i32
          %dma_start3A_162 = tpu.memref_slice %arg5[%add3A_112, %dma_start3A_161] : memref<10000x128xf32, #tpu.memory_space<hbm>> -> memref<128x64xf32, #tpu.memory_space<hbm>>
          %dma_start3A_163 = arith.constant 0 : i32
          %dma_start3A_164 = tpu.memref_slice %arg5[%add3A_112, %dma_start3A_163] : memref<10000x128xf32, #tpu.memory_space<hbm>> -> memref<128x64xf32, #tpu.memory_space<hbm>>
          %dma_start3A_165 = arith.constant 0 : i32
          %dma_start3A_166 = arith.constant 0 : i32
          %dma_start3A_167 = tpu.memref_slice %arg10[%dma_start3A_165, %dma_start3A_166] : memref<128x64xf32, #tpu.memory_space<vmem>> -> memref<128x64xf32, #tpu.memory_space<vmem>>
          tpu.enqueue_dma source(%dma_start3A_167 : memref<128x64xf32, #tpu.memory_space<vmem>>) target(%dma_start3A_164 : memref<128x64xf32, #tpu.memory_space<hbm>>) target_semaphore(%run_scoped3A_158 : memref<!tpu.dma_semaphore, #tpu.memory_space<semaphore_mem>>)
          %dma_wait3A = arith.constant 0 : i32
          %dma_wait3A_168 = arith.constant 0 : i32
          %dma_wait3A_169 = tpu.memref_slice %arg10[%dma_wait3A, %dma_wait3A_168] : memref<128x64xf32, #tpu.memory_space<vmem>> -> memref<128x64xf32, #tpu.memory_space<vmem>>
          %dma_wait3A_170 = arith.constant 0 : i32
          %dma_wait3A_171 = tpu.memref_slice %arg5[%add3A_112, %dma_wait3A_170] : memref<10000x128xf32, #tpu.memory_space<hbm>> -> memref<128x64xf32, #tpu.memory_space<hbm>>
          %dma_wait3A_172 = arith.constant 0 : i32
          %dma_wait3A_173 = tpu.memref_slice %arg5[%add3A_112, %dma_wait3A_172] : memref<10000x128xf32, #tpu.memory_space<hbm>> -> memref<128x64xf32, #tpu.memory_space<hbm>>
          %dma_wait3A_174 = arith.constant 0 : i32
          %dma_wait3A_175 = arith.constant 0 : i32
          %dma_wait3A_176 = tpu.memref_slice %arg10[%dma_wait3A_174, %dma_wait3A_175] : memref<128x64xf32, #tpu.memory_space<vmem>> -> memref<128x64xf32, #tpu.memory_space<vmem>>
          tpu.wait_dma2 semaphore(%run_scoped3A_158 : memref<!tpu.dma_semaphore, #tpu.memory_space<semaphore_mem>>) src(%dma_wait3A_176 : memref<128x64xf32, #tpu.memory_space<vmem>>) dst(%dma_wait3A_173 : memref<128x64xf32, #tpu.memory_space<hbm>>)
          tpu.yield
        }) : () -> ()
      } else {
      }
      %lt3A_120 = arith.constant 10000 : i32
      %lt3A_121 = arith.cmpi slt, %add3A_112, %lt3A_120 : i32
      %add3A_122 = arith.constant 128 : i32
      %add3A_123 = arith.addi %add3A_112, %add3A_122 : i32
      %gt3A_124 = arith.constant 10000 : i32
      %gt3A_125 = arith.cmpi sgt, %add3A_123, %gt3A_124 : i32
      %and3A_126 = arith.andi %lt3A_121, %gt3A_125 : i1
      %convert_element_type3A_127 = arith.extui %and3A_126 : i1 to i32
      %cond3A_128 = arith.constant 0 : i32
      %cond3A_129 = arith.cmpi ne, %convert_element_type3A_127, %cond3A_128 : i32
      scf.if %cond3A_129 {
        "tpu.region"() ({
          %run_scoped3A_158 = tpu.sem_alloc : memref<!tpu.dma_semaphore, #tpu.memory_space<semaphore_mem>>
          %dma_start3A = arith.constant 0 : i32
          %dma_start3A_159 = arith.constant 0 : i32
          %dma_start3A_160 = tpu.memref_slice %arg10[%dma_start3A, %dma_start3A_159] : memref<128x64xf32, #tpu.memory_space<vmem>> -> memref<16x64xf32, #tpu.memory_space<vmem>>
          %dma_start3A_161 = arith.constant 0 : i32
          %dma_start3A_162 = tpu.memref_slice %arg13[%add3A_112, %dma_start3A_161] : memref<10240x64xf32, #tpu.memory_space<vmem_shared>> -> memref<16x64xf32, #tpu.memory_space<vmem_shared>>
          %dma_start3A_163 = arith.constant 0 : i32
          %dma_start3A_164 = arith.constant 0 : i32
          %dma_start3A_165 = tpu.memref_slice %arg10[%dma_start3A_163, %dma_start3A_164] : memref<128x64xf32, #tpu.memory_space<vmem>> -> memref<16x64xf32, #tpu.memory_space<vmem>>
          %dma_start3A_166 = arith.constant 0 : i32
          %dma_start3A_167 = tpu.memref_slice %arg13[%add3A_112, %dma_start3A_166] : memref<10240x64xf32, #tpu.memory_space<vmem_shared>> -> memref<16x64xf32, #tpu.memory_space<vmem_shared>>
          tpu.enqueue_dma source(%dma_start3A_167 : memref<16x64xf32, #tpu.memory_space<vmem_shared>>) target(%dma_start3A_165 : memref<16x64xf32, #tpu.memory_space<vmem>>) target_semaphore(%run_scoped3A_158 : memref<!tpu.dma_semaphore, #tpu.memory_space<semaphore_mem>>)
          %dma_wait3A = arith.constant 0 : i32
          %dma_wait3A_168 = arith.constant 0 : i32
          %dma_wait3A_169 = tpu.memref_slice %arg10[%dma_wait3A, %dma_wait3A_168] : memref<128x64xf32, #tpu.memory_space<vmem>> -> memref<16x64xf32, #tpu.memory_space<vmem>>
          %dma_wait3A_170 = arith.constant 0 : i32
          %dma_wait3A_171 = tpu.memref_slice %arg13[%add3A_112, %dma_wait3A_170] : memref<10240x64xf32, #tpu.memory_space<vmem_shared>> -> memref<16x64xf32, #tpu.memory_space<vmem_shared>>
          %dma_wait3A_172 = arith.constant 0 : i32
          %dma_wait3A_173 = arith.constant 0 : i32
          %dma_wait3A_174 = tpu.memref_slice %arg10[%dma_wait3A_172, %dma_wait3A_173] : memref<128x64xf32, #tpu.memory_space<vmem>> -> memref<16x64xf32, #tpu.memory_space<vmem>>
          %dma_wait3A_175 = arith.constant 0 : i32
          %dma_wait3A_176 = tpu.memref_slice %arg13[%add3A_112, %dma_wait3A_175] : memref<10240x64xf32, #tpu.memory_space<vmem_shared>> -> memref<16x64xf32, #tpu.memory_space<vmem_shared>>
          tpu.wait_dma2 semaphore(%run_scoped3A_158 : memref<!tpu.dma_semaphore, #tpu.memory_space<semaphore_mem>>) src(%dma_wait3A_176 : memref<16x64xf32, #tpu.memory_space<vmem_shared>>) dst(%dma_wait3A_174 : memref<16x64xf32, #tpu.memory_space<vmem>>)
          tpu.yield
        }) : () -> ()
        "tpu.region"() ({
          %run_scoped3A_158 = tpu.sem_alloc : memref<!tpu.dma_semaphore, #tpu.memory_space<semaphore_mem>>
          %dma_start3A = arith.constant 0 : i32
          %dma_start3A_159 = arith.constant 0 : i32
          %dma_start3A_160 = tpu.memref_slice %arg11[%dma_start3A, %dma_start3A_159] : memref<128x16xf32, #tpu.memory_space<vmem>> -> memref<16x16xf32, #tpu.memory_space<vmem>>
          %dma_start3A_161 = arith.constant 0 : i32
          %dma_start3A_162 = tpu.memref_slice %arg14[%add3A_112, %dma_start3A_161] : memref<10240x16xf32, #tpu.memory_space<vmem_shared>> -> memref<16x16xf32, #tpu.memory_space<vmem_shared>>
          %dma_start3A_163 = arith.constant 0 : i32
          %dma_start3A_164 = arith.constant 0 : i32
          %dma_start3A_165 = tpu.memref_slice %arg11[%dma_start3A_163, %dma_start3A_164] : memref<128x16xf32, #tpu.memory_space<vmem>> -> memref<16x16xf32, #tpu.memory_space<vmem>>
          %dma_start3A_166 = arith.constant 0 : i32
          %dma_start3A_167 = tpu.memref_slice %arg14[%add3A_112, %dma_start3A_166] : memref<10240x16xf32, #tpu.memory_space<vmem_shared>> -> memref<16x16xf32, #tpu.memory_space<vmem_shared>>
          tpu.enqueue_dma source(%dma_start3A_167 : memref<16x16xf32, #tpu.memory_space<vmem_shared>>) target(%dma_start3A_165 : memref<16x16xf32, #tpu.memory_space<vmem>>) target_semaphore(%run_scoped3A_158 : memref<!tpu.dma_semaphore, #tpu.memory_space<semaphore_mem>>)
          %dma_wait3A = arith.constant 0 : i32
          %dma_wait3A_168 = arith.constant 0 : i32
          %dma_wait3A_169 = tpu.memref_slice %arg11[%dma_wait3A, %dma_wait3A_168] : memref<128x16xf32, #tpu.memory_space<vmem>> -> memref<16x16xf32, #tpu.memory_space<vmem>>
          %dma_wait3A_170 = arith.constant 0 : i32
          %dma_wait3A_171 = tpu.memref_slice %arg14[%add3A_112, %dma_wait3A_170] : memref<10240x16xf32, #tpu.memory_space<vmem_shared>> -> memref<16x16xf32, #tpu.memory_space<vmem_shared>>
          %dma_wait3A_172 = arith.constant 0 : i32
          %dma_wait3A_173 = arith.constant 0 : i32
          %dma_wait3A_174 = tpu.memref_slice %arg11[%dma_wait3A_172, %dma_wait3A_173] : memref<128x16xf32, #tpu.memory_space<vmem>> -> memref<16x16xf32, #tpu.memory_space<vmem>>
          %dma_wait3A_175 = arith.constant 0 : i32
          %dma_wait3A_176 = tpu.memref_slice %arg14[%add3A_112, %dma_wait3A_175] : memref<10240x16xf32, #tpu.memory_space<vmem_shared>> -> memref<16x16xf32, #tpu.memory_space<vmem_shared>>
          tpu.wait_dma2 semaphore(%run_scoped3A_158 : memref<!tpu.dma_semaphore, #tpu.memory_space<semaphore_mem>>) src(%dma_wait3A_176 : memref<16x16xf32, #tpu.memory_space<vmem_shared>>) dst(%dma_wait3A_174 : memref<16x16xf32, #tpu.memory_space<vmem>>)
          tpu.yield
        }) : () -> ()
        %scan3A_151 = arith.constant 0 : i32
        %scan3A_152 = arith.constant 0 : i32
        %scan3A_153 = arith.constant 16 : i32
        %scan3A_154 = arith.addi %scan3A_152, %scan3A_153 : i32
        %scan3A_155 = arith.constant 1 : i32
        %scan3A_156 = scf.for %scan3A_158 = %scan3A_152 to %scan3A_154 step %scan3A_155 iter_args(%scan3A_159 = %scan3A_151) -> (i32)  : i32 {
          %get3A = arith.index_cast %scan3A_158 : i32 to index
          %get3A_160 = arith.constant 0 : index
          %get3A_161 = tpu.vector_load %arg11[%get3A, %get3A_160] {strides = array<i32>} : memref<128x16xf32, #tpu.memory_space<vmem>>, vector<1x16xf32>,
          %get3A_162 = vector.shape_cast %get3A_161 : vector<1x16xf32> to vector<16xf32>
          %max3A = arith.constant 1.000000e+00 : f32
          %max3A_163 = vector.broadcast %max3A : f32 to vector<16xf32>
          %max3A_164 = arith.maximumf %get3A_162, %max3A_163 : vector<16xf32>
          %div3A = arith.constant 1.000000e+00 : f32
          %div3A_165 = vector.broadcast %div3A : f32 to vector<16xf32>
          %div3A_166 = arith.divf %div3A_165, %max3A_164 : vector<16xf32>
          %get3A_167 = arith.index_cast %scan3A_158 : i32 to index
          %get3A_168 = arith.constant 0 : index
          %get3A_169 = tpu.vector_load %arg10[%get3A_167, %get3A_168] {strides = array<i32>} : memref<128x64xf32, #tpu.memory_space<vmem>>, vector<1x16xf32>,
          %get3A_170 = vector.shape_cast %get3A_169 : vector<1x16xf32> to vector<16xf32>
          %mul3A_171 = arith.mulf %get3A_170, %div3A_166 : vector<16xf32>
          %swap3A = arith.index_cast %scan3A_158 : i32 to index
          %swap3A_172 = arith.constant 0 : index
          %swap3A_173 = tpu.vector_load %arg10[%swap3A, %swap3A_172] {strides = array<i32>} : memref<128x64xf32, #tpu.memory_space<vmem>>, vector<1x16xf32>,
          %swap3A_174 = vector.shape_cast %swap3A_173 : vector<1x16xf32> to vector<16xf32>
          %swap3A_175 = vector.shape_cast %mul3A_171 : vector<16xf32> to vector<1x16xf32>
          tpu.vector_store %arg10[%swap3A, %swap3A_172], %swap3A_175 {strides = array<i32>} : memref<128x64xf32, #tpu.memory_space<vmem>>, vector<1x16xf32>,
          %get3A_176 = arith.index_cast %scan3A_158 : i32 to index
          %get3A_177 = arith.constant 16 : index
          %get3A_178 = tpu.vector_load %arg10[%get3A_176, %get3A_177] {strides = array<i32>} : memref<128x64xf32, #tpu.memory_space<vmem>>, vector<1x16xf32>,
          %get3A_179 = vector.shape_cast %get3A_178 : vector<1x16xf32> to vector<16xf32>
          %mul3A_180 = arith.mulf %get3A_179, %div3A_166 : vector<16xf32>
          %swap3A_181 = arith.index_cast %scan3A_158 : i32 to index
          %swap3A_182 = arith.constant 16 : index
          %swap3A_183 = tpu.vector_load %arg10[%swap3A_181, %swap3A_182] {strides = array<i32>} : memref<128x64xf32, #tpu.memory_space<vmem>>, vector<1x16xf32>,
          %swap3A_184 = vector.shape_cast %swap3A_183 : vector<1x16xf32> to vector<16xf32>
          %swap3A_185 = vector.shape_cast %mul3A_180 : vector<16xf32> to vector<1x16xf32>
          tpu.vector_store %arg10[%swap3A_181, %swap3A_182], %swap3A_185 {strides = array<i32>} : memref<128x64xf32, #tpu.memory_space<vmem>>, vector<1x16xf32>,
          %get3A_186 = arith.index_cast %scan3A_158 : i32 to index
          %get3A_187 = arith.constant 32 : index
          %get3A_188 = tpu.vector_load %arg10[%get3A_186, %get3A_187] {strides = array<i32>} : memref<128x64xf32, #tpu.memory_space<vmem>>, vector<1x16xf32>,
          %get3A_189 = vector.shape_cast %get3A_188 : vector<1x16xf32> to vector<16xf32>
          %mul3A_190 = arith.mulf %get3A_189, %div3A_166 : vector<16xf32>
          %swap3A_191 = arith.index_cast %scan3A_158 : i32 to index
          %swap3A_192 = arith.constant 32 : index
          %swap3A_193 = tpu.vector_load %arg10[%swap3A_191, %swap3A_192] {strides = array<i32>} : memref<128x64xf32, #tpu.memory_space<vmem>>, vector<1x16xf32>,
          %swap3A_194 = vector.shape_cast %swap3A_193 : vector<1x16xf32> to vector<16xf32>
          %swap3A_195 = vector.shape_cast %mul3A_190 : vector<16xf32> to vector<1x16xf32>
          tpu.vector_store %arg10[%swap3A_191, %swap3A_192], %swap3A_195 {strides = array<i32>} : memref<128x64xf32, #tpu.memory_space<vmem>>, vector<1x16xf32>,
          %get3A_196 = arith.index_cast %scan3A_158 : i32 to index
          %get3A_197 = arith.constant 48 : index
          %get3A_198 = tpu.vector_load %arg10[%get3A_196, %get3A_197] {strides = array<i32>} : memref<128x64xf32, #tpu.memory_space<vmem>>, vector<1x16xf32>,
          %get3A_199 = vector.shape_cast %get3A_198 : vector<1x16xf32> to vector<16xf32>
          %mul3A_200 = arith.mulf %get3A_199, %div3A_166 : vector<16xf32>
          %swap3A_201 = arith.index_cast %scan3A_158 : i32 to index
          %swap3A_202 = arith.constant 48 : index
          %swap3A_203 = tpu.vector_load %arg10[%swap3A_201, %swap3A_202] {strides = array<i32>} : memref<128x64xf32, #tpu.memory_space<vmem>>, vector<1x16xf32>,
          %swap3A_204 = vector.shape_cast %swap3A_203 : vector<1x16xf32> to vector<16xf32>
          %swap3A_205 = vector.shape_cast %mul3A_200 : vector<16xf32> to vector<1x16xf32>
          tpu.vector_store %arg10[%swap3A_201, %swap3A_202], %swap3A_205 {strides = array<i32>} : memref<128x64xf32, #tpu.memory_space<vmem>>, vector<1x16xf32>,
          %scan3A_206 = arith.constant 0 : i32
          scf.yield %scan3A_206 : i32
        }
        %scan3A_157 = arith.constant 16 : i32
        "tpu.region"() ({
          %run_scoped3A_158 = tpu.sem_alloc : memref<!tpu.dma_semaphore, #tpu.memory_space<semaphore_mem>>
          %dma_start3A = arith.constant 0 : i32
          %dma_start3A_159 = arith.constant 0 : i32
          %dma_start3A_160 = tpu.memref_slice %arg10[%dma_start3A, %dma_start3A_159] : memref<128x64xf32, #tpu.memory_space<vmem>> -> memref<16x64xf32, #tpu.memory_space<vmem>>
          %dma_start3A_161 = arith.constant 0 : i32
          %dma_start3A_162 = tpu.memref_slice %arg5[%add3A_112, %dma_start3A_161] : memref<10000x128xf32, #tpu.memory_space<hbm>> -> memref<16x64xf32, #tpu.memory_space<hbm>>
          %dma_start3A_163 = arith.constant 0 : i32
          %dma_start3A_164 = tpu.memref_slice %arg5[%add3A_112, %dma_start3A_163] : memref<10000x128xf32, #tpu.memory_space<hbm>> -> memref<16x64xf32, #tpu.memory_space<hbm>>
          %dma_start3A_165 = arith.constant 0 : i32
          %dma_start3A_166 = arith.constant 0 : i32
          %dma_start3A_167 = tpu.memref_slice %arg10[%dma_start3A_165, %dma_start3A_166] : memref<128x64xf32, #tpu.memory_space<vmem>> -> memref<16x64xf32, #tpu.memory_space<vmem>>
          tpu.enqueue_dma source(%dma_start3A_167 : memref<16x64xf32, #tpu.memory_space<vmem>>) target(%dma_start3A_164 : memref<16x64xf32, #tpu.memory_space<hbm>>) target_semaphore(%run_scoped3A_158 : memref<!tpu.dma_semaphore, #tpu.memory_space<semaphore_mem>>)
          %dma_wait3A = arith.constant 0 : i32
          %dma_wait3A_168 = arith.constant 0 : i32
          %dma_wait3A_169 = tpu.memref_slice %arg10[%dma_wait3A, %dma_wait3A_168] : memref<128x64xf32, #tpu.memory_space<vmem>> -> memref<16x64xf32, #tpu.memory_space<vmem>>
          %dma_wait3A_170 = arith.constant 0 : i32
          %dma_wait3A_171 = tpu.memref_slice %arg5[%add3A_112, %dma_wait3A_170] : memref<10000x128xf32, #tpu.memory_space<hbm>> -> memref<16x64xf32, #tpu.memory_space<hbm>>
          %dma_wait3A_172 = arith.constant 0 : i32
          %dma_wait3A_173 = tpu.memref_slice %arg5[%add3A_112, %dma_wait3A_172] : memref<10000x128xf32, #tpu.memory_space<hbm>> -> memref<16x64xf32, #tpu.memory_space<hbm>>
          %dma_wait3A_174 = arith.constant 0 : i32
          %dma_wait3A_175 = arith.constant 0 : i32
          %dma_wait3A_176 = tpu.memref_slice %arg10[%dma_wait3A_174, %dma_wait3A_175] : memref<128x64xf32, #tpu.memory_space<vmem>> -> memref<16x64xf32, #tpu.memory_space<vmem>>
          tpu.wait_dma2 semaphore(%run_scoped3A_158 : memref<!tpu.dma_semaphore, #tpu.memory_space<semaphore_mem>>) src(%dma_wait3A_176 : memref<16x64xf32, #tpu.memory_space<vmem>>) dst(%dma_wait3A_173 : memref<16x64xf32, #tpu.memory_space<hbm>>)
          tpu.yield
        }) : () -> ()
      } else {
      }
      %mul3A_130 = arith.constant 640 : i32
      %mul3A_131 = arith.muli %arg1, %mul3A_130 : i32
      %add3A_132 = arith.constant 512 : i32
      %add3A_133 = arith.addi %mul3A_131, %add3A_132 : i32
      %add3A_134 = arith.constant 128 : i32
      %add3A_135 = arith.addi %add3A_133, %add3A_134 : i32
      %le3A_136 = arith.constant 10000 : i32
      %le3A_137 = arith.cmpi sle, %add3A_135, %le3A_136 : i32
      %convert_element_type3A_138 = arith.extui %le3A_137 : i1 to i32
      %cond3A_139 = arith.constant 0 : i32
      %cond3A_140 = arith.cmpi ne, %convert_element_type3A_138, %cond3A_139 : i32
      scf.if %cond3A_140 {
        "tpu.region"() ({
          %run_scoped3A_158 = tpu.sem_alloc : memref<!tpu.dma_semaphore, #tpu.memory_space<semaphore_mem>>
          %dma_start3A = arith.constant 0 : i32
          %dma_start3A_159 = arith.constant 0 : i32
          %dma_start3A_160 = tpu.memref_slice %arg10[%dma_start3A, %dma_start3A_159] : memref<128x64xf32, #tpu.memory_space<vmem>> -> memref<128x64xf32, #tpu.memory_space<vmem>>
          %dma_start3A_161 = arith.constant 0 : i32
          %dma_start3A_162 = tpu.memref_slice %arg13[%add3A_133, %dma_start3A_161] : memref<10240x64xf32, #tpu.memory_space<vmem_shared>> -> memref<128x64xf32, #tpu.memory_space<vmem_shared>>
          %dma_start3A_163 = arith.constant 0 : i32
          %dma_start3A_164 = arith.constant 0 : i32
          %dma_start3A_165 = tpu.memref_slice %arg10[%dma_start3A_163, %dma_start3A_164] : memref<128x64xf32, #tpu.memory_space<vmem>> -> memref<128x64xf32, #tpu.memory_space<vmem>>
          %dma_start3A_166 = arith.constant 0 : i32
          %dma_start3A_167 = tpu.memref_slice %arg13[%add3A_133, %dma_start3A_166] : memref<10240x64xf32, #tpu.memory_space<vmem_shared>> -> memref<128x64xf32, #tpu.memory_space<vmem_shared>>
          tpu.enqueue_dma source(%dma_start3A_167 : memref<128x64xf32, #tpu.memory_space<vmem_shared>>) target(%dma_start3A_165 : memref<128x64xf32, #tpu.memory_space<vmem>>) target_semaphore(%run_scoped3A_158 : memref<!tpu.dma_semaphore, #tpu.memory_space<semaphore_mem>>)
          %dma_wait3A = arith.constant 0 : i32
          %dma_wait3A_168 = arith.constant 0 : i32
          %dma_wait3A_169 = tpu.memref_slice %arg10[%dma_wait3A, %dma_wait3A_168] : memref<128x64xf32, #tpu.memory_space<vmem>> -> memref<128x64xf32, #tpu.memory_space<vmem>>
          %dma_wait3A_170 = arith.constant 0 : i32
          %dma_wait3A_171 = tpu.memref_slice %arg13[%add3A_133, %dma_wait3A_170] : memref<10240x64xf32, #tpu.memory_space<vmem_shared>> -> memref<128x64xf32, #tpu.memory_space<vmem_shared>>
          %dma_wait3A_172 = arith.constant 0 : i32
          %dma_wait3A_173 = arith.constant 0 : i32
          %dma_wait3A_174 = tpu.memref_slice %arg10[%dma_wait3A_172, %dma_wait3A_173] : memref<128x64xf32, #tpu.memory_space<vmem>> -> memref<128x64xf32, #tpu.memory_space<vmem>>
          %dma_wait3A_175 = arith.constant 0 : i32
          %dma_wait3A_176 = tpu.memref_slice %arg13[%add3A_133, %dma_wait3A_175] : memref<10240x64xf32, #tpu.memory_space<vmem_shared>> -> memref<128x64xf32, #tpu.memory_space<vmem_shared>>
          tpu.wait_dma2 semaphore(%run_scoped3A_158 : memref<!tpu.dma_semaphore, #tpu.memory_space<semaphore_mem>>) src(%dma_wait3A_176 : memref<128x64xf32, #tpu.memory_space<vmem_shared>>) dst(%dma_wait3A_174 : memref<128x64xf32, #tpu.memory_space<vmem>>)
          tpu.yield
        }) : () -> ()
        "tpu.region"() ({
          %run_scoped3A_158 = tpu.sem_alloc : memref<!tpu.dma_semaphore, #tpu.memory_space<semaphore_mem>>
          %dma_start3A = arith.constant 0 : i32
          %dma_start3A_159 = arith.constant 0 : i32
          %dma_start3A_160 = tpu.memref_slice %arg11[%dma_start3A, %dma_start3A_159] : memref<128x16xf32, #tpu.memory_space<vmem>> -> memref<128x16xf32, #tpu.memory_space<vmem>>
          %dma_start3A_161 = arith.constant 0 : i32
          %dma_start3A_162 = tpu.memref_slice %arg14[%add3A_133, %dma_start3A_161] : memref<10240x16xf32, #tpu.memory_space<vmem_shared>> -> memref<128x16xf32, #tpu.memory_space<vmem_shared>>
          %dma_start3A_163 = arith.constant 0 : i32
          %dma_start3A_164 = arith.constant 0 : i32
          %dma_start3A_165 = tpu.memref_slice %arg11[%dma_start3A_163, %dma_start3A_164] : memref<128x16xf32, #tpu.memory_space<vmem>> -> memref<128x16xf32, #tpu.memory_space<vmem>>
          %dma_start3A_166 = arith.constant 0 : i32
          %dma_start3A_167 = tpu.memref_slice %arg14[%add3A_133, %dma_start3A_166] : memref<10240x16xf32, #tpu.memory_space<vmem_shared>> -> memref<128x16xf32, #tpu.memory_space<vmem_shared>>
          tpu.enqueue_dma source(%dma_start3A_167 : memref<128x16xf32, #tpu.memory_space<vmem_shared>>) target(%dma_start3A_165 : memref<128x16xf32, #tpu.memory_space<vmem>>) target_semaphore(%run_scoped3A_158 : memref<!tpu.dma_semaphore, #tpu.memory_space<semaphore_mem>>)
          %dma_wait3A = arith.constant 0 : i32
          %dma_wait3A_168 = arith.constant 0 : i32
          %dma_wait3A_169 = tpu.memref_slice %arg11[%dma_wait3A, %dma_wait3A_168] : memref<128x16xf32, #tpu.memory_space<vmem>> -> memref<128x16xf32, #tpu.memory_space<vmem>>
          %dma_wait3A_170 = arith.constant 0 : i32
          %dma_wait3A_171 = tpu.memref_slice %arg14[%add3A_133, %dma_wait3A_170] : memref<10240x16xf32, #tpu.memory_space<vmem_shared>> -> memref<128x16xf32, #tpu.memory_space<vmem_shared>>
          %dma_wait3A_172 = arith.constant 0 : i32
          %dma_wait3A_173 = arith.constant 0 : i32
          %dma_wait3A_174 = tpu.memref_slice %arg11[%dma_wait3A_172, %dma_wait3A_173] : memref<128x16xf32, #tpu.memory_space<vmem>> -> memref<128x16xf32, #tpu.memory_space<vmem>>
          %dma_wait3A_175 = arith.constant 0 : i32
          %dma_wait3A_176 = tpu.memref_slice %arg14[%add3A_133, %dma_wait3A_175] : memref<10240x16xf32, #tpu.memory_space<vmem_shared>> -> memref<128x16xf32, #tpu.memory_space<vmem_shared>>
          tpu.wait_dma2 semaphore(%run_scoped3A_158 : memref<!tpu.dma_semaphore, #tpu.memory_space<semaphore_mem>>) src(%dma_wait3A_176 : memref<128x16xf32, #tpu.memory_space<vmem_shared>>) dst(%dma_wait3A_174 : memref<128x16xf32, #tpu.memory_space<vmem>>)
          tpu.yield
        }) : () -> ()
        %scan3A_151 = arith.constant 0 : i32
        %scan3A_152 = arith.constant 0 : i32
        %scan3A_153 = arith.constant 128 : i32
        %scan3A_154 = arith.addi %scan3A_152, %scan3A_153 : i32
        %scan3A_155 = arith.constant 1 : i32
        %scan3A_156 = scf.for %scan3A_158 = %scan3A_152 to %scan3A_154 step %scan3A_155 iter_args(%scan3A_159 = %scan3A_151) -> (i32)  : i32 {
          %get3A = arith.index_cast %scan3A_158 : i32 to index
          %get3A_160 = arith.constant 0 : index
          %get3A_161 = tpu.vector_load %arg11[%get3A, %get3A_160] {strides = array<i32>} : memref<128x16xf32, #tpu.memory_space<vmem>>, vector<1x16xf32>,
          %get3A_162 = vector.shape_cast %get3A_161 : vector<1x16xf32> to vector<16xf32>
          %max3A = arith.constant 1.000000e+00 : f32
          %max3A_163 = vector.broadcast %max3A : f32 to vector<16xf32>
          %max3A_164 = arith.maximumf %get3A_162, %max3A_163 : vector<16xf32>
          %div3A = arith.constant 1.000000e+00 : f32
          %div3A_165 = vector.broadcast %div3A : f32 to vector<16xf32>
          %div3A_166 = arith.divf %div3A_165, %max3A_164 : vector<16xf32>
          %get3A_167 = arith.index_cast %scan3A_158 : i32 to index
          %get3A_168 = arith.constant 0 : index
          %get3A_169 = tpu.vector_load %arg10[%get3A_167, %get3A_168] {strides = array<i32>} : memref<128x64xf32, #tpu.memory_space<vmem>>, vector<1x16xf32>,
          %get3A_170 = vector.shape_cast %get3A_169 : vector<1x16xf32> to vector<16xf32>
          %mul3A_171 = arith.mulf %get3A_170, %div3A_166 : vector<16xf32>
          %swap3A = arith.index_cast %scan3A_158 : i32 to index
          %swap3A_172 = arith.constant 0 : index
          %swap3A_173 = tpu.vector_load %arg10[%swap3A, %swap3A_172] {strides = array<i32>} : memref<128x64xf32, #tpu.memory_space<vmem>>, vector<1x16xf32>,
          %swap3A_174 = vector.shape_cast %swap3A_173 : vector<1x16xf32> to vector<16xf32>
          %swap3A_175 = vector.shape_cast %mul3A_171 : vector<16xf32> to vector<1x16xf32>
          tpu.vector_store %arg10[%swap3A, %swap3A_172], %swap3A_175 {strides = array<i32>} : memref<128x64xf32, #tpu.memory_space<vmem>>, vector<1x16xf32>,
          %get3A_176 = arith.index_cast %scan3A_158 : i32 to index
          %get3A_177 = arith.constant 16 : index
          %get3A_178 = tpu.vector_load %arg10[%get3A_176, %get3A_177] {strides = array<i32>} : memref<128x64xf32, #tpu.memory_space<vmem>>, vector<1x16xf32>,
          %get3A_179 = vector.shape_cast %get3A_178 : vector<1x16xf32> to vector<16xf32>
          %mul3A_180 = arith.mulf %get3A_179, %div3A_166 : vector<16xf32>
          %swap3A_181 = arith.index_cast %scan3A_158 : i32 to index
          %swap3A_182 = arith.constant 16 : index
          %swap3A_183 = tpu.vector_load %arg10[%swap3A_181, %swap3A_182] {strides = array<i32>} : memref<128x64xf32, #tpu.memory_space<vmem>>, vector<1x16xf32>,
          %swap3A_184 = vector.shape_cast %swap3A_183 : vector<1x16xf32> to vector<16xf32>
          %swap3A_185 = vector.shape_cast %mul3A_180 : vector<16xf32> to vector<1x16xf32>
          tpu.vector_store %arg10[%swap3A_181, %swap3A_182], %swap3A_185 {strides = array<i32>} : memref<128x64xf32, #tpu.memory_space<vmem>>, vector<1x16xf32>,
          %get3A_186 = arith.index_cast %scan3A_158 : i32 to index
          %get3A_187 = arith.constant 32 : index
          %get3A_188 = tpu.vector_load %arg10[%get3A_186, %get3A_187] {strides = array<i32>} : memref<128x64xf32, #tpu.memory_space<vmem>>, vector<1x16xf32>,
          %get3A_189 = vector.shape_cast %get3A_188 : vector<1x16xf32> to vector<16xf32>
          %mul3A_190 = arith.mulf %get3A_189, %div3A_166 : vector<16xf32>
          %swap3A_191 = arith.index_cast %scan3A_158 : i32 to index
          %swap3A_192 = arith.constant 32 : index
          %swap3A_193 = tpu.vector_load %arg10[%swap3A_191, %swap3A_192] {strides = array<i32>} : memref<128x64xf32, #tpu.memory_space<vmem>>, vector<1x16xf32>,
          %swap3A_194 = vector.shape_cast %swap3A_193 : vector<1x16xf32> to vector<16xf32>
          %swap3A_195 = vector.shape_cast %mul3A_190 : vector<16xf32> to vector<1x16xf32>
          tpu.vector_store %arg10[%swap3A_191, %swap3A_192], %swap3A_195 {strides = array<i32>} : memref<128x64xf32, #tpu.memory_space<vmem>>, vector<1x16xf32>,
          %get3A_196 = arith.index_cast %scan3A_158 : i32 to index
          %get3A_197 = arith.constant 48 : index
          %get3A_198 = tpu.vector_load %arg10[%get3A_196, %get3A_197] {strides = array<i32>} : memref<128x64xf32, #tpu.memory_space<vmem>>, vector<1x16xf32>,
          %get3A_199 = vector.shape_cast %get3A_198 : vector<1x16xf32> to vector<16xf32>
          %mul3A_200 = arith.mulf %get3A_199, %div3A_166 : vector<16xf32>
          %swap3A_201 = arith.index_cast %scan3A_158 : i32 to index
          %swap3A_202 = arith.constant 48 : index
          %swap3A_203 = tpu.vector_load %arg10[%swap3A_201, %swap3A_202] {strides = array<i32>} : memref<128x64xf32, #tpu.memory_space<vmem>>, vector<1x16xf32>,
          %swap3A_204 = vector.shape_cast %swap3A_203 : vector<1x16xf32> to vector<16xf32>
          %swap3A_205 = vector.shape_cast %mul3A_200 : vector<16xf32> to vector<1x16xf32>
          tpu.vector_store %arg10[%swap3A_201, %swap3A_202], %swap3A_205 {strides = array<i32>} : memref<128x64xf32, #tpu.memory_space<vmem>>, vector<1x16xf32>,
          %scan3A_206 = arith.constant 0 : i32
          scf.yield %scan3A_206 : i32
        }
        %scan3A_157 = arith.constant 128 : i32
        "tpu.region"() ({
          %run_scoped3A_158 = tpu.sem_alloc : memref<!tpu.dma_semaphore, #tpu.memory_space<semaphore_mem>>
          %dma_start3A = arith.constant 0 : i32
          %dma_start3A_159 = arith.constant 0 : i32
          %dma_start3A_160 = tpu.memref_slice %arg10[%dma_start3A, %dma_start3A_159] : memref<128x64xf32, #tpu.memory_space<vmem>> -> memref<128x64xf32, #tpu.memory_space<vmem>>
          %dma_start3A_161 = arith.constant 0 : i32
          %dma_start3A_162 = tpu.memref_slice %arg5[%add3A_133, %dma_start3A_161] : memref<10000x128xf32, #tpu.memory_space<hbm>> -> memref<128x64xf32, #tpu.memory_space<hbm>>
          %dma_start3A_163 = arith.constant 0 : i32
          %dma_start3A_164 = tpu.memref_slice %arg5[%add3A_133, %dma_start3A_163] : memref<10000x128xf32, #tpu.memory_space<hbm>> -> memref<128x64xf32, #tpu.memory_space<hbm>>
          %dma_start3A_165 = arith.constant 0 : i32
          %dma_start3A_166 = arith.constant 0 : i32
          %dma_start3A_167 = tpu.memref_slice %arg10[%dma_start3A_165, %dma_start3A_166] : memref<128x64xf32, #tpu.memory_space<vmem>> -> memref<128x64xf32, #tpu.memory_space<vmem>>
          tpu.enqueue_dma source(%dma_start3A_167 : memref<128x64xf32, #tpu.memory_space<vmem>>) target(%dma_start3A_164 : memref<128x64xf32, #tpu.memory_space<hbm>>) target_semaphore(%run_scoped3A_158 : memref<!tpu.dma_semaphore, #tpu.memory_space<semaphore_mem>>)
          %dma_wait3A = arith.constant 0 : i32
          %dma_wait3A_168 = arith.constant 0 : i32
          %dma_wait3A_169 = tpu.memref_slice %arg10[%dma_wait3A, %dma_wait3A_168] : memref<128x64xf32, #tpu.memory_space<vmem>> -> memref<128x64xf32, #tpu.memory_space<vmem>>
          %dma_wait3A_170 = arith.constant 0 : i32
          %dma_wait3A_171 = tpu.memref_slice %arg5[%add3A_133, %dma_wait3A_170] : memref<10000x128xf32, #tpu.memory_space<hbm>> -> memref<128x64xf32, #tpu.memory_space<hbm>>
          %dma_wait3A_172 = arith.constant 0 : i32
          %dma_wait3A_173 = tpu.memref_slice %arg5[%add3A_133, %dma_wait3A_172] : memref<10000x128xf32, #tpu.memory_space<hbm>> -> memref<128x64xf32, #tpu.memory_space<hbm>>
          %dma_wait3A_174 = arith.constant 0 : i32
          %dma_wait3A_175 = arith.constant 0 : i32
          %dma_wait3A_176 = tpu.memref_slice %arg10[%dma_wait3A_174, %dma_wait3A_175] : memref<128x64xf32, #tpu.memory_space<vmem>> -> memref<128x64xf32, #tpu.memory_space<vmem>>
          tpu.wait_dma2 semaphore(%run_scoped3A_158 : memref<!tpu.dma_semaphore, #tpu.memory_space<semaphore_mem>>) src(%dma_wait3A_176 : memref<128x64xf32, #tpu.memory_space<vmem>>) dst(%dma_wait3A_173 : memref<128x64xf32, #tpu.memory_space<hbm>>)
          tpu.yield
        }) : () -> ()
      } else {
      }
      %lt3A_141 = arith.constant 10000 : i32
      %lt3A_142 = arith.cmpi slt, %add3A_133, %lt3A_141 : i32
      %add3A_143 = arith.constant 128 : i32
      %add3A_144 = arith.addi %add3A_133, %add3A_143 : i32
      %gt3A_145 = arith.constant 10000 : i32
      %gt3A_146 = arith.cmpi sgt, %add3A_144, %gt3A_145 : i32
      %and3A_147 = arith.andi %lt3A_142, %gt3A_146 : i1
      %convert_element_type3A_148 = arith.extui %and3A_147 : i1 to i32
      %cond3A_149 = arith.constant 0 : i32
      %cond3A_150 = arith.cmpi ne, %convert_element_type3A_148, %cond3A_149 : i32
      scf.if %cond3A_150 {
        "tpu.region"() ({
          %run_scoped3A_158 = tpu.sem_alloc : memref<!tpu.dma_semaphore, #tpu.memory_space<semaphore_mem>>
          %dma_start3A = arith.constant 0 : i32
          %dma_start3A_159 = arith.constant 0 : i32
          %dma_start3A_160 = tpu.memref_slice %arg10[%dma_start3A, %dma_start3A_159] : memref<128x64xf32, #tpu.memory_space<vmem>> -> memref<16x64xf32, #tpu.memory_space<vmem>>
          %dma_start3A_161 = arith.constant 0 : i32
          %dma_start3A_162 = tpu.memref_slice %arg13[%add3A_133, %dma_start3A_161] : memref<10240x64xf32, #tpu.memory_space<vmem_shared>> -> memref<16x64xf32, #tpu.memory_space<vmem_shared>>
          %dma_start3A_163 = arith.constant 0 : i32
          %dma_start3A_164 = arith.constant 0 : i32
          %dma_start3A_165 = tpu.memref_slice %arg10[%dma_start3A_163, %dma_start3A_164] : memref<128x64xf32, #tpu.memory_space<vmem>> -> memref<16x64xf32, #tpu.memory_space<vmem>>
          %dma_start3A_166 = arith.constant 0 : i32
          %dma_start3A_167 = tpu.memref_slice %arg13[%add3A_133, %dma_start3A_166] : memref<10240x64xf32, #tpu.memory_space<vmem_shared>> -> memref<16x64xf32, #tpu.memory_space<vmem_shared>>
          tpu.enqueue_dma source(%dma_start3A_167 : memref<16x64xf32, #tpu.memory_space<vmem_shared>>) target(%dma_start3A_165 : memref<16x64xf32, #tpu.memory_space<vmem>>) target_semaphore(%run_scoped3A_158 : memref<!tpu.dma_semaphore, #tpu.memory_space<semaphore_mem>>)
          %dma_wait3A = arith.constant 0 : i32
          %dma_wait3A_168 = arith.constant 0 : i32
          %dma_wait3A_169 = tpu.memref_slice %arg10[%dma_wait3A, %dma_wait3A_168] : memref<128x64xf32, #tpu.memory_space<vmem>> -> memref<16x64xf32, #tpu.memory_space<vmem>>
          %dma_wait3A_170 = arith.constant 0 : i32
          %dma_wait3A_171 = tpu.memref_slice %arg13[%add3A_133, %dma_wait3A_170] : memref<10240x64xf32, #tpu.memory_space<vmem_shared>> -> memref<16x64xf32, #tpu.memory_space<vmem_shared>>
          %dma_wait3A_172 = arith.constant 0 : i32
          %dma_wait3A_173 = arith.constant 0 : i32
          %dma_wait3A_174 = tpu.memref_slice %arg10[%dma_wait3A_172, %dma_wait3A_173] : memref<128x64xf32, #tpu.memory_space<vmem>> -> memref<16x64xf32, #tpu.memory_space<vmem>>
          %dma_wait3A_175 = arith.constant 0 : i32
          %dma_wait3A_176 = tpu.memref_slice %arg13[%add3A_133, %dma_wait3A_175] : memref<10240x64xf32, #tpu.memory_space<vmem_shared>> -> memref<16x64xf32, #tpu.memory_space<vmem_shared>>
          tpu.wait_dma2 semaphore(%run_scoped3A_158 : memref<!tpu.dma_semaphore, #tpu.memory_space<semaphore_mem>>) src(%dma_wait3A_176 : memref<16x64xf32, #tpu.memory_space<vmem_shared>>) dst(%dma_wait3A_174 : memref<16x64xf32, #tpu.memory_space<vmem>>)
          tpu.yield
        }) : () -> ()
        "tpu.region"() ({
          %run_scoped3A_158 = tpu.sem_alloc : memref<!tpu.dma_semaphore, #tpu.memory_space<semaphore_mem>>
          %dma_start3A = arith.constant 0 : i32
          %dma_start3A_159 = arith.constant 0 : i32
          %dma_start3A_160 = tpu.memref_slice %arg11[%dma_start3A, %dma_start3A_159] : memref<128x16xf32, #tpu.memory_space<vmem>> -> memref<16x16xf32, #tpu.memory_space<vmem>>
          %dma_start3A_161 = arith.constant 0 : i32
          %dma_start3A_162 = tpu.memref_slice %arg14[%add3A_133, %dma_start3A_161] : memref<10240x16xf32, #tpu.memory_space<vmem_shared>> -> memref<16x16xf32, #tpu.memory_space<vmem_shared>>
          %dma_start3A_163 = arith.constant 0 : i32
          %dma_start3A_164 = arith.constant 0 : i32
          %dma_start3A_165 = tpu.memref_slice %arg11[%dma_start3A_163, %dma_start3A_164] : memref<128x16xf32, #tpu.memory_space<vmem>> -> memref<16x16xf32, #tpu.memory_space<vmem>>
          %dma_start3A_166 = arith.constant 0 : i32
          %dma_start3A_167 = tpu.memref_slice %arg14[%add3A_133, %dma_start3A_166] : memref<10240x16xf32, #tpu.memory_space<vmem_shared>> -> memref<16x16xf32, #tpu.memory_space<vmem_shared>>
          tpu.enqueue_dma source(%dma_start3A_167 : memref<16x16xf32, #tpu.memory_space<vmem_shared>>) target(%dma_start3A_165 : memref<16x16xf32, #tpu.memory_space<vmem>>) target_semaphore(%run_scoped3A_158 : memref<!tpu.dma_semaphore, #tpu.memory_space<semaphore_mem>>)
          %dma_wait3A = arith.constant 0 : i32
          %dma_wait3A_168 = arith.constant 0 : i32
          %dma_wait3A_169 = tpu.memref_slice %arg11[%dma_wait3A, %dma_wait3A_168] : memref<128x16xf32, #tpu.memory_space<vmem>> -> memref<16x16xf32, #tpu.memory_space<vmem>>
          %dma_wait3A_170 = arith.constant 0 : i32
          %dma_wait3A_171 = tpu.memref_slice %arg14[%add3A_133, %dma_wait3A_170] : memref<10240x16xf32, #tpu.memory_space<vmem_shared>> -> memref<16x16xf32, #tpu.memory_space<vmem_shared>>
          %dma_wait3A_172 = arith.constant 0 : i32
          %dma_wait3A_173 = arith.constant 0 : i32
          %dma_wait3A_174 = tpu.memref_slice %arg11[%dma_wait3A_172, %dma_wait3A_173] : memref<128x16xf32, #tpu.memory_space<vmem>> -> memref<16x16xf32, #tpu.memory_space<vmem>>
          %dma_wait3A_175 = arith.constant 0 : i32
          %dma_wait3A_176 = tpu.memref_slice %arg14[%add3A_133, %dma_wait3A_175] : memref<10240x16xf32, #tpu.memory_space<vmem_shared>> -> memref<16x16xf32, #tpu.memory_space<vmem_shared>>
          tpu.wait_dma2 semaphore(%run_scoped3A_158 : memref<!tpu.dma_semaphore, #tpu.memory_space<semaphore_mem>>) src(%dma_wait3A_176 : memref<16x16xf32, #tpu.memory_space<vmem_shared>>) dst(%dma_wait3A_174 : memref<16x16xf32, #tpu.memory_space<vmem>>)
          tpu.yield
        }) : () -> ()
        %scan3A_151 = arith.constant 0 : i32
        %scan3A_152 = arith.constant 0 : i32
        %scan3A_153 = arith.constant 16 : i32
        %scan3A_154 = arith.addi %scan3A_152, %scan3A_153 : i32
        %scan3A_155 = arith.constant 1 : i32
        %scan3A_156 = scf.for %scan3A_158 = %scan3A_152 to %scan3A_154 step %scan3A_155 iter_args(%scan3A_159 = %scan3A_151) -> (i32)  : i32 {
          %get3A = arith.index_cast %scan3A_158 : i32 to index
          %get3A_160 = arith.constant 0 : index
          %get3A_161 = tpu.vector_load %arg11[%get3A, %get3A_160] {strides = array<i32>} : memref<128x16xf32, #tpu.memory_space<vmem>>, vector<1x16xf32>,
          %get3A_162 = vector.shape_cast %get3A_161 : vector<1x16xf32> to vector<16xf32>
          %max3A = arith.constant 1.000000e+00 : f32
          %max3A_163 = vector.broadcast %max3A : f32 to vector<16xf32>
          %max3A_164 = arith.maximumf %get3A_162, %max3A_163 : vector<16xf32>
          %div3A = arith.constant 1.000000e+00 : f32
          %div3A_165 = vector.broadcast %div3A : f32 to vector<16xf32>
          %div3A_166 = arith.divf %div3A_165, %max3A_164 : vector<16xf32>
          %get3A_167 = arith.index_cast %scan3A_158 : i32 to index
          %get3A_168 = arith.constant 0 : index
          %get3A_169 = tpu.vector_load %arg10[%get3A_167, %get3A_168] {strides = array<i32>} : memref<128x64xf32, #tpu.memory_space<vmem>>, vector<1x16xf32>,
          %get3A_170 = vector.shape_cast %get3A_169 : vector<1x16xf32> to vector<16xf32>
          %mul3A_171 = arith.mulf %get3A_170, %div3A_166 : vector<16xf32>
          %swap3A = arith.index_cast %scan3A_158 : i32 to index
          %swap3A_172 = arith.constant 0 : index
          %swap3A_173 = tpu.vector_load %arg10[%swap3A, %swap3A_172] {strides = array<i32>} : memref<128x64xf32, #tpu.memory_space<vmem>>, vector<1x16xf32>,
          %swap3A_174 = vector.shape_cast %swap3A_173 : vector<1x16xf32> to vector<16xf32>
          %swap3A_175 = vector.shape_cast %mul3A_171 : vector<16xf32> to vector<1x16xf32>
          tpu.vector_store %arg10[%swap3A, %swap3A_172], %swap3A_175 {strides = array<i32>} : memref<128x64xf32, #tpu.memory_space<vmem>>, vector<1x16xf32>,
          %get3A_176 = arith.index_cast %scan3A_158 : i32 to index
          %get3A_177 = arith.constant 16 : index
          %get3A_178 = tpu.vector_load %arg10[%get3A_176, %get3A_177] {strides = array<i32>} : memref<128x64xf32, #tpu.memory_space<vmem>>, vector<1x16xf32>,
          %get3A_179 = vector.shape_cast %get3A_178 : vector<1x16xf32> to vector<16xf32>
          %mul3A_180 = arith.mulf %get3A_179, %div3A_166 : vector<16xf32>
          %swap3A_181 = arith.index_cast %scan3A_158 : i32 to index
          %swap3A_182 = arith.constant 16 : index
          %swap3A_183 = tpu.vector_load %arg10[%swap3A_181, %swap3A_182] {strides = array<i32>} : memref<128x64xf32, #tpu.memory_space<vmem>>, vector<1x16xf32>,
          %swap3A_184 = vector.shape_cast %swap3A_183 : vector<1x16xf32> to vector<16xf32>
          %swap3A_185 = vector.shape_cast %mul3A_180 : vector<16xf32> to vector<1x16xf32>
          tpu.vector_store %arg10[%swap3A_181, %swap3A_182], %swap3A_185 {strides = array<i32>} : memref<128x64xf32, #tpu.memory_space<vmem>>, vector<1x16xf32>,
          %get3A_186 = arith.index_cast %scan3A_158 : i32 to index
          %get3A_187 = arith.constant 32 : index
          %get3A_188 = tpu.vector_load %arg10[%get3A_186, %get3A_187] {strides = array<i32>} : memref<128x64xf32, #tpu.memory_space<vmem>>, vector<1x16xf32>,
          %get3A_189 = vector.shape_cast %get3A_188 : vector<1x16xf32> to vector<16xf32>
          %mul3A_190 = arith.mulf %get3A_189, %div3A_166 : vector<16xf32>
          %swap3A_191 = arith.index_cast %scan3A_158 : i32 to index
          %swap3A_192 = arith.constant 32 : index
          %swap3A_193 = tpu.vector_load %arg10[%swap3A_191, %swap3A_192] {strides = array<i32>} : memref<128x64xf32, #tpu.memory_space<vmem>>, vector<1x16xf32>,
          %swap3A_194 = vector.shape_cast %swap3A_193 : vector<1x16xf32> to vector<16xf32>
          %swap3A_195 = vector.shape_cast %mul3A_190 : vector<16xf32> to vector<1x16xf32>
          tpu.vector_store %arg10[%swap3A_191, %swap3A_192], %swap3A_195 {strides = array<i32>} : memref<128x64xf32, #tpu.memory_space<vmem>>, vector<1x16xf32>,
          %get3A_196 = arith.index_cast %scan3A_158 : i32 to index
          %get3A_197 = arith.constant 48 : index
          %get3A_198 = tpu.vector_load %arg10[%get3A_196, %get3A_197] {strides = array<i32>} : memref<128x64xf32, #tpu.memory_space<vmem>>, vector<1x16xf32>,
          %get3A_199 = vector.shape_cast %get3A_198 : vector<1x16xf32> to vector<16xf32>
          %mul3A_200 = arith.mulf %get3A_199, %div3A_166 : vector<16xf32>
          %swap3A_201 = arith.index_cast %scan3A_158 : i32 to index
          %swap3A_202 = arith.constant 48 : index
          %swap3A_203 = tpu.vector_load %arg10[%swap3A_201, %swap3A_202] {strides = array<i32>} : memref<128x64xf32, #tpu.memory_space<vmem>>, vector<1x16xf32>,
          %swap3A_204 = vector.shape_cast %swap3A_203 : vector<1x16xf32> to vector<16xf32>
          %swap3A_205 = vector.shape_cast %mul3A_200 : vector<16xf32> to vector<1x16xf32>
          tpu.vector_store %arg10[%swap3A_201, %swap3A_202], %swap3A_205 {strides = array<i32>} : memref<128x64xf32, #tpu.memory_space<vmem>>, vector<1x16xf32>,
          %scan3A_206 = arith.constant 0 : i32
          scf.yield %scan3A_206 : i32
        }
        %scan3A_157 = arith.constant 16 : i32
        "tpu.region"() ({
          %run_scoped3A_158 = tpu.sem_alloc : memref<!tpu.dma_semaphore, #tpu.memory_space<semaphore_mem>>
          %dma_start3A = arith.constant 0 : i32
          %dma_start3A_159 = arith.constant 0 : i32
          %dma_start3A_160 = tpu.memref_slice %arg10[%dma_start3A, %dma_start3A_159] : memref<128x64xf32, #tpu.memory_space<vmem>> -> memref<16x64xf32, #tpu.memory_space<vmem>>
          %dma_start3A_161 = arith.constant 0 : i32
          %dma_start3A_162 = tpu.memref_slice %arg5[%add3A_133, %dma_start3A_161] : memref<10000x128xf32, #tpu.memory_space<hbm>> -> memref<16x64xf32, #tpu.memory_space<hbm>>
          %dma_start3A_163 = arith.constant 0 : i32
          %dma_start3A_164 = tpu.memref_slice %arg5[%add3A_133, %dma_start3A_163] : memref<10000x128xf32, #tpu.memory_space<hbm>> -> memref<16x64xf32, #tpu.memory_space<hbm>>
          %dma_start3A_165 = arith.constant 0 : i32
          %dma_start3A_166 = arith.constant 0 : i32
          %dma_start3A_167 = tpu.memref_slice %arg10[%dma_start3A_165, %dma_start3A_166] : memref<128x64xf32, #tpu.memory_space<vmem>> -> memref<16x64xf32, #tpu.memory_space<vmem>>
          tpu.enqueue_dma source(%dma_start3A_167 : memref<16x64xf32, #tpu.memory_space<vmem>>) target(%dma_start3A_164 : memref<16x64xf32, #tpu.memory_space<hbm>>) target_semaphore(%run_scoped3A_158 : memref<!tpu.dma_semaphore, #tpu.memory_space<semaphore_mem>>)
          %dma_wait3A = arith.constant 0 : i32
          %dma_wait3A_168 = arith.constant 0 : i32
          %dma_wait3A_169 = tpu.memref_slice %arg10[%dma_wait3A, %dma_wait3A_168] : memref<128x64xf32, #tpu.memory_space<vmem>> -> memref<16x64xf32, #tpu.memory_space<vmem>>
          %dma_wait3A_170 = arith.constant 0 : i32
          %dma_wait3A_171 = tpu.memref_slice %arg5[%add3A_133, %dma_wait3A_170] : memref<10000x128xf32, #tpu.memory_space<hbm>> -> memref<16x64xf32, #tpu.memory_space<hbm>>
          %dma_wait3A_172 = arith.constant 0 : i32
          %dma_wait3A_173 = tpu.memref_slice %arg5[%add3A_133, %dma_wait3A_172] : memref<10000x128xf32, #tpu.memory_space<hbm>> -> memref<16x64xf32, #tpu.memory_space<hbm>>
          %dma_wait3A_174 = arith.constant 0 : i32
          %dma_wait3A_175 = arith.constant 0 : i32
          %dma_wait3A_176 = tpu.memref_slice %arg10[%dma_wait3A_174, %dma_wait3A_175] : memref<128x64xf32, #tpu.memory_space<vmem>> -> memref<16x64xf32, #tpu.memory_space<vmem>>
          tpu.wait_dma2 semaphore(%run_scoped3A_158 : memref<!tpu.dma_semaphore, #tpu.memory_space<semaphore_mem>>) src(%dma_wait3A_176 : memref<16x64xf32, #tpu.memory_space<vmem>>) dst(%dma_wait3A_173 : memref<16x64xf32, #tpu.memory_space<hbm>>)
          tpu.yield
        }) : () -> ()
      } else {
      }
    } else {
    }
    %eq3A_45 = arith.constant 1 : i32
    %eq3A_46 = arith.cmpi eq, %arg0, %eq3A_45 : i32
    %convert_element_type3A_47 = arith.extui %eq3A_46 : i1 to i32
    %cond3A_48 = arith.constant 0 : i32
    %cond3A_49 = arith.cmpi ne, %convert_element_type3A_47, %cond3A_48 : i32
    scf.if %cond3A_49 {
      %mul3A_50 = arith.constant 640 : i32
      %mul3A_51 = arith.muli %arg1, %mul3A_50 : i32
      %add3A_52 = arith.constant 0 : i32
      %add3A_53 = arith.addi %mul3A_51, %add3A_52 : i32
      %add3A_54 = arith.constant 128 : i32
      %add3A_55 = arith.addi %add3A_53, %add3A_54 : i32
      %le3A = arith.constant 10000 : i32
      %le3A_56 = arith.cmpi sle, %add3A_55, %le3A : i32
      %convert_element_type3A_57 = arith.extui %le3A_56 : i1 to i32
      %cond3A_58 = arith.constant 0 : i32
      %cond3A_59 = arith.cmpi ne, %convert_element_type3A_57, %cond3A_58 : i32
      scf.if %cond3A_59 {
        "tpu.region"() ({
          %run_scoped3A_158 = tpu.sem_alloc : memref<!tpu.dma_semaphore, #tpu.memory_space<semaphore_mem>>
          %dma_start3A = arith.constant 0 : i32
          %dma_start3A_159 = arith.constant 0 : i32
          %dma_start3A_160 = tpu.memref_slice %arg10[%dma_start3A, %dma_start3A_159] : memref<128x64xf32, #tpu.memory_space<vmem>> -> memref<128x64xf32, #tpu.memory_space<vmem>>
          %dma_start3A_161 = arith.constant 0 : i32
          %dma_start3A_162 = tpu.memref_slice %arg13[%add3A_53, %dma_start3A_161] : memref<10240x64xf32, #tpu.memory_space<vmem_shared>> -> memref<128x64xf32, #tpu.memory_space<vmem_shared>>
          %dma_start3A_163 = arith.constant 0 : i32
          %dma_start3A_164 = arith.constant 0 : i32
          %dma_start3A_165 = tpu.memref_slice %arg10[%dma_start3A_163, %dma_start3A_164] : memref<128x64xf32, #tpu.memory_space<vmem>> -> memref<128x64xf32, #tpu.memory_space<vmem>>
          %dma_start3A_166 = arith.constant 0 : i32
          %dma_start3A_167 = tpu.memref_slice %arg13[%add3A_53, %dma_start3A_166] : memref<10240x64xf32, #tpu.memory_space<vmem_shared>> -> memref<128x64xf32, #tpu.memory_space<vmem_shared>>
          tpu.enqueue_dma source(%dma_start3A_167 : memref<128x64xf32, #tpu.memory_space<vmem_shared>>) target(%dma_start3A_165 : memref<128x64xf32, #tpu.memory_space<vmem>>) target_semaphore(%run_scoped3A_158 : memref<!tpu.dma_semaphore, #tpu.memory_space<semaphore_mem>>)
          %dma_wait3A = arith.constant 0 : i32
          %dma_wait3A_168 = arith.constant 0 : i32
          %dma_wait3A_169 = tpu.memref_slice %arg10[%dma_wait3A, %dma_wait3A_168] : memref<128x64xf32, #tpu.memory_space<vmem>> -> memref<128x64xf32, #tpu.memory_space<vmem>>
          %dma_wait3A_170 = arith.constant 0 : i32
          %dma_wait3A_171 = tpu.memref_slice %arg13[%add3A_53, %dma_wait3A_170] : memref<10240x64xf32, #tpu.memory_space<vmem_shared>> -> memref<128x64xf32, #tpu.memory_space<vmem_shared>>
          %dma_wait3A_172 = arith.constant 0 : i32
          %dma_wait3A_173 = arith.constant 0 : i32
          %dma_wait3A_174 = tpu.memref_slice %arg10[%dma_wait3A_172, %dma_wait3A_173] : memref<128x64xf32, #tpu.memory_space<vmem>> -> memref<128x64xf32, #tpu.memory_space<vmem>>
          %dma_wait3A_175 = arith.constant 0 : i32
          %dma_wait3A_176 = tpu.memref_slice %arg13[%add3A_53, %dma_wait3A_175] : memref<10240x64xf32, #tpu.memory_space<vmem_shared>> -> memref<128x64xf32, #tpu.memory_space<vmem_shared>>
          tpu.wait_dma2 semaphore(%run_scoped3A_158 : memref<!tpu.dma_semaphore, #tpu.memory_space<semaphore_mem>>) src(%dma_wait3A_176 : memref<128x64xf32, #tpu.memory_space<vmem_shared>>) dst(%dma_wait3A_174 : memref<128x64xf32, #tpu.memory_space<vmem>>)
          tpu.yield
        }) : () -> ()
        "tpu.region"() ({
          %run_scoped3A_158 = tpu.sem_alloc : memref<!tpu.dma_semaphore, #tpu.memory_space<semaphore_mem>>
          %dma_start3A = arith.constant 0 : i32
          %dma_start3A_159 = arith.constant 0 : i32
          %dma_start3A_160 = tpu.memref_slice %arg11[%dma_start3A, %dma_start3A_159] : memref<128x16xf32, #tpu.memory_space<vmem>> -> memref<128x16xf32, #tpu.memory_space<vmem>>
          %dma_start3A_161 = arith.constant 0 : i32
          %dma_start3A_162 = tpu.memref_slice %arg14[%add3A_53, %dma_start3A_161] : memref<10240x16xf32, #tpu.memory_space<vmem_shared>> -> memref<128x16xf32, #tpu.memory_space<vmem_shared>>
          %dma_start3A_163 = arith.constant 0 : i32
          %dma_start3A_164 = arith.constant 0 : i32
          %dma_start3A_165 = tpu.memref_slice %arg11[%dma_start3A_163, %dma_start3A_164] : memref<128x16xf32, #tpu.memory_space<vmem>> -> memref<128x16xf32, #tpu.memory_space<vmem>>
          %dma_start3A_166 = arith.constant 0 : i32
          %dma_start3A_167 = tpu.memref_slice %arg14[%add3A_53, %dma_start3A_166] : memref<10240x16xf32, #tpu.memory_space<vmem_shared>> -> memref<128x16xf32, #tpu.memory_space<vmem_shared>>
          tpu.enqueue_dma source(%dma_start3A_167 : memref<128x16xf32, #tpu.memory_space<vmem_shared>>) target(%dma_start3A_165 : memref<128x16xf32, #tpu.memory_space<vmem>>) target_semaphore(%run_scoped3A_158 : memref<!tpu.dma_semaphore, #tpu.memory_space<semaphore_mem>>)
          %dma_wait3A = arith.constant 0 : i32
          %dma_wait3A_168 = arith.constant 0 : i32
          %dma_wait3A_169 = tpu.memref_slice %arg11[%dma_wait3A, %dma_wait3A_168] : memref<128x16xf32, #tpu.memory_space<vmem>> -> memref<128x16xf32, #tpu.memory_space<vmem>>
          %dma_wait3A_170 = arith.constant 0 : i32
          %dma_wait3A_171 = tpu.memref_slice %arg14[%add3A_53, %dma_wait3A_170] : memref<10240x16xf32, #tpu.memory_space<vmem_shared>> -> memref<128x16xf32, #tpu.memory_space<vmem_shared>>
          %dma_wait3A_172 = arith.constant 0 : i32
          %dma_wait3A_173 = arith.constant 0 : i32
          %dma_wait3A_174 = tpu.memref_slice %arg11[%dma_wait3A_172, %dma_wait3A_173] : memref<128x16xf32, #tpu.memory_space<vmem>> -> memref<128x16xf32, #tpu.memory_space<vmem>>
          %dma_wait3A_175 = arith.constant 0 : i32
          %dma_wait3A_176 = tpu.memref_slice %arg14[%add3A_53, %dma_wait3A_175] : memref<10240x16xf32, #tpu.memory_space<vmem_shared>> -> memref<128x16xf32, #tpu.memory_space<vmem_shared>>
          tpu.wait_dma2 semaphore(%run_scoped3A_158 : memref<!tpu.dma_semaphore, #tpu.memory_space<semaphore_mem>>) src(%dma_wait3A_176 : memref<128x16xf32, #tpu.memory_space<vmem_shared>>) dst(%dma_wait3A_174 : memref<128x16xf32, #tpu.memory_space<vmem>>)
          tpu.yield
        }) : () -> ()
        %scan3A_151 = arith.constant 0 : i32
        %scan3A_152 = arith.constant 0 : i32
        %scan3A_153 = arith.constant 128 : i32
        %scan3A_154 = arith.addi %scan3A_152, %scan3A_153 : i32
        %scan3A_155 = arith.constant 1 : i32
        %scan3A_156 = scf.for %scan3A_158 = %scan3A_152 to %scan3A_154 step %scan3A_155 iter_args(%scan3A_159 = %scan3A_151) -> (i32)  : i32 {
          %get3A = arith.index_cast %scan3A_158 : i32 to index
          %get3A_160 = arith.constant 0 : index
          %get3A_161 = tpu.vector_load %arg11[%get3A, %get3A_160] {strides = array<i32>} : memref<128x16xf32, #tpu.memory_space<vmem>>, vector<1x16xf32>,
          %get3A_162 = vector.shape_cast %get3A_161 : vector<1x16xf32> to vector<16xf32>
          %max3A = arith.constant 1.000000e+00 : f32
          %max3A_163 = vector.broadcast %max3A : f32 to vector<16xf32>
          %max3A_164 = arith.maximumf %get3A_162, %max3A_163 : vector<16xf32>
          %div3A = arith.constant 1.000000e+00 : f32
          %div3A_165 = vector.broadcast %div3A : f32 to vector<16xf32>
          %div3A_166 = arith.divf %div3A_165, %max3A_164 : vector<16xf32>
          %get3A_167 = arith.index_cast %scan3A_158 : i32 to index
          %get3A_168 = arith.constant 0 : index
          %get3A_169 = tpu.vector_load %arg10[%get3A_167, %get3A_168] {strides = array<i32>} : memref<128x64xf32, #tpu.memory_space<vmem>>, vector<1x16xf32>,
          %get3A_170 = vector.shape_cast %get3A_169 : vector<1x16xf32> to vector<16xf32>
          %mul3A_171 = arith.mulf %get3A_170, %div3A_166 : vector<16xf32>
          %swap3A = arith.index_cast %scan3A_158 : i32 to index
          %swap3A_172 = arith.constant 0 : index
          %swap3A_173 = tpu.vector_load %arg10[%swap3A, %swap3A_172] {strides = array<i32>} : memref<128x64xf32, #tpu.memory_space<vmem>>, vector<1x16xf32>,
          %swap3A_174 = vector.shape_cast %swap3A_173 : vector<1x16xf32> to vector<16xf32>
          %swap3A_175 = vector.shape_cast %mul3A_171 : vector<16xf32> to vector<1x16xf32>
          tpu.vector_store %arg10[%swap3A, %swap3A_172], %swap3A_175 {strides = array<i32>} : memref<128x64xf32, #tpu.memory_space<vmem>>, vector<1x16xf32>,
          %get3A_176 = arith.index_cast %scan3A_158 : i32 to index
          %get3A_177 = arith.constant 16 : index
          %get3A_178 = tpu.vector_load %arg10[%get3A_176, %get3A_177] {strides = array<i32>} : memref<128x64xf32, #tpu.memory_space<vmem>>, vector<1x16xf32>,
          %get3A_179 = vector.shape_cast %get3A_178 : vector<1x16xf32> to vector<16xf32>
          %mul3A_180 = arith.mulf %get3A_179, %div3A_166 : vector<16xf32>
          %swap3A_181 = arith.index_cast %scan3A_158 : i32 to index
          %swap3A_182 = arith.constant 16 : index
          %swap3A_183 = tpu.vector_load %arg10[%swap3A_181, %swap3A_182] {strides = array<i32>} : memref<128x64xf32, #tpu.memory_space<vmem>>, vector<1x16xf32>,
          %swap3A_184 = vector.shape_cast %swap3A_183 : vector<1x16xf32> to vector<16xf32>
          %swap3A_185 = vector.shape_cast %mul3A_180 : vector<16xf32> to vector<1x16xf32>
          tpu.vector_store %arg10[%swap3A_181, %swap3A_182], %swap3A_185 {strides = array<i32>} : memref<128x64xf32, #tpu.memory_space<vmem>>, vector<1x16xf32>,
          %get3A_186 = arith.index_cast %scan3A_158 : i32 to index
          %get3A_187 = arith.constant 32 : index
          %get3A_188 = tpu.vector_load %arg10[%get3A_186, %get3A_187] {strides = array<i32>} : memref<128x64xf32, #tpu.memory_space<vmem>>, vector<1x16xf32>,
          %get3A_189 = vector.shape_cast %get3A_188 : vector<1x16xf32> to vector<16xf32>
          %mul3A_190 = arith.mulf %get3A_189, %div3A_166 : vector<16xf32>
          %swap3A_191 = arith.index_cast %scan3A_158 : i32 to index
          %swap3A_192 = arith.constant 32 : index
          %swap3A_193 = tpu.vector_load %arg10[%swap3A_191, %swap3A_192] {strides = array<i32>} : memref<128x64xf32, #tpu.memory_space<vmem>>, vector<1x16xf32>,
          %swap3A_194 = vector.shape_cast %swap3A_193 : vector<1x16xf32> to vector<16xf32>
          %swap3A_195 = vector.shape_cast %mul3A_190 : vector<16xf32> to vector<1x16xf32>
          tpu.vector_store %arg10[%swap3A_191, %swap3A_192], %swap3A_195 {strides = array<i32>} : memref<128x64xf32, #tpu.memory_space<vmem>>, vector<1x16xf32>,
          %get3A_196 = arith.index_cast %scan3A_158 : i32 to index
          %get3A_197 = arith.constant 48 : index
          %get3A_198 = tpu.vector_load %arg10[%get3A_196, %get3A_197] {strides = array<i32>} : memref<128x64xf32, #tpu.memory_space<vmem>>, vector<1x16xf32>,
          %get3A_199 = vector.shape_cast %get3A_198 : vector<1x16xf32> to vector<16xf32>
          %mul3A_200 = arith.mulf %get3A_199, %div3A_166 : vector<16xf32>
          %swap3A_201 = arith.index_cast %scan3A_158 : i32 to index
          %swap3A_202 = arith.constant 48 : index
          %swap3A_203 = tpu.vector_load %arg10[%swap3A_201, %swap3A_202] {strides = array<i32>} : memref<128x64xf32, #tpu.memory_space<vmem>>, vector<1x16xf32>,
          %swap3A_204 = vector.shape_cast %swap3A_203 : vector<1x16xf32> to vector<16xf32>
          %swap3A_205 = vector.shape_cast %mul3A_200 : vector<16xf32> to vector<1x16xf32>
          tpu.vector_store %arg10[%swap3A_201, %swap3A_202], %swap3A_205 {strides = array<i32>} : memref<128x64xf32, #tpu.memory_space<vmem>>, vector<1x16xf32>,
          %scan3A_206 = arith.constant 0 : i32
          scf.yield %scan3A_206 : i32
        }
        %scan3A_157 = arith.constant 128 : i32
        "tpu.region"() ({
          %run_scoped3A_158 = tpu.sem_alloc : memref<!tpu.dma_semaphore, #tpu.memory_space<semaphore_mem>>
          %dma_start3A = arith.constant 0 : i32
          %dma_start3A_159 = arith.constant 0 : i32
          %dma_start3A_160 = tpu.memref_slice %arg10[%dma_start3A, %dma_start3A_159] : memref<128x64xf32, #tpu.memory_space<vmem>> -> memref<128x64xf32, #tpu.memory_space<vmem>>
          %dma_start3A_161 = arith.constant 64 : i32
          %dma_start3A_162 = tpu.memref_slice %arg5[%add3A_53, %dma_start3A_161] : memref<10000x128xf32, #tpu.memory_space<hbm>> -> memref<128x64xf32, #tpu.memory_space<hbm>>
          %dma_start3A_163 = arith.constant 64 : i32
          %dma_start3A_164 = tpu.memref_slice %arg5[%add3A_53, %dma_start3A_163] : memref<10000x128xf32, #tpu.memory_space<hbm>> -> memref<128x64xf32, #tpu.memory_space<hbm>>
          %dma_start3A_165 = arith.constant 0 : i32
          %dma_start3A_166 = arith.constant 0 : i32
          %dma_start3A_167 = tpu.memref_slice %arg10[%dma_start3A_165, %dma_start3A_166] : memref<128x64xf32, #tpu.memory_space<vmem>> -> memref<128x64xf32, #tpu.memory_space<vmem>>
          tpu.enqueue_dma source(%dma_start3A_167 : memref<128x64xf32, #tpu.memory_space<vmem>>) target(%dma_start3A_164 : memref<128x64xf32, #tpu.memory_space<hbm>>) target_semaphore(%run_scoped3A_158 : memref<!tpu.dma_semaphore, #tpu.memory_space<semaphore_mem>>)
          %dma_wait3A = arith.constant 0 : i32
          %dma_wait3A_168 = arith.constant 0 : i32
          %dma_wait3A_169 = tpu.memref_slice %arg10[%dma_wait3A, %dma_wait3A_168] : memref<128x64xf32, #tpu.memory_space<vmem>> -> memref<128x64xf32, #tpu.memory_space<vmem>>
          %dma_wait3A_170 = arith.constant 64 : i32
          %dma_wait3A_171 = tpu.memref_slice %arg5[%add3A_53, %dma_wait3A_170] : memref<10000x128xf32, #tpu.memory_space<hbm>> -> memref<128x64xf32, #tpu.memory_space<hbm>>
          %dma_wait3A_172 = arith.constant 64 : i32
          %dma_wait3A_173 = tpu.memref_slice %arg5[%add3A_53, %dma_wait3A_172] : memref<10000x128xf32, #tpu.memory_space<hbm>> -> memref<128x64xf32, #tpu.memory_space<hbm>>
          %dma_wait3A_174 = arith.constant 0 : i32
          %dma_wait3A_175 = arith.constant 0 : i32
          %dma_wait3A_176 = tpu.memref_slice %arg10[%dma_wait3A_174, %dma_wait3A_175] : memref<128x64xf32, #tpu.memory_space<vmem>> -> memref<128x64xf32, #tpu.memory_space<vmem>>
          tpu.wait_dma2 semaphore(%run_scoped3A_158 : memref<!tpu.dma_semaphore, #tpu.memory_space<semaphore_mem>>) src(%dma_wait3A_176 : memref<128x64xf32, #tpu.memory_space<vmem>>) dst(%dma_wait3A_173 : memref<128x64xf32, #tpu.memory_space<hbm>>)
          tpu.yield
        }) : () -> ()
      } else {
      }
      %lt3A = arith.constant 10000 : i32
      %lt3A_60 = arith.cmpi slt, %add3A_53, %lt3A : i32
      %add3A_61 = arith.constant 128 : i32
      %add3A_62 = arith.addi %add3A_53, %add3A_61 : i32
      %gt3A = arith.constant 10000 : i32
      %gt3A_63 = arith.cmpi sgt, %add3A_62, %gt3A : i32
      %and3A = arith.andi %lt3A_60, %gt3A_63 : i1
      %convert_element_type3A_64 = arith.extui %and3A : i1 to i32
      %cond3A_65 = arith.constant 0 : i32
      %cond3A_66 = arith.cmpi ne, %convert_element_type3A_64, %cond3A_65 : i32
      scf.if %cond3A_66 {
        "tpu.region"() ({
          %run_scoped3A_158 = tpu.sem_alloc : memref<!tpu.dma_semaphore, #tpu.memory_space<semaphore_mem>>
          %dma_start3A = arith.constant 0 : i32
          %dma_start3A_159 = arith.constant 0 : i32
          %dma_start3A_160 = tpu.memref_slice %arg10[%dma_start3A, %dma_start3A_159] : memref<128x64xf32, #tpu.memory_space<vmem>> -> memref<16x64xf32, #tpu.memory_space<vmem>>
          %dma_start3A_161 = arith.constant 0 : i32
          %dma_start3A_162 = tpu.memref_slice %arg13[%add3A_53, %dma_start3A_161] : memref<10240x64xf32, #tpu.memory_space<vmem_shared>> -> memref<16x64xf32, #tpu.memory_space<vmem_shared>>
          %dma_start3A_163 = arith.constant 0 : i32
          %dma_start3A_164 = arith.constant 0 : i32
          %dma_start3A_165 = tpu.memref_slice %arg10[%dma_start3A_163, %dma_start3A_164] : memref<128x64xf32, #tpu.memory_space<vmem>> -> memref<16x64xf32, #tpu.memory_space<vmem>>
          %dma_start3A_166 = arith.constant 0 : i32
          %dma_start3A_167 = tpu.memref_slice %arg13[%add3A_53, %dma_start3A_166] : memref<10240x64xf32, #tpu.memory_space<vmem_shared>> -> memref<16x64xf32, #tpu.memory_space<vmem_shared>>
          tpu.enqueue_dma source(%dma_start3A_167 : memref<16x64xf32, #tpu.memory_space<vmem_shared>>) target(%dma_start3A_165 : memref<16x64xf32, #tpu.memory_space<vmem>>) target_semaphore(%run_scoped3A_158 : memref<!tpu.dma_semaphore, #tpu.memory_space<semaphore_mem>>)
          %dma_wait3A = arith.constant 0 : i32
          %dma_wait3A_168 = arith.constant 0 : i32
          %dma_wait3A_169 = tpu.memref_slice %arg10[%dma_wait3A, %dma_wait3A_168] : memref<128x64xf32, #tpu.memory_space<vmem>> -> memref<16x64xf32, #tpu.memory_space<vmem>>
          %dma_wait3A_170 = arith.constant 0 : i32
          %dma_wait3A_171 = tpu.memref_slice %arg13[%add3A_53, %dma_wait3A_170] : memref<10240x64xf32, #tpu.memory_space<vmem_shared>> -> memref<16x64xf32, #tpu.memory_space<vmem_shared>>
          %dma_wait3A_172 = arith.constant 0 : i32
          %dma_wait3A_173 = arith.constant 0 : i32
          %dma_wait3A_174 = tpu.memref_slice %arg10[%dma_wait3A_172, %dma_wait3A_173] : memref<128x64xf32, #tpu.memory_space<vmem>> -> memref<16x64xf32, #tpu.memory_space<vmem>>
          %dma_wait3A_175 = arith.constant 0 : i32
          %dma_wait3A_176 = tpu.memref_slice %arg13[%add3A_53, %dma_wait3A_175] : memref<10240x64xf32, #tpu.memory_space<vmem_shared>> -> memref<16x64xf32, #tpu.memory_space<vmem_shared>>
          tpu.wait_dma2 semaphore(%run_scoped3A_158 : memref<!tpu.dma_semaphore, #tpu.memory_space<semaphore_mem>>) src(%dma_wait3A_176 : memref<16x64xf32, #tpu.memory_space<vmem_shared>>) dst(%dma_wait3A_174 : memref<16x64xf32, #tpu.memory_space<vmem>>)
          tpu.yield
        }) : () -> ()
        "tpu.region"() ({
          %run_scoped3A_158 = tpu.sem_alloc : memref<!tpu.dma_semaphore, #tpu.memory_space<semaphore_mem>>
          %dma_start3A = arith.constant 0 : i32
          %dma_start3A_159 = arith.constant 0 : i32
          %dma_start3A_160 = tpu.memref_slice %arg11[%dma_start3A, %dma_start3A_159] : memref<128x16xf32, #tpu.memory_space<vmem>> -> memref<16x16xf32, #tpu.memory_space<vmem>>
          %dma_start3A_161 = arith.constant 0 : i32
          %dma_start3A_162 = tpu.memref_slice %arg14[%add3A_53, %dma_start3A_161] : memref<10240x16xf32, #tpu.memory_space<vmem_shared>> -> memref<16x16xf32, #tpu.memory_space<vmem_shared>>
          %dma_start3A_163 = arith.constant 0 : i32
          %dma_start3A_164 = arith.constant 0 : i32
          %dma_start3A_165 = tpu.memref_slice %arg11[%dma_start3A_163, %dma_start3A_164] : memref<128x16xf32, #tpu.memory_space<vmem>> -> memref<16x16xf32, #tpu.memory_space<vmem>>
          %dma_start3A_166 = arith.constant 0 : i32
          %dma_start3A_167 = tpu.memref_slice %arg14[%add3A_53, %dma_start3A_166] : memref<10240x16xf32, #tpu.memory_space<vmem_shared>> -> memref<16x16xf32, #tpu.memory_space<vmem_shared>>
          tpu.enqueue_dma source(%dma_start3A_167 : memref<16x16xf32, #tpu.memory_space<vmem_shared>>) target(%dma_start3A_165 : memref<16x16xf32, #tpu.memory_space<vmem>>) target_semaphore(%run_scoped3A_158 : memref<!tpu.dma_semaphore, #tpu.memory_space<semaphore_mem>>)
          %dma_wait3A = arith.constant 0 : i32
          %dma_wait3A_168 = arith.constant 0 : i32
          %dma_wait3A_169 = tpu.memref_slice %arg11[%dma_wait3A, %dma_wait3A_168] : memref<128x16xf32, #tpu.memory_space<vmem>> -> memref<16x16xf32, #tpu.memory_space<vmem>>
          %dma_wait3A_170 = arith.constant 0 : i32
          %dma_wait3A_171 = tpu.memref_slice %arg14[%add3A_53, %dma_wait3A_170] : memref<10240x16xf32, #tpu.memory_space<vmem_shared>> -> memref<16x16xf32, #tpu.memory_space<vmem_shared>>
          %dma_wait3A_172 = arith.constant 0 : i32
          %dma_wait3A_173 = arith.constant 0 : i32
          %dma_wait3A_174 = tpu.memref_slice %arg11[%dma_wait3A_172, %dma_wait3A_173] : memref<128x16xf32, #tpu.memory_space<vmem>> -> memref<16x16xf32, #tpu.memory_space<vmem>>
          %dma_wait3A_175 = arith.constant 0 : i32
          %dma_wait3A_176 = tpu.memref_slice %arg14[%add3A_53, %dma_wait3A_175] : memref<10240x16xf32, #tpu.memory_space<vmem_shared>> -> memref<16x16xf32, #tpu.memory_space<vmem_shared>>
          tpu.wait_dma2 semaphore(%run_scoped3A_158 : memref<!tpu.dma_semaphore, #tpu.memory_space<semaphore_mem>>) src(%dma_wait3A_176 : memref<16x16xf32, #tpu.memory_space<vmem_shared>>) dst(%dma_wait3A_174 : memref<16x16xf32, #tpu.memory_space<vmem>>)
          tpu.yield
        }) : () -> ()
        %scan3A_151 = arith.constant 0 : i32
        %scan3A_152 = arith.constant 0 : i32
        %scan3A_153 = arith.constant 16 : i32
        %scan3A_154 = arith.addi %scan3A_152, %scan3A_153 : i32
        %scan3A_155 = arith.constant 1 : i32
        %scan3A_156 = scf.for %scan3A_158 = %scan3A_152 to %scan3A_154 step %scan3A_155 iter_args(%scan3A_159 = %scan3A_151) -> (i32)  : i32 {
          %get3A = arith.index_cast %scan3A_158 : i32 to index
          %get3A_160 = arith.constant 0 : index
          %get3A_161 = tpu.vector_load %arg11[%get3A, %get3A_160] {strides = array<i32>} : memref<128x16xf32, #tpu.memory_space<vmem>>, vector<1x16xf32>,
          %get3A_162 = vector.shape_cast %get3A_161 : vector<1x16xf32> to vector<16xf32>
          %max3A = arith.constant 1.000000e+00 : f32
          %max3A_163 = vector.broadcast %max3A : f32 to vector<16xf32>
          %max3A_164 = arith.maximumf %get3A_162, %max3A_163 : vector<16xf32>
          %div3A = arith.constant 1.000000e+00 : f32
          %div3A_165 = vector.broadcast %div3A : f32 to vector<16xf32>
          %div3A_166 = arith.divf %div3A_165, %max3A_164 : vector<16xf32>
          %get3A_167 = arith.index_cast %scan3A_158 : i32 to index
          %get3A_168 = arith.constant 0 : index
          %get3A_169 = tpu.vector_load %arg10[%get3A_167, %get3A_168] {strides = array<i32>} : memref<128x64xf32, #tpu.memory_space<vmem>>, vector<1x16xf32>,
          %get3A_170 = vector.shape_cast %get3A_169 : vector<1x16xf32> to vector<16xf32>
          %mul3A_171 = arith.mulf %get3A_170, %div3A_166 : vector<16xf32>
          %swap3A = arith.index_cast %scan3A_158 : i32 to index
          %swap3A_172 = arith.constant 0 : index
          %swap3A_173 = tpu.vector_load %arg10[%swap3A, %swap3A_172] {strides = array<i32>} : memref<128x64xf32, #tpu.memory_space<vmem>>, vector<1x16xf32>,
          %swap3A_174 = vector.shape_cast %swap3A_173 : vector<1x16xf32> to vector<16xf32>
          %swap3A_175 = vector.shape_cast %mul3A_171 : vector<16xf32> to vector<1x16xf32>
          tpu.vector_store %arg10[%swap3A, %swap3A_172], %swap3A_175 {strides = array<i32>} : memref<128x64xf32, #tpu.memory_space<vmem>>, vector<1x16xf32>,
          %get3A_176 = arith.index_cast %scan3A_158 : i32 to index
          %get3A_177 = arith.constant 16 : index
          %get3A_178 = tpu.vector_load %arg10[%get3A_176, %get3A_177] {strides = array<i32>} : memref<128x64xf32, #tpu.memory_space<vmem>>, vector<1x16xf32>,
          %get3A_179 = vector.shape_cast %get3A_178 : vector<1x16xf32> to vector<16xf32>
          %mul3A_180 = arith.mulf %get3A_179, %div3A_166 : vector<16xf32>
          %swap3A_181 = arith.index_cast %scan3A_158 : i32 to index
          %swap3A_182 = arith.constant 16 : index
          %swap3A_183 = tpu.vector_load %arg10[%swap3A_181, %swap3A_182] {strides = array<i32>} : memref<128x64xf32, #tpu.memory_space<vmem>>, vector<1x16xf32>,
          %swap3A_184 = vector.shape_cast %swap3A_183 : vector<1x16xf32> to vector<16xf32>
          %swap3A_185 = vector.shape_cast %mul3A_180 : vector<16xf32> to vector<1x16xf32>
          tpu.vector_store %arg10[%swap3A_181, %swap3A_182], %swap3A_185 {strides = array<i32>} : memref<128x64xf32, #tpu.memory_space<vmem>>, vector<1x16xf32>,
          %get3A_186 = arith.index_cast %scan3A_158 : i32 to index
          %get3A_187 = arith.constant 32 : index
          %get3A_188 = tpu.vector_load %arg10[%get3A_186, %get3A_187] {strides = array<i32>} : memref<128x64xf32, #tpu.memory_space<vmem>>, vector<1x16xf32>,
          %get3A_189 = vector.shape_cast %get3A_188 : vector<1x16xf32> to vector<16xf32>
          %mul3A_190 = arith.mulf %get3A_189, %div3A_166 : vector<16xf32>
          %swap3A_191 = arith.index_cast %scan3A_158 : i32 to index
          %swap3A_192 = arith.constant 32 : index
          %swap3A_193 = tpu.vector_load %arg10[%swap3A_191, %swap3A_192] {strides = array<i32>} : memref<128x64xf32, #tpu.memory_space<vmem>>, vector<1x16xf32>,
          %swap3A_194 = vector.shape_cast %swap3A_193 : vector<1x16xf32> to vector<16xf32>
          %swap3A_195 = vector.shape_cast %mul3A_190 : vector<16xf32> to vector<1x16xf32>
          tpu.vector_store %arg10[%swap3A_191, %swap3A_192], %swap3A_195 {strides = array<i32>} : memref<128x64xf32, #tpu.memory_space<vmem>>, vector<1x16xf32>,
          %get3A_196 = arith.index_cast %scan3A_158 : i32 to index
          %get3A_197 = arith.constant 48 : index
          %get3A_198 = tpu.vector_load %arg10[%get3A_196, %get3A_197] {strides = array<i32>} : memref<128x64xf32, #tpu.memory_space<vmem>>, vector<1x16xf32>,
          %get3A_199 = vector.shape_cast %get3A_198 : vector<1x16xf32> to vector<16xf32>
          %mul3A_200 = arith.mulf %get3A_199, %div3A_166 : vector<16xf32>
          %swap3A_201 = arith.index_cast %scan3A_158 : i32 to index
          %swap3A_202 = arith.constant 48 : index
          %swap3A_203 = tpu.vector_load %arg10[%swap3A_201, %swap3A_202] {strides = array<i32>} : memref<128x64xf32, #tpu.memory_space<vmem>>, vector<1x16xf32>,
          %swap3A_204 = vector.shape_cast %swap3A_203 : vector<1x16xf32> to vector<16xf32>
          %swap3A_205 = vector.shape_cast %mul3A_200 : vector<16xf32> to vector<1x16xf32>
          tpu.vector_store %arg10[%swap3A_201, %swap3A_202], %swap3A_205 {strides = array<i32>} : memref<128x64xf32, #tpu.memory_space<vmem>>, vector<1x16xf32>,
          %scan3A_206 = arith.constant 0 : i32
          scf.yield %scan3A_206 : i32
        }
        %scan3A_157 = arith.constant 16 : i32
        "tpu.region"() ({
          %run_scoped3A_158 = tpu.sem_alloc : memref<!tpu.dma_semaphore, #tpu.memory_space<semaphore_mem>>
          %dma_start3A = arith.constant 0 : i32
          %dma_start3A_159 = arith.constant 0 : i32
          %dma_start3A_160 = tpu.memref_slice %arg10[%dma_start3A, %dma_start3A_159] : memref<128x64xf32, #tpu.memory_space<vmem>> -> memref<16x64xf32, #tpu.memory_space<vmem>>
          %dma_start3A_161 = arith.constant 64 : i32
          %dma_start3A_162 = tpu.memref_slice %arg5[%add3A_53, %dma_start3A_161] : memref<10000x128xf32, #tpu.memory_space<hbm>> -> memref<16x64xf32, #tpu.memory_space<hbm>>
          %dma_start3A_163 = arith.constant 64 : i32
          %dma_start3A_164 = tpu.memref_slice %arg5[%add3A_53, %dma_start3A_163] : memref<10000x128xf32, #tpu.memory_space<hbm>> -> memref<16x64xf32, #tpu.memory_space<hbm>>
          %dma_start3A_165 = arith.constant 0 : i32
          %dma_start3A_166 = arith.constant 0 : i32
          %dma_start3A_167 = tpu.memref_slice %arg10[%dma_start3A_165, %dma_start3A_166] : memref<128x64xf32, #tpu.memory_space<vmem>> -> memref<16x64xf32, #tpu.memory_space<vmem>>
          tpu.enqueue_dma source(%dma_start3A_167 : memref<16x64xf32, #tpu.memory_space<vmem>>) target(%dma_start3A_164 : memref<16x64xf32, #tpu.memory_space<hbm>>) target_semaphore(%run_scoped3A_158 : memref<!tpu.dma_semaphore, #tpu.memory_space<semaphore_mem>>)
          %dma_wait3A = arith.constant 0 : i32
          %dma_wait3A_168 = arith.constant 0 : i32
          %dma_wait3A_169 = tpu.memref_slice %arg10[%dma_wait3A, %dma_wait3A_168] : memref<128x64xf32, #tpu.memory_space<vmem>> -> memref<16x64xf32, #tpu.memory_space<vmem>>
          %dma_wait3A_170 = arith.constant 64 : i32
          %dma_wait3A_171 = tpu.memref_slice %arg5[%add3A_53, %dma_wait3A_170] : memref<10000x128xf32, #tpu.memory_space<hbm>> -> memref<16x64xf32, #tpu.memory_space<hbm>>
          %dma_wait3A_172 = arith.constant 64 : i32
          %dma_wait3A_173 = tpu.memref_slice %arg5[%add3A_53, %dma_wait3A_172] : memref<10000x128xf32, #tpu.memory_space<hbm>> -> memref<16x64xf32, #tpu.memory_space<hbm>>
          %dma_wait3A_174 = arith.constant 0 : i32
          %dma_wait3A_175 = arith.constant 0 : i32
          %dma_wait3A_176 = tpu.memref_slice %arg10[%dma_wait3A_174, %dma_wait3A_175] : memref<128x64xf32, #tpu.memory_space<vmem>> -> memref<16x64xf32, #tpu.memory_space<vmem>>
          tpu.wait_dma2 semaphore(%run_scoped3A_158 : memref<!tpu.dma_semaphore, #tpu.memory_space<semaphore_mem>>) src(%dma_wait3A_176 : memref<16x64xf32, #tpu.memory_space<vmem>>) dst(%dma_wait3A_173 : memref<16x64xf32, #tpu.memory_space<hbm>>)
          tpu.yield
        }) : () -> ()
      } else {
      }
      %mul3A_67 = arith.constant 640 : i32
      %mul3A_68 = arith.muli %arg1, %mul3A_67 : i32
      %add3A_69 = arith.constant 128 : i32
      %add3A_70 = arith.addi %mul3A_68, %add3A_69 : i32
      %add3A_71 = arith.constant 128 : i32
      %add3A_72 = arith.addi %add3A_70, %add3A_71 : i32
      %le3A_73 = arith.constant 10000 : i32
      %le3A_74 = arith.cmpi sle, %add3A_72, %le3A_73 : i32
      %convert_element_type3A_75 = arith.extui %le3A_74 : i1 to i32
      %cond3A_76 = arith.constant 0 : i32
      %cond3A_77 = arith.cmpi ne, %convert_element_type3A_75, %cond3A_76 : i32
      scf.if %cond3A_77 {
        "tpu.region"() ({
          %run_scoped3A_158 = tpu.sem_alloc : memref<!tpu.dma_semaphore, #tpu.memory_space<semaphore_mem>>
          %dma_start3A = arith.constant 0 : i32
          %dma_start3A_159 = arith.constant 0 : i32
          %dma_start3A_160 = tpu.memref_slice %arg10[%dma_start3A, %dma_start3A_159] : memref<128x64xf32, #tpu.memory_space<vmem>> -> memref<128x64xf32, #tpu.memory_space<vmem>>
          %dma_start3A_161 = arith.constant 0 : i32
          %dma_start3A_162 = tpu.memref_slice %arg13[%add3A_70, %dma_start3A_161] : memref<10240x64xf32, #tpu.memory_space<vmem_shared>> -> memref<128x64xf32, #tpu.memory_space<vmem_shared>>
          %dma_start3A_163 = arith.constant 0 : i32
          %dma_start3A_164 = arith.constant 0 : i32
          %dma_start3A_165 = tpu.memref_slice %arg10[%dma_start3A_163, %dma_start3A_164] : memref<128x64xf32, #tpu.memory_space<vmem>> -> memref<128x64xf32, #tpu.memory_space<vmem>>
          %dma_start3A_166 = arith.constant 0 : i32
          %dma_start3A_167 = tpu.memref_slice %arg13[%add3A_70, %dma_start3A_166] : memref<10240x64xf32, #tpu.memory_space<vmem_shared>> -> memref<128x64xf32, #tpu.memory_space<vmem_shared>>
          tpu.enqueue_dma source(%dma_start3A_167 : memref<128x64xf32, #tpu.memory_space<vmem_shared>>) target(%dma_start3A_165 : memref<128x64xf32, #tpu.memory_space<vmem>>) target_semaphore(%run_scoped3A_158 : memref<!tpu.dma_semaphore, #tpu.memory_space<semaphore_mem>>)
          %dma_wait3A = arith.constant 0 : i32
          %dma_wait3A_168 = arith.constant 0 : i32
          %dma_wait3A_169 = tpu.memref_slice %arg10[%dma_wait3A, %dma_wait3A_168] : memref<128x64xf32, #tpu.memory_space<vmem>> -> memref<128x64xf32, #tpu.memory_space<vmem>>
          %dma_wait3A_170 = arith.constant 0 : i32
          %dma_wait3A_171 = tpu.memref_slice %arg13[%add3A_70, %dma_wait3A_170] : memref<10240x64xf32, #tpu.memory_space<vmem_shared>> -> memref<128x64xf32, #tpu.memory_space<vmem_shared>>
          %dma_wait3A_172 = arith.constant 0 : i32
          %dma_wait3A_173 = arith.constant 0 : i32
          %dma_wait3A_174 = tpu.memref_slice %arg10[%dma_wait3A_172, %dma_wait3A_173] : memref<128x64xf32, #tpu.memory_space<vmem>> -> memref<128x64xf32, #tpu.memory_space<vmem>>
          %dma_wait3A_175 = arith.constant 0 : i32
          %dma_wait3A_176 = tpu.memref_slice %arg13[%add3A_70, %dma_wait3A_175] : memref<10240x64xf32, #tpu.memory_space<vmem_shared>> -> memref<128x64xf32, #tpu.memory_space<vmem_shared>>
          tpu.wait_dma2 semaphore(%run_scoped3A_158 : memref<!tpu.dma_semaphore, #tpu.memory_space<semaphore_mem>>) src(%dma_wait3A_176 : memref<128x64xf32, #tpu.memory_space<vmem_shared>>) dst(%dma_wait3A_174 : memref<128x64xf32, #tpu.memory_space<vmem>>)
          tpu.yield
        }) : () -> ()
        "tpu.region"() ({
          %run_scoped3A_158 = tpu.sem_alloc : memref<!tpu.dma_semaphore, #tpu.memory_space<semaphore_mem>>
          %dma_start3A = arith.constant 0 : i32
          %dma_start3A_159 = arith.constant 0 : i32
          %dma_start3A_160 = tpu.memref_slice %arg11[%dma_start3A, %dma_start3A_159] : memref<128x16xf32, #tpu.memory_space<vmem>> -> memref<128x16xf32, #tpu.memory_space<vmem>>
          %dma_start3A_161 = arith.constant 0 : i32
          %dma_start3A_162 = tpu.memref_slice %arg14[%add3A_70, %dma_start3A_161] : memref<10240x16xf32, #tpu.memory_space<vmem_shared>> -> memref<128x16xf32, #tpu.memory_space<vmem_shared>>
          %dma_start3A_163 = arith.constant 0 : i32
          %dma_start3A_164 = arith.constant 0 : i32
          %dma_start3A_165 = tpu.memref_slice %arg11[%dma_start3A_163, %dma_start3A_164] : memref<128x16xf32, #tpu.memory_space<vmem>> -> memref<128x16xf32, #tpu.memory_space<vmem>>
          %dma_start3A_166 = arith.constant 0 : i32
          %dma_start3A_167 = tpu.memref_slice %arg14[%add3A_70, %dma_start3A_166] : memref<10240x16xf32, #tpu.memory_space<vmem_shared>> -> memref<128x16xf32, #tpu.memory_space<vmem_shared>>
          tpu.enqueue_dma source(%dma_start3A_167 : memref<128x16xf32, #tpu.memory_space<vmem_shared>>) target(%dma_start3A_165 : memref<128x16xf32, #tpu.memory_space<vmem>>) target_semaphore(%run_scoped3A_158 : memref<!tpu.dma_semaphore, #tpu.memory_space<semaphore_mem>>)
          %dma_wait3A = arith.constant 0 : i32
          %dma_wait3A_168 = arith.constant 0 : i32
          %dma_wait3A_169 = tpu.memref_slice %arg11[%dma_wait3A, %dma_wait3A_168] : memref<128x16xf32, #tpu.memory_space<vmem>> -> memref<128x16xf32, #tpu.memory_space<vmem>>
          %dma_wait3A_170 = arith.constant 0 : i32
          %dma_wait3A_171 = tpu.memref_slice %arg14[%add3A_70, %dma_wait3A_170] : memref<10240x16xf32, #tpu.memory_space<vmem_shared>> -> memref<128x16xf32, #tpu.memory_space<vmem_shared>>
          %dma_wait3A_172 = arith.constant 0 : i32
          %dma_wait3A_173 = arith.constant 0 : i32
          %dma_wait3A_174 = tpu.memref_slice %arg11[%dma_wait3A_172, %dma_wait3A_173] : memref<128x16xf32, #tpu.memory_space<vmem>> -> memref<128x16xf32, #tpu.memory_space<vmem>>
          %dma_wait3A_175 = arith.constant 0 : i32
          %dma_wait3A_176 = tpu.memref_slice %arg14[%add3A_70, %dma_wait3A_175] : memref<10240x16xf32, #tpu.memory_space<vmem_shared>> -> memref<128x16xf32, #tpu.memory_space<vmem_shared>>
          tpu.wait_dma2 semaphore(%run_scoped3A_158 : memref<!tpu.dma_semaphore, #tpu.memory_space<semaphore_mem>>) src(%dma_wait3A_176 : memref<128x16xf32, #tpu.memory_space<vmem_shared>>) dst(%dma_wait3A_174 : memref<128x16xf32, #tpu.memory_space<vmem>>)
          tpu.yield
        }) : () -> ()
        %scan3A_151 = arith.constant 0 : i32
        %scan3A_152 = arith.constant 0 : i32
        %scan3A_153 = arith.constant 128 : i32
        %scan3A_154 = arith.addi %scan3A_152, %scan3A_153 : i32
        %scan3A_155 = arith.constant 1 : i32
        %scan3A_156 = scf.for %scan3A_158 = %scan3A_152 to %scan3A_154 step %scan3A_155 iter_args(%scan3A_159 = %scan3A_151) -> (i32)  : i32 {
          %get3A = arith.index_cast %scan3A_158 : i32 to index
          %get3A_160 = arith.constant 0 : index
          %get3A_161 = tpu.vector_load %arg11[%get3A, %get3A_160] {strides = array<i32>} : memref<128x16xf32, #tpu.memory_space<vmem>>, vector<1x16xf32>,
          %get3A_162 = vector.shape_cast %get3A_161 : vector<1x16xf32> to vector<16xf32>
          %max3A = arith.constant 1.000000e+00 : f32
          %max3A_163 = vector.broadcast %max3A : f32 to vector<16xf32>
          %max3A_164 = arith.maximumf %get3A_162, %max3A_163 : vector<16xf32>
          %div3A = arith.constant 1.000000e+00 : f32
          %div3A_165 = vector.broadcast %div3A : f32 to vector<16xf32>
          %div3A_166 = arith.divf %div3A_165, %max3A_164 : vector<16xf32>
          %get3A_167 = arith.index_cast %scan3A_158 : i32 to index
          %get3A_168 = arith.constant 0 : index
          %get3A_169 = tpu.vector_load %arg10[%get3A_167, %get3A_168] {strides = array<i32>} : memref<128x64xf32, #tpu.memory_space<vmem>>, vector<1x16xf32>,
          %get3A_170 = vector.shape_cast %get3A_169 : vector<1x16xf32> to vector<16xf32>
          %mul3A_171 = arith.mulf %get3A_170, %div3A_166 : vector<16xf32>
          %swap3A = arith.index_cast %scan3A_158 : i32 to index
          %swap3A_172 = arith.constant 0 : index
          %swap3A_173 = tpu.vector_load %arg10[%swap3A, %swap3A_172] {strides = array<i32>} : memref<128x64xf32, #tpu.memory_space<vmem>>, vector<1x16xf32>,
          %swap3A_174 = vector.shape_cast %swap3A_173 : vector<1x16xf32> to vector<16xf32>
          %swap3A_175 = vector.shape_cast %mul3A_171 : vector<16xf32> to vector<1x16xf32>
          tpu.vector_store %arg10[%swap3A, %swap3A_172], %swap3A_175 {strides = array<i32>} : memref<128x64xf32, #tpu.memory_space<vmem>>, vector<1x16xf32>,
          %get3A_176 = arith.index_cast %scan3A_158 : i32 to index
          %get3A_177 = arith.constant 16 : index
          %get3A_178 = tpu.vector_load %arg10[%get3A_176, %get3A_177] {strides = array<i32>} : memref<128x64xf32, #tpu.memory_space<vmem>>, vector<1x16xf32>,
          %get3A_179 = vector.shape_cast %get3A_178 : vector<1x16xf32> to vector<16xf32>
          %mul3A_180 = arith.mulf %get3A_179, %div3A_166 : vector<16xf32>
          %swap3A_181 = arith.index_cast %scan3A_158 : i32 to index
          %swap3A_182 = arith.constant 16 : index
          %swap3A_183 = tpu.vector_load %arg10[%swap3A_181, %swap3A_182] {strides = array<i32>} : memref<128x64xf32, #tpu.memory_space<vmem>>, vector<1x16xf32>,
          %swap3A_184 = vector.shape_cast %swap3A_183 : vector<1x16xf32> to vector<16xf32>
          %swap3A_185 = vector.shape_cast %mul3A_180 : vector<16xf32> to vector<1x16xf32>
          tpu.vector_store %arg10[%swap3A_181, %swap3A_182], %swap3A_185 {strides = array<i32>} : memref<128x64xf32, #tpu.memory_space<vmem>>, vector<1x16xf32>,
          %get3A_186 = arith.index_cast %scan3A_158 : i32 to index
          %get3A_187 = arith.constant 32 : index
          %get3A_188 = tpu.vector_load %arg10[%get3A_186, %get3A_187] {strides = array<i32>} : memref<128x64xf32, #tpu.memory_space<vmem>>, vector<1x16xf32>,
          %get3A_189 = vector.shape_cast %get3A_188 : vector<1x16xf32> to vector<16xf32>
          %mul3A_190 = arith.mulf %get3A_189, %div3A_166 : vector<16xf32>
          %swap3A_191 = arith.index_cast %scan3A_158 : i32 to index
          %swap3A_192 = arith.constant 32 : index
          %swap3A_193 = tpu.vector_load %arg10[%swap3A_191, %swap3A_192] {strides = array<i32>} : memref<128x64xf32, #tpu.memory_space<vmem>>, vector<1x16xf32>,
          %swap3A_194 = vector.shape_cast %swap3A_193 : vector<1x16xf32> to vector<16xf32>
          %swap3A_195 = vector.shape_cast %mul3A_190 : vector<16xf32> to vector<1x16xf32>
          tpu.vector_store %arg10[%swap3A_191, %swap3A_192], %swap3A_195 {strides = array<i32>} : memref<128x64xf32, #tpu.memory_space<vmem>>, vector<1x16xf32>,
          %get3A_196 = arith.index_cast %scan3A_158 : i32 to index
          %get3A_197 = arith.constant 48 : index
          %get3A_198 = tpu.vector_load %arg10[%get3A_196, %get3A_197] {strides = array<i32>} : memref<128x64xf32, #tpu.memory_space<vmem>>, vector<1x16xf32>,
          %get3A_199 = vector.shape_cast %get3A_198 : vector<1x16xf32> to vector<16xf32>
          %mul3A_200 = arith.mulf %get3A_199, %div3A_166 : vector<16xf32>
          %swap3A_201 = arith.index_cast %scan3A_158 : i32 to index
          %swap3A_202 = arith.constant 48 : index
          %swap3A_203 = tpu.vector_load %arg10[%swap3A_201, %swap3A_202] {strides = array<i32>} : memref<128x64xf32, #tpu.memory_space<vmem>>, vector<1x16xf32>,
          %swap3A_204 = vector.shape_cast %swap3A_203 : vector<1x16xf32> to vector<16xf32>
          %swap3A_205 = vector.shape_cast %mul3A_200 : vector<16xf32> to vector<1x16xf32>
          tpu.vector_store %arg10[%swap3A_201, %swap3A_202], %swap3A_205 {strides = array<i32>} : memref<128x64xf32, #tpu.memory_space<vmem>>, vector<1x16xf32>,
          %scan3A_206 = arith.constant 0 : i32
          scf.yield %scan3A_206 : i32
        }
        %scan3A_157 = arith.constant 128 : i32
        "tpu.region"() ({
          %run_scoped3A_158 = tpu.sem_alloc : memref<!tpu.dma_semaphore, #tpu.memory_space<semaphore_mem>>
          %dma_start3A = arith.constant 0 : i32
          %dma_start3A_159 = arith.constant 0 : i32
          %dma_start3A_160 = tpu.memref_slice %arg10[%dma_start3A, %dma_start3A_159] : memref<128x64xf32, #tpu.memory_space<vmem>> -> memref<128x64xf32, #tpu.memory_space<vmem>>
          %dma_start3A_161 = arith.constant 64 : i32
          %dma_start3A_162 = tpu.memref_slice %arg5[%add3A_70, %dma_start3A_161] : memref<10000x128xf32, #tpu.memory_space<hbm>> -> memref<128x64xf32, #tpu.memory_space<hbm>>
          %dma_start3A_163 = arith.constant 64 : i32
          %dma_start3A_164 = tpu.memref_slice %arg5[%add3A_70, %dma_start3A_163] : memref<10000x128xf32, #tpu.memory_space<hbm>> -> memref<128x64xf32, #tpu.memory_space<hbm>>
          %dma_start3A_165 = arith.constant 0 : i32
          %dma_start3A_166 = arith.constant 0 : i32
          %dma_start3A_167 = tpu.memref_slice %arg10[%dma_start3A_165, %dma_start3A_166] : memref<128x64xf32, #tpu.memory_space<vmem>> -> memref<128x64xf32, #tpu.memory_space<vmem>>
          tpu.enqueue_dma source(%dma_start3A_167 : memref<128x64xf32, #tpu.memory_space<vmem>>) target(%dma_start3A_164 : memref<128x64xf32, #tpu.memory_space<hbm>>) target_semaphore(%run_scoped3A_158 : memref<!tpu.dma_semaphore, #tpu.memory_space<semaphore_mem>>)
          %dma_wait3A = arith.constant 0 : i32
          %dma_wait3A_168 = arith.constant 0 : i32
          %dma_wait3A_169 = tpu.memref_slice %arg10[%dma_wait3A, %dma_wait3A_168] : memref<128x64xf32, #tpu.memory_space<vmem>> -> memref<128x64xf32, #tpu.memory_space<vmem>>
          %dma_wait3A_170 = arith.constant 64 : i32
          %dma_wait3A_171 = tpu.memref_slice %arg5[%add3A_70, %dma_wait3A_170] : memref<10000x128xf32, #tpu.memory_space<hbm>> -> memref<128x64xf32, #tpu.memory_space<hbm>>
          %dma_wait3A_172 = arith.constant 64 : i32
          %dma_wait3A_173 = tpu.memref_slice %arg5[%add3A_70, %dma_wait3A_172] : memref<10000x128xf32, #tpu.memory_space<hbm>> -> memref<128x64xf32, #tpu.memory_space<hbm>>
          %dma_wait3A_174 = arith.constant 0 : i32
          %dma_wait3A_175 = arith.constant 0 : i32
          %dma_wait3A_176 = tpu.memref_slice %arg10[%dma_wait3A_174, %dma_wait3A_175] : memref<128x64xf32, #tpu.memory_space<vmem>> -> memref<128x64xf32, #tpu.memory_space<vmem>>
          tpu.wait_dma2 semaphore(%run_scoped3A_158 : memref<!tpu.dma_semaphore, #tpu.memory_space<semaphore_mem>>) src(%dma_wait3A_176 : memref<128x64xf32, #tpu.memory_space<vmem>>) dst(%dma_wait3A_173 : memref<128x64xf32, #tpu.memory_space<hbm>>)
          tpu.yield
        }) : () -> ()
      } else {
      }
      %lt3A_78 = arith.constant 10000 : i32
      %lt3A_79 = arith.cmpi slt, %add3A_70, %lt3A_78 : i32
      %add3A_80 = arith.constant 128 : i32
      %add3A_81 = arith.addi %add3A_70, %add3A_80 : i32
      %gt3A_82 = arith.constant 10000 : i32
      %gt3A_83 = arith.cmpi sgt, %add3A_81, %gt3A_82 : i32
      %and3A_84 = arith.andi %lt3A_79, %gt3A_83 : i1
      %convert_element_type3A_85 = arith.extui %and3A_84 : i1 to i32
      %cond3A_86 = arith.constant 0 : i32
      %cond3A_87 = arith.cmpi ne, %convert_element_type3A_85, %cond3A_86 : i32
      scf.if %cond3A_87 {
        "tpu.region"() ({
          %run_scoped3A_158 = tpu.sem_alloc : memref<!tpu.dma_semaphore, #tpu.memory_space<semaphore_mem>>
          %dma_start3A = arith.constant 0 : i32
          %dma_start3A_159 = arith.constant 0 : i32
          %dma_start3A_160 = tpu.memref_slice %arg10[%dma_start3A, %dma_start3A_159] : memref<128x64xf32, #tpu.memory_space<vmem>> -> memref<16x64xf32, #tpu.memory_space<vmem>>
          %dma_start3A_161 = arith.constant 0 : i32
          %dma_start3A_162 = tpu.memref_slice %arg13[%add3A_70, %dma_start3A_161] : memref<10240x64xf32, #tpu.memory_space<vmem_shared>> -> memref<16x64xf32, #tpu.memory_space<vmem_shared>>
          %dma_start3A_163 = arith.constant 0 : i32
          %dma_start3A_164 = arith.constant 0 : i32
          %dma_start3A_165 = tpu.memref_slice %arg10[%dma_start3A_163, %dma_start3A_164] : memref<128x64xf32, #tpu.memory_space<vmem>> -> memref<16x64xf32, #tpu.memory_space<vmem>>
          %dma_start3A_166 = arith.constant 0 : i32
          %dma_start3A_167 = tpu.memref_slice %arg13[%add3A_70, %dma_start3A_166] : memref<10240x64xf32, #tpu.memory_space<vmem_shared>> -> memref<16x64xf32, #tpu.memory_space<vmem_shared>>
          tpu.enqueue_dma source(%dma_start3A_167 : memref<16x64xf32, #tpu.memory_space<vmem_shared>>) target(%dma_start3A_165 : memref<16x64xf32, #tpu.memory_space<vmem>>) target_semaphore(%run_scoped3A_158 : memref<!tpu.dma_semaphore, #tpu.memory_space<semaphore_mem>>)
          %dma_wait3A = arith.constant 0 : i32
          %dma_wait3A_168 = arith.constant 0 : i32
          %dma_wait3A_169 = tpu.memref_slice %arg10[%dma_wait3A, %dma_wait3A_168] : memref<128x64xf32, #tpu.memory_space<vmem>> -> memref<16x64xf32, #tpu.memory_space<vmem>>
          %dma_wait3A_170 = arith.constant 0 : i32
          %dma_wait3A_171 = tpu.memref_slice %arg13[%add3A_70, %dma_wait3A_170] : memref<10240x64xf32, #tpu.memory_space<vmem_shared>> -> memref<16x64xf32, #tpu.memory_space<vmem_shared>>
          %dma_wait3A_172 = arith.constant 0 : i32
          %dma_wait3A_173 = arith.constant 0 : i32
          %dma_wait3A_174 = tpu.memref_slice %arg10[%dma_wait3A_172, %dma_wait3A_173] : memref<128x64xf32, #tpu.memory_space<vmem>> -> memref<16x64xf32, #tpu.memory_space<vmem>>
          %dma_wait3A_175 = arith.constant 0 : i32
          %dma_wait3A_176 = tpu.memref_slice %arg13[%add3A_70, %dma_wait3A_175] : memref<10240x64xf32, #tpu.memory_space<vmem_shared>> -> memref<16x64xf32, #tpu.memory_space<vmem_shared>>
          tpu.wait_dma2 semaphore(%run_scoped3A_158 : memref<!tpu.dma_semaphore, #tpu.memory_space<semaphore_mem>>) src(%dma_wait3A_176 : memref<16x64xf32, #tpu.memory_space<vmem_shared>>) dst(%dma_wait3A_174 : memref<16x64xf32, #tpu.memory_space<vmem>>)
          tpu.yield
        }) : () -> ()
        "tpu.region"() ({
          %run_scoped3A_158 = tpu.sem_alloc : memref<!tpu.dma_semaphore, #tpu.memory_space<semaphore_mem>>
          %dma_start3A = arith.constant 0 : i32
          %dma_start3A_159 = arith.constant 0 : i32
          %dma_start3A_160 = tpu.memref_slice %arg11[%dma_start3A, %dma_start3A_159] : memref<128x16xf32, #tpu.memory_space<vmem>> -> memref<16x16xf32, #tpu.memory_space<vmem>>
          %dma_start3A_161 = arith.constant 0 : i32
          %dma_start3A_162 = tpu.memref_slice %arg14[%add3A_70, %dma_start3A_161] : memref<10240x16xf32, #tpu.memory_space<vmem_shared>> -> memref<16x16xf32, #tpu.memory_space<vmem_shared>>
          %dma_start3A_163 = arith.constant 0 : i32
          %dma_start3A_164 = arith.constant 0 : i32
          %dma_start3A_165 = tpu.memref_slice %arg11[%dma_start3A_163, %dma_start3A_164] : memref<128x16xf32, #tpu.memory_space<vmem>> -> memref<16x16xf32, #tpu.memory_space<vmem>>
          %dma_start3A_166 = arith.constant 0 : i32
          %dma_start3A_167 = tpu.memref_slice %arg14[%add3A_70, %dma_start3A_166] : memref<10240x16xf32, #tpu.memory_space<vmem_shared>> -> memref<16x16xf32, #tpu.memory_space<vmem_shared>>
          tpu.enqueue_dma source(%dma_start3A_167 : memref<16x16xf32, #tpu.memory_space<vmem_shared>>) target(%dma_start3A_165 : memref<16x16xf32, #tpu.memory_space<vmem>>) target_semaphore(%run_scoped3A_158 : memref<!tpu.dma_semaphore, #tpu.memory_space<semaphore_mem>>)
          %dma_wait3A = arith.constant 0 : i32
          %dma_wait3A_168 = arith.constant 0 : i32
          %dma_wait3A_169 = tpu.memref_slice %arg11[%dma_wait3A, %dma_wait3A_168] : memref<128x16xf32, #tpu.memory_space<vmem>> -> memref<16x16xf32, #tpu.memory_space<vmem>>
          %dma_wait3A_170 = arith.constant 0 : i32
          %dma_wait3A_171 = tpu.memref_slice %arg14[%add3A_70, %dma_wait3A_170] : memref<10240x16xf32, #tpu.memory_space<vmem_shared>> -> memref<16x16xf32, #tpu.memory_space<vmem_shared>>
          %dma_wait3A_172 = arith.constant 0 : i32
          %dma_wait3A_173 = arith.constant 0 : i32
          %dma_wait3A_174 = tpu.memref_slice %arg11[%dma_wait3A_172, %dma_wait3A_173] : memref<128x16xf32, #tpu.memory_space<vmem>> -> memref<16x16xf32, #tpu.memory_space<vmem>>
          %dma_wait3A_175 = arith.constant 0 : i32
          %dma_wait3A_176 = tpu.memref_slice %arg14[%add3A_70, %dma_wait3A_175] : memref<10240x16xf32, #tpu.memory_space<vmem_shared>> -> memref<16x16xf32, #tpu.memory_space<vmem_shared>>
          tpu.wait_dma2 semaphore(%run_scoped3A_158 : memref<!tpu.dma_semaphore, #tpu.memory_space<semaphore_mem>>) src(%dma_wait3A_176 : memref<16x16xf32, #tpu.memory_space<vmem_shared>>) dst(%dma_wait3A_174 : memref<16x16xf32, #tpu.memory_space<vmem>>)
          tpu.yield
        }) : () -> ()
        %scan3A_151 = arith.constant 0 : i32
        %scan3A_152 = arith.constant 0 : i32
        %scan3A_153 = arith.constant 16 : i32
        %scan3A_154 = arith.addi %scan3A_152, %scan3A_153 : i32
        %scan3A_155 = arith.constant 1 : i32
        %scan3A_156 = scf.for %scan3A_158 = %scan3A_152 to %scan3A_154 step %scan3A_155 iter_args(%scan3A_159 = %scan3A_151) -> (i32)  : i32 {
          %get3A = arith.index_cast %scan3A_158 : i32 to index
          %get3A_160 = arith.constant 0 : index
          %get3A_161 = tpu.vector_load %arg11[%get3A, %get3A_160] {strides = array<i32>} : memref<128x16xf32, #tpu.memory_space<vmem>>, vector<1x16xf32>,
          %get3A_162 = vector.shape_cast %get3A_161 : vector<1x16xf32> to vector<16xf32>
          %max3A = arith.constant 1.000000e+00 : f32
          %max3A_163 = vector.broadcast %max3A : f32 to vector<16xf32>
          %max3A_164 = arith.maximumf %get3A_162, %max3A_163 : vector<16xf32>
          %div3A = arith.constant 1.000000e+00 : f32
          %div3A_165 = vector.broadcast %div3A : f32 to vector<16xf32>
          %div3A_166 = arith.divf %div3A_165, %max3A_164 : vector<16xf32>
          %get3A_167 = arith.index_cast %scan3A_158 : i32 to index
          %get3A_168 = arith.constant 0 : index
          %get3A_169 = tpu.vector_load %arg10[%get3A_167, %get3A_168] {strides = array<i32>} : memref<128x64xf32, #tpu.memory_space<vmem>>, vector<1x16xf32>,
          %get3A_170 = vector.shape_cast %get3A_169 : vector<1x16xf32> to vector<16xf32>
          %mul3A_171 = arith.mulf %get3A_170, %div3A_166 : vector<16xf32>
          %swap3A = arith.index_cast %scan3A_158 : i32 to index
          %swap3A_172 = arith.constant 0 : index
          %swap3A_173 = tpu.vector_load %arg10[%swap3A, %swap3A_172] {strides = array<i32>} : memref<128x64xf32, #tpu.memory_space<vmem>>, vector<1x16xf32>,
          %swap3A_174 = vector.shape_cast %swap3A_173 : vector<1x16xf32> to vector<16xf32>
          %swap3A_175 = vector.shape_cast %mul3A_171 : vector<16xf32> to vector<1x16xf32>
          tpu.vector_store %arg10[%swap3A, %swap3A_172], %swap3A_175 {strides = array<i32>} : memref<128x64xf32, #tpu.memory_space<vmem>>, vector<1x16xf32>,
          %get3A_176 = arith.index_cast %scan3A_158 : i32 to index
          %get3A_177 = arith.constant 16 : index
          %get3A_178 = tpu.vector_load %arg10[%get3A_176, %get3A_177] {strides = array<i32>} : memref<128x64xf32, #tpu.memory_space<vmem>>, vector<1x16xf32>,
          %get3A_179 = vector.shape_cast %get3A_178 : vector<1x16xf32> to vector<16xf32>
          %mul3A_180 = arith.mulf %get3A_179, %div3A_166 : vector<16xf32>
          %swap3A_181 = arith.index_cast %scan3A_158 : i32 to index
          %swap3A_182 = arith.constant 16 : index
          %swap3A_183 = tpu.vector_load %arg10[%swap3A_181, %swap3A_182] {strides = array<i32>} : memref<128x64xf32, #tpu.memory_space<vmem>>, vector<1x16xf32>,
          %swap3A_184 = vector.shape_cast %swap3A_183 : vector<1x16xf32> to vector<16xf32>
          %swap3A_185 = vector.shape_cast %mul3A_180 : vector<16xf32> to vector<1x16xf32>
          tpu.vector_store %arg10[%swap3A_181, %swap3A_182], %swap3A_185 {strides = array<i32>} : memref<128x64xf32, #tpu.memory_space<vmem>>, vector<1x16xf32>,
          %get3A_186 = arith.index_cast %scan3A_158 : i32 to index
          %get3A_187 = arith.constant 32 : index
          %get3A_188 = tpu.vector_load %arg10[%get3A_186, %get3A_187] {strides = array<i32>} : memref<128x64xf32, #tpu.memory_space<vmem>>, vector<1x16xf32>,
          %get3A_189 = vector.shape_cast %get3A_188 : vector<1x16xf32> to vector<16xf32>
          %mul3A_190 = arith.mulf %get3A_189, %div3A_166 : vector<16xf32>
          %swap3A_191 = arith.index_cast %scan3A_158 : i32 to index
          %swap3A_192 = arith.constant 32 : index
          %swap3A_193 = tpu.vector_load %arg10[%swap3A_191, %swap3A_192] {strides = array<i32>} : memref<128x64xf32, #tpu.memory_space<vmem>>, vector<1x16xf32>,
          %swap3A_194 = vector.shape_cast %swap3A_193 : vector<1x16xf32> to vector<16xf32>
          %swap3A_195 = vector.shape_cast %mul3A_190 : vector<16xf32> to vector<1x16xf32>
          tpu.vector_store %arg10[%swap3A_191, %swap3A_192], %swap3A_195 {strides = array<i32>} : memref<128x64xf32, #tpu.memory_space<vmem>>, vector<1x16xf32>,
          %get3A_196 = arith.index_cast %scan3A_158 : i32 to index
          %get3A_197 = arith.constant 48 : index
          %get3A_198 = tpu.vector_load %arg10[%get3A_196, %get3A_197] {strides = array<i32>} : memref<128x64xf32, #tpu.memory_space<vmem>>, vector<1x16xf32>,
          %get3A_199 = vector.shape_cast %get3A_198 : vector<1x16xf32> to vector<16xf32>
          %mul3A_200 = arith.mulf %get3A_199, %div3A_166 : vector<16xf32>
          %swap3A_201 = arith.index_cast %scan3A_158 : i32 to index
          %swap3A_202 = arith.constant 48 : index
          %swap3A_203 = tpu.vector_load %arg10[%swap3A_201, %swap3A_202] {strides = array<i32>} : memref<128x64xf32, #tpu.memory_space<vmem>>, vector<1x16xf32>,
          %swap3A_204 = vector.shape_cast %swap3A_203 : vector<1x16xf32> to vector<16xf32>
          %swap3A_205 = vector.shape_cast %mul3A_200 : vector<16xf32> to vector<1x16xf32>
          tpu.vector_store %arg10[%swap3A_201, %swap3A_202], %swap3A_205 {strides = array<i32>} : memref<128x64xf32, #tpu.memory_space<vmem>>, vector<1x16xf32>,
          %scan3A_206 = arith.constant 0 : i32
          scf.yield %scan3A_206 : i32
        }
        %scan3A_157 = arith.constant 16 : i32
        "tpu.region"() ({
          %run_scoped3A_158 = tpu.sem_alloc : memref<!tpu.dma_semaphore, #tpu.memory_space<semaphore_mem>>
          %dma_start3A = arith.constant 0 : i32
          %dma_start3A_159 = arith.constant 0 : i32
          %dma_start3A_160 = tpu.memref_slice %arg10[%dma_start3A, %dma_start3A_159] : memref<128x64xf32, #tpu.memory_space<vmem>> -> memref<16x64xf32, #tpu.memory_space<vmem>>
          %dma_start3A_161 = arith.constant 64 : i32
          %dma_start3A_162 = tpu.memref_slice %arg5[%add3A_70, %dma_start3A_161] : memref<10000x128xf32, #tpu.memory_space<hbm>> -> memref<16x64xf32, #tpu.memory_space<hbm>>
          %dma_start3A_163 = arith.constant 64 : i32
          %dma_start3A_164 = tpu.memref_slice %arg5[%add3A_70, %dma_start3A_163] : memref<10000x128xf32, #tpu.memory_space<hbm>> -> memref<16x64xf32, #tpu.memory_space<hbm>>
          %dma_start3A_165 = arith.constant 0 : i32
          %dma_start3A_166 = arith.constant 0 : i32
          %dma_start3A_167 = tpu.memref_slice %arg10[%dma_start3A_165, %dma_start3A_166] : memref<128x64xf32, #tpu.memory_space<vmem>> -> memref<16x64xf32, #tpu.memory_space<vmem>>
          tpu.enqueue_dma source(%dma_start3A_167 : memref<16x64xf32, #tpu.memory_space<vmem>>) target(%dma_start3A_164 : memref<16x64xf32, #tpu.memory_space<hbm>>) target_semaphore(%run_scoped3A_158 : memref<!tpu.dma_semaphore, #tpu.memory_space<semaphore_mem>>)
          %dma_wait3A = arith.constant 0 : i32
          %dma_wait3A_168 = arith.constant 0 : i32
          %dma_wait3A_169 = tpu.memref_slice %arg10[%dma_wait3A, %dma_wait3A_168] : memref<128x64xf32, #tpu.memory_space<vmem>> -> memref<16x64xf32, #tpu.memory_space<vmem>>
          %dma_wait3A_170 = arith.constant 64 : i32
          %dma_wait3A_171 = tpu.memref_slice %arg5[%add3A_70, %dma_wait3A_170] : memref<10000x128xf32, #tpu.memory_space<hbm>> -> memref<16x64xf32, #tpu.memory_space<hbm>>
          %dma_wait3A_172 = arith.constant 64 : i32
          %dma_wait3A_173 = tpu.memref_slice %arg5[%add3A_70, %dma_wait3A_172] : memref<10000x128xf32, #tpu.memory_space<hbm>> -> memref<16x64xf32, #tpu.memory_space<hbm>>
          %dma_wait3A_174 = arith.constant 0 : i32
          %dma_wait3A_175 = arith.constant 0 : i32
          %dma_wait3A_176 = tpu.memref_slice %arg10[%dma_wait3A_174, %dma_wait3A_175] : memref<128x64xf32, #tpu.memory_space<vmem>> -> memref<16x64xf32, #tpu.memory_space<vmem>>
          tpu.wait_dma2 semaphore(%run_scoped3A_158 : memref<!tpu.dma_semaphore, #tpu.memory_space<semaphore_mem>>) src(%dma_wait3A_176 : memref<16x64xf32, #tpu.memory_space<vmem>>) dst(%dma_wait3A_173 : memref<16x64xf32, #tpu.memory_space<hbm>>)
          tpu.yield
        }) : () -> ()
      } else {
      }
      %mul3A_88 = arith.constant 640 : i32
      %mul3A_89 = arith.muli %arg1, %mul3A_88 : i32
      %add3A_90 = arith.constant 256 : i32
      %add3A_91 = arith.addi %mul3A_89, %add3A_90 : i32
      %add3A_92 = arith.constant 128 : i32
      %add3A_93 = arith.addi %add3A_91, %add3A_92 : i32
      %le3A_94 = arith.constant 10000 : i32
      %le3A_95 = arith.cmpi sle, %add3A_93, %le3A_94 : i32
      %convert_element_type3A_96 = arith.extui %le3A_95 : i1 to i32
      %cond3A_97 = arith.constant 0 : i32
      %cond3A_98 = arith.cmpi ne, %convert_element_type3A_96, %cond3A_97 : i32
      scf.if %cond3A_98 {
        "tpu.region"() ({
          %run_scoped3A_158 = tpu.sem_alloc : memref<!tpu.dma_semaphore, #tpu.memory_space<semaphore_mem>>
          %dma_start3A = arith.constant 0 : i32
          %dma_start3A_159 = arith.constant 0 : i32
          %dma_start3A_160 = tpu.memref_slice %arg10[%dma_start3A, %dma_start3A_159] : memref<128x64xf32, #tpu.memory_space<vmem>> -> memref<128x64xf32, #tpu.memory_space<vmem>>
          %dma_start3A_161 = arith.constant 0 : i32
          %dma_start3A_162 = tpu.memref_slice %arg13[%add3A_91, %dma_start3A_161] : memref<10240x64xf32, #tpu.memory_space<vmem_shared>> -> memref<128x64xf32, #tpu.memory_space<vmem_shared>>
          %dma_start3A_163 = arith.constant 0 : i32
          %dma_start3A_164 = arith.constant 0 : i32
          %dma_start3A_165 = tpu.memref_slice %arg10[%dma_start3A_163, %dma_start3A_164] : memref<128x64xf32, #tpu.memory_space<vmem>> -> memref<128x64xf32, #tpu.memory_space<vmem>>
          %dma_start3A_166 = arith.constant 0 : i32
          %dma_start3A_167 = tpu.memref_slice %arg13[%add3A_91, %dma_start3A_166] : memref<10240x64xf32, #tpu.memory_space<vmem_shared>> -> memref<128x64xf32, #tpu.memory_space<vmem_shared>>
          tpu.enqueue_dma source(%dma_start3A_167 : memref<128x64xf32, #tpu.memory_space<vmem_shared>>) target(%dma_start3A_165 : memref<128x64xf32, #tpu.memory_space<vmem>>) target_semaphore(%run_scoped3A_158 : memref<!tpu.dma_semaphore, #tpu.memory_space<semaphore_mem>>)
          %dma_wait3A = arith.constant 0 : i32
          %dma_wait3A_168 = arith.constant 0 : i32
          %dma_wait3A_169 = tpu.memref_slice %arg10[%dma_wait3A, %dma_wait3A_168] : memref<128x64xf32, #tpu.memory_space<vmem>> -> memref<128x64xf32, #tpu.memory_space<vmem>>
          %dma_wait3A_170 = arith.constant 0 : i32
          %dma_wait3A_171 = tpu.memref_slice %arg13[%add3A_91, %dma_wait3A_170] : memref<10240x64xf32, #tpu.memory_space<vmem_shared>> -> memref<128x64xf32, #tpu.memory_space<vmem_shared>>
          %dma_wait3A_172 = arith.constant 0 : i32
          %dma_wait3A_173 = arith.constant 0 : i32
          %dma_wait3A_174 = tpu.memref_slice %arg10[%dma_wait3A_172, %dma_wait3A_173] : memref<128x64xf32, #tpu.memory_space<vmem>> -> memref<128x64xf32, #tpu.memory_space<vmem>>
          %dma_wait3A_175 = arith.constant 0 : i32
          %dma_wait3A_176 = tpu.memref_slice %arg13[%add3A_91, %dma_wait3A_175] : memref<10240x64xf32, #tpu.memory_space<vmem_shared>> -> memref<128x64xf32, #tpu.memory_space<vmem_shared>>
          tpu.wait_dma2 semaphore(%run_scoped3A_158 : memref<!tpu.dma_semaphore, #tpu.memory_space<semaphore_mem>>) src(%dma_wait3A_176 : memref<128x64xf32, #tpu.memory_space<vmem_shared>>) dst(%dma_wait3A_174 : memref<128x64xf32, #tpu.memory_space<vmem>>)
          tpu.yield
        }) : () -> ()
        "tpu.region"() ({
          %run_scoped3A_158 = tpu.sem_alloc : memref<!tpu.dma_semaphore, #tpu.memory_space<semaphore_mem>>
          %dma_start3A = arith.constant 0 : i32
          %dma_start3A_159 = arith.constant 0 : i32
          %dma_start3A_160 = tpu.memref_slice %arg11[%dma_start3A, %dma_start3A_159] : memref<128x16xf32, #tpu.memory_space<vmem>> -> memref<128x16xf32, #tpu.memory_space<vmem>>
          %dma_start3A_161 = arith.constant 0 : i32
          %dma_start3A_162 = tpu.memref_slice %arg14[%add3A_91, %dma_start3A_161] : memref<10240x16xf32, #tpu.memory_space<vmem_shared>> -> memref<128x16xf32, #tpu.memory_space<vmem_shared>>
          %dma_start3A_163 = arith.constant 0 : i32
          %dma_start3A_164 = arith.constant 0 : i32
          %dma_start3A_165 = tpu.memref_slice %arg11[%dma_start3A_163, %dma_start3A_164] : memref<128x16xf32, #tpu.memory_space<vmem>> -> memref<128x16xf32, #tpu.memory_space<vmem>>
          %dma_start3A_166 = arith.constant 0 : i32
          %dma_start3A_167 = tpu.memref_slice %arg14[%add3A_91, %dma_start3A_166] : memref<10240x16xf32, #tpu.memory_space<vmem_shared>> -> memref<128x16xf32, #tpu.memory_space<vmem_shared>>
          tpu.enqueue_dma source(%dma_start3A_167 : memref<128x16xf32, #tpu.memory_space<vmem_shared>>) target(%dma_start3A_165 : memref<128x16xf32, #tpu.memory_space<vmem>>) target_semaphore(%run_scoped3A_158 : memref<!tpu.dma_semaphore, #tpu.memory_space<semaphore_mem>>)
          %dma_wait3A = arith.constant 0 : i32
          %dma_wait3A_168 = arith.constant 0 : i32
          %dma_wait3A_169 = tpu.memref_slice %arg11[%dma_wait3A, %dma_wait3A_168] : memref<128x16xf32, #tpu.memory_space<vmem>> -> memref<128x16xf32, #tpu.memory_space<vmem>>
          %dma_wait3A_170 = arith.constant 0 : i32
          %dma_wait3A_171 = tpu.memref_slice %arg14[%add3A_91, %dma_wait3A_170] : memref<10240x16xf32, #tpu.memory_space<vmem_shared>> -> memref<128x16xf32, #tpu.memory_space<vmem_shared>>
          %dma_wait3A_172 = arith.constant 0 : i32
          %dma_wait3A_173 = arith.constant 0 : i32
          %dma_wait3A_174 = tpu.memref_slice %arg11[%dma_wait3A_172, %dma_wait3A_173] : memref<128x16xf32, #tpu.memory_space<vmem>> -> memref<128x16xf32, #tpu.memory_space<vmem>>
          %dma_wait3A_175 = arith.constant 0 : i32
          %dma_wait3A_176 = tpu.memref_slice %arg14[%add3A_91, %dma_wait3A_175] : memref<10240x16xf32, #tpu.memory_space<vmem_shared>> -> memref<128x16xf32, #tpu.memory_space<vmem_shared>>
          tpu.wait_dma2 semaphore(%run_scoped3A_158 : memref<!tpu.dma_semaphore, #tpu.memory_space<semaphore_mem>>) src(%dma_wait3A_176 : memref<128x16xf32, #tpu.memory_space<vmem_shared>>) dst(%dma_wait3A_174 : memref<128x16xf32, #tpu.memory_space<vmem>>)
          tpu.yield
        }) : () -> ()
        %scan3A_151 = arith.constant 0 : i32
        %scan3A_152 = arith.constant 0 : i32
        %scan3A_153 = arith.constant 128 : i32
        %scan3A_154 = arith.addi %scan3A_152, %scan3A_153 : i32
        %scan3A_155 = arith.constant 1 : i32
        %scan3A_156 = scf.for %scan3A_158 = %scan3A_152 to %scan3A_154 step %scan3A_155 iter_args(%scan3A_159 = %scan3A_151) -> (i32)  : i32 {
          %get3A = arith.index_cast %scan3A_158 : i32 to index
          %get3A_160 = arith.constant 0 : index
          %get3A_161 = tpu.vector_load %arg11[%get3A, %get3A_160] {strides = array<i32>} : memref<128x16xf32, #tpu.memory_space<vmem>>, vector<1x16xf32>,
          %get3A_162 = vector.shape_cast %get3A_161 : vector<1x16xf32> to vector<16xf32>
          %max3A = arith.constant 1.000000e+00 : f32
          %max3A_163 = vector.broadcast %max3A : f32 to vector<16xf32>
          %max3A_164 = arith.maximumf %get3A_162, %max3A_163 : vector<16xf32>
          %div3A = arith.constant 1.000000e+00 : f32
          %div3A_165 = vector.broadcast %div3A : f32 to vector<16xf32>
          %div3A_166 = arith.divf %div3A_165, %max3A_164 : vector<16xf32>
          %get3A_167 = arith.index_cast %scan3A_158 : i32 to index
          %get3A_168 = arith.constant 0 : index
          %get3A_169 = tpu.vector_load %arg10[%get3A_167, %get3A_168] {strides = array<i32>} : memref<128x64xf32, #tpu.memory_space<vmem>>, vector<1x16xf32>,
          %get3A_170 = vector.shape_cast %get3A_169 : vector<1x16xf32> to vector<16xf32>
          %mul3A_171 = arith.mulf %get3A_170, %div3A_166 : vector<16xf32>
          %swap3A = arith.index_cast %scan3A_158 : i32 to index
          %swap3A_172 = arith.constant 0 : index
          %swap3A_173 = tpu.vector_load %arg10[%swap3A, %swap3A_172] {strides = array<i32>} : memref<128x64xf32, #tpu.memory_space<vmem>>, vector<1x16xf32>,
          %swap3A_174 = vector.shape_cast %swap3A_173 : vector<1x16xf32> to vector<16xf32>
          %swap3A_175 = vector.shape_cast %mul3A_171 : vector<16xf32> to vector<1x16xf32>
          tpu.vector_store %arg10[%swap3A, %swap3A_172], %swap3A_175 {strides = array<i32>} : memref<128x64xf32, #tpu.memory_space<vmem>>, vector<1x16xf32>,
          %get3A_176 = arith.index_cast %scan3A_158 : i32 to index
          %get3A_177 = arith.constant 16 : index
          %get3A_178 = tpu.vector_load %arg10[%get3A_176, %get3A_177] {strides = array<i32>} : memref<128x64xf32, #tpu.memory_space<vmem>>, vector<1x16xf32>,
          %get3A_179 = vector.shape_cast %get3A_178 : vector<1x16xf32> to vector<16xf32>
          %mul3A_180 = arith.mulf %get3A_179, %div3A_166 : vector<16xf32>
          %swap3A_181 = arith.index_cast %scan3A_158 : i32 to index
          %swap3A_182 = arith.constant 16 : index
          %swap3A_183 = tpu.vector_load %arg10[%swap3A_181, %swap3A_182] {strides = array<i32>} : memref<128x64xf32, #tpu.memory_space<vmem>>, vector<1x16xf32>,
          %swap3A_184 = vector.shape_cast %swap3A_183 : vector<1x16xf32> to vector<16xf32>
          %swap3A_185 = vector.shape_cast %mul3A_180 : vector<16xf32> to vector<1x16xf32>
          tpu.vector_store %arg10[%swap3A_181, %swap3A_182], %swap3A_185 {strides = array<i32>} : memref<128x64xf32, #tpu.memory_space<vmem>>, vector<1x16xf32>,
          %get3A_186 = arith.index_cast %scan3A_158 : i32 to index
          %get3A_187 = arith.constant 32 : index
          %get3A_188 = tpu.vector_load %arg10[%get3A_186, %get3A_187] {strides = array<i32>} : memref<128x64xf32, #tpu.memory_space<vmem>>, vector<1x16xf32>,
          %get3A_189 = vector.shape_cast %get3A_188 : vector<1x16xf32> to vector<16xf32>
          %mul3A_190 = arith.mulf %get3A_189, %div3A_166 : vector<16xf32>
          %swap3A_191 = arith.index_cast %scan3A_158 : i32 to index
          %swap3A_192 = arith.constant 32 : index
          %swap3A_193 = tpu.vector_load %arg10[%swap3A_191, %swap3A_192] {strides = array<i32>} : memref<128x64xf32, #tpu.memory_space<vmem>>, vector<1x16xf32>,
          %swap3A_194 = vector.shape_cast %swap3A_193 : vector<1x16xf32> to vector<16xf32>
          %swap3A_195 = vector.shape_cast %mul3A_190 : vector<16xf32> to vector<1x16xf32>
          tpu.vector_store %arg10[%swap3A_191, %swap3A_192], %swap3A_195 {strides = array<i32>} : memref<128x64xf32, #tpu.memory_space<vmem>>, vector<1x16xf32>,
          %get3A_196 = arith.index_cast %scan3A_158 : i32 to index
          %get3A_197 = arith.constant 48 : index
          %get3A_198 = tpu.vector_load %arg10[%get3A_196, %get3A_197] {strides = array<i32>} : memref<128x64xf32, #tpu.memory_space<vmem>>, vector<1x16xf32>,
          %get3A_199 = vector.shape_cast %get3A_198 : vector<1x16xf32> to vector<16xf32>
          %mul3A_200 = arith.mulf %get3A_199, %div3A_166 : vector<16xf32>
          %swap3A_201 = arith.index_cast %scan3A_158 : i32 to index
          %swap3A_202 = arith.constant 48 : index
          %swap3A_203 = tpu.vector_load %arg10[%swap3A_201, %swap3A_202] {strides = array<i32>} : memref<128x64xf32, #tpu.memory_space<vmem>>, vector<1x16xf32>,
          %swap3A_204 = vector.shape_cast %swap3A_203 : vector<1x16xf32> to vector<16xf32>
          %swap3A_205 = vector.shape_cast %mul3A_200 : vector<16xf32> to vector<1x16xf32>
          tpu.vector_store %arg10[%swap3A_201, %swap3A_202], %swap3A_205 {strides = array<i32>} : memref<128x64xf32, #tpu.memory_space<vmem>>, vector<1x16xf32>,
          %scan3A_206 = arith.constant 0 : i32
          scf.yield %scan3A_206 : i32
        }
        %scan3A_157 = arith.constant 128 : i32
        "tpu.region"() ({
          %run_scoped3A_158 = tpu.sem_alloc : memref<!tpu.dma_semaphore, #tpu.memory_space<semaphore_mem>>
          %dma_start3A = arith.constant 0 : i32
          %dma_start3A_159 = arith.constant 0 : i32
          %dma_start3A_160 = tpu.memref_slice %arg10[%dma_start3A, %dma_start3A_159] : memref<128x64xf32, #tpu.memory_space<vmem>> -> memref<128x64xf32, #tpu.memory_space<vmem>>
          %dma_start3A_161 = arith.constant 64 : i32
          %dma_start3A_162 = tpu.memref_slice %arg5[%add3A_91, %dma_start3A_161] : memref<10000x128xf32, #tpu.memory_space<hbm>> -> memref<128x64xf32, #tpu.memory_space<hbm>>
          %dma_start3A_163 = arith.constant 64 : i32
          %dma_start3A_164 = tpu.memref_slice %arg5[%add3A_91, %dma_start3A_163] : memref<10000x128xf32, #tpu.memory_space<hbm>> -> memref<128x64xf32, #tpu.memory_space<hbm>>
          %dma_start3A_165 = arith.constant 0 : i32
          %dma_start3A_166 = arith.constant 0 : i32
          %dma_start3A_167 = tpu.memref_slice %arg10[%dma_start3A_165, %dma_start3A_166] : memref<128x64xf32, #tpu.memory_space<vmem>> -> memref<128x64xf32, #tpu.memory_space<vmem>>
          tpu.enqueue_dma source(%dma_start3A_167 : memref<128x64xf32, #tpu.memory_space<vmem>>) target(%dma_start3A_164 : memref<128x64xf32, #tpu.memory_space<hbm>>) target_semaphore(%run_scoped3A_158 : memref<!tpu.dma_semaphore, #tpu.memory_space<semaphore_mem>>)
          %dma_wait3A = arith.constant 0 : i32
          %dma_wait3A_168 = arith.constant 0 : i32
          %dma_wait3A_169 = tpu.memref_slice %arg10[%dma_wait3A, %dma_wait3A_168] : memref<128x64xf32, #tpu.memory_space<vmem>> -> memref<128x64xf32, #tpu.memory_space<vmem>>
          %dma_wait3A_170 = arith.constant 64 : i32
          %dma_wait3A_171 = tpu.memref_slice %arg5[%add3A_91, %dma_wait3A_170] : memref<10000x128xf32, #tpu.memory_space<hbm>> -> memref<128x64xf32, #tpu.memory_space<hbm>>
          %dma_wait3A_172 = arith.constant 64 : i32
          %dma_wait3A_173 = tpu.memref_slice %arg5[%add3A_91, %dma_wait3A_172] : memref<10000x128xf32, #tpu.memory_space<hbm>> -> memref<128x64xf32, #tpu.memory_space<hbm>>
          %dma_wait3A_174 = arith.constant 0 : i32
          %dma_wait3A_175 = arith.constant 0 : i32
          %dma_wait3A_176 = tpu.memref_slice %arg10[%dma_wait3A_174, %dma_wait3A_175] : memref<128x64xf32, #tpu.memory_space<vmem>> -> memref<128x64xf32, #tpu.memory_space<vmem>>
          tpu.wait_dma2 semaphore(%run_scoped3A_158 : memref<!tpu.dma_semaphore, #tpu.memory_space<semaphore_mem>>) src(%dma_wait3A_176 : memref<128x64xf32, #tpu.memory_space<vmem>>) dst(%dma_wait3A_173 : memref<128x64xf32, #tpu.memory_space<hbm>>)
          tpu.yield
        }) : () -> ()
      } else {
      }
      %lt3A_99 = arith.constant 10000 : i32
      %lt3A_100 = arith.cmpi slt, %add3A_91, %lt3A_99 : i32
      %add3A_101 = arith.constant 128 : i32
      %add3A_102 = arith.addi %add3A_91, %add3A_101 : i32
      %gt3A_103 = arith.constant 10000 : i32
      %gt3A_104 = arith.cmpi sgt, %add3A_102, %gt3A_103 : i32
      %and3A_105 = arith.andi %lt3A_100, %gt3A_104 : i1
      %convert_element_type3A_106 = arith.extui %and3A_105 : i1 to i32
      %cond3A_107 = arith.constant 0 : i32
      %cond3A_108 = arith.cmpi ne, %convert_element_type3A_106, %cond3A_107 : i32
      scf.if %cond3A_108 {
        "tpu.region"() ({
          %run_scoped3A_158 = tpu.sem_alloc : memref<!tpu.dma_semaphore, #tpu.memory_space<semaphore_mem>>
          %dma_start3A = arith.constant 0 : i32
          %dma_start3A_159 = arith.constant 0 : i32
          %dma_start3A_160 = tpu.memref_slice %arg10[%dma_start3A, %dma_start3A_159] : memref<128x64xf32, #tpu.memory_space<vmem>> -> memref<16x64xf32, #tpu.memory_space<vmem>>
          %dma_start3A_161 = arith.constant 0 : i32
          %dma_start3A_162 = tpu.memref_slice %arg13[%add3A_91, %dma_start3A_161] : memref<10240x64xf32, #tpu.memory_space<vmem_shared>> -> memref<16x64xf32, #tpu.memory_space<vmem_shared>>
          %dma_start3A_163 = arith.constant 0 : i32
          %dma_start3A_164 = arith.constant 0 : i32
          %dma_start3A_165 = tpu.memref_slice %arg10[%dma_start3A_163, %dma_start3A_164] : memref<128x64xf32, #tpu.memory_space<vmem>> -> memref<16x64xf32, #tpu.memory_space<vmem>>
          %dma_start3A_166 = arith.constant 0 : i32
          %dma_start3A_167 = tpu.memref_slice %arg13[%add3A_91, %dma_start3A_166] : memref<10240x64xf32, #tpu.memory_space<vmem_shared>> -> memref<16x64xf32, #tpu.memory_space<vmem_shared>>
          tpu.enqueue_dma source(%dma_start3A_167 : memref<16x64xf32, #tpu.memory_space<vmem_shared>>) target(%dma_start3A_165 : memref<16x64xf32, #tpu.memory_space<vmem>>) target_semaphore(%run_scoped3A_158 : memref<!tpu.dma_semaphore, #tpu.memory_space<semaphore_mem>>)
          %dma_wait3A = arith.constant 0 : i32
          %dma_wait3A_168 = arith.constant 0 : i32
          %dma_wait3A_169 = tpu.memref_slice %arg10[%dma_wait3A, %dma_wait3A_168] : memref<128x64xf32, #tpu.memory_space<vmem>> -> memref<16x64xf32, #tpu.memory_space<vmem>>
          %dma_wait3A_170 = arith.constant 0 : i32
          %dma_wait3A_171 = tpu.memref_slice %arg13[%add3A_91, %dma_wait3A_170] : memref<10240x64xf32, #tpu.memory_space<vmem_shared>> -> memref<16x64xf32, #tpu.memory_space<vmem_shared>>
          %dma_wait3A_172 = arith.constant 0 : i32
          %dma_wait3A_173 = arith.constant 0 : i32
          %dma_wait3A_174 = tpu.memref_slice %arg10[%dma_wait3A_172, %dma_wait3A_173] : memref<128x64xf32, #tpu.memory_space<vmem>> -> memref<16x64xf32, #tpu.memory_space<vmem>>
          %dma_wait3A_175 = arith.constant 0 : i32
          %dma_wait3A_176 = tpu.memref_slice %arg13[%add3A_91, %dma_wait3A_175] : memref<10240x64xf32, #tpu.memory_space<vmem_shared>> -> memref<16x64xf32, #tpu.memory_space<vmem_shared>>
          tpu.wait_dma2 semaphore(%run_scoped3A_158 : memref<!tpu.dma_semaphore, #tpu.memory_space<semaphore_mem>>) src(%dma_wait3A_176 : memref<16x64xf32, #tpu.memory_space<vmem_shared>>) dst(%dma_wait3A_174 : memref<16x64xf32, #tpu.memory_space<vmem>>)
          tpu.yield
        }) : () -> ()
        "tpu.region"() ({
          %run_scoped3A_158 = tpu.sem_alloc : memref<!tpu.dma_semaphore, #tpu.memory_space<semaphore_mem>>
          %dma_start3A = arith.constant 0 : i32
          %dma_start3A_159 = arith.constant 0 : i32
          %dma_start3A_160 = tpu.memref_slice %arg11[%dma_start3A, %dma_start3A_159] : memref<128x16xf32, #tpu.memory_space<vmem>> -> memref<16x16xf32, #tpu.memory_space<vmem>>
          %dma_start3A_161 = arith.constant 0 : i32
          %dma_start3A_162 = tpu.memref_slice %arg14[%add3A_91, %dma_start3A_161] : memref<10240x16xf32, #tpu.memory_space<vmem_shared>> -> memref<16x16xf32, #tpu.memory_space<vmem_shared>>
          %dma_start3A_163 = arith.constant 0 : i32
          %dma_start3A_164 = arith.constant 0 : i32
          %dma_start3A_165 = tpu.memref_slice %arg11[%dma_start3A_163, %dma_start3A_164] : memref<128x16xf32, #tpu.memory_space<vmem>> -> memref<16x16xf32, #tpu.memory_space<vmem>>
          %dma_start3A_166 = arith.constant 0 : i32
          %dma_start3A_167 = tpu.memref_slice %arg14[%add3A_91, %dma_start3A_166] : memref<10240x16xf32, #tpu.memory_space<vmem_shared>> -> memref<16x16xf32, #tpu.memory_space<vmem_shared>>
          tpu.enqueue_dma source(%dma_start3A_167 : memref<16x16xf32, #tpu.memory_space<vmem_shared>>) target(%dma_start3A_165 : memref<16x16xf32, #tpu.memory_space<vmem>>) target_semaphore(%run_scoped3A_158 : memref<!tpu.dma_semaphore, #tpu.memory_space<semaphore_mem>>)
          %dma_wait3A = arith.constant 0 : i32
          %dma_wait3A_168 = arith.constant 0 : i32
          %dma_wait3A_169 = tpu.memref_slice %arg11[%dma_wait3A, %dma_wait3A_168] : memref<128x16xf32, #tpu.memory_space<vmem>> -> memref<16x16xf32, #tpu.memory_space<vmem>>
          %dma_wait3A_170 = arith.constant 0 : i32
          %dma_wait3A_171 = tpu.memref_slice %arg14[%add3A_91, %dma_wait3A_170] : memref<10240x16xf32, #tpu.memory_space<vmem_shared>> -> memref<16x16xf32, #tpu.memory_space<vmem_shared>>
          %dma_wait3A_172 = arith.constant 0 : i32
          %dma_wait3A_173 = arith.constant 0 : i32
          %dma_wait3A_174 = tpu.memref_slice %arg11[%dma_wait3A_172, %dma_wait3A_173] : memref<128x16xf32, #tpu.memory_space<vmem>> -> memref<16x16xf32, #tpu.memory_space<vmem>>
          %dma_wait3A_175 = arith.constant 0 : i32
          %dma_wait3A_176 = tpu.memref_slice %arg14[%add3A_91, %dma_wait3A_175] : memref<10240x16xf32, #tpu.memory_space<vmem_shared>> -> memref<16x16xf32, #tpu.memory_space<vmem_shared>>
          tpu.wait_dma2 semaphore(%run_scoped3A_158 : memref<!tpu.dma_semaphore, #tpu.memory_space<semaphore_mem>>) src(%dma_wait3A_176 : memref<16x16xf32, #tpu.memory_space<vmem_shared>>) dst(%dma_wait3A_174 : memref<16x16xf32, #tpu.memory_space<vmem>>)
          tpu.yield
        }) : () -> ()
        %scan3A_151 = arith.constant 0 : i32
        %scan3A_152 = arith.constant 0 : i32
        %scan3A_153 = arith.constant 16 : i32
        %scan3A_154 = arith.addi %scan3A_152, %scan3A_153 : i32
        %scan3A_155 = arith.constant 1 : i32
        %scan3A_156 = scf.for %scan3A_158 = %scan3A_152 to %scan3A_154 step %scan3A_155 iter_args(%scan3A_159 = %scan3A_151) -> (i32)  : i32 {
          %get3A = arith.index_cast %scan3A_158 : i32 to index
          %get3A_160 = arith.constant 0 : index
          %get3A_161 = tpu.vector_load %arg11[%get3A, %get3A_160] {strides = array<i32>} : memref<128x16xf32, #tpu.memory_space<vmem>>, vector<1x16xf32>,
          %get3A_162 = vector.shape_cast %get3A_161 : vector<1x16xf32> to vector<16xf32>
          %max3A = arith.constant 1.000000e+00 : f32
          %max3A_163 = vector.broadcast %max3A : f32 to vector<16xf32>
          %max3A_164 = arith.maximumf %get3A_162, %max3A_163 : vector<16xf32>
          %div3A = arith.constant 1.000000e+00 : f32
          %div3A_165 = vector.broadcast %div3A : f32 to vector<16xf32>
          %div3A_166 = arith.divf %div3A_165, %max3A_164 : vector<16xf32>
          %get3A_167 = arith.index_cast %scan3A_158 : i32 to index
          %get3A_168 = arith.constant 0 : index
          %get3A_169 = tpu.vector_load %arg10[%get3A_167, %get3A_168] {strides = array<i32>} : memref<128x64xf32, #tpu.memory_space<vmem>>, vector<1x16xf32>,
          %get3A_170 = vector.shape_cast %get3A_169 : vector<1x16xf32> to vector<16xf32>
          %mul3A_171 = arith.mulf %get3A_170, %div3A_166 : vector<16xf32>
          %swap3A = arith.index_cast %scan3A_158 : i32 to index
          %swap3A_172 = arith.constant 0 : index
          %swap3A_173 = tpu.vector_load %arg10[%swap3A, %swap3A_172] {strides = array<i32>} : memref<128x64xf32, #tpu.memory_space<vmem>>, vector<1x16xf32>,
          %swap3A_174 = vector.shape_cast %swap3A_173 : vector<1x16xf32> to vector<16xf32>
          %swap3A_175 = vector.shape_cast %mul3A_171 : vector<16xf32> to vector<1x16xf32>
          tpu.vector_store %arg10[%swap3A, %swap3A_172], %swap3A_175 {strides = array<i32>} : memref<128x64xf32, #tpu.memory_space<vmem>>, vector<1x16xf32>,
          %get3A_176 = arith.index_cast %scan3A_158 : i32 to index
          %get3A_177 = arith.constant 16 : index
          %get3A_178 = tpu.vector_load %arg10[%get3A_176, %get3A_177] {strides = array<i32>} : memref<128x64xf32, #tpu.memory_space<vmem>>, vector<1x16xf32>,
          %get3A_179 = vector.shape_cast %get3A_178 : vector<1x16xf32> to vector<16xf32>
          %mul3A_180 = arith.mulf %get3A_179, %div3A_166 : vector<16xf32>
          %swap3A_181 = arith.index_cast %scan3A_158 : i32 to index
          %swap3A_182 = arith.constant 16 : index
          %swap3A_183 = tpu.vector_load %arg10[%swap3A_181, %swap3A_182] {strides = array<i32>} : memref<128x64xf32, #tpu.memory_space<vmem>>, vector<1x16xf32>,
          %swap3A_184 = vector.shape_cast %swap3A_183 : vector<1x16xf32> to vector<16xf32>
          %swap3A_185 = vector.shape_cast %mul3A_180 : vector<16xf32> to vector<1x16xf32>
          tpu.vector_store %arg10[%swap3A_181, %swap3A_182], %swap3A_185 {strides = array<i32>} : memref<128x64xf32, #tpu.memory_space<vmem>>, vector<1x16xf32>,
          %get3A_186 = arith.index_cast %scan3A_158 : i32 to index
          %get3A_187 = arith.constant 32 : index
          %get3A_188 = tpu.vector_load %arg10[%get3A_186, %get3A_187] {strides = array<i32>} : memref<128x64xf32, #tpu.memory_space<vmem>>, vector<1x16xf32>,
          %get3A_189 = vector.shape_cast %get3A_188 : vector<1x16xf32> to vector<16xf32>
          %mul3A_190 = arith.mulf %get3A_189, %div3A_166 : vector<16xf32>
          %swap3A_191 = arith.index_cast %scan3A_158 : i32 to index
          %swap3A_192 = arith.constant 32 : index
          %swap3A_193 = tpu.vector_load %arg10[%swap3A_191, %swap3A_192] {strides = array<i32>} : memref<128x64xf32, #tpu.memory_space<vmem>>, vector<1x16xf32>,
          %swap3A_194 = vector.shape_cast %swap3A_193 : vector<1x16xf32> to vector<16xf32>
          %swap3A_195 = vector.shape_cast %mul3A_190 : vector<16xf32> to vector<1x16xf32>
          tpu.vector_store %arg10[%swap3A_191, %swap3A_192], %swap3A_195 {strides = array<i32>} : memref<128x64xf32, #tpu.memory_space<vmem>>, vector<1x16xf32>,
          %get3A_196 = arith.index_cast %scan3A_158 : i32 to index
          %get3A_197 = arith.constant 48 : index
          %get3A_198 = tpu.vector_load %arg10[%get3A_196, %get3A_197] {strides = array<i32>} : memref<128x64xf32, #tpu.memory_space<vmem>>, vector<1x16xf32>,
          %get3A_199 = vector.shape_cast %get3A_198 : vector<1x16xf32> to vector<16xf32>
          %mul3A_200 = arith.mulf %get3A_199, %div3A_166 : vector<16xf32>
          %swap3A_201 = arith.index_cast %scan3A_158 : i32 to index
          %swap3A_202 = arith.constant 48 : index
          %swap3A_203 = tpu.vector_load %arg10[%swap3A_201, %swap3A_202] {strides = array<i32>} : memref<128x64xf32, #tpu.memory_space<vmem>>, vector<1x16xf32>,
          %swap3A_204 = vector.shape_cast %swap3A_203 : vector<1x16xf32> to vector<16xf32>
          %swap3A_205 = vector.shape_cast %mul3A_200 : vector<16xf32> to vector<1x16xf32>
          tpu.vector_store %arg10[%swap3A_201, %swap3A_202], %swap3A_205 {strides = array<i32>} : memref<128x64xf32, #tpu.memory_space<vmem>>, vector<1x16xf32>,
          %scan3A_206 = arith.constant 0 : i32
          scf.yield %scan3A_206 : i32
        }
        %scan3A_157 = arith.constant 16 : i32
        "tpu.region"() ({
          %run_scoped3A_158 = tpu.sem_alloc : memref<!tpu.dma_semaphore, #tpu.memory_space<semaphore_mem>>
          %dma_start3A = arith.constant 0 : i32
          %dma_start3A_159 = arith.constant 0 : i32
          %dma_start3A_160 = tpu.memref_slice %arg10[%dma_start3A, %dma_start3A_159] : memref<128x64xf32, #tpu.memory_space<vmem>> -> memref<16x64xf32, #tpu.memory_space<vmem>>
          %dma_start3A_161 = arith.constant 64 : i32
          %dma_start3A_162 = tpu.memref_slice %arg5[%add3A_91, %dma_start3A_161] : memref<10000x128xf32, #tpu.memory_space<hbm>> -> memref<16x64xf32, #tpu.memory_space<hbm>>
          %dma_start3A_163 = arith.constant 64 : i32
          %dma_start3A_164 = tpu.memref_slice %arg5[%add3A_91, %dma_start3A_163] : memref<10000x128xf32, #tpu.memory_space<hbm>> -> memref<16x64xf32, #tpu.memory_space<hbm>>
          %dma_start3A_165 = arith.constant 0 : i32
          %dma_start3A_166 = arith.constant 0 : i32
          %dma_start3A_167 = tpu.memref_slice %arg10[%dma_start3A_165, %dma_start3A_166] : memref<128x64xf32, #tpu.memory_space<vmem>> -> memref<16x64xf32, #tpu.memory_space<vmem>>
          tpu.enqueue_dma source(%dma_start3A_167 : memref<16x64xf32, #tpu.memory_space<vmem>>) target(%dma_start3A_164 : memref<16x64xf32, #tpu.memory_space<hbm>>) target_semaphore(%run_scoped3A_158 : memref<!tpu.dma_semaphore, #tpu.memory_space<semaphore_mem>>)
          %dma_wait3A = arith.constant 0 : i32
          %dma_wait3A_168 = arith.constant 0 : i32
          %dma_wait3A_169 = tpu.memref_slice %arg10[%dma_wait3A, %dma_wait3A_168] : memref<128x64xf32, #tpu.memory_space<vmem>> -> memref<16x64xf32, #tpu.memory_space<vmem>>
          %dma_wait3A_170 = arith.constant 64 : i32
          %dma_wait3A_171 = tpu.memref_slice %arg5[%add3A_91, %dma_wait3A_170] : memref<10000x128xf32, #tpu.memory_space<hbm>> -> memref<16x64xf32, #tpu.memory_space<hbm>>
          %dma_wait3A_172 = arith.constant 64 : i32
          %dma_wait3A_173 = tpu.memref_slice %arg5[%add3A_91, %dma_wait3A_172] : memref<10000x128xf32, #tpu.memory_space<hbm>> -> memref<16x64xf32, #tpu.memory_space<hbm>>
          %dma_wait3A_174 = arith.constant 0 : i32
          %dma_wait3A_175 = arith.constant 0 : i32
          %dma_wait3A_176 = tpu.memref_slice %arg10[%dma_wait3A_174, %dma_wait3A_175] : memref<128x64xf32, #tpu.memory_space<vmem>> -> memref<16x64xf32, #tpu.memory_space<vmem>>
          tpu.wait_dma2 semaphore(%run_scoped3A_158 : memref<!tpu.dma_semaphore, #tpu.memory_space<semaphore_mem>>) src(%dma_wait3A_176 : memref<16x64xf32, #tpu.memory_space<vmem>>) dst(%dma_wait3A_173 : memref<16x64xf32, #tpu.memory_space<hbm>>)
          tpu.yield
        }) : () -> ()
      } else {
      }
      %mul3A_109 = arith.constant 640 : i32
      %mul3A_110 = arith.muli %arg1, %mul3A_109 : i32
      %add3A_111 = arith.constant 384 : i32
      %add3A_112 = arith.addi %mul3A_110, %add3A_111 : i32
      %add3A_113 = arith.constant 128 : i32
      %add3A_114 = arith.addi %add3A_112, %add3A_113 : i32
      %le3A_115 = arith.constant 10000 : i32
      %le3A_116 = arith.cmpi sle, %add3A_114, %le3A_115 : i32
      %convert_element_type3A_117 = arith.extui %le3A_116 : i1 to i32
      %cond3A_118 = arith.constant 0 : i32
      %cond3A_119 = arith.cmpi ne, %convert_element_type3A_117, %cond3A_118 : i32
      scf.if %cond3A_119 {
        "tpu.region"() ({
          %run_scoped3A_158 = tpu.sem_alloc : memref<!tpu.dma_semaphore, #tpu.memory_space<semaphore_mem>>
          %dma_start3A = arith.constant 0 : i32
          %dma_start3A_159 = arith.constant 0 : i32
          %dma_start3A_160 = tpu.memref_slice %arg10[%dma_start3A, %dma_start3A_159] : memref<128x64xf32, #tpu.memory_space<vmem>> -> memref<128x64xf32, #tpu.memory_space<vmem>>
          %dma_start3A_161 = arith.constant 0 : i32
          %dma_start3A_162 = tpu.memref_slice %arg13[%add3A_112, %dma_start3A_161] : memref<10240x64xf32, #tpu.memory_space<vmem_shared>> -> memref<128x64xf32, #tpu.memory_space<vmem_shared>>
          %dma_start3A_163 = arith.constant 0 : i32
          %dma_start3A_164 = arith.constant 0 : i32
          %dma_start3A_165 = tpu.memref_slice %arg10[%dma_start3A_163, %dma_start3A_164] : memref<128x64xf32, #tpu.memory_space<vmem>> -> memref<128x64xf32, #tpu.memory_space<vmem>>
          %dma_start3A_166 = arith.constant 0 : i32
          %dma_start3A_167 = tpu.memref_slice %arg13[%add3A_112, %dma_start3A_166] : memref<10240x64xf32, #tpu.memory_space<vmem_shared>> -> memref<128x64xf32, #tpu.memory_space<vmem_shared>>
          tpu.enqueue_dma source(%dma_start3A_167 : memref<128x64xf32, #tpu.memory_space<vmem_shared>>) target(%dma_start3A_165 : memref<128x64xf32, #tpu.memory_space<vmem>>) target_semaphore(%run_scoped3A_158 : memref<!tpu.dma_semaphore, #tpu.memory_space<semaphore_mem>>)
          %dma_wait3A = arith.constant 0 : i32
          %dma_wait3A_168 = arith.constant 0 : i32
          %dma_wait3A_169 = tpu.memref_slice %arg10[%dma_wait3A, %dma_wait3A_168] : memref<128x64xf32, #tpu.memory_space<vmem>> -> memref<128x64xf32, #tpu.memory_space<vmem>>
          %dma_wait3A_170 = arith.constant 0 : i32
          %dma_wait3A_171 = tpu.memref_slice %arg13[%add3A_112, %dma_wait3A_170] : memref<10240x64xf32, #tpu.memory_space<vmem_shared>> -> memref<128x64xf32, #tpu.memory_space<vmem_shared>>
          %dma_wait3A_172 = arith.constant 0 : i32
          %dma_wait3A_173 = arith.constant 0 : i32
          %dma_wait3A_174 = tpu.memref_slice %arg10[%dma_wait3A_172, %dma_wait3A_173] : memref<128x64xf32, #tpu.memory_space<vmem>> -> memref<128x64xf32, #tpu.memory_space<vmem>>
          %dma_wait3A_175 = arith.constant 0 : i32
          %dma_wait3A_176 = tpu.memref_slice %arg13[%add3A_112, %dma_wait3A_175] : memref<10240x64xf32, #tpu.memory_space<vmem_shared>> -> memref<128x64xf32, #tpu.memory_space<vmem_shared>>
          tpu.wait_dma2 semaphore(%run_scoped3A_158 : memref<!tpu.dma_semaphore, #tpu.memory_space<semaphore_mem>>) src(%dma_wait3A_176 : memref<128x64xf32, #tpu.memory_space<vmem_shared>>) dst(%dma_wait3A_174 : memref<128x64xf32, #tpu.memory_space<vmem>>)
          tpu.yield
        }) : () -> ()
        "tpu.region"() ({
          %run_scoped3A_158 = tpu.sem_alloc : memref<!tpu.dma_semaphore, #tpu.memory_space<semaphore_mem>>
          %dma_start3A = arith.constant 0 : i32
          %dma_start3A_159 = arith.constant 0 : i32
          %dma_start3A_160 = tpu.memref_slice %arg11[%dma_start3A, %dma_start3A_159] : memref<128x16xf32, #tpu.memory_space<vmem>> -> memref<128x16xf32, #tpu.memory_space<vmem>>
          %dma_start3A_161 = arith.constant 0 : i32
          %dma_start3A_162 = tpu.memref_slice %arg14[%add3A_112, %dma_start3A_161] : memref<10240x16xf32, #tpu.memory_space<vmem_shared>> -> memref<128x16xf32, #tpu.memory_space<vmem_shared>>
          %dma_start3A_163 = arith.constant 0 : i32
          %dma_start3A_164 = arith.constant 0 : i32
          %dma_start3A_165 = tpu.memref_slice %arg11[%dma_start3A_163, %dma_start3A_164] : memref<128x16xf32, #tpu.memory_space<vmem>> -> memref<128x16xf32, #tpu.memory_space<vmem>>
          %dma_start3A_166 = arith.constant 0 : i32
          %dma_start3A_167 = tpu.memref_slice %arg14[%add3A_112, %dma_start3A_166] : memref<10240x16xf32, #tpu.memory_space<vmem_shared>> -> memref<128x16xf32, #tpu.memory_space<vmem_shared>>
          tpu.enqueue_dma source(%dma_start3A_167 : memref<128x16xf32, #tpu.memory_space<vmem_shared>>) target(%dma_start3A_165 : memref<128x16xf32, #tpu.memory_space<vmem>>) target_semaphore(%run_scoped3A_158 : memref<!tpu.dma_semaphore, #tpu.memory_space<semaphore_mem>>)
          %dma_wait3A = arith.constant 0 : i32
          %dma_wait3A_168 = arith.constant 0 : i32
          %dma_wait3A_169 = tpu.memref_slice %arg11[%dma_wait3A, %dma_wait3A_168] : memref<128x16xf32, #tpu.memory_space<vmem>> -> memref<128x16xf32, #tpu.memory_space<vmem>>
          %dma_wait3A_170 = arith.constant 0 : i32
          %dma_wait3A_171 = tpu.memref_slice %arg14[%add3A_112, %dma_wait3A_170] : memref<10240x16xf32, #tpu.memory_space<vmem_shared>> -> memref<128x16xf32, #tpu.memory_space<vmem_shared>>
          %dma_wait3A_172 = arith.constant 0 : i32
          %dma_wait3A_173 = arith.constant 0 : i32
          %dma_wait3A_174 = tpu.memref_slice %arg11[%dma_wait3A_172, %dma_wait3A_173] : memref<128x16xf32, #tpu.memory_space<vmem>> -> memref<128x16xf32, #tpu.memory_space<vmem>>
          %dma_wait3A_175 = arith.constant 0 : i32
          %dma_wait3A_176 = tpu.memref_slice %arg14[%add3A_112, %dma_wait3A_175] : memref<10240x16xf32, #tpu.memory_space<vmem_shared>> -> memref<128x16xf32, #tpu.memory_space<vmem_shared>>
          tpu.wait_dma2 semaphore(%run_scoped3A_158 : memref<!tpu.dma_semaphore, #tpu.memory_space<semaphore_mem>>) src(%dma_wait3A_176 : memref<128x16xf32, #tpu.memory_space<vmem_shared>>) dst(%dma_wait3A_174 : memref<128x16xf32, #tpu.memory_space<vmem>>)
          tpu.yield
        }) : () -> ()
        %scan3A_151 = arith.constant 0 : i32
        %scan3A_152 = arith.constant 0 : i32
        %scan3A_153 = arith.constant 128 : i32
        %scan3A_154 = arith.addi %scan3A_152, %scan3A_153 : i32
        %scan3A_155 = arith.constant 1 : i32
        %scan3A_156 = scf.for %scan3A_158 = %scan3A_152 to %scan3A_154 step %scan3A_155 iter_args(%scan3A_159 = %scan3A_151) -> (i32)  : i32 {
          %get3A = arith.index_cast %scan3A_158 : i32 to index
          %get3A_160 = arith.constant 0 : index
          %get3A_161 = tpu.vector_load %arg11[%get3A, %get3A_160] {strides = array<i32>} : memref<128x16xf32, #tpu.memory_space<vmem>>, vector<1x16xf32>,
          %get3A_162 = vector.shape_cast %get3A_161 : vector<1x16xf32> to vector<16xf32>
          %max3A = arith.constant 1.000000e+00 : f32
          %max3A_163 = vector.broadcast %max3A : f32 to vector<16xf32>
          %max3A_164 = arith.maximumf %get3A_162, %max3A_163 : vector<16xf32>
          %div3A = arith.constant 1.000000e+00 : f32
          %div3A_165 = vector.broadcast %div3A : f32 to vector<16xf32>
          %div3A_166 = arith.divf %div3A_165, %max3A_164 : vector<16xf32>
          %get3A_167 = arith.index_cast %scan3A_158 : i32 to index
          %get3A_168 = arith.constant 0 : index
          %get3A_169 = tpu.vector_load %arg10[%get3A_167, %get3A_168] {strides = array<i32>} : memref<128x64xf32, #tpu.memory_space<vmem>>, vector<1x16xf32>,
          %get3A_170 = vector.shape_cast %get3A_169 : vector<1x16xf32> to vector<16xf32>
          %mul3A_171 = arith.mulf %get3A_170, %div3A_166 : vector<16xf32>
          %swap3A = arith.index_cast %scan3A_158 : i32 to index
          %swap3A_172 = arith.constant 0 : index
          %swap3A_173 = tpu.vector_load %arg10[%swap3A, %swap3A_172] {strides = array<i32>} : memref<128x64xf32, #tpu.memory_space<vmem>>, vector<1x16xf32>,
          %swap3A_174 = vector.shape_cast %swap3A_173 : vector<1x16xf32> to vector<16xf32>
          %swap3A_175 = vector.shape_cast %mul3A_171 : vector<16xf32> to vector<1x16xf32>
          tpu.vector_store %arg10[%swap3A, %swap3A_172], %swap3A_175 {strides = array<i32>} : memref<128x64xf32, #tpu.memory_space<vmem>>, vector<1x16xf32>,
          %get3A_176 = arith.index_cast %scan3A_158 : i32 to index
          %get3A_177 = arith.constant 16 : index
          %get3A_178 = tpu.vector_load %arg10[%get3A_176, %get3A_177] {strides = array<i32>} : memref<128x64xf32, #tpu.memory_space<vmem>>, vector<1x16xf32>,
          %get3A_179 = vector.shape_cast %get3A_178 : vector<1x16xf32> to vector<16xf32>
          %mul3A_180 = arith.mulf %get3A_179, %div3A_166 : vector<16xf32>
          %swap3A_181 = arith.index_cast %scan3A_158 : i32 to index
          %swap3A_182 = arith.constant 16 : index
          %swap3A_183 = tpu.vector_load %arg10[%swap3A_181, %swap3A_182] {strides = array<i32>} : memref<128x64xf32, #tpu.memory_space<vmem>>, vector<1x16xf32>,
          %swap3A_184 = vector.shape_cast %swap3A_183 : vector<1x16xf32> to vector<16xf32>
          %swap3A_185 = vector.shape_cast %mul3A_180 : vector<16xf32> to vector<1x16xf32>
          tpu.vector_store %arg10[%swap3A_181, %swap3A_182], %swap3A_185 {strides = array<i32>} : memref<128x64xf32, #tpu.memory_space<vmem>>, vector<1x16xf32>,
          %get3A_186 = arith.index_cast %scan3A_158 : i32 to index
          %get3A_187 = arith.constant 32 : index
          %get3A_188 = tpu.vector_load %arg10[%get3A_186, %get3A_187] {strides = array<i32>} : memref<128x64xf32, #tpu.memory_space<vmem>>, vector<1x16xf32>,
          %get3A_189 = vector.shape_cast %get3A_188 : vector<1x16xf32> to vector<16xf32>
          %mul3A_190 = arith.mulf %get3A_189, %div3A_166 : vector<16xf32>
          %swap3A_191 = arith.index_cast %scan3A_158 : i32 to index
          %swap3A_192 = arith.constant 32 : index
          %swap3A_193 = tpu.vector_load %arg10[%swap3A_191, %swap3A_192] {strides = array<i32>} : memref<128x64xf32, #tpu.memory_space<vmem>>, vector<1x16xf32>,
          %swap3A_194 = vector.shape_cast %swap3A_193 : vector<1x16xf32> to vector<16xf32>
          %swap3A_195 = vector.shape_cast %mul3A_190 : vector<16xf32> to vector<1x16xf32>
          tpu.vector_store %arg10[%swap3A_191, %swap3A_192], %swap3A_195 {strides = array<i32>} : memref<128x64xf32, #tpu.memory_space<vmem>>, vector<1x16xf32>,
          %get3A_196 = arith.index_cast %scan3A_158 : i32 to index
          %get3A_197 = arith.constant 48 : index
          %get3A_198 = tpu.vector_load %arg10[%get3A_196, %get3A_197] {strides = array<i32>} : memref<128x64xf32, #tpu.memory_space<vmem>>, vector<1x16xf32>,
          %get3A_199 = vector.shape_cast %get3A_198 : vector<1x16xf32> to vector<16xf32>
          %mul3A_200 = arith.mulf %get3A_199, %div3A_166 : vector<16xf32>
          %swap3A_201 = arith.index_cast %scan3A_158 : i32 to index
          %swap3A_202 = arith.constant 48 : index
          %swap3A_203 = tpu.vector_load %arg10[%swap3A_201, %swap3A_202] {strides = array<i32>} : memref<128x64xf32, #tpu.memory_space<vmem>>, vector<1x16xf32>,
          %swap3A_204 = vector.shape_cast %swap3A_203 : vector<1x16xf32> to vector<16xf32>
          %swap3A_205 = vector.shape_cast %mul3A_200 : vector<16xf32> to vector<1x16xf32>
          tpu.vector_store %arg10[%swap3A_201, %swap3A_202], %swap3A_205 {strides = array<i32>} : memref<128x64xf32, #tpu.memory_space<vmem>>, vector<1x16xf32>,
          %scan3A_206 = arith.constant 0 : i32
          scf.yield %scan3A_206 : i32
        }
        %scan3A_157 = arith.constant 128 : i32
        "tpu.region"() ({
          %run_scoped3A_158 = tpu.sem_alloc : memref<!tpu.dma_semaphore, #tpu.memory_space<semaphore_mem>>
          %dma_start3A = arith.constant 0 : i32
          %dma_start3A_159 = arith.constant 0 : i32
          %dma_start3A_160 = tpu.memref_slice %arg10[%dma_start3A, %dma_start3A_159] : memref<128x64xf32, #tpu.memory_space<vmem>> -> memref<128x64xf32, #tpu.memory_space<vmem>>
          %dma_start3A_161 = arith.constant 64 : i32
          %dma_start3A_162 = tpu.memref_slice %arg5[%add3A_112, %dma_start3A_161] : memref<10000x128xf32, #tpu.memory_space<hbm>> -> memref<128x64xf32, #tpu.memory_space<hbm>>
          %dma_start3A_163 = arith.constant 64 : i32
          %dma_start3A_164 = tpu.memref_slice %arg5[%add3A_112, %dma_start3A_163] : memref<10000x128xf32, #tpu.memory_space<hbm>> -> memref<128x64xf32, #tpu.memory_space<hbm>>
          %dma_start3A_165 = arith.constant 0 : i32
          %dma_start3A_166 = arith.constant 0 : i32
          %dma_start3A_167 = tpu.memref_slice %arg10[%dma_start3A_165, %dma_start3A_166] : memref<128x64xf32, #tpu.memory_space<vmem>> -> memref<128x64xf32, #tpu.memory_space<vmem>>
          tpu.enqueue_dma source(%dma_start3A_167 : memref<128x64xf32, #tpu.memory_space<vmem>>) target(%dma_start3A_164 : memref<128x64xf32, #tpu.memory_space<hbm>>) target_semaphore(%run_scoped3A_158 : memref<!tpu.dma_semaphore, #tpu.memory_space<semaphore_mem>>)
          %dma_wait3A = arith.constant 0 : i32
          %dma_wait3A_168 = arith.constant 0 : i32
          %dma_wait3A_169 = tpu.memref_slice %arg10[%dma_wait3A, %dma_wait3A_168] : memref<128x64xf32, #tpu.memory_space<vmem>> -> memref<128x64xf32, #tpu.memory_space<vmem>>
          %dma_wait3A_170 = arith.constant 64 : i32
          %dma_wait3A_171 = tpu.memref_slice %arg5[%add3A_112, %dma_wait3A_170] : memref<10000x128xf32, #tpu.memory_space<hbm>> -> memref<128x64xf32, #tpu.memory_space<hbm>>
          %dma_wait3A_172 = arith.constant 64 : i32
          %dma_wait3A_173 = tpu.memref_slice %arg5[%add3A_112, %dma_wait3A_172] : memref<10000x128xf32, #tpu.memory_space<hbm>> -> memref<128x64xf32, #tpu.memory_space<hbm>>
          %dma_wait3A_174 = arith.constant 0 : i32
          %dma_wait3A_175 = arith.constant 0 : i32
          %dma_wait3A_176 = tpu.memref_slice %arg10[%dma_wait3A_174, %dma_wait3A_175] : memref<128x64xf32, #tpu.memory_space<vmem>> -> memref<128x64xf32, #tpu.memory_space<vmem>>
          tpu.wait_dma2 semaphore(%run_scoped3A_158 : memref<!tpu.dma_semaphore, #tpu.memory_space<semaphore_mem>>) src(%dma_wait3A_176 : memref<128x64xf32, #tpu.memory_space<vmem>>) dst(%dma_wait3A_173 : memref<128x64xf32, #tpu.memory_space<hbm>>)
          tpu.yield
        }) : () -> ()
      } else {
      }
      %lt3A_120 = arith.constant 10000 : i32
      %lt3A_121 = arith.cmpi slt, %add3A_112, %lt3A_120 : i32
      %add3A_122 = arith.constant 128 : i32
      %add3A_123 = arith.addi %add3A_112, %add3A_122 : i32
      %gt3A_124 = arith.constant 10000 : i32
      %gt3A_125 = arith.cmpi sgt, %add3A_123, %gt3A_124 : i32
      %and3A_126 = arith.andi %lt3A_121, %gt3A_125 : i1
      %convert_element_type3A_127 = arith.extui %and3A_126 : i1 to i32
      %cond3A_128 = arith.constant 0 : i32
      %cond3A_129 = arith.cmpi ne, %convert_element_type3A_127, %cond3A_128 : i32
      scf.if %cond3A_129 {
        "tpu.region"() ({
          %run_scoped3A_158 = tpu.sem_alloc : memref<!tpu.dma_semaphore, #tpu.memory_space<semaphore_mem>>
          %dma_start3A = arith.constant 0 : i32
          %dma_start3A_159 = arith.constant 0 : i32
          %dma_start3A_160 = tpu.memref_slice %arg10[%dma_start3A, %dma_start3A_159] : memref<128x64xf32, #tpu.memory_space<vmem>> -> memref<16x64xf32, #tpu.memory_space<vmem>>
          %dma_start3A_161 = arith.constant 0 : i32
          %dma_start3A_162 = tpu.memref_slice %arg13[%add3A_112, %dma_start3A_161] : memref<10240x64xf32, #tpu.memory_space<vmem_shared>> -> memref<16x64xf32, #tpu.memory_space<vmem_shared>>
          %dma_start3A_163 = arith.constant 0 : i32
          %dma_start3A_164 = arith.constant 0 : i32
          %dma_start3A_165 = tpu.memref_slice %arg10[%dma_start3A_163, %dma_start3A_164] : memref<128x64xf32, #tpu.memory_space<vmem>> -> memref<16x64xf32, #tpu.memory_space<vmem>>
          %dma_start3A_166 = arith.constant 0 : i32
          %dma_start3A_167 = tpu.memref_slice %arg13[%add3A_112, %dma_start3A_166] : memref<10240x64xf32, #tpu.memory_space<vmem_shared>> -> memref<16x64xf32, #tpu.memory_space<vmem_shared>>
          tpu.enqueue_dma source(%dma_start3A_167 : memref<16x64xf32, #tpu.memory_space<vmem_shared>>) target(%dma_start3A_165 : memref<16x64xf32, #tpu.memory_space<vmem>>) target_semaphore(%run_scoped3A_158 : memref<!tpu.dma_semaphore, #tpu.memory_space<semaphore_mem>>)
          %dma_wait3A = arith.constant 0 : i32
          %dma_wait3A_168 = arith.constant 0 : i32
          %dma_wait3A_169 = tpu.memref_slice %arg10[%dma_wait3A, %dma_wait3A_168] : memref<128x64xf32, #tpu.memory_space<vmem>> -> memref<16x64xf32, #tpu.memory_space<vmem>>
          %dma_wait3A_170 = arith.constant 0 : i32
          %dma_wait3A_171 = tpu.memref_slice %arg13[%add3A_112, %dma_wait3A_170] : memref<10240x64xf32, #tpu.memory_space<vmem_shared>> -> memref<16x64xf32, #tpu.memory_space<vmem_shared>>
          %dma_wait3A_172 = arith.constant 0 : i32
          %dma_wait3A_173 = arith.constant 0 : i32
          %dma_wait3A_174 = tpu.memref_slice %arg10[%dma_wait3A_172, %dma_wait3A_173] : memref<128x64xf32, #tpu.memory_space<vmem>> -> memref<16x64xf32, #tpu.memory_space<vmem>>
          %dma_wait3A_175 = arith.constant 0 : i32
          %dma_wait3A_176 = tpu.memref_slice %arg13[%add3A_112, %dma_wait3A_175] : memref<10240x64xf32, #tpu.memory_space<vmem_shared>> -> memref<16x64xf32, #tpu.memory_space<vmem_shared>>
          tpu.wait_dma2 semaphore(%run_scoped3A_158 : memref<!tpu.dma_semaphore, #tpu.memory_space<semaphore_mem>>) src(%dma_wait3A_176 : memref<16x64xf32, #tpu.memory_space<vmem_shared>>) dst(%dma_wait3A_174 : memref<16x64xf32, #tpu.memory_space<vmem>>)
          tpu.yield
        }) : () -> ()
        "tpu.region"() ({
          %run_scoped3A_158 = tpu.sem_alloc : memref<!tpu.dma_semaphore, #tpu.memory_space<semaphore_mem>>
          %dma_start3A = arith.constant 0 : i32
          %dma_start3A_159 = arith.constant 0 : i32
          %dma_start3A_160 = tpu.memref_slice %arg11[%dma_start3A, %dma_start3A_159] : memref<128x16xf32, #tpu.memory_space<vmem>> -> memref<16x16xf32, #tpu.memory_space<vmem>>
          %dma_start3A_161 = arith.constant 0 : i32
          %dma_start3A_162 = tpu.memref_slice %arg14[%add3A_112, %dma_start3A_161] : memref<10240x16xf32, #tpu.memory_space<vmem_shared>> -> memref<16x16xf32, #tpu.memory_space<vmem_shared>>
          %dma_start3A_163 = arith.constant 0 : i32
          %dma_start3A_164 = arith.constant 0 : i32
          %dma_start3A_165 = tpu.memref_slice %arg11[%dma_start3A_163, %dma_start3A_164] : memref<128x16xf32, #tpu.memory_space<vmem>> -> memref<16x16xf32, #tpu.memory_space<vmem>>
          %dma_start3A_166 = arith.constant 0 : i32
          %dma_start3A_167 = tpu.memref_slice %arg14[%add3A_112, %dma_start3A_166] : memref<10240x16xf32, #tpu.memory_space<vmem_shared>> -> memref<16x16xf32, #tpu.memory_space<vmem_shared>>
          tpu.enqueue_dma source(%dma_start3A_167 : memref<16x16xf32, #tpu.memory_space<vmem_shared>>) target(%dma_start3A_165 : memref<16x16xf32, #tpu.memory_space<vmem>>) target_semaphore(%run_scoped3A_158 : memref<!tpu.dma_semaphore, #tpu.memory_space<semaphore_mem>>)
          %dma_wait3A = arith.constant 0 : i32
          %dma_wait3A_168 = arith.constant 0 : i32
          %dma_wait3A_169 = tpu.memref_slice %arg11[%dma_wait3A, %dma_wait3A_168] : memref<128x16xf32, #tpu.memory_space<vmem>> -> memref<16x16xf32, #tpu.memory_space<vmem>>
          %dma_wait3A_170 = arith.constant 0 : i32
          %dma_wait3A_171 = tpu.memref_slice %arg14[%add3A_112, %dma_wait3A_170] : memref<10240x16xf32, #tpu.memory_space<vmem_shared>> -> memref<16x16xf32, #tpu.memory_space<vmem_shared>>
          %dma_wait3A_172 = arith.constant 0 : i32
          %dma_wait3A_173 = arith.constant 0 : i32
          %dma_wait3A_174 = tpu.memref_slice %arg11[%dma_wait3A_172, %dma_wait3A_173] : memref<128x16xf32, #tpu.memory_space<vmem>> -> memref<16x16xf32, #tpu.memory_space<vmem>>
          %dma_wait3A_175 = arith.constant 0 : i32
          %dma_wait3A_176 = tpu.memref_slice %arg14[%add3A_112, %dma_wait3A_175] : memref<10240x16xf32, #tpu.memory_space<vmem_shared>> -> memref<16x16xf32, #tpu.memory_space<vmem_shared>>
          tpu.wait_dma2 semaphore(%run_scoped3A_158 : memref<!tpu.dma_semaphore, #tpu.memory_space<semaphore_mem>>) src(%dma_wait3A_176 : memref<16x16xf32, #tpu.memory_space<vmem_shared>>) dst(%dma_wait3A_174 : memref<16x16xf32, #tpu.memory_space<vmem>>)
          tpu.yield
        }) : () -> ()
        %scan3A_151 = arith.constant 0 : i32
        %scan3A_152 = arith.constant 0 : i32
        %scan3A_153 = arith.constant 16 : i32
        %scan3A_154 = arith.addi %scan3A_152, %scan3A_153 : i32
        %scan3A_155 = arith.constant 1 : i32
        %scan3A_156 = scf.for %scan3A_158 = %scan3A_152 to %scan3A_154 step %scan3A_155 iter_args(%scan3A_159 = %scan3A_151) -> (i32)  : i32 {
          %get3A = arith.index_cast %scan3A_158 : i32 to index
          %get3A_160 = arith.constant 0 : index
          %get3A_161 = tpu.vector_load %arg11[%get3A, %get3A_160] {strides = array<i32>} : memref<128x16xf32, #tpu.memory_space<vmem>>, vector<1x16xf32>,
          %get3A_162 = vector.shape_cast %get3A_161 : vector<1x16xf32> to vector<16xf32>
          %max3A = arith.constant 1.000000e+00 : f32
          %max3A_163 = vector.broadcast %max3A : f32 to vector<16xf32>
          %max3A_164 = arith.maximumf %get3A_162, %max3A_163 : vector<16xf32>
          %div3A = arith.constant 1.000000e+00 : f32
          %div3A_165 = vector.broadcast %div3A : f32 to vector<16xf32>
          %div3A_166 = arith.divf %div3A_165, %max3A_164 : vector<16xf32>
          %get3A_167 = arith.index_cast %scan3A_158 : i32 to index
          %get3A_168 = arith.constant 0 : index
          %get3A_169 = tpu.vector_load %arg10[%get3A_167, %get3A_168] {strides = array<i32>} : memref<128x64xf32, #tpu.memory_space<vmem>>, vector<1x16xf32>,
          %get3A_170 = vector.shape_cast %get3A_169 : vector<1x16xf32> to vector<16xf32>
          %mul3A_171 = arith.mulf %get3A_170, %div3A_166 : vector<16xf32>
          %swap3A = arith.index_cast %scan3A_158 : i32 to index
          %swap3A_172 = arith.constant 0 : index
          %swap3A_173 = tpu.vector_load %arg10[%swap3A, %swap3A_172] {strides = array<i32>} : memref<128x64xf32, #tpu.memory_space<vmem>>, vector<1x16xf32>,
          %swap3A_174 = vector.shape_cast %swap3A_173 : vector<1x16xf32> to vector<16xf32>
          %swap3A_175 = vector.shape_cast %mul3A_171 : vector<16xf32> to vector<1x16xf32>
          tpu.vector_store %arg10[%swap3A, %swap3A_172], %swap3A_175 {strides = array<i32>} : memref<128x64xf32, #tpu.memory_space<vmem>>, vector<1x16xf32>,
          %get3A_176 = arith.index_cast %scan3A_158 : i32 to index
          %get3A_177 = arith.constant 16 : index
          %get3A_178 = tpu.vector_load %arg10[%get3A_176, %get3A_177] {strides = array<i32>} : memref<128x64xf32, #tpu.memory_space<vmem>>, vector<1x16xf32>,
          %get3A_179 = vector.shape_cast %get3A_178 : vector<1x16xf32> to vector<16xf32>
          %mul3A_180 = arith.mulf %get3A_179, %div3A_166 : vector<16xf32>
          %swap3A_181 = arith.index_cast %scan3A_158 : i32 to index
          %swap3A_182 = arith.constant 16 : index
          %swap3A_183 = tpu.vector_load %arg10[%swap3A_181, %swap3A_182] {strides = array<i32>} : memref<128x64xf32, #tpu.memory_space<vmem>>, vector<1x16xf32>,
          %swap3A_184 = vector.shape_cast %swap3A_183 : vector<1x16xf32> to vector<16xf32>
          %swap3A_185 = vector.shape_cast %mul3A_180 : vector<16xf32> to vector<1x16xf32>
          tpu.vector_store %arg10[%swap3A_181, %swap3A_182], %swap3A_185 {strides = array<i32>} : memref<128x64xf32, #tpu.memory_space<vmem>>, vector<1x16xf32>,
          %get3A_186 = arith.index_cast %scan3A_158 : i32 to index
          %get3A_187 = arith.constant 32 : index
          %get3A_188 = tpu.vector_load %arg10[%get3A_186, %get3A_187] {strides = array<i32>} : memref<128x64xf32, #tpu.memory_space<vmem>>, vector<1x16xf32>,
          %get3A_189 = vector.shape_cast %get3A_188 : vector<1x16xf32> to vector<16xf32>
          %mul3A_190 = arith.mulf %get3A_189, %div3A_166 : vector<16xf32>
          %swap3A_191 = arith.index_cast %scan3A_158 : i32 to index
          %swap3A_192 = arith.constant 32 : index
          %swap3A_193 = tpu.vector_load %arg10[%swap3A_191, %swap3A_192] {strides = array<i32>} : memref<128x64xf32, #tpu.memory_space<vmem>>, vector<1x16xf32>,
          %swap3A_194 = vector.shape_cast %swap3A_193 : vector<1x16xf32> to vector<16xf32>
          %swap3A_195 = vector.shape_cast %mul3A_190 : vector<16xf32> to vector<1x16xf32>
          tpu.vector_store %arg10[%swap3A_191, %swap3A_192], %swap3A_195 {strides = array<i32>} : memref<128x64xf32, #tpu.memory_space<vmem>>, vector<1x16xf32>,
          %get3A_196 = arith.index_cast %scan3A_158 : i32 to index
          %get3A_197 = arith.constant 48 : index
          %get3A_198 = tpu.vector_load %arg10[%get3A_196, %get3A_197] {strides = array<i32>} : memref<128x64xf32, #tpu.memory_space<vmem>>, vector<1x16xf32>,
          %get3A_199 = vector.shape_cast %get3A_198 : vector<1x16xf32> to vector<16xf32>
          %mul3A_200 = arith.mulf %get3A_199, %div3A_166 : vector<16xf32>
          %swap3A_201 = arith.index_cast %scan3A_158 : i32 to index
          %swap3A_202 = arith.constant 48 : index
          %swap3A_203 = tpu.vector_load %arg10[%swap3A_201, %swap3A_202] {strides = array<i32>} : memref<128x64xf32, #tpu.memory_space<vmem>>, vector<1x16xf32>,
          %swap3A_204 = vector.shape_cast %swap3A_203 : vector<1x16xf32> to vector<16xf32>
          %swap3A_205 = vector.shape_cast %mul3A_200 : vector<16xf32> to vector<1x16xf32>
          tpu.vector_store %arg10[%swap3A_201, %swap3A_202], %swap3A_205 {strides = array<i32>} : memref<128x64xf32, #tpu.memory_space<vmem>>, vector<1x16xf32>,
          %scan3A_206 = arith.constant 0 : i32
          scf.yield %scan3A_206 : i32
        }
        %scan3A_157 = arith.constant 16 : i32
        "tpu.region"() ({
          %run_scoped3A_158 = tpu.sem_alloc : memref<!tpu.dma_semaphore, #tpu.memory_space<semaphore_mem>>
          %dma_start3A = arith.constant 0 : i32
          %dma_start3A_159 = arith.constant 0 : i32
          %dma_start3A_160 = tpu.memref_slice %arg10[%dma_start3A, %dma_start3A_159] : memref<128x64xf32, #tpu.memory_space<vmem>> -> memref<16x64xf32, #tpu.memory_space<vmem>>
          %dma_start3A_161 = arith.constant 64 : i32
          %dma_start3A_162 = tpu.memref_slice %arg5[%add3A_112, %dma_start3A_161] : memref<10000x128xf32, #tpu.memory_space<hbm>> -> memref<16x64xf32, #tpu.memory_space<hbm>>
          %dma_start3A_163 = arith.constant 64 : i32
          %dma_start3A_164 = tpu.memref_slice %arg5[%add3A_112, %dma_start3A_163] : memref<10000x128xf32, #tpu.memory_space<hbm>> -> memref<16x64xf32, #tpu.memory_space<hbm>>
          %dma_start3A_165 = arith.constant 0 : i32
          %dma_start3A_166 = arith.constant 0 : i32
          %dma_start3A_167 = tpu.memref_slice %arg10[%dma_start3A_165, %dma_start3A_166] : memref<128x64xf32, #tpu.memory_space<vmem>> -> memref<16x64xf32, #tpu.memory_space<vmem>>
          tpu.enqueue_dma source(%dma_start3A_167 : memref<16x64xf32, #tpu.memory_space<vmem>>) target(%dma_start3A_164 : memref<16x64xf32, #tpu.memory_space<hbm>>) target_semaphore(%run_scoped3A_158 : memref<!tpu.dma_semaphore, #tpu.memory_space<semaphore_mem>>)
          %dma_wait3A = arith.constant 0 : i32
          %dma_wait3A_168 = arith.constant 0 : i32
          %dma_wait3A_169 = tpu.memref_slice %arg10[%dma_wait3A, %dma_wait3A_168] : memref<128x64xf32, #tpu.memory_space<vmem>> -> memref<16x64xf32, #tpu.memory_space<vmem>>
          %dma_wait3A_170 = arith.constant 64 : i32
          %dma_wait3A_171 = tpu.memref_slice %arg5[%add3A_112, %dma_wait3A_170] : memref<10000x128xf32, #tpu.memory_space<hbm>> -> memref<16x64xf32, #tpu.memory_space<hbm>>
          %dma_wait3A_172 = arith.constant 64 : i32
          %dma_wait3A_173 = tpu.memref_slice %arg5[%add3A_112, %dma_wait3A_172] : memref<10000x128xf32, #tpu.memory_space<hbm>> -> memref<16x64xf32, #tpu.memory_space<hbm>>
          %dma_wait3A_174 = arith.constant 0 : i32
          %dma_wait3A_175 = arith.constant 0 : i32
          %dma_wait3A_176 = tpu.memref_slice %arg10[%dma_wait3A_174, %dma_wait3A_175] : memref<128x64xf32, #tpu.memory_space<vmem>> -> memref<16x64xf32, #tpu.memory_space<vmem>>
          tpu.wait_dma2 semaphore(%run_scoped3A_158 : memref<!tpu.dma_semaphore, #tpu.memory_space<semaphore_mem>>) src(%dma_wait3A_176 : memref<16x64xf32, #tpu.memory_space<vmem>>) dst(%dma_wait3A_173 : memref<16x64xf32, #tpu.memory_space<hbm>>)
          tpu.yield
        }) : () -> ()
      } else {
      }
      %mul3A_130 = arith.constant 640 : i32
      %mul3A_131 = arith.muli %arg1, %mul3A_130 : i32
      %add3A_132 = arith.constant 512 : i32
      %add3A_133 = arith.addi %mul3A_131, %add3A_132 : i32
      %add3A_134 = arith.constant 128 : i32
      %add3A_135 = arith.addi %add3A_133, %add3A_134 : i32
      %le3A_136 = arith.constant 10000 : i32
      %le3A_137 = arith.cmpi sle, %add3A_135, %le3A_136 : i32
      %convert_element_type3A_138 = arith.extui %le3A_137 : i1 to i32
      %cond3A_139 = arith.constant 0 : i32
      %cond3A_140 = arith.cmpi ne, %convert_element_type3A_138, %cond3A_139 : i32
      scf.if %cond3A_140 {
        "tpu.region"() ({
          %run_scoped3A_158 = tpu.sem_alloc : memref<!tpu.dma_semaphore, #tpu.memory_space<semaphore_mem>>
          %dma_start3A = arith.constant 0 : i32
          %dma_start3A_159 = arith.constant 0 : i32
          %dma_start3A_160 = tpu.memref_slice %arg10[%dma_start3A, %dma_start3A_159] : memref<128x64xf32, #tpu.memory_space<vmem>> -> memref<128x64xf32, #tpu.memory_space<vmem>>
          %dma_start3A_161 = arith.constant 0 : i32
          %dma_start3A_162 = tpu.memref_slice %arg13[%add3A_133, %dma_start3A_161] : memref<10240x64xf32, #tpu.memory_space<vmem_shared>> -> memref<128x64xf32, #tpu.memory_space<vmem_shared>>
          %dma_start3A_163 = arith.constant 0 : i32
          %dma_start3A_164 = arith.constant 0 : i32
          %dma_start3A_165 = tpu.memref_slice %arg10[%dma_start3A_163, %dma_start3A_164] : memref<128x64xf32, #tpu.memory_space<vmem>> -> memref<128x64xf32, #tpu.memory_space<vmem>>
          %dma_start3A_166 = arith.constant 0 : i32
          %dma_start3A_167 = tpu.memref_slice %arg13[%add3A_133, %dma_start3A_166] : memref<10240x64xf32, #tpu.memory_space<vmem_shared>> -> memref<128x64xf32, #tpu.memory_space<vmem_shared>>
          tpu.enqueue_dma source(%dma_start3A_167 : memref<128x64xf32, #tpu.memory_space<vmem_shared>>) target(%dma_start3A_165 : memref<128x64xf32, #tpu.memory_space<vmem>>) target_semaphore(%run_scoped3A_158 : memref<!tpu.dma_semaphore, #tpu.memory_space<semaphore_mem>>)
          %dma_wait3A = arith.constant 0 : i32
          %dma_wait3A_168 = arith.constant 0 : i32
          %dma_wait3A_169 = tpu.memref_slice %arg10[%dma_wait3A, %dma_wait3A_168] : memref<128x64xf32, #tpu.memory_space<vmem>> -> memref<128x64xf32, #tpu.memory_space<vmem>>
          %dma_wait3A_170 = arith.constant 0 : i32
          %dma_wait3A_171 = tpu.memref_slice %arg13[%add3A_133, %dma_wait3A_170] : memref<10240x64xf32, #tpu.memory_space<vmem_shared>> -> memref<128x64xf32, #tpu.memory_space<vmem_shared>>
          %dma_wait3A_172 = arith.constant 0 : i32
          %dma_wait3A_173 = arith.constant 0 : i32
          %dma_wait3A_174 = tpu.memref_slice %arg10[%dma_wait3A_172, %dma_wait3A_173] : memref<128x64xf32, #tpu.memory_space<vmem>> -> memref<128x64xf32, #tpu.memory_space<vmem>>
          %dma_wait3A_175 = arith.constant 0 : i32
          %dma_wait3A_176 = tpu.memref_slice %arg13[%add3A_133, %dma_wait3A_175] : memref<10240x64xf32, #tpu.memory_space<vmem_shared>> -> memref<128x64xf32, #tpu.memory_space<vmem_shared>>
          tpu.wait_dma2 semaphore(%run_scoped3A_158 : memref<!tpu.dma_semaphore, #tpu.memory_space<semaphore_mem>>) src(%dma_wait3A_176 : memref<128x64xf32, #tpu.memory_space<vmem_shared>>) dst(%dma_wait3A_174 : memref<128x64xf32, #tpu.memory_space<vmem>>)
          tpu.yield
        }) : () -> ()
        "tpu.region"() ({
          %run_scoped3A_158 = tpu.sem_alloc : memref<!tpu.dma_semaphore, #tpu.memory_space<semaphore_mem>>
          %dma_start3A = arith.constant 0 : i32
          %dma_start3A_159 = arith.constant 0 : i32
          %dma_start3A_160 = tpu.memref_slice %arg11[%dma_start3A, %dma_start3A_159] : memref<128x16xf32, #tpu.memory_space<vmem>> -> memref<128x16xf32, #tpu.memory_space<vmem>>
          %dma_start3A_161 = arith.constant 0 : i32
          %dma_start3A_162 = tpu.memref_slice %arg14[%add3A_133, %dma_start3A_161] : memref<10240x16xf32, #tpu.memory_space<vmem_shared>> -> memref<128x16xf32, #tpu.memory_space<vmem_shared>>
          %dma_start3A_163 = arith.constant 0 : i32
          %dma_start3A_164 = arith.constant 0 : i32
          %dma_start3A_165 = tpu.memref_slice %arg11[%dma_start3A_163, %dma_start3A_164] : memref<128x16xf32, #tpu.memory_space<vmem>> -> memref<128x16xf32, #tpu.memory_space<vmem>>
          %dma_start3A_166 = arith.constant 0 : i32
          %dma_start3A_167 = tpu.memref_slice %arg14[%add3A_133, %dma_start3A_166] : memref<10240x16xf32, #tpu.memory_space<vmem_shared>> -> memref<128x16xf32, #tpu.memory_space<vmem_shared>>
          tpu.enqueue_dma source(%dma_start3A_167 : memref<128x16xf32, #tpu.memory_space<vmem_shared>>) target(%dma_start3A_165 : memref<128x16xf32, #tpu.memory_space<vmem>>) target_semaphore(%run_scoped3A_158 : memref<!tpu.dma_semaphore, #tpu.memory_space<semaphore_mem>>)
          %dma_wait3A = arith.constant 0 : i32
          %dma_wait3A_168 = arith.constant 0 : i32
          %dma_wait3A_169 = tpu.memref_slice %arg11[%dma_wait3A, %dma_wait3A_168] : memref<128x16xf32, #tpu.memory_space<vmem>> -> memref<128x16xf32, #tpu.memory_space<vmem>>
          %dma_wait3A_170 = arith.constant 0 : i32
          %dma_wait3A_171 = tpu.memref_slice %arg14[%add3A_133, %dma_wait3A_170] : memref<10240x16xf32, #tpu.memory_space<vmem_shared>> -> memref<128x16xf32, #tpu.memory_space<vmem_shared>>
          %dma_wait3A_172 = arith.constant 0 : i32
          %dma_wait3A_173 = arith.constant 0 : i32
          %dma_wait3A_174 = tpu.memref_slice %arg11[%dma_wait3A_172, %dma_wait3A_173] : memref<128x16xf32, #tpu.memory_space<vmem>> -> memref<128x16xf32, #tpu.memory_space<vmem>>
          %dma_wait3A_175 = arith.constant 0 : i32
          %dma_wait3A_176 = tpu.memref_slice %arg14[%add3A_133, %dma_wait3A_175] : memref<10240x16xf32, #tpu.memory_space<vmem_shared>> -> memref<128x16xf32, #tpu.memory_space<vmem_shared>>
          tpu.wait_dma2 semaphore(%run_scoped3A_158 : memref<!tpu.dma_semaphore, #tpu.memory_space<semaphore_mem>>) src(%dma_wait3A_176 : memref<128x16xf32, #tpu.memory_space<vmem_shared>>) dst(%dma_wait3A_174 : memref<128x16xf32, #tpu.memory_space<vmem>>)
          tpu.yield
        }) : () -> ()
        %scan3A_151 = arith.constant 0 : i32
        %scan3A_152 = arith.constant 0 : i32
        %scan3A_153 = arith.constant 128 : i32
        %scan3A_154 = arith.addi %scan3A_152, %scan3A_153 : i32
        %scan3A_155 = arith.constant 1 : i32
        %scan3A_156 = scf.for %scan3A_158 = %scan3A_152 to %scan3A_154 step %scan3A_155 iter_args(%scan3A_159 = %scan3A_151) -> (i32)  : i32 {
          %get3A = arith.index_cast %scan3A_158 : i32 to index
          %get3A_160 = arith.constant 0 : index
          %get3A_161 = tpu.vector_load %arg11[%get3A, %get3A_160] {strides = array<i32>} : memref<128x16xf32, #tpu.memory_space<vmem>>, vector<1x16xf32>,
          %get3A_162 = vector.shape_cast %get3A_161 : vector<1x16xf32> to vector<16xf32>
          %max3A = arith.constant 1.000000e+00 : f32
          %max3A_163 = vector.broadcast %max3A : f32 to vector<16xf32>
          %max3A_164 = arith.maximumf %get3A_162, %max3A_163 : vector<16xf32>
          %div3A = arith.constant 1.000000e+00 : f32
          %div3A_165 = vector.broadcast %div3A : f32 to vector<16xf32>
          %div3A_166 = arith.divf %div3A_165, %max3A_164 : vector<16xf32>
          %get3A_167 = arith.index_cast %scan3A_158 : i32 to index
          %get3A_168 = arith.constant 0 : index
          %get3A_169 = tpu.vector_load %arg10[%get3A_167, %get3A_168] {strides = array<i32>} : memref<128x64xf32, #tpu.memory_space<vmem>>, vector<1x16xf32>,
          %get3A_170 = vector.shape_cast %get3A_169 : vector<1x16xf32> to vector<16xf32>
          %mul3A_171 = arith.mulf %get3A_170, %div3A_166 : vector<16xf32>
          %swap3A = arith.index_cast %scan3A_158 : i32 to index
          %swap3A_172 = arith.constant 0 : index
          %swap3A_173 = tpu.vector_load %arg10[%swap3A, %swap3A_172] {strides = array<i32>} : memref<128x64xf32, #tpu.memory_space<vmem>>, vector<1x16xf32>,
          %swap3A_174 = vector.shape_cast %swap3A_173 : vector<1x16xf32> to vector<16xf32>
          %swap3A_175 = vector.shape_cast %mul3A_171 : vector<16xf32> to vector<1x16xf32>
          tpu.vector_store %arg10[%swap3A, %swap3A_172], %swap3A_175 {strides = array<i32>} : memref<128x64xf32, #tpu.memory_space<vmem>>, vector<1x16xf32>,
          %get3A_176 = arith.index_cast %scan3A_158 : i32 to index
          %get3A_177 = arith.constant 16 : index
          %get3A_178 = tpu.vector_load %arg10[%get3A_176, %get3A_177] {strides = array<i32>} : memref<128x64xf32, #tpu.memory_space<vmem>>, vector<1x16xf32>,
          %get3A_179 = vector.shape_cast %get3A_178 : vector<1x16xf32> to vector<16xf32>
          %mul3A_180 = arith.mulf %get3A_179, %div3A_166 : vector<16xf32>
          %swap3A_181 = arith.index_cast %scan3A_158 : i32 to index
          %swap3A_182 = arith.constant 16 : index
          %swap3A_183 = tpu.vector_load %arg10[%swap3A_181, %swap3A_182] {strides = array<i32>} : memref<128x64xf32, #tpu.memory_space<vmem>>, vector<1x16xf32>,
          %swap3A_184 = vector.shape_cast %swap3A_183 : vector<1x16xf32> to vector<16xf32>
          %swap3A_185 = vector.shape_cast %mul3A_180 : vector<16xf32> to vector<1x16xf32>
          tpu.vector_store %arg10[%swap3A_181, %swap3A_182], %swap3A_185 {strides = array<i32>} : memref<128x64xf32, #tpu.memory_space<vmem>>, vector<1x16xf32>,
          %get3A_186 = arith.index_cast %scan3A_158 : i32 to index
          %get3A_187 = arith.constant 32 : index
          %get3A_188 = tpu.vector_load %arg10[%get3A_186, %get3A_187] {strides = array<i32>} : memref<128x64xf32, #tpu.memory_space<vmem>>, vector<1x16xf32>,
          %get3A_189 = vector.shape_cast %get3A_188 : vector<1x16xf32> to vector<16xf32>
          %mul3A_190 = arith.mulf %get3A_189, %div3A_166 : vector<16xf32>
          %swap3A_191 = arith.index_cast %scan3A_158 : i32 to index
          %swap3A_192 = arith.constant 32 : index
          %swap3A_193 = tpu.vector_load %arg10[%swap3A_191, %swap3A_192] {strides = array<i32>} : memref<128x64xf32, #tpu.memory_space<vmem>>, vector<1x16xf32>,
          %swap3A_194 = vector.shape_cast %swap3A_193 : vector<1x16xf32> to vector<16xf32>
          %swap3A_195 = vector.shape_cast %mul3A_190 : vector<16xf32> to vector<1x16xf32>
          tpu.vector_store %arg10[%swap3A_191, %swap3A_192], %swap3A_195 {strides = array<i32>} : memref<128x64xf32, #tpu.memory_space<vmem>>, vector<1x16xf32>,
          %get3A_196 = arith.index_cast %scan3A_158 : i32 to index
          %get3A_197 = arith.constant 48 : index
          %get3A_198 = tpu.vector_load %arg10[%get3A_196, %get3A_197] {strides = array<i32>} : memref<128x64xf32, #tpu.memory_space<vmem>>, vector<1x16xf32>,
          %get3A_199 = vector.shape_cast %get3A_198 : vector<1x16xf32> to vector<16xf32>
          %mul3A_200 = arith.mulf %get3A_199, %div3A_166 : vector<16xf32>
          %swap3A_201 = arith.index_cast %scan3A_158 : i32 to index
          %swap3A_202 = arith.constant 48 : index
          %swap3A_203 = tpu.vector_load %arg10[%swap3A_201, %swap3A_202] {strides = array<i32>} : memref<128x64xf32, #tpu.memory_space<vmem>>, vector<1x16xf32>,
          %swap3A_204 = vector.shape_cast %swap3A_203 : vector<1x16xf32> to vector<16xf32>
          %swap3A_205 = vector.shape_cast %mul3A_200 : vector<16xf32> to vector<1x16xf32>
          tpu.vector_store %arg10[%swap3A_201, %swap3A_202], %swap3A_205 {strides = array<i32>} : memref<128x64xf32, #tpu.memory_space<vmem>>, vector<1x16xf32>,
          %scan3A_206 = arith.constant 0 : i32
          scf.yield %scan3A_206 : i32
        }
        %scan3A_157 = arith.constant 128 : i32
        "tpu.region"() ({
          %run_scoped3A_158 = tpu.sem_alloc : memref<!tpu.dma_semaphore, #tpu.memory_space<semaphore_mem>>
          %dma_start3A = arith.constant 0 : i32
          %dma_start3A_159 = arith.constant 0 : i32
          %dma_start3A_160 = tpu.memref_slice %arg10[%dma_start3A, %dma_start3A_159] : memref<128x64xf32, #tpu.memory_space<vmem>> -> memref<128x64xf32, #tpu.memory_space<vmem>>
          %dma_start3A_161 = arith.constant 64 : i32
          %dma_start3A_162 = tpu.memref_slice %arg5[%add3A_133, %dma_start3A_161] : memref<10000x128xf32, #tpu.memory_space<hbm>> -> memref<128x64xf32, #tpu.memory_space<hbm>>
          %dma_start3A_163 = arith.constant 64 : i32
          %dma_start3A_164 = tpu.memref_slice %arg5[%add3A_133, %dma_start3A_163] : memref<10000x128xf32, #tpu.memory_space<hbm>> -> memref<128x64xf32, #tpu.memory_space<hbm>>
          %dma_start3A_165 = arith.constant 0 : i32
          %dma_start3A_166 = arith.constant 0 : i32
          %dma_start3A_167 = tpu.memref_slice %arg10[%dma_start3A_165, %dma_start3A_166] : memref<128x64xf32, #tpu.memory_space<vmem>> -> memref<128x64xf32, #tpu.memory_space<vmem>>
          tpu.enqueue_dma source(%dma_start3A_167 : memref<128x64xf32, #tpu.memory_space<vmem>>) target(%dma_start3A_164 : memref<128x64xf32, #tpu.memory_space<hbm>>) target_semaphore(%run_scoped3A_158 : memref<!tpu.dma_semaphore, #tpu.memory_space<semaphore_mem>>)
          %dma_wait3A = arith.constant 0 : i32
          %dma_wait3A_168 = arith.constant 0 : i32
          %dma_wait3A_169 = tpu.memref_slice %arg10[%dma_wait3A, %dma_wait3A_168] : memref<128x64xf32, #tpu.memory_space<vmem>> -> memref<128x64xf32, #tpu.memory_space<vmem>>
          %dma_wait3A_170 = arith.constant 64 : i32
          %dma_wait3A_171 = tpu.memref_slice %arg5[%add3A_133, %dma_wait3A_170] : memref<10000x128xf32, #tpu.memory_space<hbm>> -> memref<128x64xf32, #tpu.memory_space<hbm>>
          %dma_wait3A_172 = arith.constant 64 : i32
          %dma_wait3A_173 = tpu.memref_slice %arg5[%add3A_133, %dma_wait3A_172] : memref<10000x128xf32, #tpu.memory_space<hbm>> -> memref<128x64xf32, #tpu.memory_space<hbm>>
          %dma_wait3A_174 = arith.constant 0 : i32
          %dma_wait3A_175 = arith.constant 0 : i32
          %dma_wait3A_176 = tpu.memref_slice %arg10[%dma_wait3A_174, %dma_wait3A_175] : memref<128x64xf32, #tpu.memory_space<vmem>> -> memref<128x64xf32, #tpu.memory_space<vmem>>
          tpu.wait_dma2 semaphore(%run_scoped3A_158 : memref<!tpu.dma_semaphore, #tpu.memory_space<semaphore_mem>>) src(%dma_wait3A_176 : memref<128x64xf32, #tpu.memory_space<vmem>>) dst(%dma_wait3A_173 : memref<128x64xf32, #tpu.memory_space<hbm>>)
          tpu.yield
        }) : () -> ()
      } else {
      }
      %lt3A_141 = arith.constant 10000 : i32
      %lt3A_142 = arith.cmpi slt, %add3A_133, %lt3A_141 : i32
      %add3A_143 = arith.constant 128 : i32
      %add3A_144 = arith.addi %add3A_133, %add3A_143 : i32
      %gt3A_145 = arith.constant 10000 : i32
      %gt3A_146 = arith.cmpi sgt, %add3A_144, %gt3A_145 : i32
      %and3A_147 = arith.andi %lt3A_142, %gt3A_146 : i1
      %convert_element_type3A_148 = arith.extui %and3A_147 : i1 to i32
      %cond3A_149 = arith.constant 0 : i32
      %cond3A_150 = arith.cmpi ne, %convert_element_type3A_148, %cond3A_149 : i32
      scf.if %cond3A_150 {
        "tpu.region"() ({
          %run_scoped3A_158 = tpu.sem_alloc : memref<!tpu.dma_semaphore, #tpu.memory_space<semaphore_mem>>
          %dma_start3A = arith.constant 0 : i32
          %dma_start3A_159 = arith.constant 0 : i32
          %dma_start3A_160 = tpu.memref_slice %arg10[%dma_start3A, %dma_start3A_159] : memref<128x64xf32, #tpu.memory_space<vmem>> -> memref<16x64xf32, #tpu.memory_space<vmem>>
          %dma_start3A_161 = arith.constant 0 : i32
          %dma_start3A_162 = tpu.memref_slice %arg13[%add3A_133, %dma_start3A_161] : memref<10240x64xf32, #tpu.memory_space<vmem_shared>> -> memref<16x64xf32, #tpu.memory_space<vmem_shared>>
          %dma_start3A_163 = arith.constant 0 : i32
          %dma_start3A_164 = arith.constant 0 : i32
          %dma_start3A_165 = tpu.memref_slice %arg10[%dma_start3A_163, %dma_start3A_164] : memref<128x64xf32, #tpu.memory_space<vmem>> -> memref<16x64xf32, #tpu.memory_space<vmem>>
          %dma_start3A_166 = arith.constant 0 : i32
          %dma_start3A_167 = tpu.memref_slice %arg13[%add3A_133, %dma_start3A_166] : memref<10240x64xf32, #tpu.memory_space<vmem_shared>> -> memref<16x64xf32, #tpu.memory_space<vmem_shared>>
          tpu.enqueue_dma source(%dma_start3A_167 : memref<16x64xf32, #tpu.memory_space<vmem_shared>>) target(%dma_start3A_165 : memref<16x64xf32, #tpu.memory_space<vmem>>) target_semaphore(%run_scoped3A_158 : memref<!tpu.dma_semaphore, #tpu.memory_space<semaphore_mem>>)
          %dma_wait3A = arith.constant 0 : i32
          %dma_wait3A_168 = arith.constant 0 : i32
          %dma_wait3A_169 = tpu.memref_slice %arg10[%dma_wait3A, %dma_wait3A_168] : memref<128x64xf32, #tpu.memory_space<vmem>> -> memref<16x64xf32, #tpu.memory_space<vmem>>
          %dma_wait3A_170 = arith.constant 0 : i32
          %dma_wait3A_171 = tpu.memref_slice %arg13[%add3A_133, %dma_wait3A_170] : memref<10240x64xf32, #tpu.memory_space<vmem_shared>> -> memref<16x64xf32, #tpu.memory_space<vmem_shared>>
          %dma_wait3A_172 = arith.constant 0 : i32
          %dma_wait3A_173 = arith.constant 0 : i32
          %dma_wait3A_174 = tpu.memref_slice %arg10[%dma_wait3A_172, %dma_wait3A_173] : memref<128x64xf32, #tpu.memory_space<vmem>> -> memref<16x64xf32, #tpu.memory_space<vmem>>
          %dma_wait3A_175 = arith.constant 0 : i32
          %dma_wait3A_176 = tpu.memref_slice %arg13[%add3A_133, %dma_wait3A_175] : memref<10240x64xf32, #tpu.memory_space<vmem_shared>> -> memref<16x64xf32, #tpu.memory_space<vmem_shared>>
          tpu.wait_dma2 semaphore(%run_scoped3A_158 : memref<!tpu.dma_semaphore, #tpu.memory_space<semaphore_mem>>) src(%dma_wait3A_176 : memref<16x64xf32, #tpu.memory_space<vmem_shared>>) dst(%dma_wait3A_174 : memref<16x64xf32, #tpu.memory_space<vmem>>)
          tpu.yield
        }) : () -> ()
        "tpu.region"() ({
          %run_scoped3A_158 = tpu.sem_alloc : memref<!tpu.dma_semaphore, #tpu.memory_space<semaphore_mem>>
          %dma_start3A = arith.constant 0 : i32
          %dma_start3A_159 = arith.constant 0 : i32
          %dma_start3A_160 = tpu.memref_slice %arg11[%dma_start3A, %dma_start3A_159] : memref<128x16xf32, #tpu.memory_space<vmem>> -> memref<16x16xf32, #tpu.memory_space<vmem>>
          %dma_start3A_161 = arith.constant 0 : i32
          %dma_start3A_162 = tpu.memref_slice %arg14[%add3A_133, %dma_start3A_161] : memref<10240x16xf32, #tpu.memory_space<vmem_shared>> -> memref<16x16xf32, #tpu.memory_space<vmem_shared>>
          %dma_start3A_163 = arith.constant 0 : i32
          %dma_start3A_164 = arith.constant 0 : i32
          %dma_start3A_165 = tpu.memref_slice %arg11[%dma_start3A_163, %dma_start3A_164] : memref<128x16xf32, #tpu.memory_space<vmem>> -> memref<16x16xf32, #tpu.memory_space<vmem>>
          %dma_start3A_166 = arith.constant 0 : i32
          %dma_start3A_167 = tpu.memref_slice %arg14[%add3A_133, %dma_start3A_166] : memref<10240x16xf32, #tpu.memory_space<vmem_shared>> -> memref<16x16xf32, #tpu.memory_space<vmem_shared>>
          tpu.enqueue_dma source(%dma_start3A_167 : memref<16x16xf32, #tpu.memory_space<vmem_shared>>) target(%dma_start3A_165 : memref<16x16xf32, #tpu.memory_space<vmem>>) target_semaphore(%run_scoped3A_158 : memref<!tpu.dma_semaphore, #tpu.memory_space<semaphore_mem>>)
          %dma_wait3A = arith.constant 0 : i32
          %dma_wait3A_168 = arith.constant 0 : i32
          %dma_wait3A_169 = tpu.memref_slice %arg11[%dma_wait3A, %dma_wait3A_168] : memref<128x16xf32, #tpu.memory_space<vmem>> -> memref<16x16xf32, #tpu.memory_space<vmem>>
          %dma_wait3A_170 = arith.constant 0 : i32
          %dma_wait3A_171 = tpu.memref_slice %arg14[%add3A_133, %dma_wait3A_170] : memref<10240x16xf32, #tpu.memory_space<vmem_shared>> -> memref<16x16xf32, #tpu.memory_space<vmem_shared>>
          %dma_wait3A_172 = arith.constant 0 : i32
          %dma_wait3A_173 = arith.constant 0 : i32
          %dma_wait3A_174 = tpu.memref_slice %arg11[%dma_wait3A_172, %dma_wait3A_173] : memref<128x16xf32, #tpu.memory_space<vmem>> -> memref<16x16xf32, #tpu.memory_space<vmem>>
          %dma_wait3A_175 = arith.constant 0 : i32
          %dma_wait3A_176 = tpu.memref_slice %arg14[%add3A_133, %dma_wait3A_175] : memref<10240x16xf32, #tpu.memory_space<vmem_shared>> -> memref<16x16xf32, #tpu.memory_space<vmem_shared>>
          tpu.wait_dma2 semaphore(%run_scoped3A_158 : memref<!tpu.dma_semaphore, #tpu.memory_space<semaphore_mem>>) src(%dma_wait3A_176 : memref<16x16xf32, #tpu.memory_space<vmem_shared>>) dst(%dma_wait3A_174 : memref<16x16xf32, #tpu.memory_space<vmem>>)
          tpu.yield
        }) : () -> ()
        %scan3A_151 = arith.constant 0 : i32
        %scan3A_152 = arith.constant 0 : i32
        %scan3A_153 = arith.constant 16 : i32
        %scan3A_154 = arith.addi %scan3A_152, %scan3A_153 : i32
        %scan3A_155 = arith.constant 1 : i32
        %scan3A_156 = scf.for %scan3A_158 = %scan3A_152 to %scan3A_154 step %scan3A_155 iter_args(%scan3A_159 = %scan3A_151) -> (i32)  : i32 {
          %get3A = arith.index_cast %scan3A_158 : i32 to index
          %get3A_160 = arith.constant 0 : index
          %get3A_161 = tpu.vector_load %arg11[%get3A, %get3A_160] {strides = array<i32>} : memref<128x16xf32, #tpu.memory_space<vmem>>, vector<1x16xf32>,
          %get3A_162 = vector.shape_cast %get3A_161 : vector<1x16xf32> to vector<16xf32>
          %max3A = arith.constant 1.000000e+00 : f32
          %max3A_163 = vector.broadcast %max3A : f32 to vector<16xf32>
          %max3A_164 = arith.maximumf %get3A_162, %max3A_163 : vector<16xf32>
          %div3A = arith.constant 1.000000e+00 : f32
          %div3A_165 = vector.broadcast %div3A : f32 to vector<16xf32>
          %div3A_166 = arith.divf %div3A_165, %max3A_164 : vector<16xf32>
          %get3A_167 = arith.index_cast %scan3A_158 : i32 to index
          %get3A_168 = arith.constant 0 : index
          %get3A_169 = tpu.vector_load %arg10[%get3A_167, %get3A_168] {strides = array<i32>} : memref<128x64xf32, #tpu.memory_space<vmem>>, vector<1x16xf32>,
          %get3A_170 = vector.shape_cast %get3A_169 : vector<1x16xf32> to vector<16xf32>
          %mul3A_171 = arith.mulf %get3A_170, %div3A_166 : vector<16xf32>
          %swap3A = arith.index_cast %scan3A_158 : i32 to index
          %swap3A_172 = arith.constant 0 : index
          %swap3A_173 = tpu.vector_load %arg10[%swap3A, %swap3A_172] {strides = array<i32>} : memref<128x64xf32, #tpu.memory_space<vmem>>, vector<1x16xf32>,
          %swap3A_174 = vector.shape_cast %swap3A_173 : vector<1x16xf32> to vector<16xf32>
          %swap3A_175 = vector.shape_cast %mul3A_171 : vector<16xf32> to vector<1x16xf32>
          tpu.vector_store %arg10[%swap3A, %swap3A_172], %swap3A_175 {strides = array<i32>} : memref<128x64xf32, #tpu.memory_space<vmem>>, vector<1x16xf32>,
          %get3A_176 = arith.index_cast %scan3A_158 : i32 to index
          %get3A_177 = arith.constant 16 : index
          %get3A_178 = tpu.vector_load %arg10[%get3A_176, %get3A_177] {strides = array<i32>} : memref<128x64xf32, #tpu.memory_space<vmem>>, vector<1x16xf32>,
          %get3A_179 = vector.shape_cast %get3A_178 : vector<1x16xf32> to vector<16xf32>
          %mul3A_180 = arith.mulf %get3A_179, %div3A_166 : vector<16xf32>
          %swap3A_181 = arith.index_cast %scan3A_158 : i32 to index
          %swap3A_182 = arith.constant 16 : index
          %swap3A_183 = tpu.vector_load %arg10[%swap3A_181, %swap3A_182] {strides = array<i32>} : memref<128x64xf32, #tpu.memory_space<vmem>>, vector<1x16xf32>,
          %swap3A_184 = vector.shape_cast %swap3A_183 : vector<1x16xf32> to vector<16xf32>
          %swap3A_185 = vector.shape_cast %mul3A_180 : vector<16xf32> to vector<1x16xf32>
          tpu.vector_store %arg10[%swap3A_181, %swap3A_182], %swap3A_185 {strides = array<i32>} : memref<128x64xf32, #tpu.memory_space<vmem>>, vector<1x16xf32>,
          %get3A_186 = arith.index_cast %scan3A_158 : i32 to index
          %get3A_187 = arith.constant 32 : index
          %get3A_188 = tpu.vector_load %arg10[%get3A_186, %get3A_187] {strides = array<i32>} : memref<128x64xf32, #tpu.memory_space<vmem>>, vector<1x16xf32>,
          %get3A_189 = vector.shape_cast %get3A_188 : vector<1x16xf32> to vector<16xf32>
          %mul3A_190 = arith.mulf %get3A_189, %div3A_166 : vector<16xf32>
          %swap3A_191 = arith.index_cast %scan3A_158 : i32 to index
          %swap3A_192 = arith.constant 32 : index
          %swap3A_193 = tpu.vector_load %arg10[%swap3A_191, %swap3A_192] {strides = array<i32>} : memref<128x64xf32, #tpu.memory_space<vmem>>, vector<1x16xf32>,
          %swap3A_194 = vector.shape_cast %swap3A_193 : vector<1x16xf32> to vector<16xf32>
          %swap3A_195 = vector.shape_cast %mul3A_190 : vector<16xf32> to vector<1x16xf32>
          tpu.vector_store %arg10[%swap3A_191, %swap3A_192], %swap3A_195 {strides = array<i32>} : memref<128x64xf32, #tpu.memory_space<vmem>>, vector<1x16xf32>,
          %get3A_196 = arith.index_cast %scan3A_158 : i32 to index
          %get3A_197 = arith.constant 48 : index
          %get3A_198 = tpu.vector_load %arg10[%get3A_196, %get3A_197] {strides = array<i32>} : memref<128x64xf32, #tpu.memory_space<vmem>>, vector<1x16xf32>,
          %get3A_199 = vector.shape_cast %get3A_198 : vector<1x16xf32> to vector<16xf32>
          %mul3A_200 = arith.mulf %get3A_199, %div3A_166 : vector<16xf32>
          %swap3A_201 = arith.index_cast %scan3A_158 : i32 to index
          %swap3A_202 = arith.constant 48 : index
          %swap3A_203 = tpu.vector_load %arg10[%swap3A_201, %swap3A_202] {strides = array<i32>} : memref<128x64xf32, #tpu.memory_space<vmem>>, vector<1x16xf32>,
          %swap3A_204 = vector.shape_cast %swap3A_203 : vector<1x16xf32> to vector<16xf32>
          %swap3A_205 = vector.shape_cast %mul3A_200 : vector<16xf32> to vector<1x16xf32>
          tpu.vector_store %arg10[%swap3A_201, %swap3A_202], %swap3A_205 {strides = array<i32>} : memref<128x64xf32, #tpu.memory_space<vmem>>, vector<1x16xf32>,
          %scan3A_206 = arith.constant 0 : i32
          scf.yield %scan3A_206 : i32
        }
        %scan3A_157 = arith.constant 16 : i32
        "tpu.region"() ({
          %run_scoped3A_158 = tpu.sem_alloc : memref<!tpu.dma_semaphore, #tpu.memory_space<semaphore_mem>>
          %dma_start3A = arith.constant 0 : i32
          %dma_start3A_159 = arith.constant 0 : i32
          %dma_start3A_160 = tpu.memref_slice %arg10[%dma_start3A, %dma_start3A_159] : memref<128x64xf32, #tpu.memory_space<vmem>> -> memref<16x64xf32, #tpu.memory_space<vmem>>
          %dma_start3A_161 = arith.constant 64 : i32
          %dma_start3A_162 = tpu.memref_slice %arg5[%add3A_133, %dma_start3A_161] : memref<10000x128xf32, #tpu.memory_space<hbm>> -> memref<16x64xf32, #tpu.memory_space<hbm>>
          %dma_start3A_163 = arith.constant 64 : i32
          %dma_start3A_164 = tpu.memref_slice %arg5[%add3A_133, %dma_start3A_163] : memref<10000x128xf32, #tpu.memory_space<hbm>> -> memref<16x64xf32, #tpu.memory_space<hbm>>
          %dma_start3A_165 = arith.constant 0 : i32
          %dma_start3A_166 = arith.constant 0 : i32
          %dma_start3A_167 = tpu.memref_slice %arg10[%dma_start3A_165, %dma_start3A_166] : memref<128x64xf32, #tpu.memory_space<vmem>> -> memref<16x64xf32, #tpu.memory_space<vmem>>
          tpu.enqueue_dma source(%dma_start3A_167 : memref<16x64xf32, #tpu.memory_space<vmem>>) target(%dma_start3A_164 : memref<16x64xf32, #tpu.memory_space<hbm>>) target_semaphore(%run_scoped3A_158 : memref<!tpu.dma_semaphore, #tpu.memory_space<semaphore_mem>>)
          %dma_wait3A = arith.constant 0 : i32
          %dma_wait3A_168 = arith.constant 0 : i32
          %dma_wait3A_169 = tpu.memref_slice %arg10[%dma_wait3A, %dma_wait3A_168] : memref<128x64xf32, #tpu.memory_space<vmem>> -> memref<16x64xf32, #tpu.memory_space<vmem>>
          %dma_wait3A_170 = arith.constant 64 : i32
          %dma_wait3A_171 = tpu.memref_slice %arg5[%add3A_133, %dma_wait3A_170] : memref<10000x128xf32, #tpu.memory_space<hbm>> -> memref<16x64xf32, #tpu.memory_space<hbm>>
          %dma_wait3A_172 = arith.constant 64 : i32
          %dma_wait3A_173 = tpu.memref_slice %arg5[%add3A_133, %dma_wait3A_172] : memref<10000x128xf32, #tpu.memory_space<hbm>> -> memref<16x64xf32, #tpu.memory_space<hbm>>
          %dma_wait3A_174 = arith.constant 0 : i32
          %dma_wait3A_175 = arith.constant 0 : i32
          %dma_wait3A_176 = tpu.memref_slice %arg10[%dma_wait3A_174, %dma_wait3A_175] : memref<128x64xf32, #tpu.memory_space<vmem>> -> memref<16x64xf32, #tpu.memory_space<vmem>>
          tpu.wait_dma2 semaphore(%run_scoped3A_158 : memref<!tpu.dma_semaphore, #tpu.memory_space<semaphore_mem>>) src(%dma_wait3A_176 : memref<16x64xf32, #tpu.memory_space<vmem>>) dst(%dma_wait3A_173 : memref<16x64xf32, #tpu.memory_space<hbm>>)
          tpu.yield
        }) : () -> ()
      } else {
      }
    } else {
    }
    return
  }
}

</mosaic_0001>

<sc_bundles>
// kernel: kernel.3.cloned.1.call-start
scs
__scs_entry_jumppad:
0x0: {  	(pc) =	sbr.rel $0x88, $3  }
0x1: {  	(tag) =	ssettag $0x0;
	lr =	simm.s32 $0x1  }
0x2: {  	[smem:$0x3F9F] =	sst lr;
	_ =	strace $0xD0000000  }
0x3: {  	_ = 	snop  }
0x4: {  	_ = 	snop  }
0x5: {  	_ = 	snop  }
0x6: {  	_ = 	snop  }
0x7: {  	_ = 	snop  }
__scs_overlays_trampoline_lowered:
0x8: {  	[smem:$0x3FAE] =	sst s0  }
0x9: {  	[smem:$0x3FAF] =	sst s1  }
0xa: {  	[smem:$0x3FB0] =	sst s2  }
0xb: {  	[smem:$0x3FB1] =	sst s3  }
0xc: {  	[smem:$0x3FB2] =	sst s4  }
0xd: {  	[smem:$0x3FB3] =	sst s5  }
0xe: {  	[smem:$0x3FB4] =	sst s6  }
0xf: {  	[smem:$0x3FB5] =	sst s7  }
0x10: {  	[smem:$0x3FB6] =	sst s8  }
0x11: {  	[smem:$0x3FB7] =	sst s9;
	s0 =	simm.s32 @!p0 $0x0  }
0x12: {  	s1 =	sld [smem:$0x3F9D];
	s0 =	simm.s32 @p0 $0x1  }
0x13: {  	[smem:$0x3FB8] =	sst s0;
	s0 =	simm.s32 @!p1 $0x0  }
0x14: {  	s2 =	sld [smem:$0x3F9C];
	s0 =	simm.s32 @p1 $0x1  }
0x15: {  	[smem:$0x3FB9] =	sst s0;
	s0 =	simm.s32 @!p2 $0x0  }
0x16: {  	s3 =	sld [smem:$0x3FDB];
	s0 =	simm.s32 @p2 $0x1  }
0x17: {  	s4 =	simm.s32 $0x1BF5;
	[smem:$0x3FBB] =	sst s0  }
0x18: {  	s0 =	sld [smem:$0x3F9E];
	_ =	swait.ge [sflag:s4], $0x0  }
0x19: {  	s7 =	sld [smem:$0x3F9F]  }
0x1a: {  	s8 =	sadd.s32 $0xFFFFE003, lr  }
0x1b: {  	s9 =	sadd.s32 $0xFFFFFEF7, lr;
	s5 =	simm.s32 $0xFFFFFFFF;
	p2 =	slt.u32 s8, $0xFFFFF086  }
0x1c: {  	p1 =	slt.u32 s9, $0xF7A;
	s5 =	simm.s32 @!p2 $0x0  }
0x1d: {  	s5 =	simm.s32 @p1 $0x1;
	p0 =	seq.s32 s7, s2  }
0x1e: {  	s7 =	smul.u32 @!p0 $0xF7A, s2;
	p2 =	seq.s32 @!p0 s5, $0x0  }
0x1f: {  	s9 =	smul.u32 $0xF7A, s1;
	s8 =	simm.s32 @!p0 $0x1BF5;
	p2 =	por !p2, p0  }
0x20: {  	[sflag:s8] =	ssyncset.s32 @!p0 $0xFFFFF086;
	s6 =	sadd.s32 @!p0 s3, s7;
	s7 =	simm.s32 @!p0 $0x108  }
0x21: {  	s3 =	sadd.s32 s3, s9;
	s6 =	sadd.s32 @!p0 $0x88, s6;
	s7 =	simm.s32 @p2 $0x1082  }
0x22: {  	[simem:s7], [sflag:s8] =	dma.local @!p0 [hbm:s6], $0xF7A  }
0x23: {  	s9 =	sor.u32 $0xD0000000, s2;
	s6 =	simm.s32 $0x108;
	_ =	swait.ge @!p0 [sflag:s8], $0x0  }
0x24: {  	s3 =	sadd.s32 $0x88, s3;
	s6 =	simm.s32 @!p1 $0x1082;
	[sflag:s4] =	ssyncset.s32 $0xFFFFF086  }
0x25: {  	[simem:s6], [sflag:s4] =	dma.local [hbm:s3], $0xF7A  }
0x26: {  	[smem:$0x3F9F] =	sst s1;
	(tag) =	ssettag s2;
	_ =	strace s9  }
0x27: {  	s1 =	sld [smem:$0x3FAF]  }
0x28: {  	s2 =	sld [smem:$0x3FB0]  }
0x29: {  	s4 =	sld [smem:$0x3FB2]  }
0x2a: {  	p0 =	seq.s32 s5, $0x0;
	s5 =	sld [smem:$0x3FB3]  }
0x2b: {  	s6 =	sld [smem:$0x3FB4]  }
0x2c: {  	s7 =	sld [smem:$0x3FB5]  }
0x2d: {  	s3 =	simm.s32 $0x108;
	s8 =	sld [smem:$0x3FB6]  }
0x2e: {  	s3 =	simm.s32 @!p0 $0x1082;
	s9 =	sld [smem:$0x3FB7]  }
0x2f: {  	lr =	sadd.s32 s0, s3;
	s0 =	sld [smem:$0x3FAE]  }
0x30: {  	s3 =	sld [smem:$0x3FB1]  }
0x31: {  	[smem:$0x3FBA] =	sst s10  }
0x32: {  	s10 =	sld [smem:$0x3FB8];
	_ =	sdelay $0x3  }
0x33: {  	p0 =	seq.s32 s10, $0x1;
	s10 =	sld [smem:$0x3FBA];
	_ =	sdelay $0x3  }
0x34: {  	[smem:$0x3FBA] =	sst s10  }
0x35: {  	s10 =	sld [smem:$0x3FB9];
	_ =	sdelay $0x3  }
0x36: {  	p1 =	seq.s32 s10, $0x1;
	s10 =	sld [smem:$0x3FBA];
	_ =	sdelay $0x3  }
0x37: {  	[smem:$0x3FBA] =	sst s10  }
0x38: {  	s10 =	sld [smem:$0x3FBB]  }
0x39: {  	_ = 	snop;
	(pc) =	sbr.ind lr, $3  }
0x3a: {  	_ = 	snop  }
0x3b: {  	_ = 	snop  }
0x3c: {  	p2 =	seq.s32 s10, $0x1;
	s10 =	sld [smem:$0x3FBA]  }
0x3d: {  	_ =	shalt  }
0x3e: {  	_ =	shalt  }
0x3f: {  	_ =	shalt  }
0x40: {  	_ =	shalt  }
0x41: {  	_ =	shalt  }
0x42: {  	_ =	shalt  }
0x43: {  	_ =	shalt  }
0x44: {  	_ =	shalt  }
0x45: {  	_ =	shalt  }
0x46: {  	_ =	shalt  }
0x47: {  	_ =	shalt  }
0x48: {  	_ =	shalt  }
0x49: {  	_ =	shalt  }
0x4a: {  	_ =	shalt  }
0x4b: {  	_ =	shalt  }
0x4c: {  	_ =	shalt  }
0x4d: {  	_ =	shalt  }
0x4e: {  	_ =	shalt  }
0x4f: {  	_ =	shalt  }
0x50: {  	_ =	shalt  }
0x51: {  	_ =	shalt  }
0x52: {  	_ =	shalt  }
0x53: {  	_ =	shalt  }
0x54: {  	_ =	shalt  }
0x55: {  	_ =	shalt  }
0x56: {  	_ =	shalt  }
0x57: {  	_ =	shalt  }
0x58: {  	_ =	shalt  }
0x59: {  	_ =	shalt  }
0x5a: {  	_ =	shalt  }
0x5b: {  	_ =	shalt  }
0x5c: {  	_ =	shalt  }
0x5d: {  	_ =	shalt  }
0x5e: {  	_ =	shalt  }
0x5f: {  	_ =	shalt  }
0x60: {  	_ =	shalt  }
0x61: {  	_ =	shalt  }
0x62: {  	_ =	shalt  }
0x63: {  	_ =	shalt  }
0x64: {  	_ =	shalt  }
0x65: {  	_ =	shalt  }
0x66: {  	_ =	shalt  }
0x67: {  	_ =	shalt  }
0x68: {  	_ =	shalt  }
0x69: {  	_ =	shalt  }
0x6a: {  	_ =	shalt  }
0x6b: {  	_ =	shalt  }
0x6c: {  	_ =	shalt  }
0x6d: {  	_ =	shalt  }
0x6e: {  	_ =	shalt  }
0x6f: {  	_ =	shalt  }
0x70: {  	_ =	shalt  }
0x71: {  	_ =	shalt  }
0x72: {  	_ =	shalt  }
0x73: {  	_ =	shalt  }
0x74: {  	_ =	shalt  }
0x75: {  	_ =	shalt  }
0x76: {  	_ =	shalt  }
0x77: {  	_ =	shalt  }
0x78: {  	_ =	shalt  }
0x79: {  	_ =	shalt  }
0x7a: {  	_ =	shalt  }
0x7b: {  	_ =	shalt  }
0x7c: {  	_ =	shalt  }
0x7d: {  	_ =	shalt  }
0x7e: {  	_ =	shalt  }
0x7f: {  	_ =	shalt  }
0x80: {  	_ =	shalt  }
0x81: {  	_ =	shalt  }
0x82: {  	_ =	shalt  }
0x83: {  	_ =	shalt  }
0x84: {  	_ =	shalt  }
0x85: {  	_ =	shalt  }
0x86: {  	_ =	shalt  }
0x87: {  	_ =	shalt  }
.Lfunc_end0:
.L_simem_size_0:
called_computation_lowered:
.L_overlay_start_0:
0x88: {  	s2 =	sld [smem:$0x3FD9]  }
0x89: {  	s3 =	sld [smem:$0x3FFE];
	_ =	sdelay $0x1  }
0x8a: {  	s1 =	srdreg.scid  }
0x8b: {  	s0 =	sand.u32 $0x1, s1  }
0x8c: {  	s17 =	sshll.u32 s0, $0xA;
	s2 =	sadd.s32 s3, s2  }
0x8d: {  	s2 =	sadd.s32 s2, s17  }
0x8e: {  	[smem:$0x3FC6] =	sst s2  }
0x8f: {  	_ = 	snop  }
0x90: {  	s2 =	sld [smem:$0x3FD0];
	(tm) =	ssettm $0x1  }
0x91: {  	s18 =	sld [smem:$0x3FFB];
	_ =	sdelay $0x3  }
0x92: {  	_ =	strace s18  }
0x93: {  	s3 =	sld [smem:$0x3FFC];
	_ =	sdelay $0x3  }
0x94: {  	_ =	strace s3  }
0x95: {  	s3 =	sld [smem:$0x3FFD];
	_ =	sdelay $0x3  }
0x96: {  	_ =	strace s3  }
0x97: {  	_ =	strace $0x8FFFFFFF  }
0x98: {  	s19 =	sld [smem:$0x3FDB];
	_ =	sdelay $0x1  }
0x99: {  	s4 =	simm.s32 $_scs_section_size  }
0x9a: {  	s5 =	simm.s32 $_size__tile_overlayer_lowered;
	s6 =	simm.s32 $_tile_overlayer_lowered  }
0x9b: {  	s22 =	simm.s32 $0x1BFF;
	s21 =	sshll.u32 s6, $0x1;
	s3 =	sadd.s32 s4, s19  }
0x9c: {  	s7 =	simm.s32 $0x0;
	s20 =	sshll.u32 s5, $0x1;
	s5 =	sadd.s32 s21, s3  }
0x9d: {  	[timem:s7], [sflag:s22] =	dma.local [hbm:s5], s20  }
0x9e: {  	_ =	swait.ge [sflag:s22], s20  }
0x9f: {  	s4 =	ssub.s32 $0x0, s20;
	[sflag:s22] =	ssyncset.done $0x0  }
0xa0: {  	[sflag:s22] =	ssyncadd.s32 s4;
	_ =	sdelay $0x1  }
0xa1: {  	s23 =	simm.s32 $0x1B8B  }
0xa2: {  	_ =	swait.ge [sflag:s23], $0x1  }
0xa3: {  	[sflag:s23] =	ssyncset.done $0x0  }
0xa4: {  	s25 =	simm.s32 $0x1B8E;
	s24 =	sld [smem:$0x3FFE];
	[sflag:s23] =	ssyncadd.s32 $0xFFFFFFFF  }
0xa5: {  	s26 =	simm.s32 $execute0_lowered;
	[smem:$0x3FD2] =	sst s25  }
0xa6: {  	s5 =	sshll.u32 s26, $0x1;
	_ =	strace $0x80000046;
	[dreg:$0x1] =	wrdreg $0xFFFFFFFF  }
0xa7: {  	s28 =	simm.s32 $_size_execute0_lowered;
	s3 =	sadd.s32 s3, s5;
	[dreg:$0x0] =	wrdreg $0x0  }
0xa8: {  	s5 =	sshll.u32 s28, $0x1;
	[dreg:$0x2] =	wrdreg s3  }
0xa9: {  	[dreg:$0x3] =	wrdreg s5  }
0xaa: {  	[dreg:$0x4] =	wrdreg $0xC0  }
0xab: {  	_ =	task [dreg:s7], $0x5FFFF  }
0xac: {  	[dreg:$0x1] =	wrdreg $0xFFFFFFFF  }
0xad: {  	[dreg:$0x0] =	wrdreg $0x60  }
0xae: {  	[dreg:$0x2] =	wrdreg s24  }
0xaf: {  	[dreg:$0x3] =	wrdreg s2  }
0xb0: {  	[dreg:$0x4] =	wrdreg $0x10E500  }
0xb1: {  	[dreg:$0x5] =	wrdreg $0x1AE500  }
0xb2: {  	[dreg:$0x6] =	wrdreg $0x9  }
0xb3: {  	_ =	task.clear_ibuf [dreg:s7], $0x7FFFF;
	_ =	strace $0x90000046  }
0xb4: {  	s29 =	simm.s32 $0x9;
	_ =	strace $0x80000048  }
0xb5: {  	_ =	swait.ge [sflag:s29], $0x1  }
0xb6: {  	[sflag:s29] =	ssyncadd.s32 $0xFFFFFFFF  }
0xb7: {  	_ =	strace $0x90000048  }
0xb8: {  	_ =	sfence  }
0xb9: {  	s30 =	sld [smem:$0x0];
	_ =	sdelay $0x2  }
0xba: {  	s31 =	sshll.u32 s1, $0xD;
	s1 =	sshrl.u32 s1, $0x2  }
0xbb: {  	s3 =	sand.u32 $0x4000, s31;
	s1 =	sadd.s32 s1, s30  }
0xbc: {  	s0 =	sor.u32 s3, s0;
	s1 =	sshll.u32 s1, $0x11  }
0xbd: {  	s0 =	sor.u32 s1, s0  }
0xbe: {  	s0 =	sadd.s32 $0x8F2B, s0  }
0xbf: {  	[sflag:s0] =	ssyncadd.remote.s32 $0x1  }
0xc0: {  	_ =	sfence.sel $0xFFFF  }
0xc1: {  	[dreg:$0x0] =	wrdreg $0xFFFFFFFF;
	(pc) =	sbr.abs _section_cstart, $3  }
0xc2: {  	[dreg:$0x1] =	wrdreg $0xFFFFFFFF  }
0xc3: {  	_ =	task.clear_ibuf [dreg:s7], $0x2FFFF;
	_ =	strace $0x9FFFFFFF  }
0xc4: {  	(tm) =	ssettm $0x7FFFFFFF  }
0xc5: {  	_ =	shalt  }
tec
execute0_lowered:
.L_overlay_start_1:
0x0: {  	(tag) =	ssettag $0x1  }
0x1: {  	s1 =	rddreg [dreg:$0x0]  }
0x2: {  	s0 =	rddreg [dreg:$0x1]  }
0x3: {  	s2 =	rddreg [dreg:$0x2]  }
0x4: {  	s3 =	rddreg [dreg:$0x3];
	s21 =	stileid.u32  }
0x5: {  	s5 =	simm.s32 $0x0;
	s11 =	srdreg.scid;
	s30 =	simm.s32 $0xFE80  }
0x6: {  	s31 =	simm.s32 $0x7D;
	s29 =	simm.s32 $0x80;
	s4 =	smul.u32 $0x5000, s21  }
0x7: {  	[smem:$0x7FF] =	sst s5;
	s7 =	sand.u32 $0x1, s11;
	s15 =	smul.u32 $0x280, s21  }
0x8: {  	s5 =	sadd.s32 $0x14200, s1;
	s10 =	smul.u32 $0x28000, s21;
	s6 =	sadd.s32 $0x800, s1  }
0x9: {  	s12 =	smul.u32 $0xA000, s21;
	s25 =	sadd.s32 $0x8, s0;
	p2 =	seq.s32 s21, $0xF  }
0xa: {  	_ =	strace $0x80000047;
	s8 =	ssub.s32 $0x2, s7;
	p0 =	sne.s32 s7, $0x0  }
0xb: {  	s4 =	sshrl.u32 s4, $0x3;
	s9 =	sshrl.u32 s8, $0x1;
	s14 =	sshrl.u32 s10, $0x2  }
0xc: {  	s16 =	sshrl.u32 s12, $0x2;
	s17 =	sadd.s32 $0x80, s15;
	s20 =	sadd.s32 $0x180, s15  }
0xd: {  	s4 =	sadd.s32 s4, s1;
	s1 =	ssub.s32 s8, s9;
	s9 =	sadd.s32 s14, s2  }
0xe: {  	s10 =	sadd.s32 s16, s3;
	s18 =	sshll.u32 s17, $0x6;
	s14 =	sadd.s32 $0x100, s15  }
0xf: {  	s22 =	sshll.u32 s20, $0x6;
	s8 =	sshll.u32 s20, $0x4;
	s13 =	sadd.s32 $0x27C00, s4  }
0x10: {  	s4 =	sadd.s32 $0x31C00, s4;
	s11 =	sadd.s32 s18, s2;
	s19 =	sshll.u32 s14, $0x6  }
0x11: {  	s16 =	sshll.u32 s14, $0x4;
	s14 =	sadd.s32 s22, s2;
	[dreg:$0x5] =	wrdreg s13  }
0x12: {  	[dreg:$0x6] =	wrdreg s4;
	s4 =	sshll.u32 s17, $0x4;
	s13 =	sadd.s32 s19, s2  }
0x13: {  	s17 =	sadd.s32 $0x200, s15;
	s19 =	smul.u32 $0x2800, s21;
	s15 =	sadd.s32 $0xFFFFDB6F, s15  }
0x14: {  	s20 =	sadd.s32 s16, s3;
	s21 =	simm.s32 $0x2;
	s24 =	sadd.s32 s0, s4  }
0x15: {  	s12 =	sadd.s32 s4, s3;
	s4 =	sadd.s32 s4, s25;
	[dreg:$0x9] =	wrdreg s24  }
0x16: {  	p1 =	sgt.u32 s15, $0x7E;
	s15 =	sadd.s32 s0, s16;
	[dreg:$0xb] =	wrdreg s4  }
0x17: {  	s18 =	sshll.u32 s17, $0x6;
	s16 =	sadd.s32 s16, s25;
	[dreg:$0xc] =	wrdreg s15  }
0x18: {  	s17 =	sshll.u32 s17, $0x4;
	s18 =	sadd.s32 s18, s2;
	[dreg:$0xd] =	wrdreg s16  }
0x19: {  	s23 =	sadd.s32 s0, s19;
	s26 =	sadd.s32 s19, s25;
	[dreg:$0x7] =	wrdreg s18  }
0x1a: {  	s19 =	sadd.s32 s8, s25;
	s22 =	sadd.s32 s17, s25;
	[dreg:$0x8] =	wrdreg s23  }
0x1b: {  	s28 =	sadd.s32 s17, s3;
	s24 =	sadd.s32 s0, s17;
	[dreg:$0xa] =	wrdreg s26  }
0x1c: {  	s25 =	sadd.s32 $0x27000, s0;
	s16 =	simm.s32 $0x1;
	[dreg:$0xf] =	wrdreg s19  }
0x1d: {  	s17 =	simm.s32 $0x10680;
	s4 =	simm.s32 $0x0;
	[dreg:$0x10] =	wrdreg s22  }
0x1e: {  	s23 =	sadd.s32 s8, s3;
	s18 =	sadd.s32 s0, s8;
	[dreg:$0x11] =	wrdreg s24  }
.Ltmp0:
0x1f: {  	[dreg:$0x12] =	wrdreg s25;
	s0 =	sadd.s32 $0x27008, s0;
	(pc) =	sbr.rel .LBB2_1-.Ltmp0, $4  }
0x20: {  	s26 =	smax.u32 s1, $0x1;
	s1 =	simm.s32 $0x6;
	s25 =	simm.s32 $0xDE80  }
0x21: {  	s24 =	simm.s32 $0xBF40;
	s19 =	simm.s32 $0x5;
	[dreg:$0xe] =	wrdreg s18  }
0x22: {  	s22 =	simm.s32 $0x4;
	s8 =	simm.s32 $0x40;
	[dreg:$0x13] =	wrdreg s0  }
0x23: {  	v0 =	vimm.f32 $0.0e+00;
	v1 =	vimm.f32 $1.000000000e+00;
	[dreg:$0x14] =	wrdreg s26;
	s26 =	simm.s32 $0xA000;
	s18 =	simm.s32 $0x3  }
.LBB2_39:
0x24: {  	v2 =	vld [tilespmem:s15+$0xFE80];
	_ =	sdelay $0x4  }
0x25: {  	v2 =	vmax.f32 v2, $1.000000000e+00  }
0x26: {  	(erf) = vrcp.f32 v2;
	_ =	sdelay $0x3  }
0x27: {  	s0 =	sadd.s32 $0x40, s7  }
0x28: {  	v2 =	vld [tilespmem:s0+$0xFFFFFFE0]  }
0x29: {  	v3 =	vld [tilespmem:s0+$0xFFFFFFF0]  }
0x2a: {  	v4 =	vld [tilespmem:s0+$0x0]  }
0x2b: {  	v5 =	vld [tilespmem:s0+$0x10]  }
0x2c: {  	v6 =	vpop (erf)  }
0x2d: {  	v2 =	vmul.f32 v6, v2  }
0x2e: {  	v3 =	vmul.f32 v3, v6  }
0x2f: {  	v4 =	vmul.f32 v4, v6;
	[tilespmem:s0+$0xFFFFFFE0] =	vst v2  }
0x30: {  	v2 =	vmul.f32 v5, v6;
	[tilespmem:s0+$0xFFFFFFF0] =	vst v3  }
0x31: {  	[tilespmem:s0+$0x0] =	vst v4  }
0x32: {  	[tilespmem:s0+$0x10] =	vst v2;
	s0 =	rddreg [dreg:$0x10]  }
.LBB2_46:
0x33: {  	[hbm4b:s0+s8] =	stream.strided.scatter [tilespmem:s25], [sflag:$0x6], $0x400, s29, s8, $0x38;
	[tilespmem:$0x1D650] =	vst v63  }
0x34: {  	_ =	swait.ge [sflag:s1], $0x400  }
0x35: {  	[sflag:s1] =	ssyncset.done $0x0  }
0x36: {  	[sflag:s1] =	ssyncadd.s32 $0xFFFFFC00  }
.LBB2_47:
0x37: {  	s4 =	sadd.s32 $0x1, s4;
	s0 =	rddreg [dreg:$0x14]  }
0x38: {  	p3 =	sne.s32 s4, s0  }
.Ltmp1:
0x39: {  	_ = 	snop;
	(pc) =	sbr.rel @!p3 .LBB2_48-.Ltmp1, $1  }
0x3a: {  	_ =	sdelay $0x3  }
.LBB2_1:
0x3b: {  	s0 =	simm.s32 $0x0;
	s7 =	rddreg [dreg:$0x5]  }
0x3c: {  	[tilespmem:s0], [sflag:$0x6] =	stream.linear.gather [hbm4b:s7+s0], $0x5000, $0x38;
	[tilespmem:$0x1D650] =	vst v63  }
0x3d: {  	_ =	swait.ge [sflag:s1], $0x5000  }
0x3e: {  	[sflag:s1] =	ssyncset.done $0x0  }
0x3f: {  	s15 =	simm.s32 $0x5000;
	s7 =	rddreg [dreg:$0x6];
	[sflag:s1] =	ssyncadd.s32 $0xFFFFB000  }
0x40: {  	[tilespmem:s15], [sflag:$0x6] =	stream.linear.gather [hbm4b:s7+s0], $0x5000, $0x38;
	[tilespmem:$0x1D650] =	vst v63  }
0x41: {  	_ =	swait.ge [sflag:s1], $0x5000  }
0x42: {  	[sflag:s1] =	ssyncset.done $0x0  }
0x43: {  	s0 =	simm.s32 $0xDEA0;
	s7 =	simm.s32 $0x0;
	[sflag:s1] =	ssyncadd.s32 $0xFFFFB000  }
.LBB2_2:
0x44: {  	p3 =	sne.s32 s7, $0x1FC0  }
.Ltmp2:
0x45: {  	[tilespmem:s0+$0xFFFFFFE0] =	vst v0;
	(pc) =	sbr.rel @p3 .LBB2_2-.Ltmp2, $4  }
0x46: {  	[tilespmem:s0+$0xFFFFFFF0] =	vst v0  }
0x47: {  	[tilespmem:s0+$0x0] =	vst v0  }
0x48: {  	[tilespmem:s0+$0x10] =	vst v0;
	s15 =	sshra.s32 s7, $0x2  }
0x49: {  	s0 =	sadd.s32 $0x40, s0;
	s7 =	sadd.s32 $0x40, s7;
	[tilespmem:s15+$0xFE80] =	vst v0  }
0x4a: {  	s0 =	simm.s32 $0x40;
	s7 =	simm.s32 $0x0  }
.LBB2_4:
0x4b: {  	p3 =	sne.s32 s0, $0x1F00;
	[tilespmem:s7+$0x10680] =	vst v1;
	s7 =	smov.u32 s0;
	s0 =	sadd.s32 $0x40, s0  }
.Ltmp3:
0x4c: {  	(pc) =	sbr.rel @p3 .LBB2_4-.Ltmp3, $2  }
0x4d: {  	_ =	sdelay $0x2  }
0x4e: {  	s7 =	sshra.s32 s7, $0x2  }
0x4f: {  	[tilespmem:s7+$0x10680] =	vst v1  }
0x50: {  	[spmem:s9] =	stream.linear.scatter [tilespmem:s25], [sflag:$0x6], $0x2000, $0x38;
	[tilespmem:$0x1D650] =	vst v63  }
0x51: {  	_ =	swait.ge [sflag:s1], $0x2000  }
0x52: {  	[sflag:s1] =	ssyncset.done $0x0  }
0x53: {  	[sflag:s1] =	ssyncadd.s32 $0xFFFFE000  }
0x54: {  	[spmem:s10] =	stream.linear.scatter [tilespmem:s30], [sflag:$0x6], $0x800, $0x38;
	[tilespmem:$0x1D650] =	vst v63  }
0x55: {  	_ =	swait.ge [sflag:s1], $0x800  }
0x56: {  	[sflag:s1] =	ssyncset.done $0x0  }
0x57: {  	[sflag:s1] =	ssyncadd.s32 $0xFFFFF800  }
0x58: {  	[spmem:s11] =	stream.linear.scatter [tilespmem:s25], [sflag:$0x6], $0x2000, $0x38;
	[tilespmem:$0x1D650] =	vst v63  }
0x59: {  	_ =	swait.ge [sflag:s1], $0x2000  }
0x5a: {  	[sflag:s1] =	ssyncset.done $0x0  }
0x5b: {  	[sflag:s1] =	ssyncadd.s32 $0xFFFFE000  }
0x5c: {  	[spmem:s12] =	stream.linear.scatter [tilespmem:s30], [sflag:$0x6], $0x800, $0x38;
	[tilespmem:$0x1D650] =	vst v63  }
0x5d: {  	_ =	swait.ge [sflag:s1], $0x800  }
0x5e: {  	[sflag:s1] =	ssyncset.done $0x0  }
0x5f: {  	[sflag:s1] =	ssyncadd.s32 $0xFFFFF800  }
0x60: {  	[spmem:s13] =	stream.linear.scatter [tilespmem:s25], [sflag:$0x6], $0x2000, $0x38;
	[tilespmem:$0x1D650] =	vst v63  }
0x61: {  	_ =	swait.ge [sflag:s1], $0x2000  }
0x62: {  	[sflag:s1] =	ssyncset.done $0x0  }
0x63: {  	[sflag:s1] =	ssyncadd.s32 $0xFFFFE000  }
0x64: {  	[spmem:s20] =	stream.linear.scatter [tilespmem:s30], [sflag:$0x6], $0x800, $0x38;
	[tilespmem:$0x1D650] =	vst v63  }
0x65: {  	_ =	swait.ge [sflag:s1], $0x800  }
0x66: {  	[sflag:s1] =	ssyncset.done $0x0  }
0x67: {  	[sflag:s1] =	ssyncadd.s32 $0xFFFFF800  }
0x68: {  	[spmem:s14] =	stream.linear.scatter [tilespmem:s25], [sflag:$0x6], $0x2000, $0x38;
	[tilespmem:$0x1D650] =	vst v63  }
0x69: {  	_ =	swait.ge [sflag:s1], $0x2000  }
0x6a: {  	[sflag:s1] =	ssyncset.done $0x0  }
0x6b: {  	[sflag:s1] =	ssyncadd.s32 $0xFFFFE000  }
0x6c: {  	[spmem:s23] =	stream.linear.scatter [tilespmem:s30], [sflag:$0x6], $0x800, $0x38;
	[tilespmem:$0x1D650] =	vst v63  }
0x6d: {  	_ =	swait.ge [sflag:s1], $0x800  }
0x6e: {  	[sflag:s1] =	ssyncset.done $0x0  }
0x6f: {  	s0 =	rddreg [dreg:$0x7];
	[sflag:s1] =	ssyncadd.s32 $0xFFFFF800  }
0x70: {  	[spmem:s0] =	stream.linear.scatter [tilespmem:s25], [sflag:$0x6], $0x2000, $0x38;
	[tilespmem:$0x1D650] =	vst v63  }
0x71: {  	_ =	swait.ge [sflag:s1], $0x2000  }
0x72: {  	[sflag:s1] =	ssyncset.done $0x0  }
0x73: {  	[sflag:s1] =	ssyncadd.s32 $0xFFFFE000  }
0x74: {  	[spmem:s28] =	stream.linear.scatter [tilespmem:s30], [sflag:$0x6], $0x800, $0x38;
	[tilespmem:$0x1D650] =	vst v63  }
.Ltmp4:
0x75: {  	_ =	swait.ge [sflag:s1], $0x800;
	(pc) =	sbr.rel @p0 .LBB2_23-.Ltmp4, $4  }
0x76: {  	[sflag:s1] =	ssyncset.done $0x0  }
0x77: {  	[sflag:s1] =	ssyncadd.s32 $0xFFFFF800  }
0x78: {  	[bflag:$0x0] =	sbarrier.arrive $0xFFFF  }
0x79: {  	s0 =	simm.s32 $0x0  }
0x7a: {  	[tilespmem:s26], [sflag:$0x1] =	stream.indirect.gather [hbm4b:s5+s31], $0x40, s0, s31, $0xb8;
	[tilespmem:$0x1D650] =	vst v63  }
0x7b: {  	_ = 	snop  }
0x7c: {  	[tilespmem:s24], [sflag:$0x2] =	stream.indirect.gather [hbm4b:s5+s31], $0x40, s29, s31, $0xb8;
	[tilespmem:$0x1D650] =	vst v63  }
0x7d: {  	_ =	swait.ge [sflag:s16], $0x1F40  }
0x7e: {  	[sflag:s16] =	ssyncset.done $0x0  }
0x7f: {  	s15 =	simm.s32 $0x5000;
	[sflag:s16] =	ssyncadd.s32 $0xFFFFE0C0  }
0x80: {  	[spmem:s2] =	stream.indirect.scatter.add.f32 [tilespmem:s26], [sflag:$0x3], $0x40, s15, s31, $0xb8;
	[tilespmem:$0x1D650] =	vst v63  }
0x81: {  	_ = 	snop  }
0x82: {  	[spmem:s3] =	stream.indirect.scatter.add.f32 [tilespmem:s17], [sflag:$0x5], $0x10, s15, s31, $0xb8;
	[tilespmem:$0x1D650] =	vst v63  }
0x83: {  	_ =	swait.ge [sflag:s18], $0x1F40  }
0x84: {  	[sflag:s18] =	ssyncset.done $0x0  }
0x85: {  	[sflag:s18] =	ssyncadd.s32 $0xFFFFE0C0  }
0x86: {  	_ =	swait.ge [sflag:s19], $0x7D0  }
0x87: {  	[sflag:s19] =	ssyncset.done $0x0  }
0x88: {  	s7 =	simm.s32 $0x100;
	[sflag:s19] =	ssyncadd.s32 $0xFFFFF830  }
0x89: {  	[tilespmem:s26], [sflag:$0x1] =	stream.indirect.gather [hbm4b:s5+s31], $0x40, s7, s31, $0xb8;
	[tilespmem:$0x1D650] =	vst v63  }
0x8a: {  	_ =	swait.ge [sflag:s21], $0x1F40  }
0x8b: {  	[sflag:s21] =	ssyncset.done $0x0  }
0x8c: {  	s15 =	simm.s32 $0x5080;
	[sflag:s21] =	ssyncadd.s32 $0xFFFFE0C0  }
0x8d: {  	[spmem:s2] =	stream.indirect.scatter.add.f32 [tilespmem:s24], [sflag:$0x4], $0x40, s15, s31, $0xb8;
	[tilespmem:$0x1D650] =	vst v63  }
0x8e: {  	_ = 	snop  }
0x8f: {  	[spmem:s3] =	stream.indirect.scatter.add.f32 [tilespmem:s17], [sflag:$0x5], $0x10, s15, s31, $0xb8;
	[tilespmem:$0x1D650] =	vst v63  }
0x90: {  	_ =	swait.ge [sflag:s22], $0x1F40  }
0x91: {  	[sflag:s22] =	ssyncset.done $0x0  }
0x92: {  	[sflag:s22] =	ssyncadd.s32 $0xFFFFE0C0  }
0x93: {  	_ =	swait.ge [sflag:s19], $0x7D0  }
0x94: {  	[sflag:s19] =	ssyncset.done $0x0  }
0x95: {  	s0 =	simm.s32 $0x180;
	s7 =	simm.s32 $0x400;
	[sflag:s19] =	ssyncadd.s32 $0xFFFFF830  }
.LBB2_7:
0x96: {  	[tilespmem:s24], [sflag:$0x2] =	stream.indirect.gather [hbm4b:s5+s31], $0x40, s0, s31, $0xb8;
	[tilespmem:$0x1D650] =	vst v63  }
0x97: {  	s0 =	smov.u32 s7  }
0x98: {  	p3 =	sne.s32 s7, $0x13800;
	s7 =	sadd.s32 $0x400, s7;
	_ =	swait.ge [sflag:s16], $0x1F40  }
0x99: {  	s0 =	sshra.s32 s0, $0x2;
	[sflag:s16] =	ssyncset.done $0x0  }
0x9a: {  	s15 =	sadd.s32 $0x5000, s0;
	[sflag:s16] =	ssyncadd.s32 $0xFFFFE0C0  }
0x9b: {  	[spmem:s2] =	stream.indirect.scatter.add.f32 [tilespmem:s26], [sflag:$0x3], $0x40, s15, s31, $0xb8;
	[tilespmem:$0x1D650] =	vst v63  }
0x9c: {  	_ = 	snop  }
0x9d: {  	[spmem:s3] =	stream.indirect.scatter.add.f32 [tilespmem:s17], [sflag:$0x5], $0x10, s15, s31, $0xb8;
	[tilespmem:$0x1D650] =	vst v63  }
0x9e: {  	_ =	swait.ge [sflag:s18], $0x1F40  }
0x9f: {  	[sflag:s18] =	ssyncset.done $0x0  }
0xa0: {  	[sflag:s18] =	ssyncadd.s32 $0xFFFFE0C0  }
0xa1: {  	_ =	swait.ge [sflag:s19], $0x7D0  }
0xa2: {  	[sflag:s19] =	ssyncset.done $0x0  }
0xa3: {  	s15 =	sadd.s32 $0x100, s0;
	[sflag:s19] =	ssyncadd.s32 $0xFFFFF830  }
0xa4: {  	[tilespmem:s26], [sflag:$0x1] =	stream.indirect.gather [hbm4b:s5+s31], $0x40, s15, s31, $0xb8;
	[tilespmem:$0x1D650] =	vst v63  }
0xa5: {  	_ =	swait.ge [sflag:s21], $0x1F40  }
0xa6: {  	[sflag:s21] =	ssyncset.done $0x0  }
0xa7: {  	s15 =	sadd.s32 $0x5080, s0;
	[sflag:s21] =	ssyncadd.s32 $0xFFFFE0C0  }
0xa8: {  	[spmem:s2] =	stream.indirect.scatter.add.f32 [tilespmem:s24], [sflag:$0x4], $0x40, s15, s31, $0xb8;
	[tilespmem:$0x1D650] =	vst v63  }
0xa9: {  	_ = 	snop  }
0xaa: {  	[spmem:s3] =	stream.indirect.scatter.add.f32 [tilespmem:s17], [sflag:$0x5], $0x10, s15, s31, $0xb8;
	[tilespmem:$0x1D650] =	vst v63  }
0xab: {  	_ =	swait.ge [sflag:s22], $0x1F40  }
.Ltmp5:
0xac: {  	[sflag:s22] =	ssyncset.done $0x0;
	(pc) =	sbr.rel @p3 .LBB2_7-.Ltmp5, $4  }
0xad: {  	[sflag:s22] =	ssyncadd.s32 $0xFFFFE0C0  }
0xae: {  	_ =	swait.ge [sflag:s19], $0x7D0  }
0xaf: {  	[sflag:s19] =	ssyncset.done $0x0  }
0xb0: {  	s0 =	sadd.s32 $0x180, s0;
	[sflag:s19] =	ssyncadd.s32 $0xFFFFF830  }
0xb1: {  	[tilespmem:s24], [sflag:$0x2] =	stream.indirect.gather [hbm4b:s5+s31], $0x40, s0, s31, $0xb8;
	[tilespmem:$0x1D650] =	vst v63  }
0xb2: {  	_ =	swait.ge [sflag:s16], $0x1F40  }
0xb3: {  	[sflag:s16] =	ssyncset.done $0x0  }
0xb4: {  	s15 =	simm.s32 $0x9F00;
	[sflag:s16] =	ssyncadd.s32 $0xFFFFE0C0  }
0xb5: {  	[spmem:s2] =	stream.indirect.scatter.add.f32 [tilespmem:s26], [sflag:$0x3], $0x40, s15, s31, $0xb8;
	[tilespmem:$0x1D650] =	vst v63  }
0xb6: {  	_ = 	snop  }
0xb7: {  	[spmem:s3] =	stream.indirect.scatter.add.f32 [tilespmem:s17], [sflag:$0x5], $0x10, s15, s31, $0xb8;
	[tilespmem:$0x1D650] =	vst v63  }
0xb8: {  	_ =	swait.ge [sflag:s18], $0x1F40  }
0xb9: {  	[sflag:s18] =	ssyncset.done $0x0  }
0xba: {  	[sflag:s18] =	ssyncadd.s32 $0xFFFFE0C0  }
0xbb: {  	_ =	swait.ge [sflag:s19], $0x7D0  }
0xbc: {  	[sflag:s19] =	ssyncset.done $0x0  }
0xbd: {  	[sflag:s19] =	ssyncadd.s32 $0xFFFFF830  }
0xbe: {  	_ =	swait.ge [sflag:s21], $0x1F40  }
0xbf: {  	[sflag:s21] =	ssyncset.done $0x0  }
0xc0: {  	s7 =	simm.s32 $0x9F80;
	[sflag:s21] =	ssyncadd.s32 $0xFFFFE0C0  }
0xc1: {  	[spmem:s2] =	stream.indirect.scatter.add.f32 [tilespmem:s24], [sflag:$0x4], $0x40, s7, s31, $0xb8;
	[tilespmem:$0x1D650] =	vst v63  }
0xc2: {  	_ = 	snop  }
0xc3: {  	[spmem:s3] =	stream.indirect.scatter.add.f32 [tilespmem:s17], [sflag:$0x5], $0x10, s7, s31, $0xb8;
	[tilespmem:$0x1D650] =	vst v63  }
0xc4: {  	_ =	swait.ge [sflag:s22], $0x1F40  }
0xc5: {  	[sflag:s22] =	ssyncset.done $0x0  }
0xc6: {  	[sflag:s22] =	ssyncadd.s32 $0xFFFFE0C0  }
0xc7: {  	_ =	swait.ge [sflag:s19], $0x7D0  }
0xc8: {  	[sflag:s19] =	ssyncset.done $0x0  }
0xc9: {  	[sflag:s19] =	ssyncadd.s32 $0xFFFFF830  }
0xca: {  	[bflag:$0x0] =	sbarrier.arrive $0xFFFF  }
0xcb: {  	[tilespmem:s25], [sflag:$0x6] =	stream.linear.gather [spmem:s9], $0x2000, $0x38;
	[tilespmem:$0x1D650] =	vst v63  }
0xcc: {  	_ =	swait.ge [sflag:s1], $0x2000  }
0xcd: {  	[sflag:s1] =	ssyncset.done $0x0  }
0xce: {  	[sflag:s1] =	ssyncadd.s32 $0xFFFFE000  }
0xcf: {  	[tilespmem:s30], [sflag:$0x6] =	stream.linear.gather [spmem:s10], $0x800, $0x38;
	[tilespmem:$0x1D650] =	vst v63  }
0xd0: {  	_ =	swait.ge [sflag:s1], $0x800  }
0xd1: {  	[sflag:s1] =	ssyncset.done $0x0  }
0xd2: {  	s15 =	simm.s32 $0x0;
	[sflag:s1] =	ssyncadd.s32 $0xFFFFF800  }
0xd3: {  	v2 =	vld [tilespmem:s15+$0xFE80];
	_ =	sdelay $0x4  }
0xd4: {  	v2 =	vmax.f32 v2, $1.000000000e+00  }
0xd5: {  	(erf) = vrcp.f32 v2;
	_ =	sdelay $0x3  }
0xd6: {  	s7 =	simm.s32 $0xDEA0  }
0xd7: {  	v2 =	vld [tilespmem:s7+$0xFFFFFFE0]  }
0xd8: {  	v3 =	vld [tilespmem:s7+$0xFFFFFFF0]  }
0xd9: {  	v4 =	vld [tilespmem:s7+$0x0]  }
0xda: {  	v5 =	vld [tilespmem:s7+$0x10]  }
0xdb: {  	v6 =	vpop (erf)  }
0xdc: {  	v2 =	vmul.f32 v6, v2  }
0xdd: {  	v3 =	vmul.f32 v3, v6  }
0xde: {  	v4 =	vmul.f32 v4, v6;
	[tilespmem:s7+$0xFFFFFFE0] =	vst v2  }
0xdf: {  	v2 =	vmul.f32 v5, v6;
	[tilespmem:s7+$0xFFFFFFF0] =	vst v3  }
0xe0: {  	[tilespmem:s7+$0x0] =	vst v4  }
0xe1: {  	s0 =	simm.s32 $0x80;
	s15 =	simm.s32 $0x10;
	[tilespmem:s7+$0x10] =	vst v2  }
.LBB2_9:
0xe2: {  	p3 =	sne.s32 s0, $0x1FC0;
	v2 =	vld [tilespmem:s15+$0xFE80];
	_ =	sdelay $0x4  }
0xe3: {  	v2 =	vmax.f32 v2, $1.000000000e+00  }
0xe4: {  	(erf) = vrcp.f32 v2;
	_ =	sdelay $0x1  }
0xe5: {  	s7 =	sadd.s32 $0x40, s7  }
0xe6: {  	v2 =	vld [tilespmem:s7+$0xFFFFFFF0]  }
0xe7: {  	v3 =	vld [tilespmem:s7+$0x10]  }
0xe8: {  	v4 =	vld [tilespmem:s7+$0xFFFFFFE0]  }
0xe9: {  	v5 =	vld [tilespmem:s7+$0x0];
	_ =	sdelay $0x2  }
0xea: {  	v6 =	vpop (erf)  }
0xeb: {  	v4 =	vmul.f32 v6, v4;
	v2 =	vmul.f32 v2, v6  }
.Ltmp6:
0xec: {  	v3 =	vmul.f32 v3, v6;
	v5 =	vmul.f32 v5, v6;
	(pc) =	sbr.rel @p3 .LBB2_9-.Ltmp6, $4  }
0xed: {  	[tilespmem:s7+$0xFFFFFFE0] =	vst v4  }
0xee: {  	[tilespmem:s7+$0xFFFFFFF0] =	vst v2  }
0xef: {  	[tilespmem:s7+$0x0] =	vst v5  }
0xf0: {  	s15 =	sshra.s32 s0, $0x2;
	s0 =	sadd.s32 $0x40, s0;
	[tilespmem:s7+$0x10] =	vst v3  }
0xf1: {  	v2 =	vld [tilespmem:s15+$0xFE80];
	_ =	sdelay $0x4  }
0xf2: {  	v2 =	vmax.f32 v2, $1.000000000e+00  }
0xf3: {  	(erf) = vrcp.f32 v2;
	_ =	sdelay $0x3  }
0xf4: {  	s0 =	sadd.s32 $0x40, s7  }
0xf5: {  	v2 =	vld [tilespmem:s0+$0xFFFFFFE0]  }
0xf6: {  	v3 =	vld [tilespmem:s0+$0xFFFFFFF0]  }
0xf7: {  	v4 =	vld [tilespmem:s0+$0x0]  }
0xf8: {  	v5 =	vld [tilespmem:s0+$0x10]  }
0xf9: {  	v6 =	vpop (erf)  }
0xfa: {  	v2 =	vmul.f32 v6, v2  }
0xfb: {  	v3 =	vmul.f32 v3, v6  }
0xfc: {  	v4 =	vmul.f32 v4, v6;
	[tilespmem:s0+$0xFFFFFFE0] =	vst v2  }
0xfd: {  	v2 =	vmul.f32 v5, v6;
	[tilespmem:s0+$0xFFFFFFF0] =	vst v3  }
0xfe: {  	[tilespmem:s0+$0x0] =	vst v4  }
0xff: {  	s7 =	rddreg [dreg:$0x8];
	[tilespmem:s0+$0x10] =	vst v2  }
0x100: {  	[hbm4b:s7+s8] =	stream.strided.scatter [tilespmem:s25], [sflag:$0x6], $0x2000, s29, s8, $0x38;
	[tilespmem:$0x1D650] =	vst v63  }
0x101: {  	_ =	swait.ge [sflag:s1], $0x2000  }
0x102: {  	[sflag:s1] =	ssyncset.done $0x0  }
0x103: {  	[sflag:s1] =	ssyncadd.s32 $0xFFFFE000  }
0x104: {  	[tilespmem:s25], [sflag:$0x6] =	stream.linear.gather [spmem:s11], $0x2000, $0x38;
	[tilespmem:$0x1D650] =	vst v63  }
0x105: {  	_ =	swait.ge [sflag:s1], $0x2000  }
0x106: {  	[sflag:s1] =	ssyncset.done $0x0  }
0x107: {  	[sflag:s1] =	ssyncadd.s32 $0xFFFFE000  }
0x108: {  	[tilespmem:s30], [sflag:$0x6] =	stream.linear.gather [spmem:s12], $0x800, $0x38;
	[tilespmem:$0x1D650] =	vst v63  }
0x109: {  	_ =	swait.ge [sflag:s1], $0x800  }
0x10a: {  	[sflag:s1] =	ssyncset.done $0x0  }
0x10b: {  	s15 =	simm.s32 $0x0;
	[sflag:s1] =	ssyncadd.s32 $0xFFFFF800  }
0x10c: {  	v2 =	vld [tilespmem:s15+$0xFE80];
	_ =	sdelay $0x4  }
0x10d: {  	v2 =	vmax.f32 v2, $1.000000000e+00  }
0x10e: {  	(erf) = vrcp.f32 v2;
	_ =	sdelay $0x3  }
0x10f: {  	s7 =	simm.s32 $0xDEA0  }
0x110: {  	v2 =	vld [tilespmem:s7+$0xFFFFFFE0]  }
0x111: {  	v3 =	vld [tilespmem:s7+$0xFFFFFFF0]  }
0x112: {  	v61 =	vld [tilespmem:s7+$0x0]  }
0x113: {  	v62 =	vld [tilespmem:s7+$0x10]  }
0x114: {  	v63 =	vpop (erf)  }
0x115: {  	v2 =	vmul.f32 v63, v2  }
0x116: {  	v3 =	vmul.f32 v3, v63  }
0x117: {  	v4 =	vmul.f32 v61, v63;
	[tilespmem:s7+$0xFFFFFFE0] =	vst v2  }
0x118: {  	v2 =	vmul.f32 v62, v63;
	[tilespmem:s7+$0xFFFFFFF0] =	vst v3  }
0x119: {  	[tilespmem:s7+$0x0] =	vst v4  }
0x11a: {  	s0 =	simm.s32 $0x80;
	s15 =	simm.s32 $0x10;
	[tilespmem:s7+$0x10] =	vst v2  }
.LBB2_11:
0x11b: {  	p3 =	sne.s32 s0, $0x1FC0;
	v2 =	vld [tilespmem:s15+$0xFE80];
	_ =	sdelay $0x4  }
0x11c: {  	v2 =	vmax.f32 v2, $1.000000000e+00  }
0x11d: {  	(erf) = vrcp.f32 v2;
	_ =	sdelay $0x1  }
0x11e: {  	s7 =	sadd.s32 $0x40, s7  }
0x11f: {  	v2 =	vld [tilespmem:s7+$0xFFFFFFF0]  }
0x120: {  	v3 =	vld [tilespmem:s7+$0x10]  }
0x121: {  	v4 =	vld [tilespmem:s7+$0xFFFFFFE0]  }
0x122: {  	v5 =	vld [tilespmem:s7+$0x0];
	_ =	sdelay $0x2  }
0x123: {  	v6 =	vpop (erf)  }
0x124: {  	v4 =	vmul.f32 v6, v4;
	v2 =	vmul.f32 v2, v6  }
.Ltmp7:
0x125: {  	v3 =	vmul.f32 v3, v6;
	v5 =	vmul.f32 v5, v6;
	(pc) =	sbr.rel @p3 .LBB2_11-.Ltmp7, $4  }
0x126: {  	[tilespmem:s7+$0xFFFFFFE0] =	vst v4  }
0x127: {  	[tilespmem:s7+$0xFFFFFFF0] =	vst v2  }
0x128: {  	[tilespmem:s7+$0x0] =	vst v5  }
0x129: {  	s15 =	sshra.s32 s0, $0x2;
	s0 =	sadd.s32 $0x40, s0;
	[tilespmem:s7+$0x10] =	vst v3  }
0x12a: {  	v2 =	vld [tilespmem:s15+$0xFE80];
	_ =	sdelay $0x4  }
0x12b: {  	v2 =	vmax.f32 v2, $1.000000000e+00  }
0x12c: {  	(erf) = vrcp.f32 v2;
	_ =	sdelay $0x3  }
0x12d: {  	s0 =	sadd.s32 $0x40, s7  }
0x12e: {  	v2 =	vld [tilespmem:s0+$0xFFFFFFE0]  }
0x12f: {  	v3 =	vld [tilespmem:s0+$0xFFFFFFF0]  }
0x130: {  	v4 =	vld [tilespmem:s0+$0x0]  }
0x131: {  	v5 =	vld [tilespmem:s0+$0x10]  }
0x132: {  	v6 =	vpop (erf)  }
0x133: {  	v2 =	vmul.f32 v6, v2  }
0x134: {  	v3 =	vmul.f32 v3, v6  }
0x135: {  	v4 =	vmul.f32 v4, v6;
	[tilespmem:s0+$0xFFFFFFE0] =	vst v2  }
0x136: {  	v2 =	vmul.f32 v5, v6;
	[tilespmem:s0+$0xFFFFFFF0] =	vst v3  }
0x137: {  	[tilespmem:s0+$0x0] =	vst v4  }
0x138: {  	s7 =	rddreg [dreg:$0x9];
	[tilespmem:s0+$0x10] =	vst v2  }
0x139: {  	[hbm4b:s7+s8] =	stream.strided.scatter [tilespmem:s25], [sflag:$0x6], $0x2000, s29, s8, $0x38;
	[tilespmem:$0x1D650] =	vst v63  }
0x13a: {  	_ =	swait.ge [sflag:s1], $0x2000  }
0x13b: {  	[sflag:s1] =	ssyncset.done $0x0  }
0x13c: {  	[sflag:s1] =	ssyncadd.s32 $0xFFFFE000  }
0x13d: {  	[tilespmem:s25], [sflag:$0x6] =	stream.linear.gather [spmem:s13], $0x2000, $0x38;
	[tilespmem:$0x1D650] =	vst v63  }
0x13e: {  	_ =	swait.ge [sflag:s1], $0x2000  }
0x13f: {  	[sflag:s1] =	ssyncset.done $0x0  }
0x140: {  	[sflag:s1] =	ssyncadd.s32 $0xFFFFE000  }
0x141: {  	[tilespmem:s30], [sflag:$0x6] =	stream.linear.gather [spmem:s20], $0x800, $0x38;
	[tilespmem:$0x1D650] =	vst v63  }
0x142: {  	_ =	swait.ge [sflag:s1], $0x800  }
0x143: {  	[sflag:s1] =	ssyncset.done $0x0  }
0x144: {  	s15 =	simm.s32 $0x0;
	[sflag:s1] =	ssyncadd.s32 $0xFFFFF800  }
0x145: {  	v2 =	vld [tilespmem:s15+$0xFE80];
	_ =	sdelay $0x4  }
0x146: {  	v2 =	vmax.f32 v2, $1.000000000e+00  }
0x147: {  	(erf) = vrcp.f32 v2;
	_ =	sdelay $0x3  }
0x148: {  	s7 =	simm.s32 $0xDEA0  }
0x149: {  	v2 =	vld [tilespmem:s7+$0xFFFFFFE0]  }
0x14a: {  	v3 =	vld [tilespmem:s7+$0xFFFFFFF0]  }
0x14b: {  	v61 =	vld [tilespmem:s7+$0x0]  }
0x14c: {  	v62 =	vld [tilespmem:s7+$0x10]  }
0x14d: {  	v63 =	vpop (erf)  }
0x14e: {  	v2 =	vmul.f32 v63, v2  }
0x14f: {  	v3 =	vmul.f32 v3, v63  }
0x150: {  	v4 =	vmul.f32 v61, v63;
	[tilespmem:s7+$0xFFFFFFE0] =	vst v2  }
0x151: {  	v2 =	vmul.f32 v62, v63;
	[tilespmem:s7+$0xFFFFFFF0] =	vst v3  }
0x152: {  	[tilespmem:s7+$0x0] =	vst v4  }
0x153: {  	s0 =	simm.s32 $0x80;
	s15 =	simm.s32 $0x10;
	[tilespmem:s7+$0x10] =	vst v2  }
.LBB2_13:
0x154: {  	p3 =	sne.s32 s0, $0x1FC0;
	v2 =	vld [tilespmem:s15+$0xFE80];
	_ =	sdelay $0x4  }
0x155: {  	v2 =	vmax.f32 v2, $1.000000000e+00  }
0x156: {  	(erf) = vrcp.f32 v2;
	_ =	sdelay $0x1  }
0x157: {  	s7 =	sadd.s32 $0x40, s7  }
0x158: {  	v2 =	vld [tilespmem:s7+$0xFFFFFFF0]  }
0x159: {  	v3 =	vld [tilespmem:s7+$0x10]  }
0x15a: {  	v4 =	vld [tilespmem:s7+$0xFFFFFFE0]  }
0x15b: {  	v5 =	vld [tilespmem:s7+$0x0];
	_ =	sdelay $0x2  }
0x15c: {  	v6 =	vpop (erf)  }
0x15d: {  	v4 =	vmul.f32 v6, v4;
	v2 =	vmul.f32 v2, v6  }
.Ltmp8:
0x15e: {  	v3 =	vmul.f32 v3, v6;
	v5 =	vmul.f32 v5, v6;
	(pc) =	sbr.rel @p3 .LBB2_13-.Ltmp8, $4  }
0x15f: {  	[tilespmem:s7+$0xFFFFFFE0] =	vst v4  }
0x160: {  	[tilespmem:s7+$0xFFFFFFF0] =	vst v2  }
0x161: {  	[tilespmem:s7+$0x0] =	vst v5  }
0x162: {  	s15 =	sshra.s32 s0, $0x2;
	s0 =	sadd.s32 $0x40, s0;
	[tilespmem:s7+$0x10] =	vst v3  }
0x163: {  	v2 =	vld [tilespmem:s15+$0xFE80];
	_ =	sdelay $0x4  }
0x164: {  	v2 =	vmax.f32 v2, $1.000000000e+00  }
0x165: {  	(erf) = vrcp.f32 v2;
	_ =	sdelay $0x3  }
0x166: {  	s0 =	sadd.s32 $0x40, s7  }
0x167: {  	v2 =	vld [tilespmem:s0+$0xFFFFFFE0]  }
0x168: {  	v3 =	vld [tilespmem:s0+$0xFFFFFFF0]  }
0x169: {  	v4 =	vld [tilespmem:s0+$0x0]  }
0x16a: {  	v5 =	vld [tilespmem:s0+$0x10]  }
0x16b: {  	v6 =	vpop (erf)  }
0x16c: {  	v2 =	vmul.f32 v6, v2  }
0x16d: {  	v3 =	vmul.f32 v3, v6  }
0x16e: {  	v4 =	vmul.f32 v4, v6;
	[tilespmem:s0+$0xFFFFFFE0] =	vst v2  }
0x16f: {  	v2 =	vmul.f32 v5, v6;
	[tilespmem:s0+$0xFFFFFFF0] =	vst v3  }
0x170: {  	[tilespmem:s0+$0x0] =	vst v4  }
.Ltmp9:
0x171: {  	s15 =	rddreg [dreg:$0xc];
	[tilespmem:s0+$0x10] =	vst v2;
	(pc) =	sbr.rel @!p2 .LBB2_15-.Ltmp9, $4  }
0x172: {  	[hbm4b:s15+s8] =	stream.strided.scatter [tilespmem:s25], [sflag:$0x6], $0x2000, s29, s8, $0x38;
	[tilespmem:$0x1D650] =	vst v63  }
0x173: {  	_ =	swait.ge [sflag:s1], $0x2000  }
0x174: {  	[sflag:s1] =	ssyncset.done $0x0  }
0x175: {  	[sflag:s1] =	ssyncadd.s32 $0xFFFFE000  }
0x176: {  	[tilespmem:s25], [sflag:$0x6] =	stream.linear.gather [spmem:s14], $0x400, $0x38;
	[tilespmem:$0x1D650] =	vst v63  }
0x177: {  	_ =	swait.ge [sflag:s1], $0x400  }
0x178: {  	[sflag:s1] =	ssyncset.done $0x0  }
0x179: {  	[sflag:s1] =	ssyncadd.s32 $0xFFFFFC00  }
0x17a: {  	[tilespmem:s30], [sflag:$0x6] =	stream.linear.gather [spmem:s23], $0x100, $0x38;
	[tilespmem:$0x1D650] =	vst v63  }
0x17b: {  	_ =	swait.ge [sflag:s1], $0x100  }
0x17c: {  	[sflag:s1] =	ssyncset.done $0x0  }
0x17d: {  	s0 =	simm.s32 $0x0;
	[sflag:s1] =	ssyncadd.s32 $0xFFFFFF00  }
0x17e: {  	v2 =	vld [tilespmem:s0+$0xFE80];
	_ =	sdelay $0x4  }
0x17f: {  	v2 =	vmax.f32 v2, $1.000000000e+00  }
0x180: {  	(erf) = vrcp.f32 v2;
	_ =	sdelay $0x3  }
0x181: {  	s7 =	simm.s32 $0xDEA0  }
0x182: {  	v2 =	vld [tilespmem:s7+$0xFFFFFFE0]  }
0x183: {  	v3 =	vld [tilespmem:s7+$0xFFFFFFF0]  }
0x184: {  	v4 =	vld [tilespmem:s7+$0x0]  }
0x185: {  	v5 =	vld [tilespmem:s7+$0x10]  }
0x186: {  	v6 =	vpop (erf)  }
0x187: {  	v2 =	vmul.f32 v6, v2  }
0x188: {  	v3 =	vmul.f32 v3, v6  }
0x189: {  	v4 =	vmul.f32 v4, v6;
	[tilespmem:s7+$0xFFFFFFE0] =	vst v2  }
0x18a: {  	v2 =	vmul.f32 v5, v6;
	[tilespmem:s7+$0xFFFFFFF0] =	vst v3  }
0x18b: {  	[tilespmem:s7+$0x0] =	vst v4  }
0x18c: {  	s15 =	simm.s32 $0x10;
	s0 =	simm.s32 $0x80;
	[tilespmem:s7+$0x10] =	vst v2  }
.LBB2_41:
0x18d: {  	p3 =	seq.s32 s0, $0x3C0;
	v2 =	vld [tilespmem:s15+$0xFE80];
	_ =	sdelay $0x4  }
0x18e: {  	v2 =	vmax.f32 v2, $1.000000000e+00  }
0x18f: {  	(erf) = vrcp.f32 v2;
	_ =	sdelay $0x1  }
0x190: {  	s7 =	sadd.s32 $0x40, s7  }
0x191: {  	v2 =	vld [tilespmem:s7+$0xFFFFFFF0]  }
0x192: {  	v3 =	vld [tilespmem:s7+$0x10]  }
0x193: {  	v4 =	vld [tilespmem:s7+$0xFFFFFFE0]  }
0x194: {  	v5 =	vld [tilespmem:s7+$0x0];
	_ =	sdelay $0x2  }
0x195: {  	v6 =	vpop (erf)  }
0x196: {  	v4 =	vmul.f32 v6, v4;
	v2 =	vmul.f32 v2, v6  }
.Ltmp10:
0x197: {  	v3 =	vmul.f32 v3, v6;
	v5 =	vmul.f32 v5, v6;
	(pc) =	sbr.rel @!p3 .LBB2_41-.Ltmp10, $4  }
0x198: {  	[tilespmem:s7+$0xFFFFFFE0] =	vst v4  }
0x199: {  	[tilespmem:s7+$0xFFFFFFF0] =	vst v2  }
0x19a: {  	[tilespmem:s7+$0x0] =	vst v5  }
0x19b: {  	s15 =	sshra.s32 s0, $0x2;
	s0 =	sadd.s32 $0x40, s0;
	[tilespmem:s7+$0x10] =	vst v3  }
0x19c: {  	v2 =	vld [tilespmem:s15+$0xFE80];
	_ =	sdelay $0x4  }
0x19d: {  	v2 =	vmax.f32 v2, $1.000000000e+00  }
0x19e: {  	(erf) = vrcp.f32 v2;
	_ =	sdelay $0x3  }
0x19f: {  	s0 =	sadd.s32 $0x40, s7  }
0x1a0: {  	v2 =	vld [tilespmem:s0+$0xFFFFFFE0]  }
0x1a1: {  	v3 =	vld [tilespmem:s0+$0xFFFFFFF0]  }
0x1a2: {  	v4 =	vld [tilespmem:s0+$0x0]  }
0x1a3: {  	v5 =	vld [tilespmem:s0+$0x10]  }
0x1a4: {  	v6 =	vpop (erf)  }
0x1a5: {  	v2 =	vmul.f32 v6, v2  }
.Ltmp11:
0x1a6: {  	v3 =	vmul.f32 v3, v6;
	(pc) =	sbr.rel .LBB2_46-.Ltmp11, $4  }
0x1a7: {  	v4 =	vmul.f32 v4, v6;
	[tilespmem:s0+$0xFFFFFFE0] =	vst v2  }
0x1a8: {  	v2 =	vmul.f32 v5, v6;
	[tilespmem:s0+$0xFFFFFFF0] =	vst v3  }
0x1a9: {  	[tilespmem:s0+$0x0] =	vst v4  }
0x1aa: {  	[tilespmem:s0+$0x10] =	vst v2;
	s0 =	rddreg [dreg:$0x12]  }
.LBB2_23:
0x1ab: {  	[tilespmem:s26], [sflag:$0x1] =	stream.indirect.gather [hbm4b:s6+s31], $0x40, s0, s31, $0xb8;
	[tilespmem:$0x1D650] =	vst v63  }
0x1ac: {  	_ = 	snop  }
0x1ad: {  	[tilespmem:s24], [sflag:$0x2] =	stream.indirect.gather [hbm4b:s6+s31], $0x40, s29, s31, $0xb8;
	[tilespmem:$0x1D650] =	vst v63  }
0x1ae: {  	_ =	swait.ge [sflag:s16], $0x1F40  }
0x1af: {  	[sflag:s16] =	ssyncset.done $0x0  }
0x1b0: {  	s15 =	simm.s32 $0x5000;
	[sflag:s16] =	ssyncadd.s32 $0xFFFFE0C0  }
0x1b1: {  	[spmem:s2] =	stream.indirect.scatter.add.f32 [tilespmem:s26], [sflag:$0x3], $0x40, s15, s31, $0xb8;
	[tilespmem:$0x1D650] =	vst v63  }
0x1b2: {  	_ = 	snop  }
0x1b3: {  	[spmem:s3] =	stream.indirect.scatter.add.f32 [tilespmem:s17], [sflag:$0x5], $0x10, s15, s31, $0xb8;
	[tilespmem:$0x1D650] =	vst v63  }
0x1b4: {  	_ =	swait.ge [sflag:s18], $0x1F40  }
0x1b5: {  	[sflag:s18] =	ssyncset.done $0x0  }
0x1b6: {  	[sflag:s18] =	ssyncadd.s32 $0xFFFFE0C0  }
0x1b7: {  	_ =	swait.ge [sflag:s19], $0x7D0  }
0x1b8: {  	[sflag:s19] =	ssyncset.done $0x0  }
0x1b9: {  	s7 =	simm.s32 $0x100;
	[sflag:s19] =	ssyncadd.s32 $0xFFFFF830  }
0x1ba: {  	[tilespmem:s26], [sflag:$0x1] =	stream.indirect.gather [hbm4b:s6+s31], $0x40, s7, s31, $0xb8;
	[tilespmem:$0x1D650] =	vst v63  }
0x1bb: {  	_ =	swait.ge [sflag:s21], $0x1F40  }
0x1bc: {  	[sflag:s21] =	ssyncset.done $0x0  }
0x1bd: {  	s15 =	simm.s32 $0x5080;
	[sflag:s21] =	ssyncadd.s32 $0xFFFFE0C0  }
0x1be: {  	[spmem:s2] =	stream.indirect.scatter.add.f32 [tilespmem:s24], [sflag:$0x4], $0x40, s15, s31, $0xb8;
	[tilespmem:$0x1D650] =	vst v63  }
0x1bf: {  	_ = 	snop  }
0x1c0: {  	[spmem:s3] =	stream.indirect.scatter.add.f32 [tilespmem:s17], [sflag:$0x5], $0x10, s15, s31, $0xb8;
	[tilespmem:$0x1D650] =	vst v63  }
0x1c1: {  	_ =	swait.ge [sflag:s22], $0x1F40  }
0x1c2: {  	[sflag:s22] =	ssyncset.done $0x0  }
0x1c3: {  	[sflag:s22] =	ssyncadd.s32 $0xFFFFE0C0  }
0x1c4: {  	_ =	swait.ge [sflag:s19], $0x7D0  }
0x1c5: {  	[sflag:s19] =	ssyncset.done $0x0  }
0x1c6: {  	s0 =	simm.s32 $0x180;
	s7 =	simm.s32 $0x400;
	[sflag:s19] =	ssyncadd.s32 $0xFFFFF830  }
.LBB2_24:
0x1c7: {  	[tilespmem:s24], [sflag:$0x2] =	stream.indirect.gather [hbm4b:s6+s31], $0x40, s0, s31, $0xb8;
	[tilespmem:$0x1D650] =	vst v63  }
0x1c8: {  	s0 =	smov.u32 s7  }
0x1c9: {  	p3 =	seq.s32 s7, $0x13800;
	s7 =	sadd.s32 $0x400, s7;
	_ =	swait.ge [sflag:s16], $0x1F40  }
0x1ca: {  	s0 =	sshra.s32 s0, $0x2;
	[sflag:s16] =	ssyncset.done $0x0  }
0x1cb: {  	s15 =	sadd.s32 $0x5000, s0;
	[sflag:s16] =	ssyncadd.s32 $0xFFFFE0C0  }
0x1cc: {  	[spmem:s2] =	stream.indirect.scatter.add.f32 [tilespmem:s26], [sflag:$0x3], $0x40, s15, s31, $0xb8;
	[tilespmem:$0x1D650] =	vst v63  }
0x1cd: {  	_ = 	snop  }
0x1ce: {  	[spmem:s3] =	stream.indirect.scatter.add.f32 [tilespmem:s17], [sflag:$0x5], $0x10, s15, s31, $0xb8;
	[tilespmem:$0x1D650] =	vst v63  }
0x1cf: {  	_ =	swait.ge [sflag:s18], $0x1F40  }
0x1d0: {  	[sflag:s18] =	ssyncset.done $0x0  }
0x1d1: {  	[sflag:s18] =	ssyncadd.s32 $0xFFFFE0C0  }
0x1d2: {  	_ =	swait.ge [sflag:s19], $0x7D0  }
0x1d3: {  	[sflag:s19] =	ssyncset.done $0x0  }
0x1d4: {  	s15 =	sadd.s32 $0x100, s0;
	[sflag:s19] =	ssyncadd.s32 $0xFFFFF830  }
0x1d5: {  	[tilespmem:s26], [sflag:$0x1] =	stream.indirect.gather [hbm4b:s6+s31], $0x40, s15, s31, $0xb8;
	[tilespmem:$0x1D650] =	vst v63  }
0x1d6: {  	_ =	swait.ge [sflag:s21], $0x1F40  }
0x1d7: {  	[sflag:s21] =	ssyncset.done $0x0  }
0x1d8: {  	s15 =	sadd.s32 $0x5080, s0;
	[sflag:s21] =	ssyncadd.s32 $0xFFFFE0C0  }
0x1d9: {  	[spmem:s2] =	stream.indirect.scatter.add.f32 [tilespmem:s24], [sflag:$0x4], $0x40, s15, s31, $0xb8;
	[tilespmem:$0x1D650] =	vst v63  }
0x1da: {  	_ = 	snop  }
0x1db: {  	[spmem:s3] =	stream.indirect.scatter.add.f32 [tilespmem:s17], [sflag:$0x5], $0x10, s15, s31, $0xb8;
	[tilespmem:$0x1D650] =	vst v63  }
0x1dc: {  	_ =	swait.ge [sflag:s22], $0x1F40  }
.Ltmp12:
0x1dd: {  	[sflag:s22] =	ssyncset.done $0x0;
	(pc) =	sbr.rel @!p3 .LBB2_24-.Ltmp12, $4  }
0x1de: {  	[sflag:s22] =	ssyncadd.s32 $0xFFFFE0C0  }
0x1df: {  	_ =	swait.ge [sflag:s19], $0x7D0  }
0x1e0: {  	[sflag:s19] =	ssyncset.done $0x0  }
0x1e1: {  	s0 =	sadd.s32 $0x180, s0;
	[sflag:s19] =	ssyncadd.s32 $0xFFFFF830  }
0x1e2: {  	[tilespmem:s24], [sflag:$0x2] =	stream.indirect.gather [hbm4b:s6+s31], $0x40, s0, s31, $0xb8;
	[tilespmem:$0x1D650] =	vst v63  }
0x1e3: {  	_ =	swait.ge [sflag:s16], $0x1F40  }
0x1e4: {  	[sflag:s16] =	ssyncset.done $0x0  }
0x1e5: {  	s15 =	simm.s32 $0x9F00;
	[sflag:s16] =	ssyncadd.s32 $0xFFFFE0C0  }
0x1e6: {  	[spmem:s2] =	stream.indirect.scatter.add.f32 [tilespmem:s26], [sflag:$0x3], $0x40, s15, s31, $0xb8;
	[tilespmem:$0x1D650] =	vst v63  }
0x1e7: {  	_ = 	snop  }
0x1e8: {  	[spmem:s3] =	stream.indirect.scatter.add.f32 [tilespmem:s17], [sflag:$0x5], $0x10, s15, s31, $0xb8;
	[tilespmem:$0x1D650] =	vst v63  }
0x1e9: {  	_ =	swait.ge [sflag:s18], $0x1F40  }
0x1ea: {  	[sflag:s18] =	ssyncset.done $0x0  }
0x1eb: {  	[sflag:s18] =	ssyncadd.s32 $0xFFFFE0C0  }
0x1ec: {  	_ =	swait.ge [sflag:s19], $0x7D0  }
0x1ed: {  	[sflag:s19] =	ssyncset.done $0x0  }
0x1ee: {  	[sflag:s19] =	ssyncadd.s32 $0xFFFFF830  }
0x1ef: {  	_ =	swait.ge [sflag:s21], $0x1F40  }
0x1f0: {  	[sflag:s21] =	ssyncset.done $0x0  }
0x1f1: {  	s7 =	simm.s32 $0x9F80;
	[sflag:s21] =	ssyncadd.s32 $0xFFFFE0C0  }
0x1f2: {  	[spmem:s2] =	stream.indirect.scatter.add.f32 [tilespmem:s24], [sflag:$0x4], $0x40, s7, s31, $0xb8;
	[tilespmem:$0x1D650] =	vst v63  }
0x1f3: {  	_ = 	snop  }
0x1f4: {  	[spmem:s3] =	stream.indirect.scatter.add.f32 [tilespmem:s17], [sflag:$0x5], $0x10, s7, s31, $0xb8;
	[tilespmem:$0x1D650] =	vst v63  }
0x1f5: {  	_ =	swait.ge [sflag:s22], $0x1F40  }
0x1f6: {  	[sflag:s22] =	ssyncset.done $0x0  }
0x1f7: {  	[sflag:s22] =	ssyncadd.s32 $0xFFFFE0C0  }
0x1f8: {  	_ =	swait.ge [sflag:s19], $0x7D0  }
0x1f9: {  	[sflag:s19] =	ssyncset.done $0x0  }
0x1fa: {  	[sflag:s19] =	ssyncadd.s32 $0xFFFFF830  }
0x1fb: {  	[bflag:$0x0] =	sbarrier.arrive $0xFFFF  }
0x1fc: {  	[tilespmem:s25], [sflag:$0x6] =	stream.linear.gather [spmem:s9], $0x2000, $0x38;
	[tilespmem:$0x1D650] =	vst v63  }
0x1fd: {  	_ =	swait.ge [sflag:s1], $0x2000  }
0x1fe: {  	[sflag:s1] =	ssyncset.done $0x0  }
0x1ff: {  	[sflag:s1] =	ssyncadd.s32 $0xFFFFE000  }
0x200: {  	[tilespmem:s30], [sflag:$0x6] =	stream.linear.gather [spmem:s10], $0x800, $0x38;
	[tilespmem:$0x1D650] =	vst v63  }
0x201: {  	_ =	swait.ge [sflag:s1], $0x800  }
0x202: {  	[sflag:s1] =	ssyncset.done $0x0  }
0x203: {  	s15 =	simm.s32 $0x0;
	[sflag:s1] =	ssyncadd.s32 $0xFFFFF800  }
0x204: {  	v2 =	vld [tilespmem:s15+$0xFE80];
	_ =	sdelay $0x4  }
0x205: {  	v2 =	vmax.f32 v2, $1.000000000e+00  }
0x206: {  	(erf) = vrcp.f32 v2;
	_ =	sdelay $0x3  }
0x207: {  	s7 =	simm.s32 $0xDEA0  }
0x208: {  	v2 =	vld [tilespmem:s7+$0xFFFFFFE0]  }
0x209: {  	v3 =	vld [tilespmem:s7+$0xFFFFFFF0]  }
0x20a: {  	v4 =	vld [tilespmem:s7+$0x0]  }
0x20b: {  	v5 =	vld [tilespmem:s7+$0x10]  }
0x20c: {  	v6 =	vpop (erf)  }
0x20d: {  	v2 =	vmul.f32 v6, v2  }
0x20e: {  	v3 =	vmul.f32 v3, v6  }
0x20f: {  	v4 =	vmul.f32 v4, v6;
	[tilespmem:s7+$0xFFFFFFE0] =	vst v2  }
0x210: {  	v2 =	vmul.f32 v5, v6;
	[tilespmem:s7+$0xFFFFFFF0] =	vst v3  }
0x211: {  	[tilespmem:s7+$0x0] =	vst v4  }
0x212: {  	s0 =	simm.s32 $0x80;
	s15 =	simm.s32 $0x10;
	[tilespmem:s7+$0x10] =	vst v2  }
.LBB2_26:
0x213: {  	p3 =	sne.s32 s0, $0x1FC0;
	v2 =	vld [tilespmem:s15+$0xFE80];
	_ =	sdelay $0x4  }
0x214: {  	v2 =	vmax.f32 v2, $1.000000000e+00  }
0x215: {  	(erf) = vrcp.f32 v2;
	_ =	sdelay $0x1  }
0x216: {  	s7 =	sadd.s32 $0x40, s7  }
0x217: {  	v2 =	vld [tilespmem:s7+$0xFFFFFFF0]  }
0x218: {  	v3 =	vld [tilespmem:s7+$0x10]  }
0x219: {  	v4 =	vld [tilespmem:s7+$0xFFFFFFE0]  }
0x21a: {  	v5 =	vld [tilespmem:s7+$0x0];
	_ =	sdelay $0x2  }
0x21b: {  	v6 =	vpop (erf)  }
0x21c: {  	v4 =	vmul.f32 v6, v4;
	v2 =	vmul.f32 v2, v6  }
.Ltmp13:
0x21d: {  	v3 =	vmul.f32 v3, v6;
	v5 =	vmul.f32 v5, v6;
	(pc) =	sbr.rel @p3 .LBB2_26-.Ltmp13, $4  }
0x21e: {  	[tilespmem:s7+$0xFFFFFFE0] =	vst v4  }
0x21f: {  	[tilespmem:s7+$0xFFFFFFF0] =	vst v2  }
0x220: {  	[tilespmem:s7+$0x0] =	vst v5  }
0x221: {  	s15 =	sshra.s32 s0, $0x2;
	s0 =	sadd.s32 $0x40, s0;
	[tilespmem:s7+$0x10] =	vst v3  }
0x222: {  	v2 =	vld [tilespmem:s15+$0xFE80];
	_ =	sdelay $0x4  }
0x223: {  	v2 =	vmax.f32 v2, $1.000000000e+00  }
0x224: {  	(erf) = vrcp.f32 v2;
	_ =	sdelay $0x3  }
0x225: {  	s0 =	sadd.s32 $0x40, s7  }
0x226: {  	v2 =	vld [tilespmem:s0+$0xFFFFFFE0]  }
0x227: {  	v3 =	vld [tilespmem:s0+$0xFFFFFFF0]  }
0x228: {  	v4 =	vld [tilespmem:s0+$0x0]  }
0x229: {  	v5 =	vld [tilespmem:s0+$0x10]  }
0x22a: {  	v6 =	vpop (erf)  }
0x22b: {  	v2 =	vmul.f32 v6, v2  }
0x22c: {  	v3 =	vmul.f32 v3, v6  }
0x22d: {  	v4 =	vmul.f32 v4, v6;
	[tilespmem:s0+$0xFFFFFFE0] =	vst v2  }
0x22e: {  	v2 =	vmul.f32 v5, v6;
	[tilespmem:s0+$0xFFFFFFF0] =	vst v3  }
0x22f: {  	[tilespmem:s0+$0x0] =	vst v4  }
0x230: {  	s7 =	rddreg [dreg:$0xa];
	[tilespmem:s0+$0x10] =	vst v2  }
0x231: {  	[hbm4b:s7+s8] =	stream.strided.scatter [tilespmem:s25], [sflag:$0x6], $0x2000, s29, s8, $0x38;
	[tilespmem:$0x1D650] =	vst v63  }
0x232: {  	_ =	swait.ge [sflag:s1], $0x2000  }
0x233: {  	[sflag:s1] =	ssyncset.done $0x0  }
0x234: {  	[sflag:s1] =	ssyncadd.s32 $0xFFFFE000  }
0x235: {  	[tilespmem:s25], [sflag:$0x6] =	stream.linear.gather [spmem:s11], $0x2000, $0x38;
	[tilespmem:$0x1D650] =	vst v63  }
0x236: {  	_ =	swait.ge [sflag:s1], $0x2000  }
0x237: {  	[sflag:s1] =	ssyncset.done $0x0  }
0x238: {  	[sflag:s1] =	ssyncadd.s32 $0xFFFFE000  }
0x239: {  	[tilespmem:s30], [sflag:$0x6] =	stream.linear.gather [spmem:s12], $0x800, $0x38;
	[tilespmem:$0x1D650] =	vst v63  }
0x23a: {  	_ =	swait.ge [sflag:s1], $0x800  }
0x23b: {  	[sflag:s1] =	ssyncset.done $0x0  }
0x23c: {  	s15 =	simm.s32 $0x0;
	[sflag:s1] =	ssyncadd.s32 $0xFFFFF800  }
0x23d: {  	v2 =	vld [tilespmem:s15+$0xFE80];
	_ =	sdelay $0x4  }
0x23e: {  	v2 =	vmax.f32 v2, $1.000000000e+00  }
0x23f: {  	(erf) = vrcp.f32 v2;
	_ =	sdelay $0x3  }
0x240: {  	s7 =	simm.s32 $0xDEA0  }
0x241: {  	v2 =	vld [tilespmem:s7+$0xFFFFFFE0]  }
0x242: {  	v3 =	vld [tilespmem:s7+$0xFFFFFFF0]  }
0x243: {  	v61 =	vld [tilespmem:s7+$0x0]  }
0x244: {  	v62 =	vld [tilespmem:s7+$0x10]  }
0x245: {  	v63 =	vpop (erf)  }
0x246: {  	v2 =	vmul.f32 v63, v2  }
0x247: {  	v3 =	vmul.f32 v3, v63  }
0x248: {  	v4 =	vmul.f32 v61, v63;
	[tilespmem:s7+$0xFFFFFFE0] =	vst v2  }
0x249: {  	v2 =	vmul.f32 v62, v63;
	[tilespmem:s7+$0xFFFFFFF0] =	vst v3  }
0x24a: {  	[tilespmem:s7+$0x0] =	vst v4  }
0x24b: {  	s0 =	simm.s32 $0x80;
	s15 =	simm.s32 $0x10;
	[tilespmem:s7+$0x10] =	vst v2  }
.LBB2_28:
0x24c: {  	p3 =	sne.s32 s0, $0x1FC0;
	v2 =	vld [tilespmem:s15+$0xFE80];
	_ =	sdelay $0x4  }
0x24d: {  	v2 =	vmax.f32 v2, $1.000000000e+00  }
0x24e: {  	(erf) = vrcp.f32 v2;
	_ =	sdelay $0x1  }
0x24f: {  	s7 =	sadd.s32 $0x40, s7  }
0x250: {  	v2 =	vld [tilespmem:s7+$0xFFFFFFF0]  }
0x251: {  	v3 =	vld [tilespmem:s7+$0x10]  }
0x252: {  	v4 =	vld [tilespmem:s7+$0xFFFFFFE0]  }
0x253: {  	v5 =	vld [tilespmem:s7+$0x0];
	_ =	sdelay $0x2  }
0x254: {  	v6 =	vpop (erf)  }
0x255: {  	v4 =	vmul.f32 v6, v4;
	v2 =	vmul.f32 v2, v6  }
.Ltmp14:
0x256: {  	v3 =	vmul.f32 v3, v6;
	v5 =	vmul.f32 v5, v6;
	(pc) =	sbr.rel @p3 .LBB2_28-.Ltmp14, $4  }
0x257: {  	[tilespmem:s7+$0xFFFFFFE0] =	vst v4  }
0x258: {  	[tilespmem:s7+$0xFFFFFFF0] =	vst v2  }
0x259: {  	[tilespmem:s7+$0x0] =	vst v5  }
0x25a: {  	s15 =	sshra.s32 s0, $0x2;
	s0 =	sadd.s32 $0x40, s0;
	[tilespmem:s7+$0x10] =	vst v3  }
0x25b: {  	v2 =	vld [tilespmem:s15+$0xFE80];
	_ =	sdelay $0x4  }
0x25c: {  	v2 =	vmax.f32 v2, $1.000000000e+00  }
0x25d: {  	(erf) = vrcp.f32 v2;
	_ =	sdelay $0x3  }
0x25e: {  	s0 =	sadd.s32 $0x40, s7  }
0x25f: {  	v2 =	vld [tilespmem:s0+$0xFFFFFFE0]  }
0x260: {  	v3 =	vld [tilespmem:s0+$0xFFFFFFF0]  }
0x261: {  	v4 =	vld [tilespmem:s0+$0x0]  }
0x262: {  	v5 =	vld [tilespmem:s0+$0x10]  }
0x263: {  	v6 =	vpop (erf)  }
0x264: {  	v2 =	vmul.f32 v6, v2  }
0x265: {  	v3 =	vmul.f32 v3, v6  }
0x266: {  	v4 =	vmul.f32 v4, v6;
	[tilespmem:s0+$0xFFFFFFE0] =	vst v2  }
0x267: {  	v2 =	vmul.f32 v5, v6;
	[tilespmem:s0+$0xFFFFFFF0] =	vst v3  }
0x268: {  	[tilespmem:s0+$0x0] =	vst v4  }
0x269: {  	s7 =	rddreg [dreg:$0xb];
	[tilespmem:s0+$0x10] =	vst v2  }
0x26a: {  	[hbm4b:s7+s8] =	stream.strided.scatter [tilespmem:s25], [sflag:$0x6], $0x2000, s29, s8, $0x38;
	[tilespmem:$0x1D650] =	vst v63  }
0x26b: {  	_ =	swait.ge [sflag:s1], $0x2000  }
0x26c: {  	[sflag:s1] =	ssyncset.done $0x0  }
0x26d: {  	[sflag:s1] =	ssyncadd.s32 $0xFFFFE000  }
0x26e: {  	[tilespmem:s25], [sflag:$0x6] =	stream.linear.gather [spmem:s13], $0x2000, $0x38;
	[tilespmem:$0x1D650] =	vst v63  }
0x26f: {  	_ =	swait.ge [sflag:s1], $0x2000  }
0x270: {  	[sflag:s1] =	ssyncset.done $0x0  }
0x271: {  	[sflag:s1] =	ssyncadd.s32 $0xFFFFE000  }
0x272: {  	[tilespmem:s30], [sflag:$0x6] =	stream.linear.gather [spmem:s20], $0x800, $0x38;
	[tilespmem:$0x1D650] =	vst v63  }
0x273: {  	_ =	swait.ge [sflag:s1], $0x800  }
0x274: {  	[sflag:s1] =	ssyncset.done $0x0  }
0x275: {  	s15 =	simm.s32 $0x0;
	[sflag:s1] =	ssyncadd.s32 $0xFFFFF800  }
0x276: {  	v2 =	vld [tilespmem:s15+$0xFE80];
	_ =	sdelay $0x4  }
0x277: {  	v2 =	vmax.f32 v2, $1.000000000e+00  }
0x278: {  	(erf) = vrcp.f32 v2;
	_ =	sdelay $0x3  }
0x279: {  	s7 =	simm.s32 $0xDEA0  }
0x27a: {  	v2 =	vld [tilespmem:s7+$0xFFFFFFE0]  }
0x27b: {  	v3 =	vld [tilespmem:s7+$0xFFFFFFF0]  }
0x27c: {  	v61 =	vld [tilespmem:s7+$0x0]  }
0x27d: {  	v62 =	vld [tilespmem:s7+$0x10]  }
0x27e: {  	v63 =	vpop (erf)  }
0x27f: {  	v2 =	vmul.f32 v63, v2  }
0x280: {  	v3 =	vmul.f32 v3, v63  }
0x281: {  	v4 =	vmul.f32 v61, v63;
	[tilespmem:s7+$0xFFFFFFE0] =	vst v2  }
0x282: {  	v2 =	vmul.f32 v62, v63;
	[tilespmem:s7+$0xFFFFFFF0] =	vst v3  }
0x283: {  	[tilespmem:s7+$0x0] =	vst v4  }
0x284: {  	s0 =	simm.s32 $0x80;
	s15 =	simm.s32 $0x10;
	[tilespmem:s7+$0x10] =	vst v2  }
.LBB2_30:
0x285: {  	p3 =	sne.s32 s0, $0x1FC0;
	v2 =	vld [tilespmem:s15+$0xFE80];
	_ =	sdelay $0x4  }
0x286: {  	v2 =	vmax.f32 v2, $1.000000000e+00  }
0x287: {  	(erf) = vrcp.f32 v2;
	_ =	sdelay $0x1  }
0x288: {  	s7 =	sadd.s32 $0x40, s7  }
0x289: {  	v2 =	vld [tilespmem:s7+$0xFFFFFFF0]  }
0x28a: {  	v3 =	vld [tilespmem:s7+$0x10]  }
0x28b: {  	v4 =	vld [tilespmem:s7+$0xFFFFFFE0]  }
0x28c: {  	v5 =	vld [tilespmem:s7+$0x0];
	_ =	sdelay $0x2  }
0x28d: {  	v6 =	vpop (erf)  }
0x28e: {  	v4 =	vmul.f32 v6, v4;
	v2 =	vmul.f32 v2, v6  }
.Ltmp15:
0x28f: {  	v3 =	vmul.f32 v3, v6;
	v5 =	vmul.f32 v5, v6;
	(pc) =	sbr.rel @p3 .LBB2_30-.Ltmp15, $4  }
0x290: {  	[tilespmem:s7+$0xFFFFFFE0] =	vst v4  }
0x291: {  	[tilespmem:s7+$0xFFFFFFF0] =	vst v2  }
0x292: {  	[tilespmem:s7+$0x0] =	vst v5  }
0x293: {  	s15 =	sshra.s32 s0, $0x2;
	s0 =	sadd.s32 $0x40, s0;
	[tilespmem:s7+$0x10] =	vst v3  }
0x294: {  	v2 =	vld [tilespmem:s15+$0xFE80];
	_ =	sdelay $0x4  }
0x295: {  	v2 =	vmax.f32 v2, $1.000000000e+00  }
0x296: {  	(erf) = vrcp.f32 v2;
	_ =	sdelay $0x3  }
0x297: {  	s0 =	sadd.s32 $0x40, s7  }
0x298: {  	v2 =	vld [tilespmem:s0+$0xFFFFFFE0]  }
0x299: {  	v3 =	vld [tilespmem:s0+$0xFFFFFFF0]  }
0x29a: {  	v4 =	vld [tilespmem:s0+$0x0]  }
0x29b: {  	v5 =	vld [tilespmem:s0+$0x10]  }
0x29c: {  	v6 =	vpop (erf)  }
0x29d: {  	v2 =	vmul.f32 v6, v2  }
0x29e: {  	v3 =	vmul.f32 v3, v6  }
0x29f: {  	v4 =	vmul.f32 v4, v6;
	[tilespmem:s0+$0xFFFFFFE0] =	vst v2  }
0x2a0: {  	v2 =	vmul.f32 v5, v6;
	[tilespmem:s0+$0xFFFFFFF0] =	vst v3  }
0x2a1: {  	[tilespmem:s0+$0x0] =	vst v4  }
.Ltmp16:
0x2a2: {  	s15 =	rddreg [dreg:$0xd];
	[tilespmem:s0+$0x10] =	vst v2;
	(pc) =	sbr.rel @!p2 .LBB2_32-.Ltmp16, $4  }
0x2a3: {  	[hbm4b:s15+s8] =	stream.strided.scatter [tilespmem:s25], [sflag:$0x6], $0x2000, s29, s8, $0x38;
	[tilespmem:$0x1D650] =	vst v63  }
0x2a4: {  	_ =	swait.ge [sflag:s1], $0x2000  }
0x2a5: {  	[sflag:s1] =	ssyncset.done $0x0  }
0x2a6: {  	[sflag:s1] =	ssyncadd.s32 $0xFFFFE000  }
0x2a7: {  	[tilespmem:s25], [sflag:$0x6] =	stream.linear.gather [spmem:s14], $0x400, $0x38;
	[tilespmem:$0x1D650] =	vst v63  }
0x2a8: {  	_ =	swait.ge [sflag:s1], $0x400  }
0x2a9: {  	[sflag:s1] =	ssyncset.done $0x0  }
0x2aa: {  	[sflag:s1] =	ssyncadd.s32 $0xFFFFFC00  }
0x2ab: {  	[tilespmem:s30], [sflag:$0x6] =	stream.linear.gather [spmem:s23], $0x100, $0x38;
	[tilespmem:$0x1D650] =	vst v63  }
0x2ac: {  	_ =	swait.ge [sflag:s1], $0x100  }
0x2ad: {  	[sflag:s1] =	ssyncset.done $0x0  }
0x2ae: {  	s0 =	simm.s32 $0x0;
	[sflag:s1] =	ssyncadd.s32 $0xFFFFFF00  }
0x2af: {  	v2 =	vld [tilespmem:s0+$0xFE80];
	_ =	sdelay $0x4  }
0x2b0: {  	v2 =	vmax.f32 v2, $1.000000000e+00  }
0x2b1: {  	(erf) = vrcp.f32 v2;
	_ =	sdelay $0x3  }
0x2b2: {  	s7 =	simm.s32 $0xDEA0  }
0x2b3: {  	v2 =	vld [tilespmem:s7+$0xFFFFFFE0]  }
0x2b4: {  	v3 =	vld [tilespmem:s7+$0xFFFFFFF0]  }
0x2b5: {  	v4 =	vld [tilespmem:s7+$0x0]  }
0x2b6: {  	v5 =	vld [tilespmem:s7+$0x10]  }
0x2b7: {  	v6 =	vpop (erf)  }
0x2b8: {  	v2 =	vmul.f32 v6, v2  }
0x2b9: {  	v3 =	vmul.f32 v3, v6  }
0x2ba: {  	v4 =	vmul.f32 v4, v6;
	[tilespmem:s7+$0xFFFFFFE0] =	vst v2  }
0x2bb: {  	v2 =	vmul.f32 v5, v6;
	[tilespmem:s7+$0xFFFFFFF0] =	vst v3  }
0x2bc: {  	[tilespmem:s7+$0x0] =	vst v4  }
0x2bd: {  	s15 =	simm.s32 $0x10;
	s0 =	simm.s32 $0x80;
	[tilespmem:s7+$0x10] =	vst v2  }
.LBB2_44:
0x2be: {  	p3 =	seq.s32 s0, $0x3C0;
	v2 =	vld [tilespmem:s15+$0xFE80];
	_ =	sdelay $0x4  }
0x2bf: {  	v2 =	vmax.f32 v2, $1.000000000e+00  }
0x2c0: {  	(erf) = vrcp.f32 v2;
	_ =	sdelay $0x1  }
0x2c1: {  	s7 =	sadd.s32 $0x40, s7  }
0x2c2: {  	v2 =	vld [tilespmem:s7+$0xFFFFFFF0]  }
0x2c3: {  	v3 =	vld [tilespmem:s7+$0x10]  }
0x2c4: {  	v4 =	vld [tilespmem:s7+$0xFFFFFFE0]  }
0x2c5: {  	v5 =	vld [tilespmem:s7+$0x0];
	_ =	sdelay $0x2  }
0x2c6: {  	v6 =	vpop (erf)  }
0x2c7: {  	v4 =	vmul.f32 v6, v4;
	v2 =	vmul.f32 v2, v6  }
.Ltmp17:
0x2c8: {  	v3 =	vmul.f32 v3, v6;
	v5 =	vmul.f32 v5, v6;
	(pc) =	sbr.rel @!p3 .LBB2_44-.Ltmp17, $4  }
0x2c9: {  	[tilespmem:s7+$0xFFFFFFE0] =	vst v4  }
0x2ca: {  	[tilespmem:s7+$0xFFFFFFF0] =	vst v2  }
0x2cb: {  	[tilespmem:s7+$0x0] =	vst v5  }
0x2cc: {  	s15 =	sshra.s32 s0, $0x2;
	s0 =	sadd.s32 $0x40, s0;
	[tilespmem:s7+$0x10] =	vst v3  }
0x2cd: {  	v2 =	vld [tilespmem:s15+$0xFE80];
	_ =	sdelay $0x4  }
0x2ce: {  	v2 =	vmax.f32 v2, $1.000000000e+00  }
0x2cf: {  	(erf) = vrcp.f32 v2;
	_ =	sdelay $0x3  }
0x2d0: {  	s0 =	sadd.s32 $0x40, s7  }
0x2d1: {  	v2 =	vld [tilespmem:s0+$0xFFFFFFE0]  }
0x2d2: {  	v3 =	vld [tilespmem:s0+$0xFFFFFFF0]  }
0x2d3: {  	v4 =	vld [tilespmem:s0+$0x0]  }
0x2d4: {  	v5 =	vld [tilespmem:s0+$0x10]  }
0x2d5: {  	v6 =	vpop (erf)  }
0x2d6: {  	v2 =	vmul.f32 v6, v2  }
.Ltmp18:
0x2d7: {  	v3 =	vmul.f32 v3, v6;
	(pc) =	sbr.rel .LBB2_46-.Ltmp18, $4  }
0x2d8: {  	v4 =	vmul.f32 v4, v6;
	[tilespmem:s0+$0xFFFFFFE0] =	vst v2  }
0x2d9: {  	v2 =	vmul.f32 v5, v6;
	[tilespmem:s0+$0xFFFFFFF0] =	vst v3  }
0x2da: {  	[tilespmem:s0+$0x0] =	vst v4  }
0x2db: {  	[tilespmem:s0+$0x10] =	vst v2;
	s0 =	rddreg [dreg:$0x13]  }
.LBB2_15:
0x2dc: {  	[tilespmem:s25], [sflag:$0x6] =	stream.linear.gather [spmem:s14], $0x2000, $0x38;
	[tilespmem:$0x1D650] =	vst v63  }
0x2dd: {  	_ =	swait.ge [sflag:s1], $0x2000  }
0x2de: {  	[sflag:s1] =	ssyncset.done $0x0  }
0x2df: {  	[sflag:s1] =	ssyncadd.s32 $0xFFFFE000  }
0x2e0: {  	[tilespmem:s30], [sflag:$0x6] =	stream.linear.gather [spmem:s23], $0x800, $0x38;
	[tilespmem:$0x1D650] =	vst v63  }
0x2e1: {  	_ =	swait.ge [sflag:s1], $0x800  }
0x2e2: {  	[sflag:s1] =	ssyncset.done $0x0  }
0x2e3: {  	s0 =	simm.s32 $0x0;
	[sflag:s1] =	ssyncadd.s32 $0xFFFFF800  }
0x2e4: {  	v2 =	vld [tilespmem:s0+$0xFE80];
	_ =	sdelay $0x4  }
0x2e5: {  	v2 =	vmax.f32 v2, $1.000000000e+00  }
0x2e6: {  	(erf) = vrcp.f32 v2;
	_ =	sdelay $0x3  }
0x2e7: {  	s7 =	simm.s32 $0xDEA0  }
0x2e8: {  	v2 =	vld [tilespmem:s7+$0xFFFFFFE0]  }
0x2e9: {  	v3 =	vld [tilespmem:s7+$0xFFFFFFF0]  }
0x2ea: {  	v4 =	vld [tilespmem:s7+$0x0]  }
0x2eb: {  	v5 =	vld [tilespmem:s7+$0x10]  }
0x2ec: {  	v6 =	vpop (erf)  }
0x2ed: {  	v2 =	vmul.f32 v6, v2  }
0x2ee: {  	v3 =	vmul.f32 v3, v6  }
0x2ef: {  	v4 =	vmul.f32 v4, v6;
	[tilespmem:s7+$0xFFFFFFE0] =	vst v2  }
0x2f0: {  	v2 =	vmul.f32 v5, v6;
	[tilespmem:s7+$0xFFFFFFF0] =	vst v3  }
0x2f1: {  	[tilespmem:s7+$0x0] =	vst v4  }
0x2f2: {  	s15 =	simm.s32 $0x10;
	s0 =	simm.s32 $0x80;
	[tilespmem:s7+$0x10] =	vst v2  }
.LBB2_16:
0x2f3: {  	p3 =	sne.s32 s0, $0x1FC0;
	v2 =	vld [tilespmem:s15+$0xFE80];
	_ =	sdelay $0x4  }
0x2f4: {  	v2 =	vmax.f32 v2, $1.000000000e+00  }
0x2f5: {  	(erf) = vrcp.f32 v2;
	_ =	sdelay $0x1  }
0x2f6: {  	s7 =	sadd.s32 $0x40, s7  }
0x2f7: {  	v2 =	vld [tilespmem:s7+$0xFFFFFFF0]  }
0x2f8: {  	v3 =	vld [tilespmem:s7+$0x10]  }
0x2f9: {  	v4 =	vld [tilespmem:s7+$0xFFFFFFE0]  }
0x2fa: {  	v5 =	vld [tilespmem:s7+$0x0];
	_ =	sdelay $0x2  }
0x2fb: {  	v6 =	vpop (erf)  }
0x2fc: {  	v4 =	vmul.f32 v6, v4;
	v2 =	vmul.f32 v2, v6  }
.Ltmp19:
0x2fd: {  	v3 =	vmul.f32 v3, v6;
	v5 =	vmul.f32 v5, v6;
	(pc) =	sbr.rel @p3 .LBB2_16-.Ltmp19, $4  }
0x2fe: {  	[tilespmem:s7+$0xFFFFFFE0] =	vst v4  }
0x2ff: {  	[tilespmem:s7+$0xFFFFFFF0] =	vst v2  }
0x300: {  	[tilespmem:s7+$0x0] =	vst v5  }
0x301: {  	s15 =	sshra.s32 s0, $0x2;
	s0 =	sadd.s32 $0x40, s0;
	[tilespmem:s7+$0x10] =	vst v3  }
0x302: {  	v2 =	vld [tilespmem:s15+$0xFE80];
	_ =	sdelay $0x4  }
0x303: {  	v2 =	vmax.f32 v2, $1.000000000e+00  }
0x304: {  	(erf) = vrcp.f32 v2;
	_ =	sdelay $0x3  }
0x305: {  	s0 =	sadd.s32 $0x40, s7  }
0x306: {  	v2 =	vld [tilespmem:s0+$0xFFFFFFE0]  }
0x307: {  	v3 =	vld [tilespmem:s0+$0xFFFFFFF0]  }
0x308: {  	v4 =	vld [tilespmem:s0+$0x0]  }
0x309: {  	v5 =	vld [tilespmem:s0+$0x10]  }
0x30a: {  	v6 =	vpop (erf)  }
0x30b: {  	v2 =	vmul.f32 v6, v2  }
0x30c: {  	v3 =	vmul.f32 v3, v6  }
0x30d: {  	v4 =	vmul.f32 v4, v6;
	[tilespmem:s0+$0xFFFFFFE0] =	vst v2  }
0x30e: {  	v2 =	vmul.f32 v5, v6;
	[tilespmem:s0+$0xFFFFFFF0] =	vst v3  }
0x30f: {  	[tilespmem:s0+$0x0] =	vst v4  }
0x310: {  	s15 =	rddreg [dreg:$0xe];
	[tilespmem:s0+$0x10] =	vst v2  }
0x311: {  	[hbm4b:s15+s8] =	stream.strided.scatter [tilespmem:s25], [sflag:$0x6], $0x2000, s29, s8, $0x38;
	[tilespmem:$0x1D650] =	vst v63  }
0x312: {  	_ =	swait.ge [sflag:s1], $0x2000  }
0x313: {  	[sflag:s1] =	ssyncset.done $0x0  }
0x314: {  	s7 =	rddreg [dreg:$0x7];
	[sflag:s1] =	ssyncadd.s32 $0xFFFFE000  }
0x315: {  	[tilespmem:s25], [sflag:$0x6] =	stream.linear.gather [spmem:s7], $0x2000, $0x38;
	[tilespmem:$0x1D650] =	vst v63  }
0x316: {  	_ =	swait.ge [sflag:s1], $0x2000  }
0x317: {  	[sflag:s1] =	ssyncset.done $0x0  }
0x318: {  	[sflag:s1] =	ssyncadd.s32 $0xFFFFE000  }
0x319: {  	[tilespmem:s30], [sflag:$0x6] =	stream.linear.gather [spmem:s28], $0x800, $0x38;
	[tilespmem:$0x1D650] =	vst v63  }
0x31a: {  	_ =	swait.ge [sflag:s1], $0x800  }
0x31b: {  	[sflag:s1] =	ssyncset.done $0x0  }
0x31c: {  	s15 =	simm.s32 $0x0;
	[sflag:s1] =	ssyncadd.s32 $0xFFFFF800  }
0x31d: {  	v2 =	vld [tilespmem:s15+$0xFE80];
	_ =	sdelay $0x4  }
0x31e: {  	v2 =	vmax.f32 v2, $1.000000000e+00  }
0x31f: {  	(erf) = vrcp.f32 v2;
	_ =	sdelay $0x3  }
0x320: {  	s7 =	simm.s32 $0xDEA0  }
0x321: {  	v2 =	vld [tilespmem:s7+$0xFFFFFFE0]  }
0x322: {  	v3 =	vld [tilespmem:s7+$0xFFFFFFF0]  }
0x323: {  	v61 =	vld [tilespmem:s7+$0x0]  }
0x324: {  	v62 =	vld [tilespmem:s7+$0x10]  }
0x325: {  	v63 =	vpop (erf)  }
0x326: {  	v2 =	vmul.f32 v63, v2  }
0x327: {  	v3 =	vmul.f32 v3, v63  }
0x328: {  	v4 =	vmul.f32 v61, v63;
	[tilespmem:s7+$0xFFFFFFE0] =	vst v2  }
0x329: {  	v2 =	vmul.f32 v62, v63;
	[tilespmem:s7+$0xFFFFFFF0] =	vst v3  }
0x32a: {  	[tilespmem:s7+$0x0] =	vst v4  }
0x32b: {  	s0 =	simm.s32 $0x80;
	s15 =	simm.s32 $0x10;
	[tilespmem:s7+$0x10] =	vst v2  }
.LBB2_18:
0x32c: {  	p3 =	sne.s32 s0, $0x1FC0;
	v2 =	vld [tilespmem:s15+$0xFE80];
	_ =	sdelay $0x4  }
0x32d: {  	v2 =	vmax.f32 v2, $1.000000000e+00  }
0x32e: {  	(erf) = vrcp.f32 v2;
	_ =	sdelay $0x1  }
0x32f: {  	s7 =	sadd.s32 $0x40, s7  }
0x330: {  	v2 =	vld [tilespmem:s7+$0xFFFFFFF0]  }
0x331: {  	v3 =	vld [tilespmem:s7+$0x10]  }
0x332: {  	v4 =	vld [tilespmem:s7+$0xFFFFFFE0]  }
0x333: {  	v5 =	vld [tilespmem:s7+$0x0];
	_ =	sdelay $0x2  }
0x334: {  	v6 =	vpop (erf)  }
0x335: {  	v4 =	vmul.f32 v6, v4;
	v2 =	vmul.f32 v2, v6  }
.Ltmp20:
0x336: {  	v3 =	vmul.f32 v3, v6;
	v5 =	vmul.f32 v5, v6;
	(pc) =	sbr.rel @p3 .LBB2_18-.Ltmp20, $4  }
0x337: {  	[tilespmem:s7+$0xFFFFFFE0] =	vst v4  }
0x338: {  	[tilespmem:s7+$0xFFFFFFF0] =	vst v2  }
0x339: {  	[tilespmem:s7+$0x0] =	vst v5  }
0x33a: {  	s15 =	sshra.s32 s0, $0x2;
	s0 =	sadd.s32 $0x40, s0;
	[tilespmem:s7+$0x10] =	vst v3  }
0x33b: {  	v2 =	vld [tilespmem:s15+$0xFE80];
	_ =	sdelay $0x4  }
0x33c: {  	v2 =	vmax.f32 v2, $1.000000000e+00  }
0x33d: {  	(erf) = vrcp.f32 v2;
	_ =	sdelay $0x3  }
0x33e: {  	s0 =	sadd.s32 $0x40, s7  }
0x33f: {  	v2 =	vld [tilespmem:s0+$0xFFFFFFE0]  }
0x340: {  	v3 =	vld [tilespmem:s0+$0xFFFFFFF0]  }
0x341: {  	v4 =	vld [tilespmem:s0+$0x0]  }
0x342: {  	v5 =	vld [tilespmem:s0+$0x10]  }
0x343: {  	v6 =	vpop (erf)  }
0x344: {  	v2 =	vmul.f32 v6, v2  }
0x345: {  	v3 =	vmul.f32 v3, v6  }
0x346: {  	v4 =	vmul.f32 v4, v6;
	[tilespmem:s0+$0xFFFFFFE0] =	vst v2  }
0x347: {  	v2 =	vmul.f32 v5, v6;
	[tilespmem:s0+$0xFFFFFFF0] =	vst v3  }
0x348: {  	[tilespmem:s0+$0x0] =	vst v4  }
.Ltmp21:
0x349: {  	s15 =	rddreg [dreg:$0x11];
	[tilespmem:s0+$0x10] =	vst v2;
	(pc) =	sbr.rel @p1 .LBB2_47-.Ltmp21, $4  }
0x34a: {  	[hbm4b:s15+s8] =	stream.strided.scatter [tilespmem:s25], [sflag:$0x6], $0x2000, s29, s8, $0x38;
	[tilespmem:$0x1D650] =	vst v63  }
0x34b: {  	_ =	swait.ge [sflag:s1], $0x2000  }
0x34c: {  	[sflag:s1] =	ssyncset.done $0x0  }
0x34d: {  	[sflag:s1] =	ssyncadd.s32 $0xFFFFE000  }
0x34e: {  	s0 =	rddreg [dreg:$0x7]  }
0x34f: {  	[tilespmem:s25], [sflag:$0x6] =	stream.linear.gather [spmem:s0], $0x400, $0x38;
	[tilespmem:$0x1D650] =	vst v63  }
0x350: {  	_ =	swait.ge [sflag:s1], $0x400  }
0x351: {  	[sflag:s1] =	ssyncset.done $0x0  }
0x352: {  	[sflag:s1] =	ssyncadd.s32 $0xFFFFFC00  }
0x353: {  	[tilespmem:s30], [sflag:$0x6] =	stream.linear.gather [spmem:s28], $0x100, $0x38;
	[tilespmem:$0x1D650] =	vst v63  }
0x354: {  	_ =	swait.ge [sflag:s1], $0x100  }
0x355: {  	[sflag:s1] =	ssyncset.done $0x0  }
0x356: {  	s15 =	simm.s32 $0x0;
	[sflag:s1] =	ssyncadd.s32 $0xFFFFFF00  }
0x357: {  	v2 =	vld [tilespmem:s15+$0xFE80];
	_ =	sdelay $0x4  }
0x358: {  	v2 =	vmax.f32 v2, $1.000000000e+00  }
0x359: {  	(erf) = vrcp.f32 v2;
	_ =	sdelay $0x3  }
0x35a: {  	s7 =	simm.s32 $0xDEA0  }
0x35b: {  	v2 =	vld [tilespmem:s7+$0xFFFFFFE0]  }
0x35c: {  	v3 =	vld [tilespmem:s7+$0xFFFFFFF0]  }
0x35d: {  	v4 =	vld [tilespmem:s7+$0x0]  }
0x35e: {  	v5 =	vld [tilespmem:s7+$0x10]  }
0x35f: {  	v6 =	vpop (erf)  }
0x360: {  	v2 =	vmul.f32 v6, v2  }
0x361: {  	v3 =	vmul.f32 v3, v6  }
0x362: {  	v4 =	vmul.f32 v4, v6;
	[tilespmem:s7+$0xFFFFFFE0] =	vst v2  }
0x363: {  	v2 =	vmul.f32 v5, v6;
	[tilespmem:s7+$0xFFFFFFF0] =	vst v3  }
0x364: {  	[tilespmem:s7+$0x0] =	vst v4  }
0x365: {  	s0 =	simm.s32 $0x80;
	s15 =	simm.s32 $0x10;
	[tilespmem:s7+$0x10] =	vst v2  }
.LBB2_21:
0x366: {  	p3 =	seq.s32 s0, $0x3C0;
	v2 =	vld [tilespmem:s15+$0xFE80];
	_ =	sdelay $0x4  }
0x367: {  	v2 =	vmax.f32 v2, $1.000000000e+00  }
0x368: {  	(erf) = vrcp.f32 v2;
	_ =	sdelay $0x1  }
0x369: {  	s7 =	sadd.s32 $0x40, s7  }
0x36a: {  	v2 =	vld [tilespmem:s7+$0xFFFFFFF0]  }
0x36b: {  	v3 =	vld [tilespmem:s7+$0x10]  }
0x36c: {  	v4 =	vld [tilespmem:s7+$0xFFFFFFE0]  }
0x36d: {  	v5 =	vld [tilespmem:s7+$0x0];
	_ =	sdelay $0x2  }
0x36e: {  	v6 =	vpop (erf)  }
0x36f: {  	v4 =	vmul.f32 v6, v4;
	v2 =	vmul.f32 v2, v6  }
.Ltmp22:
0x370: {  	v3 =	vmul.f32 v3, v6;
	v5 =	vmul.f32 v5, v6;
	(pc) =	sbr.rel @!p3 .LBB2_21-.Ltmp22, $4  }
0x371: {  	[tilespmem:s7+$0xFFFFFFE0] =	vst v4  }
0x372: {  	[tilespmem:s7+$0xFFFFFFF0] =	vst v2  }
0x373: {  	[tilespmem:s7+$0x0] =	vst v5  }
0x374: {  	s15 =	sshra.s32 s0, $0x2;
	s0 =	sadd.s32 $0x40, s0;
	[tilespmem:s7+$0x10] =	vst v3  }
0x375: {  	v2 =	vld [tilespmem:s15+$0xFE80];
	_ =	sdelay $0x4  }
0x376: {  	v2 =	vmax.f32 v2, $1.000000000e+00  }
0x377: {  	(erf) = vrcp.f32 v2;
	_ =	sdelay $0x3  }
0x378: {  	s0 =	sadd.s32 $0x40, s7  }
0x379: {  	v2 =	vld [tilespmem:s0+$0xFFFFFFE0]  }
0x37a: {  	v3 =	vld [tilespmem:s0+$0xFFFFFFF0]  }
0x37b: {  	v4 =	vld [tilespmem:s0+$0x0]  }
0x37c: {  	v5 =	vld [tilespmem:s0+$0x10]  }
0x37d: {  	v6 =	vpop (erf)  }
0x37e: {  	v2 =	vmul.f32 v6, v2  }
.Ltmp23:
0x37f: {  	v3 =	vmul.f32 v3, v6;
	(pc) =	sbr.rel .LBB2_46-.Ltmp23, $4  }
0x380: {  	v4 =	vmul.f32 v4, v6;
	[tilespmem:s0+$0xFFFFFFE0] =	vst v2  }
0x381: {  	v2 =	vmul.f32 v5, v6;
	[tilespmem:s0+$0xFFFFFFF0] =	vst v3  }
0x382: {  	[tilespmem:s0+$0x0] =	vst v4  }
0x383: {  	[tilespmem:s0+$0x10] =	vst v2;
	s0 =	rddreg [dreg:$0x11]  }
.LBB2_32:
0x384: {  	[tilespmem:s25], [sflag:$0x6] =	stream.linear.gather [spmem:s14], $0x2000, $0x38;
	[tilespmem:$0x1D650] =	vst v63  }
0x385: {  	_ =	swait.ge [sflag:s1], $0x2000  }
0x386: {  	[sflag:s1] =	ssyncset.done $0x0  }
0x387: {  	[sflag:s1] =	ssyncadd.s32 $0xFFFFE000  }
0x388: {  	[tilespmem:s30], [sflag:$0x6] =	stream.linear.gather [spmem:s23], $0x800, $0x38;
	[tilespmem:$0x1D650] =	vst v63  }
0x389: {  	_ =	swait.ge [sflag:s1], $0x800  }
0x38a: {  	[sflag:s1] =	ssyncset.done $0x0  }
0x38b: {  	s0 =	simm.s32 $0x0;
	[sflag:s1] =	ssyncadd.s32 $0xFFFFF800  }
0x38c: {  	v2 =	vld [tilespmem:s0+$0xFE80];
	_ =	sdelay $0x4  }
0x38d: {  	v2 =	vmax.f32 v2, $1.000000000e+00  }
0x38e: {  	(erf) = vrcp.f32 v2;
	_ =	sdelay $0x3  }
0x38f: {  	s7 =	simm.s32 $0xDEA0  }
0x390: {  	v2 =	vld [tilespmem:s7+$0xFFFFFFE0]  }
0x391: {  	v3 =	vld [tilespmem:s7+$0xFFFFFFF0]  }
0x392: {  	v4 =	vld [tilespmem:s7+$0x0]  }
0x393: {  	v5 =	vld [tilespmem:s7+$0x10]  }
0x394: {  	v6 =	vpop (erf)  }
0x395: {  	v2 =	vmul.f32 v6, v2  }
0x396: {  	v3 =	vmul.f32 v3, v6  }
0x397: {  	v4 =	vmul.f32 v4, v6;
	[tilespmem:s7+$0xFFFFFFE0] =	vst v2  }
0x398: {  	v2 =	vmul.f32 v5, v6;
	[tilespmem:s7+$0xFFFFFFF0] =	vst v3  }
0x399: {  	[tilespmem:s7+$0x0] =	vst v4  }
0x39a: {  	s15 =	simm.s32 $0x10;
	s0 =	simm.s32 $0x80;
	[tilespmem:s7+$0x10] =	vst v2  }
.LBB2_33:
0x39b: {  	p3 =	sne.s32 s0, $0x1FC0;
	v2 =	vld [tilespmem:s15+$0xFE80];
	_ =	sdelay $0x4  }
0x39c: {  	v2 =	vmax.f32 v2, $1.000000000e+00  }
0x39d: {  	(erf) = vrcp.f32 v2;
	_ =	sdelay $0x1  }
0x39e: {  	s7 =	sadd.s32 $0x40, s7  }
0x39f: {  	v2 =	vld [tilespmem:s7+$0xFFFFFFF0]  }
0x3a0: {  	v3 =	vld [tilespmem:s7+$0x10]  }
0x3a1: {  	v4 =	vld [tilespmem:s7+$0xFFFFFFE0]  }
0x3a2: {  	v5 =	vld [tilespmem:s7+$0x0];
	_ =	sdelay $0x2  }
0x3a3: {  	v6 =	vpop (erf)  }
0x3a4: {  	v4 =	vmul.f32 v6, v4;
	v2 =	vmul.f32 v2, v6  }
.Ltmp24:
0x3a5: {  	v3 =	vmul.f32 v3, v6;
	v5 =	vmul.f32 v5, v6;
	(pc) =	sbr.rel @p3 .LBB2_33-.Ltmp24, $4  }
0x3a6: {  	[tilespmem:s7+$0xFFFFFFE0] =	vst v4  }
0x3a7: {  	[tilespmem:s7+$0xFFFFFFF0] =	vst v2  }
0x3a8: {  	[tilespmem:s7+$0x0] =	vst v5  }
0x3a9: {  	s15 =	sshra.s32 s0, $0x2;
	s0 =	sadd.s32 $0x40, s0;
	[tilespmem:s7+$0x10] =	vst v3  }
0x3aa: {  	v2 =	vld [tilespmem:s15+$0xFE80];
	_ =	sdelay $0x4  }
0x3ab: {  	v2 =	vmax.f32 v2, $1.000000000e+00  }
0x3ac: {  	(erf) = vrcp.f32 v2;
	_ =	sdelay $0x3  }
0x3ad: {  	s0 =	sadd.s32 $0x40, s7  }
0x3ae: {  	v2 =	vld [tilespmem:s0+$0xFFFFFFE0]  }
0x3af: {  	v3 =	vld [tilespmem:s0+$0xFFFFFFF0]  }
0x3b0: {  	v4 =	vld [tilespmem:s0+$0x0]  }
0x3b1: {  	v5 =	vld [tilespmem:s0+$0x10]  }
0x3b2: {  	v6 =	vpop (erf)  }
0x3b3: {  	v2 =	vmul.f32 v6, v2  }
0x3b4: {  	v3 =	vmul.f32 v3, v6  }
0x3b5: {  	v4 =	vmul.f32 v4, v6;
	[tilespmem:s0+$0xFFFFFFE0] =	vst v2  }
0x3b6: {  	v2 =	vmul.f32 v5, v6;
	[tilespmem:s0+$0xFFFFFFF0] =	vst v3  }
0x3b7: {  	[tilespmem:s0+$0x0] =	vst v4  }
0x3b8: {  	s15 =	rddreg [dreg:$0xf];
	[tilespmem:s0+$0x10] =	vst v2  }
0x3b9: {  	[hbm4b:s15+s8] =	stream.strided.scatter [tilespmem:s25], [sflag:$0x6], $0x2000, s29, s8, $0x38;
	[tilespmem:$0x1D650] =	vst v63  }
0x3ba: {  	_ =	swait.ge [sflag:s1], $0x2000  }
0x3bb: {  	[sflag:s1] =	ssyncset.done $0x0  }
0x3bc: {  	s7 =	rddreg [dreg:$0x7];
	[sflag:s1] =	ssyncadd.s32 $0xFFFFE000  }
0x3bd: {  	[tilespmem:s25], [sflag:$0x6] =	stream.linear.gather [spmem:s7], $0x2000, $0x38;
	[tilespmem:$0x1D650] =	vst v63  }
0x3be: {  	_ =	swait.ge [sflag:s1], $0x2000  }
0x3bf: {  	[sflag:s1] =	ssyncset.done $0x0  }
0x3c0: {  	[sflag:s1] =	ssyncadd.s32 $0xFFFFE000  }
0x3c1: {  	[tilespmem:s30], [sflag:$0x6] =	stream.linear.gather [spmem:s28], $0x800, $0x38;
	[tilespmem:$0x1D650] =	vst v63  }
0x3c2: {  	_ =	swait.ge [sflag:s1], $0x800  }
0x3c3: {  	[sflag:s1] =	ssyncset.done $0x0  }
0x3c4: {  	s15 =	simm.s32 $0x0;
	[sflag:s1] =	ssyncadd.s32 $0xFFFFF800  }
0x3c5: {  	v2 =	vld [tilespmem:s15+$0xFE80];
	_ =	sdelay $0x4  }
0x3c6: {  	v2 =	vmax.f32 v2, $1.000000000e+00  }
0x3c7: {  	(erf) = vrcp.f32 v2;
	_ =	sdelay $0x3  }
0x3c8: {  	s7 =	simm.s32 $0xDEA0  }
0x3c9: {  	v2 =	vld [tilespmem:s7+$0xFFFFFFE0]  }
0x3ca: {  	v3 =	vld [tilespmem:s7+$0xFFFFFFF0]  }
0x3cb: {  	v61 =	vld [tilespmem:s7+$0x0]  }
0x3cc: {  	v62 =	vld [tilespmem:s7+$0x10]  }
0x3cd: {  	v63 =	vpop (erf)  }
0x3ce: {  	v2 =	vmul.f32 v63, v2  }
0x3cf: {  	v3 =	vmul.f32 v3, v63  }
0x3d0: {  	v4 =	vmul.f32 v61, v63;
	[tilespmem:s7+$0xFFFFFFE0] =	vst v2  }
0x3d1: {  	v2 =	vmul.f32 v62, v63;
	[tilespmem:s7+$0xFFFFFFF0] =	vst v3  }
0x3d2: {  	[tilespmem:s7+$0x0] =	vst v4  }
0x3d3: {  	s0 =	simm.s32 $0x80;
	s15 =	simm.s32 $0x10;
	[tilespmem:s7+$0x10] =	vst v2  }
.LBB2_35:
0x3d4: {  	p3 =	sne.s32 s0, $0x1FC0;
	v2 =	vld [tilespmem:s15+$0xFE80];
	_ =	sdelay $0x4  }
0x3d5: {  	v2 =	vmax.f32 v2, $1.000000000e+00  }
0x3d6: {  	(erf) = vrcp.f32 v2;
	_ =	sdelay $0x1  }
0x3d7: {  	s7 =	sadd.s32 $0x40, s7  }
0x3d8: {  	v2 =	vld [tilespmem:s7+$0xFFFFFFF0]  }
0x3d9: {  	v3 =	vld [tilespmem:s7+$0x10]  }
0x3da: {  	v4 =	vld [tilespmem:s7+$0xFFFFFFE0]  }
0x3db: {  	v5 =	vld [tilespmem:s7+$0x0];
	_ =	sdelay $0x2  }
0x3dc: {  	v6 =	vpop (erf)  }
0x3dd: {  	v4 =	vmul.f32 v6, v4;
	v2 =	vmul.f32 v2, v6  }
.Ltmp25:
0x3de: {  	v3 =	vmul.f32 v3, v6;
	v5 =	vmul.f32 v5, v6;
	(pc) =	sbr.rel @p3 .LBB2_35-.Ltmp25, $4  }
0x3df: {  	[tilespmem:s7+$0xFFFFFFE0] =	vst v4  }
0x3e0: {  	[tilespmem:s7+$0xFFFFFFF0] =	vst v2  }
0x3e1: {  	[tilespmem:s7+$0x0] =	vst v5  }
0x3e2: {  	s15 =	sshra.s32 s0, $0x2;
	s0 =	sadd.s32 $0x40, s0;
	[tilespmem:s7+$0x10] =	vst v3  }
0x3e3: {  	v2 =	vld [tilespmem:s15+$0xFE80];
	_ =	sdelay $0x4  }
0x3e4: {  	v2 =	vmax.f32 v2, $1.000000000e+00  }
0x3e5: {  	(erf) = vrcp.f32 v2;
	_ =	sdelay $0x3  }
0x3e6: {  	s0 =	sadd.s32 $0x40, s7  }
0x3e7: {  	v2 =	vld [tilespmem:s0+$0xFFFFFFE0]  }
0x3e8: {  	v3 =	vld [tilespmem:s0+$0xFFFFFFF0]  }
0x3e9: {  	v4 =	vld [tilespmem:s0+$0x0]  }
0x3ea: {  	v5 =	vld [tilespmem:s0+$0x10]  }
0x3eb: {  	v6 =	vpop (erf)  }
0x3ec: {  	v2 =	vmul.f32 v6, v2  }
0x3ed: {  	v3 =	vmul.f32 v3, v6  }
0x3ee: {  	v4 =	vmul.f32 v4, v6;
	[tilespmem:s0+$0xFFFFFFE0] =	vst v2  }
0x3ef: {  	v2 =	vmul.f32 v5, v6;
	[tilespmem:s0+$0xFFFFFFF0] =	vst v3  }
0x3f0: {  	[tilespmem:s0+$0x0] =	vst v4  }
.Ltmp26:
0x3f1: {  	s15 =	rddreg [dreg:$0x10];
	[tilespmem:s0+$0x10] =	vst v2;
	(pc) =	sbr.rel @p1 .LBB2_47-.Ltmp26, $4  }
0x3f2: {  	[hbm4b:s15+s8] =	stream.strided.scatter [tilespmem:s25], [sflag:$0x6], $0x2000, s29, s8, $0x38;
	[tilespmem:$0x1D650] =	vst v63  }
0x3f3: {  	_ =	swait.ge [sflag:s1], $0x2000  }
0x3f4: {  	[sflag:s1] =	ssyncset.done $0x0  }
0x3f5: {  	[sflag:s1] =	ssyncadd.s32 $0xFFFFE000  }
0x3f6: {  	s0 =	rddreg [dreg:$0x7]  }
0x3f7: {  	[tilespmem:s25], [sflag:$0x6] =	stream.linear.gather [spmem:s0], $0x400, $0x38;
	[tilespmem:$0x1D650] =	vst v63  }
0x3f8: {  	_ =	swait.ge [sflag:s1], $0x400  }
0x3f9: {  	[sflag:s1] =	ssyncset.done $0x0  }
0x3fa: {  	[sflag:s1] =	ssyncadd.s32 $0xFFFFFC00  }
0x3fb: {  	[tilespmem:s30], [sflag:$0x6] =	stream.linear.gather [spmem:s28], $0x100, $0x38;
	[tilespmem:$0x1D650] =	vst v63  }
0x3fc: {  	_ =	swait.ge [sflag:s1], $0x100  }
0x3fd: {  	[sflag:s1] =	ssyncset.done $0x0  }
0x3fe: {  	s15 =	simm.s32 $0x0;
	[sflag:s1] =	ssyncadd.s32 $0xFFFFFF00  }
0x3ff: {  	v2 =	vld [tilespmem:s15+$0xFE80];
	_ =	sdelay $0x4  }
0x400: {  	v2 =	vmax.f32 v2, $1.000000000e+00  }
0x401: {  	(erf) = vrcp.f32 v2;
	_ =	sdelay $0x3  }
0x402: {  	s7 =	simm.s32 $0xDEA0  }
0x403: {  	v2 =	vld [tilespmem:s7+$0xFFFFFFE0]  }
0x404: {  	v3 =	vld [tilespmem:s7+$0xFFFFFFF0]  }
0x405: {  	v4 =	vld [tilespmem:s7+$0x0]  }
0x406: {  	v5 =	vld [tilespmem:s7+$0x10]  }
0x407: {  	v6 =	vpop (erf)  }
0x408: {  	v2 =	vmul.f32 v6, v2  }
0x409: {  	v3 =	vmul.f32 v3, v6  }
0x40a: {  	v4 =	vmul.f32 v4, v6;
	[tilespmem:s7+$0xFFFFFFE0] =	vst v2  }
0x40b: {  	v2 =	vmul.f32 v5, v6;
	[tilespmem:s7+$0xFFFFFFF0] =	vst v3  }
0x40c: {  	[tilespmem:s7+$0x0] =	vst v4  }
0x40d: {  	s0 =	simm.s32 $0x80;
	s15 =	simm.s32 $0x10;
	[tilespmem:s7+$0x10] =	vst v2  }
.LBB2_38:
0x40e: {  	p3 =	seq.s32 s0, $0x3C0;
	v2 =	vld [tilespmem:s15+$0xFE80];
	_ =	sdelay $0x4  }
0x40f: {  	v2 =	vmax.f32 v2, $1.000000000e+00  }
0x410: {  	(erf) = vrcp.f32 v2;
	_ =	sdelay $0x1  }
0x411: {  	s7 =	sadd.s32 $0x40, s7  }
0x412: {  	v2 =	vld [tilespmem:s7+$0xFFFFFFF0]  }
0x413: {  	v3 =	vld [tilespmem:s7+$0x10]  }
0x414: {  	v4 =	vld [tilespmem:s7+$0xFFFFFFE0]  }
0x415: {  	v5 =	vld [tilespmem:s7+$0x0];
	_ =	sdelay $0x2  }
0x416: {  	v6 =	vpop (erf)  }
0x417: {  	v4 =	vmul.f32 v6, v4;
	v2 =	vmul.f32 v2, v6  }
.Ltmp27:
0x418: {  	v3 =	vmul.f32 v3, v6;
	v5 =	vmul.f32 v5, v6;
	(pc) =	sbr.rel @!p3 .LBB2_38-.Ltmp27, $4  }
0x419: {  	[tilespmem:s7+$0xFFFFFFE0] =	vst v4  }
0x41a: {  	[tilespmem:s7+$0xFFFFFFF0] =	vst v2  }
0x41b: {  	[tilespmem:s7+$0x0] =	vst v5  }
0x41c: {  	s15 =	sshra.s32 s0, $0x2;
	s0 =	sadd.s32 $0x40, s0;
	[tilespmem:s7+$0x10] =	vst v3  }
.Ltmp28:
0x41d: {  	_ = 	snop;
	(pc) =	sbr.rel .LBB2_39-.Ltmp28, $1  }
0x41e: {  	_ =	sdelay $0x3  }
.LBB2_48:
0x41f: {  	_ =	sfence.sel $0x180000  }
0x420: {  	[bflag:$0x0] =	sbarrier.arrive $0xFFFF  }
0x421: {  	_ =	strace $0x90000047  }
0x422: {  	s0 =	stileid.u32;
	[bflag:$0x2] =	sbarrier.arrive $0xFFFF  }
0x423: {  	p0 =	sne.s32 s0, $0x0;
	s0 =	rddreg [dreg:$0x4]  }
0x424: {  	s0 =	sadd.s32 @!p0 $0x100000, s0  }
0x425: {  	[sflag:s0] =	ssyncadd.tile.s32 @!p0 $0x1;
	_ =	shalt  }
.Lfunc_end2:
_tile_overlayer_lowered:
.L_overlay_start_2:
0x426: {  	(tag) =	ssettag $0x2  }
0x427: {  	s0 =	rddreg [dreg:$0x0];
	s2 =	stileid.u32  }
0x428: {  	s1 =	rddreg [dreg:$0x1];
	p0 =	sne.s32 s2, $0x0  }
0x429: {  	s3 =	rddreg [dreg:$0x2];
	[bflag:$0x3] =	sbarrier.arrive $0xFFFF;
	s2 =	simm.s32 @!p0 $0x1C06  }
0x42a: {  	[timem:s3], [sflag:s2] =	dma.local @!p0 [hbm:s0], s1  }
0x42b: {  	s0 =	simm.s32 @!p0 $0x6  }
0x42c: {  	_ =	swait.ge @!p0 [sflag:s0], s1  }
0x42d: {  	s1 =	ssub.s32 @!p0 $0x0, s1;
	[sflag:s0] =	ssyncset.done @!p0 $0x0  }
0x42e: {  	[sflag:s0] =	ssyncadd.s32 @!p0 s1  }
0x42f: {  	[bflag:$0x3] =	sbarrier.arrive $0xFFFF  }
0x430: {  	_ =	shalt  }

</sc_bundles>
